<compile_context>
chip_gen: v7x
topology: tpu7x:2x2x1
jax: 0.10.2.dev20260603
libtpu: 0.0.44.dev20260713+nightly
codegen_flags: <defaults>
</compile_context>

<pallas_src>
import jax
import jax.numpy as jnp
from jax import lax
from jax.experimental import pallas as pl
from jax.experimental.pallas import tpu as pltpu
from jax.experimental.pallas import tpu_sc as plsc

SEQ = 200
BATCH = 16384
VOCAB = 100000
LANES = 16
NC = 2
NS = 16
NW = NC * NS
CPW = BATCH // NW
W = 256
NBLOCK = CPW // W
NG = W // LANES
RS = 8
NRC = SEQ // RS
NCHUNK = NBLOCK * NRC
NIB = 8
NOB = 4


def _sc_body(seq_hbm, delta_hbm, out_hbm,
             table_sp, table_v, idx0, idx1, idx2, idx3, idx4, idx5, idx6, idx7,
             outb0, outb1, outb2, outb3,
             in_sem0, in_sem1, in_sem2, in_sem3, in_sem4, in_sem5, in_sem6,
             in_sem7, out_sem0, out_sem1, out_sem2, out_sem3):
    sid = lax.axis_index("s")
    wid = sid * NC + lax.axis_index("c")
    base = wid * CPW
    idx_refs = (idx0, idx1, idx2, idx3, idx4, idx5, idx6, idx7)
    in_sems = (in_sem0, in_sem1, in_sem2, in_sem3, in_sem4, in_sem5, in_sem6, in_sem7)
    out_refs = (outb0, outb1, outb2, outb3)
    out_sems = (out_sem0, out_sem1, out_sem2, out_sem3)

    def hbm_slice(c):
        blk = c // NRC
        rc = c - blk * NRC
        r0 = rc * RS
        c0 = base + blk * W
        return pl.ds(r0, RS), pl.ds(c0, W)

    def in_copy(c, b):
        rs, cs = hbm_slice(c)
        return pltpu.make_async_copy(seq_hbm.at[rs, cs], idx_refs[b], in_sems[b])

    def out_copy(c, b):
        rs, cs = hbm_slice(c)
        return pltpu.make_async_copy(out_refs[b], out_hbm.at[rs, cs], out_sems[b])

    for b in range(NIB):
        in_copy(b, b).start()

    @pl.when(sid == 0)
    def _():
        pltpu.sync_copy(delta_hbm, table_sp)

    plsc.subcore_barrier()
    pltpu.sync_copy(table_sp, table_v)

    def chunk_step(c, ib, ob, acc):
        in_copy(c, ib).wait()

        @pl.when(c >= NOB)
        def _():
            out_copy(c - NOB, ob).wait()

        rc = c - (c // NRC) * NRC
        reset = rc == 0
        zero = jnp.zeros((LANES,), jnp.float32)
        acc = tuple(jnp.where(reset, zero, a) for a in acc)

        idx_ref = idx_refs[ib]
        out_ref = out_refs[ob]

        def row(l, acc):
            idxs = [idx_ref[l, pl.ds(g * LANES, LANES)] for g in range(NG)]
            vals = [plsc.load_gather(table_v, [idxs[g]]) for g in range(NG)]
            new = tuple(acc[g] + vals[g] for g in range(NG))
            for g in range(NG):
                out_ref[l, pl.ds(g * LANES, LANES)] = new[g]
            return new

        acc = lax.fori_loop(0, RS, row, acc)
        out_copy(c, ob).start()

        @pl.when(c + NIB < NCHUNK)
        def _():
            in_copy(c + NIB, ib).start()

        return acc

    def quad(i, acc):
        for b in range(NIB):
            acc = chunk_step(NIB * i + b, b, b % NOB, acc)
        return acc

    zero = tuple(jnp.zeros((LANES,), jnp.float32) for _ in range(NG))
    acc = lax.fori_loop(0, NCHUNK // NIB, quad, zero)

    for c in range(NIB * (NCHUNK // NIB), NCHUNK):
        acc = chunk_step(c, c % NIB, c % NOB, acc)

    for c in range(NCHUNK - NOB, NCHUNK):
        out_copy(c, c % NOB).wait()


def kernel(input_seq, delta):
    mesh = plsc.VectorSubcoreMesh(core_axis_name="c", subcore_axis_name="s")
    run = pl.kernel(
        _sc_body,
        mesh=mesh,
        compiler_params=pltpu.CompilerParams(needs_layout_passes=False),
        out_type=jax.ShapeDtypeStruct((SEQ, BATCH), jnp.float32),
        scratch_types=[
            pltpu.VMEM_SHARED((VOCAB,), jnp.float32),
            pltpu.VMEM((VOCAB,), jnp.float32),
            pltpu.VMEM((RS, W), jnp.int32),
            pltpu.VMEM((RS, W), jnp.int32),
            pltpu.VMEM((RS, W), jnp.int32),
            pltpu.VMEM((RS, W), jnp.int32),
            pltpu.VMEM((RS, W), jnp.int32),
            pltpu.VMEM((RS, W), jnp.int32),
            pltpu.VMEM((RS, W), jnp.int32),
            pltpu.VMEM((RS, W), jnp.int32),
            pltpu.VMEM((RS, W), jnp.float32),
            pltpu.VMEM((RS, W), jnp.float32),
            pltpu.VMEM((RS, W), jnp.float32),
            pltpu.VMEM((RS, W), jnp.float32),
            pltpu.SemaphoreType.DMA,
            pltpu.SemaphoreType.DMA,
            pltpu.SemaphoreType.DMA,
            pltpu.SemaphoreType.DMA,
            pltpu.SemaphoreType.DMA,
            pltpu.SemaphoreType.DMA,
            pltpu.SemaphoreType.DMA,
            pltpu.SemaphoreType.DMA,
            pltpu.SemaphoreType.DMA,
            pltpu.SemaphoreType.DMA,
            pltpu.SemaphoreType.DMA,
            pltpu.SemaphoreType.DMA,
        ],
    )
    return run(input_seq, delta)

# --- scband reference (transcript-rebuilt; emitter-appended) ---
"""Pipeline reference for scband-counter-13022340842142 (READ-ONLY COPY).

The authoritative reference and input builder live on the scoring server;
editing this copy changes nothing except your own understanding.
"""

import jax, jax.numpy as jnp
import numpy as np

NUM_INPUTS = 100000
SEQ_LEN = 200
BATCH = 16384


def setup_inputs(seed: int = 0) -> dict:
    key = jax.random.key(seed)
    k1, k2 = jax.random.split(key)
    input_seq = jax.random.randint(k1, (SEQ_LEN, BATCH), 0, NUM_INPUTS, dtype=jnp.int32)
    # learned parameter: per-symbol counter delta (nn.Parameter of shape [num_inputs])
    delta = jax.random.normal(k2, (NUM_INPUTS,), dtype=jnp.float32)
    return {"input_seq": input_seq, "delta": delta}


def reference(input_seq, delta):
    # Original forward: counter = 0; for inp in input_seq: counter += delta[inp]; stack outputs.
    # Iterating a [L, B] tensor yields rows inp of shape [B]; delta[inp] is an elementwise
    # gather, and the running counter is a prefix-sum along the sequence axis.
    gathered = jnp.take(delta, input_seq, axis=0)  # [L, B]
    outputs = jnp.cumsum(gathered, axis=0)  # [L, B] running counter after each step
    return outputs

if __name__ == "__main__":
    import jax
    _d = setup_inputs()
    print(jax.jit(kernel)(*tuple(_d.values())))

</pallas_src>

<mosaic_0001>
#map = affine_map<(d0, d1) -> (0, 0)>
#map1 = affine_map<(d0, d1) -> (0)>
module attributes {stable_mosaic.version = 14 : i64} {
  func.func @_sc_body(%arg0: i32, %arg1: i32, %arg2: memref<200x16384xi32, #tpu.memory_space<hbm>>, %arg3: memref<100000xf32, #tpu.memory_space<hbm>>, %arg4: memref<200x16384xf32, #tpu.memory_space<hbm>>, %arg5: memref<100000xf32, #tpu.memory_space<vmem_shared>>, %arg6: memref<100000xf32, #tpu.memory_space<vmem>>, %arg7: memref<8x256xi32, #tpu.memory_space<vmem>>, %arg8: memref<8x256xi32, #tpu.memory_space<vmem>>, %arg9: memref<8x256xi32, #tpu.memory_space<vmem>>, %arg10: memref<8x256xi32, #tpu.memory_space<vmem>>, %arg11: memref<8x256xi32, #tpu.memory_space<vmem>>, %arg12: memref<8x256xi32, #tpu.memory_space<vmem>>, %arg13: memref<8x256xi32, #tpu.memory_space<vmem>>, %arg14: memref<8x256xi32, #tpu.memory_space<vmem>>, %arg15: memref<8x256xf32, #tpu.memory_space<vmem>>, %arg16: memref<8x256xf32, #tpu.memory_space<vmem>>, %arg17: memref<8x256xf32, #tpu.memory_space<vmem>>, %arg18: memref<8x256xf32, #tpu.memory_space<vmem>>, %arg19: memref<!tpu.dma_semaphore, #tpu.memory_space<semaphore_mem>>, %arg20: memref<!tpu.dma_semaphore, #tpu.memory_space<semaphore_mem>>, %arg21: memref<!tpu.dma_semaphore, #tpu.memory_space<semaphore_mem>>, %arg22: memref<!tpu.dma_semaphore, #tpu.memory_space<semaphore_mem>>, %arg23: memref<!tpu.dma_semaphore, #tpu.memory_space<semaphore_mem>>, %arg24: memref<!tpu.dma_semaphore, #tpu.memory_space<semaphore_mem>>, %arg25: memref<!tpu.dma_semaphore, #tpu.memory_space<semaphore_mem>>, %arg26: memref<!tpu.dma_semaphore, #tpu.memory_space<semaphore_mem>>, %arg27: memref<!tpu.dma_semaphore, #tpu.memory_space<semaphore_mem>>, %arg28: memref<!tpu.dma_semaphore, #tpu.memory_space<semaphore_mem>>, %arg29: memref<!tpu.dma_semaphore, #tpu.memory_space<semaphore_mem>>, %arg30: memref<!tpu.dma_semaphore, #tpu.memory_space<semaphore_mem>>) attributes {dimension_semantics = [#tpu.dimension_semantics<core_parallel>, #tpu.dimension_semantics<subcore_parallel>], iteration_bounds = array<i64: 2, 16>, scalar_prefetch = 0 : i64, scratch_operands = 26 : i64, tpu.core_type = #tpu.core_type<sc_vector_subcore>, window_params = [{transform_indices = #map}, {transform_indices = #map1}, {transform_indices = #map}]} {
    %mul3A = arith.constant 2 : i32
    %mul3A_0 = arith.muli %arg1, %mul3A : i32
    %add3A = arith.addi %mul3A_0, %arg0 : i32
    %mul3A_1 = arith.constant 512 : i32
    %mul3A_2 = arith.muli %add3A, %mul3A_1 : i32
    %add3A_3 = arith.constant 0 : i32
    %add3A_4 = arith.addi %mul3A_2, %add3A_3 : i32
    %dma_start3A = arith.constant 0 : i32
    %dma_start3A_5 = tpu.memref_slice %arg2[%dma_start3A, %add3A_4] : memref<200x16384xi32, #tpu.memory_space<hbm>> -> memref<8x256xi32, #tpu.memory_space<hbm>>
    %dma_start3A_6 = arith.constant 0 : i32
    %dma_start3A_7 = tpu.memref_slice %arg2[%dma_start3A_6, %add3A_4] : memref<200x16384xi32, #tpu.memory_space<hbm>> -> memref<8x256xi32, #tpu.memory_space<hbm>>
    tpu.enqueue_dma source(%dma_start3A_7 : memref<8x256xi32, #tpu.memory_space<hbm>>) target(%arg7 : memref<8x256xi32, #tpu.memory_space<vmem>>) target_semaphore(%arg19 : memref<!tpu.dma_semaphore, #tpu.memory_space<semaphore_mem>>)
    %add3A_8 = arith.constant 0 : i32
    %add3A_9 = arith.addi %mul3A_2, %add3A_8 : i32
    %dma_start3A_10 = arith.constant 8 : i32
    %dma_start3A_11 = tpu.memref_slice %arg2[%dma_start3A_10, %add3A_9] : memref<200x16384xi32, #tpu.memory_space<hbm>> -> memref<8x256xi32, #tpu.memory_space<hbm>>
    %dma_start3A_12 = arith.constant 8 : i32
    %dma_start3A_13 = tpu.memref_slice %arg2[%dma_start3A_12, %add3A_9] : memref<200x16384xi32, #tpu.memory_space<hbm>> -> memref<8x256xi32, #tpu.memory_space<hbm>>
    tpu.enqueue_dma source(%dma_start3A_13 : memref<8x256xi32, #tpu.memory_space<hbm>>) target(%arg8 : memref<8x256xi32, #tpu.memory_space<vmem>>) target_semaphore(%arg20 : memref<!tpu.dma_semaphore, #tpu.memory_space<semaphore_mem>>)
    %add3A_14 = arith.constant 0 : i32
    %add3A_15 = arith.addi %mul3A_2, %add3A_14 : i32
    %dma_start3A_16 = arith.constant 16 : i32
    %dma_start3A_17 = tpu.memref_slice %arg2[%dma_start3A_16, %add3A_15] : memref<200x16384xi32, #tpu.memory_space<hbm>> -> memref<8x256xi32, #tpu.memory_space<hbm>>
    %dma_start3A_18 = arith.constant 16 : i32
    %dma_start3A_19 = tpu.memref_slice %arg2[%dma_start3A_18, %add3A_15] : memref<200x16384xi32, #tpu.memory_space<hbm>> -> memref<8x256xi32, #tpu.memory_space<hbm>>
    tpu.enqueue_dma source(%dma_start3A_19 : memref<8x256xi32, #tpu.memory_space<hbm>>) target(%arg9 : memref<8x256xi32, #tpu.memory_space<vmem>>) target_semaphore(%arg21 : memref<!tpu.dma_semaphore, #tpu.memory_space<semaphore_mem>>)
    %add3A_20 = arith.constant 0 : i32
    %add3A_21 = arith.addi %mul3A_2, %add3A_20 : i32
    %dma_start3A_22 = arith.constant 24 : i32
    %dma_start3A_23 = tpu.memref_slice %arg2[%dma_start3A_22, %add3A_21] : memref<200x16384xi32, #tpu.memory_space<hbm>> -> memref<8x256xi32, #tpu.memory_space<hbm>>
    %dma_start3A_24 = arith.constant 24 : i32
    %dma_start3A_25 = tpu.memref_slice %arg2[%dma_start3A_24, %add3A_21] : memref<200x16384xi32, #tpu.memory_space<hbm>> -> memref<8x256xi32, #tpu.memory_space<hbm>>
    tpu.enqueue_dma source(%dma_start3A_25 : memref<8x256xi32, #tpu.memory_space<hbm>>) target(%arg10 : memref<8x256xi32, #tpu.memory_space<vmem>>) target_semaphore(%arg22 : memref<!tpu.dma_semaphore, #tpu.memory_space<semaphore_mem>>)
    %add3A_26 = arith.constant 0 : i32
    %add3A_27 = arith.addi %mul3A_2, %add3A_26 : i32
    %dma_start3A_28 = arith.constant 32 : i32
    %dma_start3A_29 = tpu.memref_slice %arg2[%dma_start3A_28, %add3A_27] : memref<200x16384xi32, #tpu.memory_space<hbm>> -> memref<8x256xi32, #tpu.memory_space<hbm>>
    %dma_start3A_30 = arith.constant 32 : i32
    %dma_start3A_31 = tpu.memref_slice %arg2[%dma_start3A_30, %add3A_27] : memref<200x16384xi32, #tpu.memory_space<hbm>> -> memref<8x256xi32, #tpu.memory_space<hbm>>
    tpu.enqueue_dma source(%dma_start3A_31 : memref<8x256xi32, #tpu.memory_space<hbm>>) target(%arg11 : memref<8x256xi32, #tpu.memory_space<vmem>>) target_semaphore(%arg23 : memref<!tpu.dma_semaphore, #tpu.memory_space<semaphore_mem>>)
    %add3A_32 = arith.constant 0 : i32
    %add3A_33 = arith.addi %mul3A_2, %add3A_32 : i32
    %dma_start3A_34 = arith.constant 40 : i32
    %dma_start3A_35 = tpu.memref_slice %arg2[%dma_start3A_34, %add3A_33] : memref<200x16384xi32, #tpu.memory_space<hbm>> -> memref<8x256xi32, #tpu.memory_space<hbm>>
    %dma_start3A_36 = arith.constant 40 : i32
    %dma_start3A_37 = tpu.memref_slice %arg2[%dma_start3A_36, %add3A_33] : memref<200x16384xi32, #tpu.memory_space<hbm>> -> memref<8x256xi32, #tpu.memory_space<hbm>>
    tpu.enqueue_dma source(%dma_start3A_37 : memref<8x256xi32, #tpu.memory_space<hbm>>) target(%arg12 : memref<8x256xi32, #tpu.memory_space<vmem>>) target_semaphore(%arg24 : memref<!tpu.dma_semaphore, #tpu.memory_space<semaphore_mem>>)
    %add3A_38 = arith.constant 0 : i32
    %add3A_39 = arith.addi %mul3A_2, %add3A_38 : i32
    %dma_start3A_40 = arith.constant 48 : i32
    %dma_start3A_41 = tpu.memref_slice %arg2[%dma_start3A_40, %add3A_39] : memref<200x16384xi32, #tpu.memory_space<hbm>> -> memref<8x256xi32, #tpu.memory_space<hbm>>
    %dma_start3A_42 = arith.constant 48 : i32
    %dma_start3A_43 = tpu.memref_slice %arg2[%dma_start3A_42, %add3A_39] : memref<200x16384xi32, #tpu.memory_space<hbm>> -> memref<8x256xi32, #tpu.memory_space<hbm>>
    tpu.enqueue_dma source(%dma_start3A_43 : memref<8x256xi32, #tpu.memory_space<hbm>>) target(%arg13 : memref<8x256xi32, #tpu.memory_space<vmem>>) target_semaphore(%arg25 : memref<!tpu.dma_semaphore, #tpu.memory_space<semaphore_mem>>)
    %add3A_44 = arith.constant 0 : i32
    %add3A_45 = arith.addi %mul3A_2, %add3A_44 : i32
    %dma_start3A_46 = arith.constant 56 : i32
    %dma_start3A_47 = tpu.memref_slice %arg2[%dma_start3A_46, %add3A_45] : memref<200x16384xi32, #tpu.memory_space<hbm>> -> memref<8x256xi32, #tpu.memory_space<hbm>>
    %dma_start3A_48 = arith.constant 56 : i32
    %dma_start3A_49 = tpu.memref_slice %arg2[%dma_start3A_48, %add3A_45] : memref<200x16384xi32, #tpu.memory_space<hbm>> -> memref<8x256xi32, #tpu.memory_space<hbm>>
    tpu.enqueue_dma source(%dma_start3A_49 : memref<8x256xi32, #tpu.memory_space<hbm>>) target(%arg14 : memref<8x256xi32, #tpu.memory_space<vmem>>) target_semaphore(%arg26 : memref<!tpu.dma_semaphore, #tpu.memory_space<semaphore_mem>>)
    %eq3A = arith.constant 0 : i32
    %eq3A_50 = arith.cmpi eq, %arg1, %eq3A : i32
    %convert_element_type3A = arith.extui %eq3A_50 : i1 to i32
    %cond3A = arith.constant 0 : i32
    %cond3A_51 = arith.cmpi ne, %convert_element_type3A, %cond3A : i32
    scf.if %cond3A_51 {
      "tpu.region"() ({
        %run_scoped3A = tpu.sem_alloc : memref<!tpu.dma_semaphore, #tpu.memory_space<semaphore_mem>>
        tpu.enqueue_dma source(%arg3 : memref<100000xf32, #tpu.memory_space<hbm>>) target(%arg5 : memref<100000xf32, #tpu.memory_space<vmem_shared>>) target_semaphore(%run_scoped3A : memref<!tpu.dma_semaphore, #tpu.memory_space<semaphore_mem>>)
        tpu.wait_dma2 semaphore(%run_scoped3A : memref<!tpu.dma_semaphore, #tpu.memory_space<semaphore_mem>>) src(%arg3 : memref<100000xf32, #tpu.memory_space<hbm>>) dst(%arg5 : memref<100000xf32, #tpu.memory_space<vmem_shared>>)
        tpu.yield
      }) : () -> ()
    } else {
    }
    %barrier3A = arith.constant 0 : index
    tpu.barrier barrier_id(%barrier3A)
    "tpu.region"() ({
      %run_scoped3A = tpu.sem_alloc : memref<!tpu.dma_semaphore, #tpu.memory_space<semaphore_mem>>
      tpu.enqueue_dma source(%arg5 : memref<100000xf32, #tpu.memory_space<vmem_shared>>) target(%arg6 : memref<100000xf32, #tpu.memory_space<vmem>>) target_semaphore(%run_scoped3A : memref<!tpu.dma_semaphore, #tpu.memory_space<semaphore_mem>>)
      tpu.wait_dma2 semaphore(%run_scoped3A : memref<!tpu.dma_semaphore, #tpu.memory_space<semaphore_mem>>) src(%arg5 : memref<100000xf32, #tpu.memory_space<vmem_shared>>) dst(%arg6 : memref<100000xf32, #tpu.memory_space<vmem>>)
      tpu.yield
    }) : () -> ()
    %broadcast_in_dim3A = arith.constant 0.000000e+00 : f32
    %broadcast_in_dim3A_52 = vector.broadcast %broadcast_in_dim3A : f32 to vector<16xf32>
    %broadcast_in_dim3A_53 = arith.constant 0.000000e+00 : f32
    %broadcast_in_dim3A_54 = vector.broadcast %broadcast_in_dim3A_53 : f32 to vector<16xf32>
    %broadcast_in_dim3A_55 = arith.constant 0.000000e+00 : f32
    %broadcast_in_dim3A_56 = vector.broadcast %broadcast_in_dim3A_55 : f32 to vector<16xf32>
    %broadcast_in_dim3A_57 = arith.constant 0.000000e+00 : f32
    %broadcast_in_dim3A_58 = vector.broadcast %broadcast_in_dim3A_57 : f32 to vector<16xf32>
    %broadcast_in_dim3A_59 = arith.constant 0.000000e+00 : f32
    %broadcast_in_dim3A_60 = vector.broadcast %broadcast_in_dim3A_59 : f32 to vector<16xf32>
    %broadcast_in_dim3A_61 = arith.constant 0.000000e+00 : f32
    %broadcast_in_dim3A_62 = vector.broadcast %broadcast_in_dim3A_61 : f32 to vector<16xf32>
    %broadcast_in_dim3A_63 = arith.constant 0.000000e+00 : f32
    %broadcast_in_dim3A_64 = vector.broadcast %broadcast_in_dim3A_63 : f32 to vector<16xf32>
    %broadcast_in_dim3A_65 = arith.constant 0.000000e+00 : f32
    %broadcast_in_dim3A_66 = vector.broadcast %broadcast_in_dim3A_65 : f32 to vector<16xf32>
    %broadcast_in_dim3A_67 = arith.constant 0.000000e+00 : f32
    %broadcast_in_dim3A_68 = vector.broadcast %broadcast_in_dim3A_67 : f32 to vector<16xf32>
    %broadcast_in_dim3A_69 = arith.constant 0.000000e+00 : f32
    %broadcast_in_dim3A_70 = vector.broadcast %broadcast_in_dim3A_69 : f32 to vector<16xf32>
    %broadcast_in_dim3A_71 = arith.constant 0.000000e+00 : f32
    %broadcast_in_dim3A_72 = vector.broadcast %broadcast_in_dim3A_71 : f32 to vector<16xf32>
    %broadcast_in_dim3A_73 = arith.constant 0.000000e+00 : f32
    %broadcast_in_dim3A_74 = vector.broadcast %broadcast_in_dim3A_73 : f32 to vector<16xf32>
    %broadcast_in_dim3A_75 = arith.constant 0.000000e+00 : f32
    %broadcast_in_dim3A_76 = vector.broadcast %broadcast_in_dim3A_75 : f32 to vector<16xf32>
    %broadcast_in_dim3A_77 = arith.constant 0.000000e+00 : f32
    %broadcast_in_dim3A_78 = vector.broadcast %broadcast_in_dim3A_77 : f32 to vector<16xf32>
    %broadcast_in_dim3A_79 = arith.constant 0.000000e+00 : f32
    %broadcast_in_dim3A_80 = vector.broadcast %broadcast_in_dim3A_79 : f32 to vector<16xf32>
    %broadcast_in_dim3A_81 = arith.constant 0.000000e+00 : f32
    %broadcast_in_dim3A_82 = vector.broadcast %broadcast_in_dim3A_81 : f32 to vector<16xf32>
    %scan3A = arith.constant 0 : i32
    %scan3A_83 = arith.constant 6 : i32
    %scan3A_84 = arith.addi %scan3A, %scan3A_83 : i32
    %scan3A_85 = arith.constant 1 : i32
    %scan3A_86:16 = scf.for %scan3A_225 = %scan3A to %scan3A_84 step %scan3A_85 iter_args(%scan3A_226 = %broadcast_in_dim3A_52, %scan3A_227 = %broadcast_in_dim3A_54, %scan3A_228 = %broadcast_in_dim3A_56, %scan3A_229 = %broadcast_in_dim3A_58, %scan3A_230 = %broadcast_in_dim3A_60, %scan3A_231 = %broadcast_in_dim3A_62, %scan3A_232 = %broadcast_in_dim3A_64, %scan3A_233 = %broadcast_in_dim3A_66, %scan3A_234 = %broadcast_in_dim3A_68, %scan3A_235 = %broadcast_in_dim3A_70, %scan3A_236 = %broadcast_in_dim3A_72, %scan3A_237 = %broadcast_in_dim3A_74, %scan3A_238 = %broadcast_in_dim3A_76, %scan3A_239 = %broadcast_in_dim3A_78, %scan3A_240 = %broadcast_in_dim3A_80, %scan3A_241 = %broadcast_in_dim3A_82) -> (vector<16xf32>, vector<16xf32>, vector<16xf32>, vector<16xf32>, vector<16xf32>, vector<16xf32>, vector<16xf32>, vector<16xf32>, vector<16xf32>, vector<16xf32>, vector<16xf32>, vector<16xf32>, vector<16xf32>, vector<16xf32>, vector<16xf32>, vector<16xf32>)  : i32 {
      %mul3A_242 = arith.constant 8 : i32
      %mul3A_243 = arith.muli %mul3A_242, %scan3A_225 : i32
      %add3A_244 = arith.constant 0 : i32
      %add3A_245 = arith.addi %mul3A_243, %add3A_244 : i32
      %jit3A_246 = arith.constant 25 : i32
      %div3A = arith.divsi %add3A_245, %jit3A_246 : i32
      %sign3A = arith.constant 0 : i32
      %sign3A_247 = arith.cmpi sgt, %add3A_245, %sign3A : i32
      %sign3A_248 = arith.extui %sign3A_247 : i1 to i32
      %sign3A_249 = arith.constant 0 : i32
      %sign3A_250 = arith.cmpi slt, %add3A_245, %sign3A_249 : i32
      %sign3A_251 = arith.extui %sign3A_250 : i1 to i32
      %sign3A_252 = arith.subi %sign3A_248, %sign3A_251 : i32
      %sign3A_253 = arith.constant 0 : i32
      %sign3A_254 = arith.cmpi sgt, %jit3A_246, %sign3A_253 : i32
      %sign3A_255 = arith.extui %sign3A_254 : i1 to i32
      %sign3A_256 = arith.constant 0 : i32
      %sign3A_257 = arith.cmpi slt, %jit3A_246, %sign3A_256 : i32
      %sign3A_258 = arith.extui %sign3A_257 : i1 to i32
      %sign3A_259 = arith.subi %sign3A_255, %sign3A_258 : i32
      %ne3A = arith.cmpi ne, %sign3A_252, %sign3A_259 : i32
      %rem3A = arith.remsi %add3A_245, %jit3A_246 : i32
      %ne3A_260 = arith.constant 0 : i32
      %ne3A_261 = arith.cmpi ne, %rem3A, %ne3A_260 : i32
      %and3A = arith.andi %ne3A, %ne3A_261 : i1
      %sub3A = arith.constant 1 : i32
      %sub3A_262 = arith.subi %div3A, %sub3A : i32
      %select_n3A_263 = arith.select %and3A, %sub3A_262, %div3A : i32
      %mul3A_264 = arith.constant 25 : i32
      %mul3A_265 = arith.muli %select_n3A_263, %mul3A_264 : i32
      %sub3A_266 = arith.subi %add3A_245, %mul3A_265 : i32
      %mul3A_267 = arith.constant 8 : i32
      %mul3A_268 = arith.muli %sub3A_266, %mul3A_267 : i32
      %mul3A_269 = arith.constant 256 : i32
      %mul3A_270 = arith.muli %select_n3A_263, %mul3A_269 : i32
      %add3A_271 = arith.addi %mul3A_2, %mul3A_270 : i32
      %dma_wait3A_272 = tpu.memref_slice %arg2[%mul3A_268, %add3A_271] : memref<200x16384xi32, #tpu.memory_space<hbm>> -> memref<8x256xi32, #tpu.memory_space<hbm>>
      %dma_wait3A_273 = tpu.memref_slice %arg2[%mul3A_268, %add3A_271] : memref<200x16384xi32, #tpu.memory_space<hbm>> -> memref<8x256xi32, #tpu.memory_space<hbm>>
      tpu.wait_dma2 semaphore(%arg19 : memref<!tpu.dma_semaphore, #tpu.memory_space<semaphore_mem>>) src(%dma_wait3A_273 : memref<8x256xi32, #tpu.memory_space<hbm>>) dst(%arg7 : memref<8x256xi32, #tpu.memory_space<vmem>>)
      %ge3A = arith.constant 4 : i32
      %ge3A_274 = arith.cmpi sge, %add3A_245, %ge3A : i32
      %convert_element_type3A_275 = arith.extui %ge3A_274 : i1 to i32
      %cond3A_276 = arith.constant 0 : i32
      %cond3A_277 = arith.cmpi ne, %convert_element_type3A_275, %cond3A_276 : i32
      scf.if %cond3A_277 {
        %sub3A_1330 = arith.constant 4 : i32
        %sub3A_1331 = arith.subi %add3A_245, %sub3A_1330 : i32
        %jit3A_1332 = arith.constant 25 : i32
        %div3A_1333 = arith.divsi %sub3A_1331, %jit3A_1332 : i32
        %sign3A_1334 = arith.constant 0 : i32
        %sign3A_1335 = arith.cmpi sgt, %sub3A_1331, %sign3A_1334 : i32
        %sign3A_1336 = arith.extui %sign3A_1335 : i1 to i32
        %sign3A_1337 = arith.constant 0 : i32
        %sign3A_1338 = arith.cmpi slt, %sub3A_1331, %sign3A_1337 : i32
        %sign3A_1339 = arith.extui %sign3A_1338 : i1 to i32
        %sign3A_1340 = arith.subi %sign3A_1336, %sign3A_1339 : i32
        %sign3A_1341 = arith.constant 0 : i32
        %sign3A_1342 = arith.cmpi sgt, %jit3A_1332, %sign3A_1341 : i32
        %sign3A_1343 = arith.extui %sign3A_1342 : i1 to i32
        %sign3A_1344 = arith.constant 0 : i32
        %sign3A_1345 = arith.cmpi slt, %jit3A_1332, %sign3A_1344 : i32
        %sign3A_1346 = arith.extui %sign3A_1345 : i1 to i32
        %sign3A_1347 = arith.subi %sign3A_1343, %sign3A_1346 : i32
        %ne3A_1348 = arith.cmpi ne, %sign3A_1340, %sign3A_1347 : i32
        %rem3A_1349 = arith.remsi %sub3A_1331, %jit3A_1332 : i32
        %ne3A_1350 = arith.constant 0 : i32
        %ne3A_1351 = arith.cmpi ne, %rem3A_1349, %ne3A_1350 : i32
        %and3A_1352 = arith.andi %ne3A_1348, %ne3A_1351 : i1
        %sub3A_1353 = arith.constant 1 : i32
        %sub3A_1354 = arith.subi %div3A_1333, %sub3A_1353 : i32
        %select_n3A_1355 = arith.select %and3A_1352, %sub3A_1354, %div3A_1333 : i32
        %mul3A_1356 = arith.constant 25 : i32
        %mul3A_1357 = arith.muli %select_n3A_1355, %mul3A_1356 : i32
        %sub3A_1358 = arith.subi %sub3A_1331, %mul3A_1357 : i32
        %mul3A_1359 = arith.constant 8 : i32
        %mul3A_1360 = arith.muli %sub3A_1358, %mul3A_1359 : i32
        %mul3A_1361 = arith.constant 256 : i32
        %mul3A_1362 = arith.muli %select_n3A_1355, %mul3A_1361 : i32
        %add3A_1363 = arith.addi %mul3A_2, %mul3A_1362 : i32
        %dma_wait3A_1364 = tpu.memref_slice %arg4[%mul3A_1360, %add3A_1363] : memref<200x16384xf32, #tpu.memory_space<hbm>> -> memref<8x256xf32, #tpu.memory_space<hbm>>
        %dma_wait3A_1365 = tpu.memref_slice %arg4[%mul3A_1360, %add3A_1363] : memref<200x16384xf32, #tpu.memory_space<hbm>> -> memref<8x256xf32, #tpu.memory_space<hbm>>
        tpu.wait_dma2 semaphore(%arg27 : memref<!tpu.dma_semaphore, #tpu.memory_space<semaphore_mem>>) src(%arg15 : memref<8x256xf32, #tpu.memory_space<vmem>>) dst(%dma_wait3A_1365 : memref<8x256xf32, #tpu.memory_space<hbm>>)
      } else {
      }
      %jit3A_278 = arith.constant 25 : i32
      %div3A_279 = arith.divsi %add3A_245, %jit3A_278 : i32
      %sign3A_280 = arith.constant 0 : i32
      %sign3A_281 = arith.cmpi sgt, %add3A_245, %sign3A_280 : i32
      %sign3A_282 = arith.extui %sign3A_281 : i1 to i32
      %sign3A_283 = arith.constant 0 : i32
      %sign3A_284 = arith.cmpi slt, %add3A_245, %sign3A_283 : i32
      %sign3A_285 = arith.extui %sign3A_284 : i1 to i32
      %sign3A_286 = arith.subi %sign3A_282, %sign3A_285 : i32
      %sign3A_287 = arith.constant 0 : i32
      %sign3A_288 = arith.cmpi sgt, %jit3A_278, %sign3A_287 : i32
      %sign3A_289 = arith.extui %sign3A_288 : i1 to i32
      %sign3A_290 = arith.constant 0 : i32
      %sign3A_291 = arith.cmpi slt, %jit3A_278, %sign3A_290 : i32
      %sign3A_292 = arith.extui %sign3A_291 : i1 to i32
      %sign3A_293 = arith.subi %sign3A_289, %sign3A_292 : i32
      %ne3A_294 = arith.cmpi ne, %sign3A_286, %sign3A_293 : i32
      %rem3A_295 = arith.remsi %add3A_245, %jit3A_278 : i32
      %ne3A_296 = arith.constant 0 : i32
      %ne3A_297 = arith.cmpi ne, %rem3A_295, %ne3A_296 : i32
      %and3A_298 = arith.andi %ne3A_294, %ne3A_297 : i1
      %sub3A_299 = arith.constant 1 : i32
      %sub3A_300 = arith.subi %div3A_279, %sub3A_299 : i32
      %select_n3A_301 = arith.select %and3A_298, %sub3A_300, %div3A_279 : i32
      %mul3A_302 = arith.constant 25 : i32
      %mul3A_303 = arith.muli %select_n3A_301, %mul3A_302 : i32
      %sub3A_304 = arith.subi %add3A_245, %mul3A_303 : i32
      %eq3A_305 = arith.constant 0 : i32
      %eq3A_306 = arith.cmpi eq, %sub3A_304, %eq3A_305 : i32
      %broadcast_in_dim3A_307 = arith.constant 0.000000e+00 : f32
      %broadcast_in_dim3A_308 = vector.broadcast %broadcast_in_dim3A_307 : f32 to vector<16xf32>
      %select_n3A_309 = arith.select %eq3A_306, %broadcast_in_dim3A_308, %scan3A_226 : vector<16xf32>
      %select_n3A_310 = arith.select %eq3A_306, %broadcast_in_dim3A_308, %scan3A_227 : vector<16xf32>
      %select_n3A_311 = arith.select %eq3A_306, %broadcast_in_dim3A_308, %scan3A_228 : vector<16xf32>
      %select_n3A_312 = arith.select %eq3A_306, %broadcast_in_dim3A_308, %scan3A_229 : vector<16xf32>
      %select_n3A_313 = arith.select %eq3A_306, %broadcast_in_dim3A_308, %scan3A_230 : vector<16xf32>
      %select_n3A_314 = arith.select %eq3A_306, %broadcast_in_dim3A_308, %scan3A_231 : vector<16xf32>
      %select_n3A_315 = arith.select %eq3A_306, %broadcast_in_dim3A_308, %scan3A_232 : vector<16xf32>
      %select_n3A_316 = arith.select %eq3A_306, %broadcast_in_dim3A_308, %scan3A_233 : vector<16xf32>
      %select_n3A_317 = arith.select %eq3A_306, %broadcast_in_dim3A_308, %scan3A_234 : vector<16xf32>
      %select_n3A_318 = arith.select %eq3A_306, %broadcast_in_dim3A_308, %scan3A_235 : vector<16xf32>
      %select_n3A_319 = arith.select %eq3A_306, %broadcast_in_dim3A_308, %scan3A_236 : vector<16xf32>
      %select_n3A_320 = arith.select %eq3A_306, %broadcast_in_dim3A_308, %scan3A_237 : vector<16xf32>
      %select_n3A_321 = arith.select %eq3A_306, %broadcast_in_dim3A_308, %scan3A_238 : vector<16xf32>
      %select_n3A_322 = arith.select %eq3A_306, %broadcast_in_dim3A_308, %scan3A_239 : vector<16xf32>
      %select_n3A_323 = arith.select %eq3A_306, %broadcast_in_dim3A_308, %scan3A_240 : vector<16xf32>
      %select_n3A_324 = arith.select %eq3A_306, %broadcast_in_dim3A_308, %scan3A_241 : vector<16xf32>
      %scan3A_325 = arith.constant 0 : i32
      %scan3A_326 = arith.constant 8 : i32
      %scan3A_327 = arith.addi %scan3A_325, %scan3A_326 : i32
      %scan3A_328 = arith.constant 1 : i32
      %scan3A_329:16 = scf.for %scan3A_1330 = %scan3A_325 to %scan3A_327 step %scan3A_328 iter_args(%scan3A_1331 = %select_n3A_309, %scan3A_1332 = %select_n3A_310, %scan3A_1333 = %select_n3A_311, %scan3A_1334 = %select_n3A_312, %scan3A_1335 = %select_n3A_313, %scan3A_1336 = %select_n3A_314, %scan3A_1337 = %select_n3A_315, %scan3A_1338 = %select_n3A_316, %scan3A_1339 = %select_n3A_317, %scan3A_1340 = %select_n3A_318, %scan3A_1341 = %select_n3A_319, %scan3A_1342 = %select_n3A_320, %scan3A_1343 = %select_n3A_321, %scan3A_1344 = %select_n3A_322, %scan3A_1345 = %select_n3A_323, %scan3A_1346 = %select_n3A_324) -> (vector<16xf32>, vector<16xf32>, vector<16xf32>, vector<16xf32>, vector<16xf32>, vector<16xf32>, vector<16xf32>, vector<16xf32>, vector<16xf32>, vector<16xf32>, vector<16xf32>, vector<16xf32>, vector<16xf32>, vector<16xf32>, vector<16xf32>, vector<16xf32>)  : i32 {
        %get3A = arith.index_cast %scan3A_1330 : i32 to index
        %get3A_1347 = arith.constant 0 : index
        %get3A_1348 = tpu.vector_load %arg7[%get3A, %get3A_1347] {strides = array<i32>} : memref<8x256xi32, #tpu.memory_space<vmem>>, vector<16xi32>,
        %get3A_1349 = arith.index_cast %scan3A_1330 : i32 to index
        %get3A_1350 = arith.constant 16 : index
        %get3A_1351 = tpu.vector_load %arg7[%get3A_1349, %get3A_1350] {strides = array<i32>} : memref<8x256xi32, #tpu.memory_space<vmem>>, vector<16xi32>,
        %get3A_1352 = arith.index_cast %scan3A_1330 : i32 to index
        %get3A_1353 = arith.constant 32 : index
        %get3A_1354 = tpu.vector_load %arg7[%get3A_1352, %get3A_1353] {strides = array<i32>} : memref<8x256xi32, #tpu.memory_space<vmem>>, vector<16xi32>,
        %get3A_1355 = arith.index_cast %scan3A_1330 : i32 to index
        %get3A_1356 = arith.constant 48 : index
        %get3A_1357 = tpu.vector_load %arg7[%get3A_1355, %get3A_1356] {strides = array<i32>} : memref<8x256xi32, #tpu.memory_space<vmem>>, vector<16xi32>,
        %get3A_1358 = arith.index_cast %scan3A_1330 : i32 to index
        %get3A_1359 = arith.constant 64 : index
        %get3A_1360 = tpu.vector_load %arg7[%get3A_1358, %get3A_1359] {strides = array<i32>} : memref<8x256xi32, #tpu.memory_space<vmem>>, vector<16xi32>,
        %get3A_1361 = arith.index_cast %scan3A_1330 : i32 to index
        %get3A_1362 = arith.constant 80 : index
        %get3A_1363 = tpu.vector_load %arg7[%get3A_1361, %get3A_1362] {strides = array<i32>} : memref<8x256xi32, #tpu.memory_space<vmem>>, vector<16xi32>,
        %get3A_1364 = arith.index_cast %scan3A_1330 : i32 to index
        %get3A_1365 = arith.constant 96 : index
        %get3A_1366 = tpu.vector_load %arg7[%get3A_1364, %get3A_1365] {strides = array<i32>} : memref<8x256xi32, #tpu.memory_space<vmem>>, vector<16xi32>,
        %get3A_1367 = arith.index_cast %scan3A_1330 : i32 to index
        %get3A_1368 = arith.constant 112 : index
        %get3A_1369 = tpu.vector_load %arg7[%get3A_1367, %get3A_1368] {strides = array<i32>} : memref<8x256xi32, #tpu.memory_space<vmem>>, vector<16xi32>,
        %get3A_1370 = arith.index_cast %scan3A_1330 : i32 to index
        %get3A_1371 = arith.constant 128 : index
        %get3A_1372 = tpu.vector_load %arg7[%get3A_1370, %get3A_1371] {strides = array<i32>} : memref<8x256xi32, #tpu.memory_space<vmem>>, vector<16xi32>,
        %get3A_1373 = arith.index_cast %scan3A_1330 : i32 to index
        %get3A_1374 = arith.constant 144 : index
        %get3A_1375 = tpu.vector_load %arg7[%get3A_1373, %get3A_1374] {strides = array<i32>} : memref<8x256xi32, #tpu.memory_space<vmem>>, vector<16xi32>,
        %get3A_1376 = arith.index_cast %scan3A_1330 : i32 to index
        %get3A_1377 = arith.constant 160 : index
        %get3A_1378 = tpu.vector_load %arg7[%get3A_1376, %get3A_1377] {strides = array<i32>} : memref<8x256xi32, #tpu.memory_space<vmem>>, vector<16xi32>,
        %get3A_1379 = arith.index_cast %scan3A_1330 : i32 to index
        %get3A_1380 = arith.constant 176 : index
        %get3A_1381 = tpu.vector_load %arg7[%get3A_1379, %get3A_1380] {strides = array<i32>} : memref<8x256xi32, #tpu.memory_space<vmem>>, vector<16xi32>,
        %get3A_1382 = arith.index_cast %scan3A_1330 : i32 to index
        %get3A_1383 = arith.constant 192 : index
        %get3A_1384 = tpu.vector_load %arg7[%get3A_1382, %get3A_1383] {strides = array<i32>} : memref<8x256xi32, #tpu.memory_space<vmem>>, vector<16xi32>,
        %get3A_1385 = arith.index_cast %scan3A_1330 : i32 to index
        %get3A_1386 = arith.constant 208 : index
        %get3A_1387 = tpu.vector_load %arg7[%get3A_1385, %get3A_1386] {strides = array<i32>} : memref<8x256xi32, #tpu.memory_space<vmem>>, vector<16xi32>,
        %get3A_1388 = arith.index_cast %scan3A_1330 : i32 to index
        %get3A_1389 = arith.constant 224 : index
        %get3A_1390 = tpu.vector_load %arg7[%get3A_1388, %get3A_1389] {strides = array<i32>} : memref<8x256xi32, #tpu.memory_space<vmem>>, vector<16xi32>,
        %get3A_1391 = arith.index_cast %scan3A_1330 : i32 to index
        %get3A_1392 = arith.constant 240 : index
        %get3A_1393 = tpu.vector_load %arg7[%get3A_1391, %get3A_1392] {strides = array<i32>} : memref<8x256xi32, #tpu.memory_space<vmem>>, vector<16xi32>,
        %gather3A = tpu.vector_load_idx %arg6[%get3A_1348] : memref<100000xf32, #tpu.memory_space<vmem>>[vector<16xi32>], vector<16xf32>,
        %gather3A_1394 = tpu.vector_load_idx %arg6[%get3A_1351] : memref<100000xf32, #tpu.memory_space<vmem>>[vector<16xi32>], vector<16xf32>,
        %gather3A_1395 = tpu.vector_load_idx %arg6[%get3A_1354] : memref<100000xf32, #tpu.memory_space<vmem>>[vector<16xi32>], vector<16xf32>,
        %gather3A_1396 = tpu.vector_load_idx %arg6[%get3A_1357] : memref<100000xf32, #tpu.memory_space<vmem>>[vector<16xi32>], vector<16xf32>,
        %gather3A_1397 = tpu.vector_load_idx %arg6[%get3A_1360] : memref<100000xf32, #tpu.memory_space<vmem>>[vector<16xi32>], vector<16xf32>,
        %gather3A_1398 = tpu.vector_load_idx %arg6[%get3A_1363] : memref<100000xf32, #tpu.memory_space<vmem>>[vector<16xi32>], vector<16xf32>,
        %gather3A_1399 = tpu.vector_load_idx %arg6[%get3A_1366] : memref<100000xf32, #tpu.memory_space<vmem>>[vector<16xi32>], vector<16xf32>,
        %gather3A_1400 = tpu.vector_load_idx %arg6[%get3A_1369] : memref<100000xf32, #tpu.memory_space<vmem>>[vector<16xi32>], vector<16xf32>,
        %gather3A_1401 = tpu.vector_load_idx %arg6[%get3A_1372] : memref<100000xf32, #tpu.memory_space<vmem>>[vector<16xi32>], vector<16xf32>,
        %gather3A_1402 = tpu.vector_load_idx %arg6[%get3A_1375] : memref<100000xf32, #tpu.memory_space<vmem>>[vector<16xi32>], vector<16xf32>,
        %gather3A_1403 = tpu.vector_load_idx %arg6[%get3A_1378] : memref<100000xf32, #tpu.memory_space<vmem>>[vector<16xi32>], vector<16xf32>,
        %gather3A_1404 = tpu.vector_load_idx %arg6[%get3A_1381] : memref<100000xf32, #tpu.memory_space<vmem>>[vector<16xi32>], vector<16xf32>,
        %gather3A_1405 = tpu.vector_load_idx %arg6[%get3A_1384] : memref<100000xf32, #tpu.memory_space<vmem>>[vector<16xi32>], vector<16xf32>,
        %gather3A_1406 = tpu.vector_load_idx %arg6[%get3A_1387] : memref<100000xf32, #tpu.memory_space<vmem>>[vector<16xi32>], vector<16xf32>,
        %gather3A_1407 = tpu.vector_load_idx %arg6[%get3A_1390] : memref<100000xf32, #tpu.memory_space<vmem>>[vector<16xi32>], vector<16xf32>,
        %gather3A_1408 = tpu.vector_load_idx %arg6[%get3A_1393] : memref<100000xf32, #tpu.memory_space<vmem>>[vector<16xi32>], vector<16xf32>,
        %add3A_1409 = arith.addf %scan3A_1331, %gather3A : vector<16xf32>
        %add3A_1410 = arith.addf %scan3A_1332, %gather3A_1394 : vector<16xf32>
        %add3A_1411 = arith.addf %scan3A_1333, %gather3A_1395 : vector<16xf32>
        %add3A_1412 = arith.addf %scan3A_1334, %gather3A_1396 : vector<16xf32>
        %add3A_1413 = arith.addf %scan3A_1335, %gather3A_1397 : vector<16xf32>
        %add3A_1414 = arith.addf %scan3A_1336, %gather3A_1398 : vector<16xf32>
        %add3A_1415 = arith.addf %scan3A_1337, %gather3A_1399 : vector<16xf32>
        %add3A_1416 = arith.addf %scan3A_1338, %gather3A_1400 : vector<16xf32>
        %add3A_1417 = arith.addf %scan3A_1339, %gather3A_1401 : vector<16xf32>
        %add3A_1418 = arith.addf %scan3A_1340, %gather3A_1402 : vector<16xf32>
        %add3A_1419 = arith.addf %scan3A_1341, %gather3A_1403 : vector<16xf32>
        %add3A_1420 = arith.addf %scan3A_1342, %gather3A_1404 : vector<16xf32>
        %add3A_1421 = arith.addf %scan3A_1343, %gather3A_1405 : vector<16xf32>
        %add3A_1422 = arith.addf %scan3A_1344, %gather3A_1406 : vector<16xf32>
        %add3A_1423 = arith.addf %scan3A_1345, %gather3A_1407 : vector<16xf32>
        %add3A_1424 = arith.addf %scan3A_1346, %gather3A_1408 : vector<16xf32>
        %swap3A = arith.index_cast %scan3A_1330 : i32 to index
        %swap3A_1425 = arith.constant 0 : index
        %swap3A_1426 = tpu.vector_load %arg15[%swap3A, %swap3A_1425] {strides = array<i32>} : memref<8x256xf32, #tpu.memory_space<vmem>>, vector<16xf32>,
        tpu.vector_store %arg15[%swap3A, %swap3A_1425], %add3A_1409 {strides = array<i32>} : memref<8x256xf32, #tpu.memory_space<vmem>>, vector<16xf32>,
        %swap3A_1427 = arith.index_cast %scan3A_1330 : i32 to index
        %swap3A_1428 = arith.constant 16 : index
        %swap3A_1429 = tpu.vector_load %arg15[%swap3A_1427, %swap3A_1428] {strides = array<i32>} : memref<8x256xf32, #tpu.memory_space<vmem>>, vector<16xf32>,
        tpu.vector_store %arg15[%swap3A_1427, %swap3A_1428], %add3A_1410 {strides = array<i32>} : memref<8x256xf32, #tpu.memory_space<vmem>>, vector<16xf32>,
        %swap3A_1430 = arith.index_cast %scan3A_1330 : i32 to index
        %swap3A_1431 = arith.constant 32 : index
        %swap3A_1432 = tpu.vector_load %arg15[%swap3A_1430, %swap3A_1431] {strides = array<i32>} : memref<8x256xf32, #tpu.memory_space<vmem>>, vector<16xf32>,
        tpu.vector_store %arg15[%swap3A_1430, %swap3A_1431], %add3A_1411 {strides = array<i32>} : memref<8x256xf32, #tpu.memory_space<vmem>>, vector<16xf32>,
        %swap3A_1433 = arith.index_cast %scan3A_1330 : i32 to index
        %swap3A_1434 = arith.constant 48 : index
        %swap3A_1435 = tpu.vector_load %arg15[%swap3A_1433, %swap3A_1434] {strides = array<i32>} : memref<8x256xf32, #tpu.memory_space<vmem>>, vector<16xf32>,
        tpu.vector_store %arg15[%swap3A_1433, %swap3A_1434], %add3A_1412 {strides = array<i32>} : memref<8x256xf32, #tpu.memory_space<vmem>>, vector<16xf32>,
        %swap3A_1436 = arith.index_cast %scan3A_1330 : i32 to index
        %swap3A_1437 = arith.constant 64 : index
        %swap3A_1438 = tpu.vector_load %arg15[%swap3A_1436, %swap3A_1437] {strides = array<i32>} : memref<8x256xf32, #tpu.memory_space<vmem>>, vector<16xf32>,
        tpu.vector_store %arg15[%swap3A_1436, %swap3A_1437], %add3A_1413 {strides = array<i32>} : memref<8x256xf32, #tpu.memory_space<vmem>>, vector<16xf32>,
        %swap3A_1439 = arith.index_cast %scan3A_1330 : i32 to index
        %swap3A_1440 = arith.constant 80 : index
        %swap3A_1441 = tpu.vector_load %arg15[%swap3A_1439, %swap3A_1440] {strides = array<i32>} : memref<8x256xf32, #tpu.memory_space<vmem>>, vector<16xf32>,
        tpu.vector_store %arg15[%swap3A_1439, %swap3A_1440], %add3A_1414 {strides = array<i32>} : memref<8x256xf32, #tpu.memory_space<vmem>>, vector<16xf32>,
        %swap3A_1442 = arith.index_cast %scan3A_1330 : i32 to index
        %swap3A_1443 = arith.constant 96 : index
        %swap3A_1444 = tpu.vector_load %arg15[%swap3A_1442, %swap3A_1443] {strides = array<i32>} : memref<8x256xf32, #tpu.memory_space<vmem>>, vector<16xf32>,
        tpu.vector_store %arg15[%swap3A_1442, %swap3A_1443], %add3A_1415 {strides = array<i32>} : memref<8x256xf32, #tpu.memory_space<vmem>>, vector<16xf32>,
        %swap3A_1445 = arith.index_cast %scan3A_1330 : i32 to index
        %swap3A_1446 = arith.constant 112 : index
        %swap3A_1447 = tpu.vector_load %arg15[%swap3A_1445, %swap3A_1446] {strides = array<i32>} : memref<8x256xf32, #tpu.memory_space<vmem>>, vector<16xf32>,
        tpu.vector_store %arg15[%swap3A_1445, %swap3A_1446], %add3A_1416 {strides = array<i32>} : memref<8x256xf32, #tpu.memory_space<vmem>>, vector<16xf32>,
        %swap3A_1448 = arith.index_cast %scan3A_1330 : i32 to index
        %swap3A_1449 = arith.constant 128 : index
        %swap3A_1450 = tpu.vector_load %arg15[%swap3A_1448, %swap3A_1449] {strides = array<i32>} : memref<8x256xf32, #tpu.memory_space<vmem>>, vector<16xf32>,
        tpu.vector_store %arg15[%swap3A_1448, %swap3A_1449], %add3A_1417 {strides = array<i32>} : memref<8x256xf32, #tpu.memory_space<vmem>>, vector<16xf32>,
        %swap3A_1451 = arith.index_cast %scan3A_1330 : i32 to index
        %swap3A_1452 = arith.constant 144 : index
        %swap3A_1453 = tpu.vector_load %arg15[%swap3A_1451, %swap3A_1452] {strides = array<i32>} : memref<8x256xf32, #tpu.memory_space<vmem>>, vector<16xf32>,
        tpu.vector_store %arg15[%swap3A_1451, %swap3A_1452], %add3A_1418 {strides = array<i32>} : memref<8x256xf32, #tpu.memory_space<vmem>>, vector<16xf32>,
        %swap3A_1454 = arith.index_cast %scan3A_1330 : i32 to index
        %swap3A_1455 = arith.constant 160 : index
        %swap3A_1456 = tpu.vector_load %arg15[%swap3A_1454, %swap3A_1455] {strides = array<i32>} : memref<8x256xf32, #tpu.memory_space<vmem>>, vector<16xf32>,
        tpu.vector_store %arg15[%swap3A_1454, %swap3A_1455], %add3A_1419 {strides = array<i32>} : memref<8x256xf32, #tpu.memory_space<vmem>>, vector<16xf32>,
        %swap3A_1457 = arith.index_cast %scan3A_1330 : i32 to index
        %swap3A_1458 = arith.constant 176 : index
        %swap3A_1459 = tpu.vector_load %arg15[%swap3A_1457, %swap3A_1458] {strides = array<i32>} : memref<8x256xf32, #tpu.memory_space<vmem>>, vector<16xf32>,
        tpu.vector_store %arg15[%swap3A_1457, %swap3A_1458], %add3A_1420 {strides = array<i32>} : memref<8x256xf32, #tpu.memory_space<vmem>>, vector<16xf32>,
        %swap3A_1460 = arith.index_cast %scan3A_1330 : i32 to index
        %swap3A_1461 = arith.constant 192 : index
        %swap3A_1462 = tpu.vector_load %arg15[%swap3A_1460, %swap3A_1461] {strides = array<i32>} : memref<8x256xf32, #tpu.memory_space<vmem>>, vector<16xf32>,
        tpu.vector_store %arg15[%swap3A_1460, %swap3A_1461], %add3A_1421 {strides = array<i32>} : memref<8x256xf32, #tpu.memory_space<vmem>>, vector<16xf32>,
        %swap3A_1463 = arith.index_cast %scan3A_1330 : i32 to index
        %swap3A_1464 = arith.constant 208 : index
        %swap3A_1465 = tpu.vector_load %arg15[%swap3A_1463, %swap3A_1464] {strides = array<i32>} : memref<8x256xf32, #tpu.memory_space<vmem>>, vector<16xf32>,
        tpu.vector_store %arg15[%swap3A_1463, %swap3A_1464], %add3A_1422 {strides = array<i32>} : memref<8x256xf32, #tpu.memory_space<vmem>>, vector<16xf32>,
        %swap3A_1466 = arith.index_cast %scan3A_1330 : i32 to index
        %swap3A_1467 = arith.constant 224 : index
        %swap3A_1468 = tpu.vector_load %arg15[%swap3A_1466, %swap3A_1467] {strides = array<i32>} : memref<8x256xf32, #tpu.memory_space<vmem>>, vector<16xf32>,
        tpu.vector_store %arg15[%swap3A_1466, %swap3A_1467], %add3A_1423 {strides = array<i32>} : memref<8x256xf32, #tpu.memory_space<vmem>>, vector<16xf32>,
        %swap3A_1469 = arith.index_cast %scan3A_1330 : i32 to index
        %swap3A_1470 = arith.constant 240 : index
        %swap3A_1471 = tpu.vector_load %arg15[%swap3A_1469, %swap3A_1470] {strides = array<i32>} : memref<8x256xf32, #tpu.memory_space<vmem>>, vector<16xf32>,
        tpu.vector_store %arg15[%swap3A_1469, %swap3A_1470], %add3A_1424 {strides = array<i32>} : memref<8x256xf32, #tpu.memory_space<vmem>>, vector<16xf32>,
        scf.yield %add3A_1409, %add3A_1410, %add3A_1411, %add3A_1412, %add3A_1413, %add3A_1414, %add3A_1415, %add3A_1416, %add3A_1417, %add3A_1418, %add3A_1419, %add3A_1420, %add3A_1421, %add3A_1422, %add3A_1423, %add3A_1424 : vector<16xf32>, vector<16xf32>, vector<16xf32>, vector<16xf32>, vector<16xf32>, vector<16xf32>, vector<16xf32>, vector<16xf32>, vector<16xf32>, vector<16xf32>, vector<16xf32>, vector<16xf32>, vector<16xf32>, vector<16xf32>, vector<16xf32>, vector<16xf32>
      }
      %scan3A_330 = arith.constant 8 : i32
      %jit3A_331 = arith.constant 25 : i32
      %div3A_332 = arith.divsi %add3A_245, %jit3A_331 : i32
      %sign3A_333 = arith.constant 0 : i32
      %sign3A_334 = arith.cmpi sgt, %add3A_245, %sign3A_333 : i32
      %sign3A_335 = arith.extui %sign3A_334 : i1 to i32
      %sign3A_336 = arith.constant 0 : i32
      %sign3A_337 = arith.cmpi slt, %add3A_245, %sign3A_336 : i32
      %sign3A_338 = arith.extui %sign3A_337 : i1 to i32
      %sign3A_339 = arith.subi %sign3A_335, %sign3A_338 : i32
      %sign3A_340 = arith.constant 0 : i32
      %sign3A_341 = arith.cmpi sgt, %jit3A_331, %sign3A_340 : i32
      %sign3A_342 = arith.extui %sign3A_341 : i1 to i32
      %sign3A_343 = arith.constant 0 : i32
      %sign3A_344 = arith.cmpi slt, %jit3A_331, %sign3A_343 : i32
      %sign3A_345 = arith.extui %sign3A_344 : i1 to i32
      %sign3A_346 = arith.subi %sign3A_342, %sign3A_345 : i32
      %ne3A_347 = arith.cmpi ne, %sign3A_339, %sign3A_346 : i32
      %rem3A_348 = arith.remsi %add3A_245, %jit3A_331 : i32
      %ne3A_349 = arith.constant 0 : i32
      %ne3A_350 = arith.cmpi ne, %rem3A_348, %ne3A_349 : i32
      %and3A_351 = arith.andi %ne3A_347, %ne3A_350 : i1
      %sub3A_352 = arith.constant 1 : i32
      %sub3A_353 = arith.subi %div3A_332, %sub3A_352 : i32
      %select_n3A_354 = arith.select %and3A_351, %sub3A_353, %div3A_332 : i32
      %mul3A_355 = arith.constant 25 : i32
      %mul3A_356 = arith.muli %select_n3A_354, %mul3A_355 : i32
      %sub3A_357 = arith.subi %add3A_245, %mul3A_356 : i32
      %mul3A_358 = arith.constant 8 : i32
      %mul3A_359 = arith.muli %sub3A_357, %mul3A_358 : i32
      %mul3A_360 = arith.constant 256 : i32
      %mul3A_361 = arith.muli %select_n3A_354, %mul3A_360 : i32
      %add3A_362 = arith.addi %mul3A_2, %mul3A_361 : i32
      %dma_start3A_363 = tpu.memref_slice %arg4[%mul3A_359, %add3A_362] : memref<200x16384xf32, #tpu.memory_space<hbm>> -> memref<8x256xf32, #tpu.memory_space<hbm>>
      %dma_start3A_364 = tpu.memref_slice %arg4[%mul3A_359, %add3A_362] : memref<200x16384xf32, #tpu.memory_space<hbm>> -> memref<8x256xf32, #tpu.memory_space<hbm>>
      tpu.enqueue_dma source(%arg15 : memref<8x256xf32, #tpu.memory_space<vmem>>) target(%dma_start3A_364 : memref<8x256xf32, #tpu.memory_space<hbm>>) target_semaphore(%arg27 : memref<!tpu.dma_semaphore, #tpu.memory_space<semaphore_mem>>)
      %add3A_365 = arith.constant 8 : i32
      %add3A_366 = arith.addi %add3A_245, %add3A_365 : i32
      %lt3A = arith.constant 50 : i32
      %lt3A_367 = arith.cmpi slt, %add3A_366, %lt3A : i32
      %convert_element_type3A_368 = arith.extui %lt3A_367 : i1 to i32
      %cond3A_369 = arith.constant 0 : i32
      %cond3A_370 = arith.cmpi ne, %convert_element_type3A_368, %cond3A_369 : i32
      scf.if %cond3A_370 {
        %add3A_1330 = arith.constant 8 : i32
        %add3A_1331 = arith.addi %add3A_245, %add3A_1330 : i32
        %jit3A_1332 = arith.constant 25 : i32
        %div3A_1333 = arith.divsi %add3A_1331, %jit3A_1332 : i32
        %sign3A_1334 = arith.constant 0 : i32
        %sign3A_1335 = arith.cmpi sgt, %add3A_1331, %sign3A_1334 : i32
        %sign3A_1336 = arith.extui %sign3A_1335 : i1 to i32
        %sign3A_1337 = arith.constant 0 : i32
        %sign3A_1338 = arith.cmpi slt, %add3A_1331, %sign3A_1337 : i32
        %sign3A_1339 = arith.extui %sign3A_1338 : i1 to i32
        %sign3A_1340 = arith.subi %sign3A_1336, %sign3A_1339 : i32
        %sign3A_1341 = arith.constant 0 : i32
        %sign3A_1342 = arith.cmpi sgt, %jit3A_1332, %sign3A_1341 : i32
        %sign3A_1343 = arith.extui %sign3A_1342 : i1 to i32
        %sign3A_1344 = arith.constant 0 : i32
        %sign3A_1345 = arith.cmpi slt, %jit3A_1332, %sign3A_1344 : i32
        %sign3A_1346 = arith.extui %sign3A_1345 : i1 to i32
        %sign3A_1347 = arith.subi %sign3A_1343, %sign3A_1346 : i32
        %ne3A_1348 = arith.cmpi ne, %sign3A_1340, %sign3A_1347 : i32
        %rem3A_1349 = arith.remsi %add3A_1331, %jit3A_1332 : i32
        %ne3A_1350 = arith.constant 0 : i32
        %ne3A_1351 = arith.cmpi ne, %rem3A_1349, %ne3A_1350 : i32
        %and3A_1352 = arith.andi %ne3A_1348, %ne3A_1351 : i1
        %sub3A_1353 = arith.constant 1 : i32
        %sub3A_1354 = arith.subi %div3A_1333, %sub3A_1353 : i32
        %select_n3A_1355 = arith.select %and3A_1352, %sub3A_1354, %div3A_1333 : i32
        %mul3A_1356 = arith.constant 25 : i32
        %mul3A_1357 = arith.muli %select_n3A_1355, %mul3A_1356 : i32
        %sub3A_1358 = arith.subi %add3A_1331, %mul3A_1357 : i32
        %mul3A_1359 = arith.constant 8 : i32
        %mul3A_1360 = arith.muli %sub3A_1358, %mul3A_1359 : i32
        %mul3A_1361 = arith.constant 256 : i32
        %mul3A_1362 = arith.muli %select_n3A_1355, %mul3A_1361 : i32
        %add3A_1363 = arith.addi %mul3A_2, %mul3A_1362 : i32
        %dma_start3A_1364 = tpu.memref_slice %arg2[%mul3A_1360, %add3A_1363] : memref<200x16384xi32, #tpu.memory_space<hbm>> -> memref<8x256xi32, #tpu.memory_space<hbm>>
        %dma_start3A_1365 = tpu.memref_slice %arg2[%mul3A_1360, %add3A_1363] : memref<200x16384xi32, #tpu.memory_space<hbm>> -> memref<8x256xi32, #tpu.memory_space<hbm>>
        tpu.enqueue_dma source(%dma_start3A_1365 : memref<8x256xi32, #tpu.memory_space<hbm>>) target(%arg7 : memref<8x256xi32, #tpu.memory_space<vmem>>) target_semaphore(%arg19 : memref<!tpu.dma_semaphore, #tpu.memory_space<semaphore_mem>>)
      } else {
      }
      %mul3A_371 = arith.constant 8 : i32
      %mul3A_372 = arith.muli %mul3A_371, %scan3A_225 : i32
      %add3A_373 = arith.constant 1 : i32
      %add3A_374 = arith.addi %mul3A_372, %add3A_373 : i32
      %jit3A_375 = arith.constant 25 : i32
      %div3A_376 = arith.divsi %add3A_374, %jit3A_375 : i32
      %sign3A_377 = arith.constant 0 : i32
      %sign3A_378 = arith.cmpi sgt, %add3A_374, %sign3A_377 : i32
      %sign3A_379 = arith.extui %sign3A_378 : i1 to i32
      %sign3A_380 = arith.constant 0 : i32
      %sign3A_381 = arith.cmpi slt, %add3A_374, %sign3A_380 : i32
      %sign3A_382 = arith.extui %sign3A_381 : i1 to i32
      %sign3A_383 = arith.subi %sign3A_379, %sign3A_382 : i32
      %sign3A_384 = arith.constant 0 : i32
      %sign3A_385 = arith.cmpi sgt, %jit3A_375, %sign3A_384 : i32
      %sign3A_386 = arith.extui %sign3A_385 : i1 to i32
      %sign3A_387 = arith.constant 0 : i32
      %sign3A_388 = arith.cmpi slt, %jit3A_375, %sign3A_387 : i32
      %sign3A_389 = arith.extui %sign3A_388 : i1 to i32
      %sign3A_390 = arith.subi %sign3A_386, %sign3A_389 : i32
      %ne3A_391 = arith.cmpi ne, %sign3A_383, %sign3A_390 : i32
      %rem3A_392 = arith.remsi %add3A_374, %jit3A_375 : i32
      %ne3A_393 = arith.constant 0 : i32
      %ne3A_394 = arith.cmpi ne, %rem3A_392, %ne3A_393 : i32
      %and3A_395 = arith.andi %ne3A_391, %ne3A_394 : i1
      %sub3A_396 = arith.constant 1 : i32
      %sub3A_397 = arith.subi %div3A_376, %sub3A_396 : i32
      %select_n3A_398 = arith.select %and3A_395, %sub3A_397, %div3A_376 : i32
      %mul3A_399 = arith.constant 25 : i32
      %mul3A_400 = arith.muli %select_n3A_398, %mul3A_399 : i32
      %sub3A_401 = arith.subi %add3A_374, %mul3A_400 : i32
      %mul3A_402 = arith.constant 8 : i32
      %mul3A_403 = arith.muli %sub3A_401, %mul3A_402 : i32
      %mul3A_404 = arith.constant 256 : i32
      %mul3A_405 = arith.muli %select_n3A_398, %mul3A_404 : i32
      %add3A_406 = arith.addi %mul3A_2, %mul3A_405 : i32
      %dma_wait3A_407 = tpu.memref_slice %arg2[%mul3A_403, %add3A_406] : memref<200x16384xi32, #tpu.memory_space<hbm>> -> memref<8x256xi32, #tpu.memory_space<hbm>>
      %dma_wait3A_408 = tpu.memref_slice %arg2[%mul3A_403, %add3A_406] : memref<200x16384xi32, #tpu.memory_space<hbm>> -> memref<8x256xi32, #tpu.memory_space<hbm>>
      tpu.wait_dma2 semaphore(%arg20 : memref<!tpu.dma_semaphore, #tpu.memory_space<semaphore_mem>>) src(%dma_wait3A_408 : memref<8x256xi32, #tpu.memory_space<hbm>>) dst(%arg8 : memref<8x256xi32, #tpu.memory_space<vmem>>)
      %ge3A_409 = arith.constant 4 : i32
      %ge3A_410 = arith.cmpi sge, %add3A_374, %ge3A_409 : i32
      %convert_element_type3A_411 = arith.extui %ge3A_410 : i1 to i32
      %cond3A_412 = arith.constant 0 : i32
      %cond3A_413 = arith.cmpi ne, %convert_element_type3A_411, %cond3A_412 : i32
      scf.if %cond3A_413 {
        %sub3A_1330 = arith.constant 4 : i32
        %sub3A_1331 = arith.subi %add3A_374, %sub3A_1330 : i32
        %jit3A_1332 = arith.constant 25 : i32
        %div3A_1333 = arith.divsi %sub3A_1331, %jit3A_1332 : i32
        %sign3A_1334 = arith.constant 0 : i32
        %sign3A_1335 = arith.cmpi sgt, %sub3A_1331, %sign3A_1334 : i32
        %sign3A_1336 = arith.extui %sign3A_1335 : i1 to i32
        %sign3A_1337 = arith.constant 0 : i32
        %sign3A_1338 = arith.cmpi slt, %sub3A_1331, %sign3A_1337 : i32
        %sign3A_1339 = arith.extui %sign3A_1338 : i1 to i32
        %sign3A_1340 = arith.subi %sign3A_1336, %sign3A_1339 : i32
        %sign3A_1341 = arith.constant 0 : i32
        %sign3A_1342 = arith.cmpi sgt, %jit3A_1332, %sign3A_1341 : i32
        %sign3A_1343 = arith.extui %sign3A_1342 : i1 to i32
        %sign3A_1344 = arith.constant 0 : i32
        %sign3A_1345 = arith.cmpi slt, %jit3A_1332, %sign3A_1344 : i32
        %sign3A_1346 = arith.extui %sign3A_1345 : i1 to i32
        %sign3A_1347 = arith.subi %sign3A_1343, %sign3A_1346 : i32
        %ne3A_1348 = arith.cmpi ne, %sign3A_1340, %sign3A_1347 : i32
        %rem3A_1349 = arith.remsi %sub3A_1331, %jit3A_1332 : i32
        %ne3A_1350 = arith.constant 0 : i32
        %ne3A_1351 = arith.cmpi ne, %rem3A_1349, %ne3A_1350 : i32
        %and3A_1352 = arith.andi %ne3A_1348, %ne3A_1351 : i1
        %sub3A_1353 = arith.constant 1 : i32
        %sub3A_1354 = arith.subi %div3A_1333, %sub3A_1353 : i32
        %select_n3A_1355 = arith.select %and3A_1352, %sub3A_1354, %div3A_1333 : i32
        %mul3A_1356 = arith.constant 25 : i32
        %mul3A_1357 = arith.muli %select_n3A_1355, %mul3A_1356 : i32
        %sub3A_1358 = arith.subi %sub3A_1331, %mul3A_1357 : i32
        %mul3A_1359 = arith.constant 8 : i32
        %mul3A_1360 = arith.muli %sub3A_1358, %mul3A_1359 : i32
        %mul3A_1361 = arith.constant 256 : i32
        %mul3A_1362 = arith.muli %select_n3A_1355, %mul3A_1361 : i32
        %add3A_1363 = arith.addi %mul3A_2, %mul3A_1362 : i32
        %dma_wait3A_1364 = tpu.memref_slice %arg4[%mul3A_1360, %add3A_1363] : memref<200x16384xf32, #tpu.memory_space<hbm>> -> memref<8x256xf32, #tpu.memory_space<hbm>>
        %dma_wait3A_1365 = tpu.memref_slice %arg4[%mul3A_1360, %add3A_1363] : memref<200x16384xf32, #tpu.memory_space<hbm>> -> memref<8x256xf32, #tpu.memory_space<hbm>>
        tpu.wait_dma2 semaphore(%arg28 : memref<!tpu.dma_semaphore, #tpu.memory_space<semaphore_mem>>) src(%arg16 : memref<8x256xf32, #tpu.memory_space<vmem>>) dst(%dma_wait3A_1365 : memref<8x256xf32, #tpu.memory_space<hbm>>)
      } else {
      }
      %jit3A_414 = arith.constant 25 : i32
      %div3A_415 = arith.divsi %add3A_374, %jit3A_414 : i32
      %sign3A_416 = arith.constant 0 : i32
      %sign3A_417 = arith.cmpi sgt, %add3A_374, %sign3A_416 : i32
      %sign3A_418 = arith.extui %sign3A_417 : i1 to i32
      %sign3A_419 = arith.constant 0 : i32
      %sign3A_420 = arith.cmpi slt, %add3A_374, %sign3A_419 : i32
      %sign3A_421 = arith.extui %sign3A_420 : i1 to i32
      %sign3A_422 = arith.subi %sign3A_418, %sign3A_421 : i32
      %sign3A_423 = arith.constant 0 : i32
      %sign3A_424 = arith.cmpi sgt, %jit3A_414, %sign3A_423 : i32
      %sign3A_425 = arith.extui %sign3A_424 : i1 to i32
      %sign3A_426 = arith.constant 0 : i32
      %sign3A_427 = arith.cmpi slt, %jit3A_414, %sign3A_426 : i32
      %sign3A_428 = arith.extui %sign3A_427 : i1 to i32
      %sign3A_429 = arith.subi %sign3A_425, %sign3A_428 : i32
      %ne3A_430 = arith.cmpi ne, %sign3A_422, %sign3A_429 : i32
      %rem3A_431 = arith.remsi %add3A_374, %jit3A_414 : i32
      %ne3A_432 = arith.constant 0 : i32
      %ne3A_433 = arith.cmpi ne, %rem3A_431, %ne3A_432 : i32
      %and3A_434 = arith.andi %ne3A_430, %ne3A_433 : i1
      %sub3A_435 = arith.constant 1 : i32
      %sub3A_436 = arith.subi %div3A_415, %sub3A_435 : i32
      %select_n3A_437 = arith.select %and3A_434, %sub3A_436, %div3A_415 : i32
      %mul3A_438 = arith.constant 25 : i32
      %mul3A_439 = arith.muli %select_n3A_437, %mul3A_438 : i32
      %sub3A_440 = arith.subi %add3A_374, %mul3A_439 : i32
      %eq3A_441 = arith.constant 0 : i32
      %eq3A_442 = arith.cmpi eq, %sub3A_440, %eq3A_441 : i32
      %broadcast_in_dim3A_443 = arith.constant 0.000000e+00 : f32
      %broadcast_in_dim3A_444 = vector.broadcast %broadcast_in_dim3A_443 : f32 to vector<16xf32>
      %select_n3A_445 = arith.select %eq3A_442, %broadcast_in_dim3A_444, %scan3A_329#0 : vector<16xf32>
      %select_n3A_446 = arith.select %eq3A_442, %broadcast_in_dim3A_444, %scan3A_329#1 : vector<16xf32>
      %select_n3A_447 = arith.select %eq3A_442, %broadcast_in_dim3A_444, %scan3A_329#2 : vector<16xf32>
      %select_n3A_448 = arith.select %eq3A_442, %broadcast_in_dim3A_444, %scan3A_329#3 : vector<16xf32>
      %select_n3A_449 = arith.select %eq3A_442, %broadcast_in_dim3A_444, %scan3A_329#4 : vector<16xf32>
      %select_n3A_450 = arith.select %eq3A_442, %broadcast_in_dim3A_444, %scan3A_329#5 : vector<16xf32>
      %select_n3A_451 = arith.select %eq3A_442, %broadcast_in_dim3A_444, %scan3A_329#6 : vector<16xf32>
      %select_n3A_452 = arith.select %eq3A_442, %broadcast_in_dim3A_444, %scan3A_329#7 : vector<16xf32>
      %select_n3A_453 = arith.select %eq3A_442, %broadcast_in_dim3A_444, %scan3A_329#8 : vector<16xf32>
      %select_n3A_454 = arith.select %eq3A_442, %broadcast_in_dim3A_444, %scan3A_329#9 : vector<16xf32>
      %select_n3A_455 = arith.select %eq3A_442, %broadcast_in_dim3A_444, %scan3A_329#10 : vector<16xf32>
      %select_n3A_456 = arith.select %eq3A_442, %broadcast_in_dim3A_444, %scan3A_329#11 : vector<16xf32>
      %select_n3A_457 = arith.select %eq3A_442, %broadcast_in_dim3A_444, %scan3A_329#12 : vector<16xf32>
      %select_n3A_458 = arith.select %eq3A_442, %broadcast_in_dim3A_444, %scan3A_329#13 : vector<16xf32>
      %select_n3A_459 = arith.select %eq3A_442, %broadcast_in_dim3A_444, %scan3A_329#14 : vector<16xf32>
      %select_n3A_460 = arith.select %eq3A_442, %broadcast_in_dim3A_444, %scan3A_329#15 : vector<16xf32>
      %scan3A_461 = arith.constant 0 : i32
      %scan3A_462 = arith.constant 8 : i32
      %scan3A_463 = arith.addi %scan3A_461, %scan3A_462 : i32
      %scan3A_464 = arith.constant 1 : i32
      %scan3A_465:16 = scf.for %scan3A_1330 = %scan3A_461 to %scan3A_463 step %scan3A_464 iter_args(%scan3A_1331 = %select_n3A_445, %scan3A_1332 = %select_n3A_446, %scan3A_1333 = %select_n3A_447, %scan3A_1334 = %select_n3A_448, %scan3A_1335 = %select_n3A_449, %scan3A_1336 = %select_n3A_450, %scan3A_1337 = %select_n3A_451, %scan3A_1338 = %select_n3A_452, %scan3A_1339 = %select_n3A_453, %scan3A_1340 = %select_n3A_454, %scan3A_1341 = %select_n3A_455, %scan3A_1342 = %select_n3A_456, %scan3A_1343 = %select_n3A_457, %scan3A_1344 = %select_n3A_458, %scan3A_1345 = %select_n3A_459, %scan3A_1346 = %select_n3A_460) -> (vector<16xf32>, vector<16xf32>, vector<16xf32>, vector<16xf32>, vector<16xf32>, vector<16xf32>, vector<16xf32>, vector<16xf32>, vector<16xf32>, vector<16xf32>, vector<16xf32>, vector<16xf32>, vector<16xf32>, vector<16xf32>, vector<16xf32>, vector<16xf32>)  : i32 {
        %get3A = arith.index_cast %scan3A_1330 : i32 to index
        %get3A_1347 = arith.constant 0 : index
        %get3A_1348 = tpu.vector_load %arg8[%get3A, %get3A_1347] {strides = array<i32>} : memref<8x256xi32, #tpu.memory_space<vmem>>, vector<16xi32>,
        %get3A_1349 = arith.index_cast %scan3A_1330 : i32 to index
        %get3A_1350 = arith.constant 16 : index
        %get3A_1351 = tpu.vector_load %arg8[%get3A_1349, %get3A_1350] {strides = array<i32>} : memref<8x256xi32, #tpu.memory_space<vmem>>, vector<16xi32>,
        %get3A_1352 = arith.index_cast %scan3A_1330 : i32 to index
        %get3A_1353 = arith.constant 32 : index
        %get3A_1354 = tpu.vector_load %arg8[%get3A_1352, %get3A_1353] {strides = array<i32>} : memref<8x256xi32, #tpu.memory_space<vmem>>, vector<16xi32>,
        %get3A_1355 = arith.index_cast %scan3A_1330 : i32 to index
        %get3A_1356 = arith.constant 48 : index
        %get3A_1357 = tpu.vector_load %arg8[%get3A_1355, %get3A_1356] {strides = array<i32>} : memref<8x256xi32, #tpu.memory_space<vmem>>, vector<16xi32>,
        %get3A_1358 = arith.index_cast %scan3A_1330 : i32 to index
        %get3A_1359 = arith.constant 64 : index
        %get3A_1360 = tpu.vector_load %arg8[%get3A_1358, %get3A_1359] {strides = array<i32>} : memref<8x256xi32, #tpu.memory_space<vmem>>, vector<16xi32>,
        %get3A_1361 = arith.index_cast %scan3A_1330 : i32 to index
        %get3A_1362 = arith.constant 80 : index
        %get3A_1363 = tpu.vector_load %arg8[%get3A_1361, %get3A_1362] {strides = array<i32>} : memref<8x256xi32, #tpu.memory_space<vmem>>, vector<16xi32>,
        %get3A_1364 = arith.index_cast %scan3A_1330 : i32 to index
        %get3A_1365 = arith.constant 96 : index
        %get3A_1366 = tpu.vector_load %arg8[%get3A_1364, %get3A_1365] {strides = array<i32>} : memref<8x256xi32, #tpu.memory_space<vmem>>, vector<16xi32>,
        %get3A_1367 = arith.index_cast %scan3A_1330 : i32 to index
        %get3A_1368 = arith.constant 112 : index
        %get3A_1369 = tpu.vector_load %arg8[%get3A_1367, %get3A_1368] {strides = array<i32>} : memref<8x256xi32, #tpu.memory_space<vmem>>, vector<16xi32>,
        %get3A_1370 = arith.index_cast %scan3A_1330 : i32 to index
        %get3A_1371 = arith.constant 128 : index
        %get3A_1372 = tpu.vector_load %arg8[%get3A_1370, %get3A_1371] {strides = array<i32>} : memref<8x256xi32, #tpu.memory_space<vmem>>, vector<16xi32>,
        %get3A_1373 = arith.index_cast %scan3A_1330 : i32 to index
        %get3A_1374 = arith.constant 144 : index
        %get3A_1375 = tpu.vector_load %arg8[%get3A_1373, %get3A_1374] {strides = array<i32>} : memref<8x256xi32, #tpu.memory_space<vmem>>, vector<16xi32>,
        %get3A_1376 = arith.index_cast %scan3A_1330 : i32 to index
        %get3A_1377 = arith.constant 160 : index
        %get3A_1378 = tpu.vector_load %arg8[%get3A_1376, %get3A_1377] {strides = array<i32>} : memref<8x256xi32, #tpu.memory_space<vmem>>, vector<16xi32>,
        %get3A_1379 = arith.index_cast %scan3A_1330 : i32 to index
        %get3A_1380 = arith.constant 176 : index
        %get3A_1381 = tpu.vector_load %arg8[%get3A_1379, %get3A_1380] {strides = array<i32>} : memref<8x256xi32, #tpu.memory_space<vmem>>, vector<16xi32>,
        %get3A_1382 = arith.index_cast %scan3A_1330 : i32 to index
        %get3A_1383 = arith.constant 192 : index
        %get3A_1384 = tpu.vector_load %arg8[%get3A_1382, %get3A_1383] {strides = array<i32>} : memref<8x256xi32, #tpu.memory_space<vmem>>, vector<16xi32>,
        %get3A_1385 = arith.index_cast %scan3A_1330 : i32 to index
        %get3A_1386 = arith.constant 208 : index
        %get3A_1387 = tpu.vector_load %arg8[%get3A_1385, %get3A_1386] {strides = array<i32>} : memref<8x256xi32, #tpu.memory_space<vmem>>, vector<16xi32>,
        %get3A_1388 = arith.index_cast %scan3A_1330 : i32 to index
        %get3A_1389 = arith.constant 224 : index
        %get3A_1390 = tpu.vector_load %arg8[%get3A_1388, %get3A_1389] {strides = array<i32>} : memref<8x256xi32, #tpu.memory_space<vmem>>, vector<16xi32>,
        %get3A_1391 = arith.index_cast %scan3A_1330 : i32 to index
        %get3A_1392 = arith.constant 240 : index
        %get3A_1393 = tpu.vector_load %arg8[%get3A_1391, %get3A_1392] {strides = array<i32>} : memref<8x256xi32, #tpu.memory_space<vmem>>, vector<16xi32>,
        %gather3A = tpu.vector_load_idx %arg6[%get3A_1348] : memref<100000xf32, #tpu.memory_space<vmem>>[vector<16xi32>], vector<16xf32>,
        %gather3A_1394 = tpu.vector_load_idx %arg6[%get3A_1351] : memref<100000xf32, #tpu.memory_space<vmem>>[vector<16xi32>], vector<16xf32>,
        %gather3A_1395 = tpu.vector_load_idx %arg6[%get3A_1354] : memref<100000xf32, #tpu.memory_space<vmem>>[vector<16xi32>], vector<16xf32>,
        %gather3A_1396 = tpu.vector_load_idx %arg6[%get3A_1357] : memref<100000xf32, #tpu.memory_space<vmem>>[vector<16xi32>], vector<16xf32>,
        %gather3A_1397 = tpu.vector_load_idx %arg6[%get3A_1360] : memref<100000xf32, #tpu.memory_space<vmem>>[vector<16xi32>], vector<16xf32>,
        %gather3A_1398 = tpu.vector_load_idx %arg6[%get3A_1363] : memref<100000xf32, #tpu.memory_space<vmem>>[vector<16xi32>], vector<16xf32>,
        %gather3A_1399 = tpu.vector_load_idx %arg6[%get3A_1366] : memref<100000xf32, #tpu.memory_space<vmem>>[vector<16xi32>], vector<16xf32>,
        %gather3A_1400 = tpu.vector_load_idx %arg6[%get3A_1369] : memref<100000xf32, #tpu.memory_space<vmem>>[vector<16xi32>], vector<16xf32>,
        %gather3A_1401 = tpu.vector_load_idx %arg6[%get3A_1372] : memref<100000xf32, #tpu.memory_space<vmem>>[vector<16xi32>], vector<16xf32>,
        %gather3A_1402 = tpu.vector_load_idx %arg6[%get3A_1375] : memref<100000xf32, #tpu.memory_space<vmem>>[vector<16xi32>], vector<16xf32>,
        %gather3A_1403 = tpu.vector_load_idx %arg6[%get3A_1378] : memref<100000xf32, #tpu.memory_space<vmem>>[vector<16xi32>], vector<16xf32>,
        %gather3A_1404 = tpu.vector_load_idx %arg6[%get3A_1381] : memref<100000xf32, #tpu.memory_space<vmem>>[vector<16xi32>], vector<16xf32>,
        %gather3A_1405 = tpu.vector_load_idx %arg6[%get3A_1384] : memref<100000xf32, #tpu.memory_space<vmem>>[vector<16xi32>], vector<16xf32>,
        %gather3A_1406 = tpu.vector_load_idx %arg6[%get3A_1387] : memref<100000xf32, #tpu.memory_space<vmem>>[vector<16xi32>], vector<16xf32>,
        %gather3A_1407 = tpu.vector_load_idx %arg6[%get3A_1390] : memref<100000xf32, #tpu.memory_space<vmem>>[vector<16xi32>], vector<16xf32>,
        %gather3A_1408 = tpu.vector_load_idx %arg6[%get3A_1393] : memref<100000xf32, #tpu.memory_space<vmem>>[vector<16xi32>], vector<16xf32>,
        %add3A_1409 = arith.addf %scan3A_1331, %gather3A : vector<16xf32>
        %add3A_1410 = arith.addf %scan3A_1332, %gather3A_1394 : vector<16xf32>
        %add3A_1411 = arith.addf %scan3A_1333, %gather3A_1395 : vector<16xf32>
        %add3A_1412 = arith.addf %scan3A_1334, %gather3A_1396 : vector<16xf32>
        %add3A_1413 = arith.addf %scan3A_1335, %gather3A_1397 : vector<16xf32>
        %add3A_1414 = arith.addf %scan3A_1336, %gather3A_1398 : vector<16xf32>
        %add3A_1415 = arith.addf %scan3A_1337, %gather3A_1399 : vector<16xf32>
        %add3A_1416 = arith.addf %scan3A_1338, %gather3A_1400 : vector<16xf32>
        %add3A_1417 = arith.addf %scan3A_1339, %gather3A_1401 : vector<16xf32>
        %add3A_1418 = arith.addf %scan3A_1340, %gather3A_1402 : vector<16xf32>
        %add3A_1419 = arith.addf %scan3A_1341, %gather3A_1403 : vector<16xf32>
        %add3A_1420 = arith.addf %scan3A_1342, %gather3A_1404 : vector<16xf32>
        %add3A_1421 = arith.addf %scan3A_1343, %gather3A_1405 : vector<16xf32>
        %add3A_1422 = arith.addf %scan3A_1344, %gather3A_1406 : vector<16xf32>
        %add3A_1423 = arith.addf %scan3A_1345, %gather3A_1407 : vector<16xf32>
        %add3A_1424 = arith.addf %scan3A_1346, %gather3A_1408 : vector<16xf32>
        %swap3A = arith.index_cast %scan3A_1330 : i32 to index
        %swap3A_1425 = arith.constant 0 : index
        %swap3A_1426 = tpu.vector_load %arg16[%swap3A, %swap3A_1425] {strides = array<i32>} : memref<8x256xf32, #tpu.memory_space<vmem>>, vector<16xf32>,
        tpu.vector_store %arg16[%swap3A, %swap3A_1425], %add3A_1409 {strides = array<i32>} : memref<8x256xf32, #tpu.memory_space<vmem>>, vector<16xf32>,
        %swap3A_1427 = arith.index_cast %scan3A_1330 : i32 to index
        %swap3A_1428 = arith.constant 16 : index
        %swap3A_1429 = tpu.vector_load %arg16[%swap3A_1427, %swap3A_1428] {strides = array<i32>} : memref<8x256xf32, #tpu.memory_space<vmem>>, vector<16xf32>,
        tpu.vector_store %arg16[%swap3A_1427, %swap3A_1428], %add3A_1410 {strides = array<i32>} : memref<8x256xf32, #tpu.memory_space<vmem>>, vector<16xf32>,
        %swap3A_1430 = arith.index_cast %scan3A_1330 : i32 to index
        %swap3A_1431 = arith.constant 32 : index
        %swap3A_1432 = tpu.vector_load %arg16[%swap3A_1430, %swap3A_1431] {strides = array<i32>} : memref<8x256xf32, #tpu.memory_space<vmem>>, vector<16xf32>,
        tpu.vector_store %arg16[%swap3A_1430, %swap3A_1431], %add3A_1411 {strides = array<i32>} : memref<8x256xf32, #tpu.memory_space<vmem>>, vector<16xf32>,
        %swap3A_1433 = arith.index_cast %scan3A_1330 : i32 to index
        %swap3A_1434 = arith.constant 48 : index
        %swap3A_1435 = tpu.vector_load %arg16[%swap3A_1433, %swap3A_1434] {strides = array<i32>} : memref<8x256xf32, #tpu.memory_space<vmem>>, vector<16xf32>,
        tpu.vector_store %arg16[%swap3A_1433, %swap3A_1434], %add3A_1412 {strides = array<i32>} : memref<8x256xf32, #tpu.memory_space<vmem>>, vector<16xf32>,
        %swap3A_1436 = arith.index_cast %scan3A_1330 : i32 to index
        %swap3A_1437 = arith.constant 64 : index
        %swap3A_1438 = tpu.vector_load %arg16[%swap3A_1436, %swap3A_1437] {strides = array<i32>} : memref<8x256xf32, #tpu.memory_space<vmem>>, vector<16xf32>,
        tpu.vector_store %arg16[%swap3A_1436, %swap3A_1437], %add3A_1413 {strides = array<i32>} : memref<8x256xf32, #tpu.memory_space<vmem>>, vector<16xf32>,
        %swap3A_1439 = arith.index_cast %scan3A_1330 : i32 to index
        %swap3A_1440 = arith.constant 80 : index
        %swap3A_1441 = tpu.vector_load %arg16[%swap3A_1439, %swap3A_1440] {strides = array<i32>} : memref<8x256xf32, #tpu.memory_space<vmem>>, vector<16xf32>,
        tpu.vector_store %arg16[%swap3A_1439, %swap3A_1440], %add3A_1414 {strides = array<i32>} : memref<8x256xf32, #tpu.memory_space<vmem>>, vector<16xf32>,
        %swap3A_1442 = arith.index_cast %scan3A_1330 : i32 to index
        %swap3A_1443 = arith.constant 96 : index
        %swap3A_1444 = tpu.vector_load %arg16[%swap3A_1442, %swap3A_1443] {strides = array<i32>} : memref<8x256xf32, #tpu.memory_space<vmem>>, vector<16xf32>,
        tpu.vector_store %arg16[%swap3A_1442, %swap3A_1443], %add3A_1415 {strides = array<i32>} : memref<8x256xf32, #tpu.memory_space<vmem>>, vector<16xf32>,
        %swap3A_1445 = arith.index_cast %scan3A_1330 : i32 to index
        %swap3A_1446 = arith.constant 112 : index
        %swap3A_1447 = tpu.vector_load %arg16[%swap3A_1445, %swap3A_1446] {strides = array<i32>} : memref<8x256xf32, #tpu.memory_space<vmem>>, vector<16xf32>,
        tpu.vector_store %arg16[%swap3A_1445, %swap3A_1446], %add3A_1416 {strides = array<i32>} : memref<8x256xf32, #tpu.memory_space<vmem>>, vector<16xf32>,
        %swap3A_1448 = arith.index_cast %scan3A_1330 : i32 to index
        %swap3A_1449 = arith.constant 128 : index
        %swap3A_1450 = tpu.vector_load %arg16[%swap3A_1448, %swap3A_1449] {strides = array<i32>} : memref<8x256xf32, #tpu.memory_space<vmem>>, vector<16xf32>,
        tpu.vector_store %arg16[%swap3A_1448, %swap3A_1449], %add3A_1417 {strides = array<i32>} : memref<8x256xf32, #tpu.memory_space<vmem>>, vector<16xf32>,
        %swap3A_1451 = arith.index_cast %scan3A_1330 : i32 to index
        %swap3A_1452 = arith.constant 144 : index
        %swap3A_1453 = tpu.vector_load %arg16[%swap3A_1451, %swap3A_1452] {strides = array<i32>} : memref<8x256xf32, #tpu.memory_space<vmem>>, vector<16xf32>,
        tpu.vector_store %arg16[%swap3A_1451, %swap3A_1452], %add3A_1418 {strides = array<i32>} : memref<8x256xf32, #tpu.memory_space<vmem>>, vector<16xf32>,
        %swap3A_1454 = arith.index_cast %scan3A_1330 : i32 to index
        %swap3A_1455 = arith.constant 160 : index
        %swap3A_1456 = tpu.vector_load %arg16[%swap3A_1454, %swap3A_1455] {strides = array<i32>} : memref<8x256xf32, #tpu.memory_space<vmem>>, vector<16xf32>,
        tpu.vector_store %arg16[%swap3A_1454, %swap3A_1455], %add3A_1419 {strides = array<i32>} : memref<8x256xf32, #tpu.memory_space<vmem>>, vector<16xf32>,
        %swap3A_1457 = arith.index_cast %scan3A_1330 : i32 to index
        %swap3A_1458 = arith.constant 176 : index
        %swap3A_1459 = tpu.vector_load %arg16[%swap3A_1457, %swap3A_1458] {strides = array<i32>} : memref<8x256xf32, #tpu.memory_space<vmem>>, vector<16xf32>,
        tpu.vector_store %arg16[%swap3A_1457, %swap3A_1458], %add3A_1420 {strides = array<i32>} : memref<8x256xf32, #tpu.memory_space<vmem>>, vector<16xf32>,
        %swap3A_1460 = arith.index_cast %scan3A_1330 : i32 to index
        %swap3A_1461 = arith.constant 192 : index
        %swap3A_1462 = tpu.vector_load %arg16[%swap3A_1460, %swap3A_1461] {strides = array<i32>} : memref<8x256xf32, #tpu.memory_space<vmem>>, vector<16xf32>,
        tpu.vector_store %arg16[%swap3A_1460, %swap3A_1461], %add3A_1421 {strides = array<i32>} : memref<8x256xf32, #tpu.memory_space<vmem>>, vector<16xf32>,
        %swap3A_1463 = arith.index_cast %scan3A_1330 : i32 to index
        %swap3A_1464 = arith.constant 208 : index
        %swap3A_1465 = tpu.vector_load %arg16[%swap3A_1463, %swap3A_1464] {strides = array<i32>} : memref<8x256xf32, #tpu.memory_space<vmem>>, vector<16xf32>,
        tpu.vector_store %arg16[%swap3A_1463, %swap3A_1464], %add3A_1422 {strides = array<i32>} : memref<8x256xf32, #tpu.memory_space<vmem>>, vector<16xf32>,
        %swap3A_1466 = arith.index_cast %scan3A_1330 : i32 to index
        %swap3A_1467 = arith.constant 224 : index
        %swap3A_1468 = tpu.vector_load %arg16[%swap3A_1466, %swap3A_1467] {strides = array<i32>} : memref<8x256xf32, #tpu.memory_space<vmem>>, vector<16xf32>,
        tpu.vector_store %arg16[%swap3A_1466, %swap3A_1467], %add3A_1423 {strides = array<i32>} : memref<8x256xf32, #tpu.memory_space<vmem>>, vector<16xf32>,
        %swap3A_1469 = arith.index_cast %scan3A_1330 : i32 to index
        %swap3A_1470 = arith.constant 240 : index
        %swap3A_1471 = tpu.vector_load %arg16[%swap3A_1469, %swap3A_1470] {strides = array<i32>} : memref<8x256xf32, #tpu.memory_space<vmem>>, vector<16xf32>,
        tpu.vector_store %arg16[%swap3A_1469, %swap3A_1470], %add3A_1424 {strides = array<i32>} : memref<8x256xf32, #tpu.memory_space<vmem>>, vector<16xf32>,
        scf.yield %add3A_1409, %add3A_1410, %add3A_1411, %add3A_1412, %add3A_1413, %add3A_1414, %add3A_1415, %add3A_1416, %add3A_1417, %add3A_1418, %add3A_1419, %add3A_1420, %add3A_1421, %add3A_1422, %add3A_1423, %add3A_1424 : vector<16xf32>, vector<16xf32>, vector<16xf32>, vector<16xf32>, vector<16xf32>, vector<16xf32>, vector<16xf32>, vector<16xf32>, vector<16xf32>, vector<16xf32>, vector<16xf32>, vector<16xf32>, vector<16xf32>, vector<16xf32>, vector<16xf32>, vector<16xf32>
      }
      %scan3A_466 = arith.constant 8 : i32
      %jit3A_467 = arith.constant 25 : i32
      %div3A_468 = arith.divsi %add3A_374, %jit3A_467 : i32
      %sign3A_469 = arith.constant 0 : i32
      %sign3A_470 = arith.cmpi sgt, %add3A_374, %sign3A_469 : i32
      %sign3A_471 = arith.extui %sign3A_470 : i1 to i32
      %sign3A_472 = arith.constant 0 : i32
      %sign3A_473 = arith.cmpi slt, %add3A_374, %sign3A_472 : i32
      %sign3A_474 = arith.extui %sign3A_473 : i1 to i32
      %sign3A_475 = arith.subi %sign3A_471, %sign3A_474 : i32
      %sign3A_476 = arith.constant 0 : i32
      %sign3A_477 = arith.cmpi sgt, %jit3A_467, %sign3A_476 : i32
      %sign3A_478 = arith.extui %sign3A_477 : i1 to i32
      %sign3A_479 = arith.constant 0 : i32
      %sign3A_480 = arith.cmpi slt, %jit3A_467, %sign3A_479 : i32
      %sign3A_481 = arith.extui %sign3A_480 : i1 to i32
      %sign3A_482 = arith.subi %sign3A_478, %sign3A_481 : i32
      %ne3A_483 = arith.cmpi ne, %sign3A_475, %sign3A_482 : i32
      %rem3A_484 = arith.remsi %add3A_374, %jit3A_467 : i32
      %ne3A_485 = arith.constant 0 : i32
      %ne3A_486 = arith.cmpi ne, %rem3A_484, %ne3A_485 : i32
      %and3A_487 = arith.andi %ne3A_483, %ne3A_486 : i1
      %sub3A_488 = arith.constant 1 : i32
      %sub3A_489 = arith.subi %div3A_468, %sub3A_488 : i32
      %select_n3A_490 = arith.select %and3A_487, %sub3A_489, %div3A_468 : i32
      %mul3A_491 = arith.constant 25 : i32
      %mul3A_492 = arith.muli %select_n3A_490, %mul3A_491 : i32
      %sub3A_493 = arith.subi %add3A_374, %mul3A_492 : i32
      %mul3A_494 = arith.constant 8 : i32
      %mul3A_495 = arith.muli %sub3A_493, %mul3A_494 : i32
      %mul3A_496 = arith.constant 256 : i32
      %mul3A_497 = arith.muli %select_n3A_490, %mul3A_496 : i32
      %add3A_498 = arith.addi %mul3A_2, %mul3A_497 : i32
      %dma_start3A_499 = tpu.memref_slice %arg4[%mul3A_495, %add3A_498] : memref<200x16384xf32, #tpu.memory_space<hbm>> -> memref<8x256xf32, #tpu.memory_space<hbm>>
      %dma_start3A_500 = tpu.memref_slice %arg4[%mul3A_495, %add3A_498] : memref<200x16384xf32, #tpu.memory_space<hbm>> -> memref<8x256xf32, #tpu.memory_space<hbm>>
      tpu.enqueue_dma source(%arg16 : memref<8x256xf32, #tpu.memory_space<vmem>>) target(%dma_start3A_500 : memref<8x256xf32, #tpu.memory_space<hbm>>) target_semaphore(%arg28 : memref<!tpu.dma_semaphore, #tpu.memory_space<semaphore_mem>>)
      %add3A_501 = arith.constant 8 : i32
      %add3A_502 = arith.addi %add3A_374, %add3A_501 : i32
      %lt3A_503 = arith.constant 50 : i32
      %lt3A_504 = arith.cmpi slt, %add3A_502, %lt3A_503 : i32
      %convert_element_type3A_505 = arith.extui %lt3A_504 : i1 to i32
      %cond3A_506 = arith.constant 0 : i32
      %cond3A_507 = arith.cmpi ne, %convert_element_type3A_505, %cond3A_506 : i32
      scf.if %cond3A_507 {
        %add3A_1330 = arith.constant 8 : i32
        %add3A_1331 = arith.addi %add3A_374, %add3A_1330 : i32
        %jit3A_1332 = arith.constant 25 : i32
        %div3A_1333 = arith.divsi %add3A_1331, %jit3A_1332 : i32
        %sign3A_1334 = arith.constant 0 : i32
        %sign3A_1335 = arith.cmpi sgt, %add3A_1331, %sign3A_1334 : i32
        %sign3A_1336 = arith.extui %sign3A_1335 : i1 to i32
        %sign3A_1337 = arith.constant 0 : i32
        %sign3A_1338 = arith.cmpi slt, %add3A_1331, %sign3A_1337 : i32
        %sign3A_1339 = arith.extui %sign3A_1338 : i1 to i32
        %sign3A_1340 = arith.subi %sign3A_1336, %sign3A_1339 : i32
        %sign3A_1341 = arith.constant 0 : i32
        %sign3A_1342 = arith.cmpi sgt, %jit3A_1332, %sign3A_1341 : i32
        %sign3A_1343 = arith.extui %sign3A_1342 : i1 to i32
        %sign3A_1344 = arith.constant 0 : i32
        %sign3A_1345 = arith.cmpi slt, %jit3A_1332, %sign3A_1344 : i32
        %sign3A_1346 = arith.extui %sign3A_1345 : i1 to i32
        %sign3A_1347 = arith.subi %sign3A_1343, %sign3A_1346 : i32
        %ne3A_1348 = arith.cmpi ne, %sign3A_1340, %sign3A_1347 : i32
        %rem3A_1349 = arith.remsi %add3A_1331, %jit3A_1332 : i32
        %ne3A_1350 = arith.constant 0 : i32
        %ne3A_1351 = arith.cmpi ne, %rem3A_1349, %ne3A_1350 : i32
        %and3A_1352 = arith.andi %ne3A_1348, %ne3A_1351 : i1
        %sub3A_1353 = arith.constant 1 : i32
        %sub3A_1354 = arith.subi %div3A_1333, %sub3A_1353 : i32
        %select_n3A_1355 = arith.select %and3A_1352, %sub3A_1354, %div3A_1333 : i32
        %mul3A_1356 = arith.constant 25 : i32
        %mul3A_1357 = arith.muli %select_n3A_1355, %mul3A_1356 : i32
        %sub3A_1358 = arith.subi %add3A_1331, %mul3A_1357 : i32
        %mul3A_1359 = arith.constant 8 : i32
        %mul3A_1360 = arith.muli %sub3A_1358, %mul3A_1359 : i32
        %mul3A_1361 = arith.constant 256 : i32
        %mul3A_1362 = arith.muli %select_n3A_1355, %mul3A_1361 : i32
        %add3A_1363 = arith.addi %mul3A_2, %mul3A_1362 : i32
        %dma_start3A_1364 = tpu.memref_slice %arg2[%mul3A_1360, %add3A_1363] : memref<200x16384xi32, #tpu.memory_space<hbm>> -> memref<8x256xi32, #tpu.memory_space<hbm>>
        %dma_start3A_1365 = tpu.memref_slice %arg2[%mul3A_1360, %add3A_1363] : memref<200x16384xi32, #tpu.memory_space<hbm>> -> memref<8x256xi32, #tpu.memory_space<hbm>>
        tpu.enqueue_dma source(%dma_start3A_1365 : memref<8x256xi32, #tpu.memory_space<hbm>>) target(%arg8 : memref<8x256xi32, #tpu.memory_space<vmem>>) target_semaphore(%arg20 : memref<!tpu.dma_semaphore, #tpu.memory_space<semaphore_mem>>)
      } else {
      }
      %mul3A_508 = arith.constant 8 : i32
      %mul3A_509 = arith.muli %mul3A_508, %scan3A_225 : i32
      %add3A_510 = arith.constant 2 : i32
      %add3A_511 = arith.addi %mul3A_509, %add3A_510 : i32
      %jit3A_512 = arith.constant 25 : i32
      %div3A_513 = arith.divsi %add3A_511, %jit3A_512 : i32
      %sign3A_514 = arith.constant 0 : i32
      %sign3A_515 = arith.cmpi sgt, %add3A_511, %sign3A_514 : i32
      %sign3A_516 = arith.extui %sign3A_515 : i1 to i32
      %sign3A_517 = arith.constant 0 : i32
      %sign3A_518 = arith.cmpi slt, %add3A_511, %sign3A_517 : i32
      %sign3A_519 = arith.extui %sign3A_518 : i1 to i32
      %sign3A_520 = arith.subi %sign3A_516, %sign3A_519 : i32
      %sign3A_521 = arith.constant 0 : i32
      %sign3A_522 = arith.cmpi sgt, %jit3A_512, %sign3A_521 : i32
      %sign3A_523 = arith.extui %sign3A_522 : i1 to i32
      %sign3A_524 = arith.constant 0 : i32
      %sign3A_525 = arith.cmpi slt, %jit3A_512, %sign3A_524 : i32
      %sign3A_526 = arith.extui %sign3A_525 : i1 to i32
      %sign3A_527 = arith.subi %sign3A_523, %sign3A_526 : i32
      %ne3A_528 = arith.cmpi ne, %sign3A_520, %sign3A_527 : i32
      %rem3A_529 = arith.remsi %add3A_511, %jit3A_512 : i32
      %ne3A_530 = arith.constant 0 : i32
      %ne3A_531 = arith.cmpi ne, %rem3A_529, %ne3A_530 : i32
      %and3A_532 = arith.andi %ne3A_528, %ne3A_531 : i1
      %sub3A_533 = arith.constant 1 : i32
      %sub3A_534 = arith.subi %div3A_513, %sub3A_533 : i32
      %select_n3A_535 = arith.select %and3A_532, %sub3A_534, %div3A_513 : i32
      %mul3A_536 = arith.constant 25 : i32
      %mul3A_537 = arith.muli %select_n3A_535, %mul3A_536 : i32
      %sub3A_538 = arith.subi %add3A_511, %mul3A_537 : i32
      %mul3A_539 = arith.constant 8 : i32
      %mul3A_540 = arith.muli %sub3A_538, %mul3A_539 : i32
      %mul3A_541 = arith.constant 256 : i32
      %mul3A_542 = arith.muli %select_n3A_535, %mul3A_541 : i32
      %add3A_543 = arith.addi %mul3A_2, %mul3A_542 : i32
      %dma_wait3A_544 = tpu.memref_slice %arg2[%mul3A_540, %add3A_543] : memref<200x16384xi32, #tpu.memory_space<hbm>> -> memref<8x256xi32, #tpu.memory_space<hbm>>
      %dma_wait3A_545 = tpu.memref_slice %arg2[%mul3A_540, %add3A_543] : memref<200x16384xi32, #tpu.memory_space<hbm>> -> memref<8x256xi32, #tpu.memory_space<hbm>>
      tpu.wait_dma2 semaphore(%arg21 : memref<!tpu.dma_semaphore, #tpu.memory_space<semaphore_mem>>) src(%dma_wait3A_545 : memref<8x256xi32, #tpu.memory_space<hbm>>) dst(%arg9 : memref<8x256xi32, #tpu.memory_space<vmem>>)
      %ge3A_546 = arith.constant 4 : i32
      %ge3A_547 = arith.cmpi sge, %add3A_511, %ge3A_546 : i32
      %convert_element_type3A_548 = arith.extui %ge3A_547 : i1 to i32
      %cond3A_549 = arith.constant 0 : i32
      %cond3A_550 = arith.cmpi ne, %convert_element_type3A_548, %cond3A_549 : i32
      scf.if %cond3A_550 {
        %sub3A_1330 = arith.constant 4 : i32
        %sub3A_1331 = arith.subi %add3A_511, %sub3A_1330 : i32
        %jit3A_1332 = arith.constant 25 : i32
        %div3A_1333 = arith.divsi %sub3A_1331, %jit3A_1332 : i32
        %sign3A_1334 = arith.constant 0 : i32
        %sign3A_1335 = arith.cmpi sgt, %sub3A_1331, %sign3A_1334 : i32
        %sign3A_1336 = arith.extui %sign3A_1335 : i1 to i32
        %sign3A_1337 = arith.constant 0 : i32
        %sign3A_1338 = arith.cmpi slt, %sub3A_1331, %sign3A_1337 : i32
        %sign3A_1339 = arith.extui %sign3A_1338 : i1 to i32
        %sign3A_1340 = arith.subi %sign3A_1336, %sign3A_1339 : i32
        %sign3A_1341 = arith.constant 0 : i32
        %sign3A_1342 = arith.cmpi sgt, %jit3A_1332, %sign3A_1341 : i32
        %sign3A_1343 = arith.extui %sign3A_1342 : i1 to i32
        %sign3A_1344 = arith.constant 0 : i32
        %sign3A_1345 = arith.cmpi slt, %jit3A_1332, %sign3A_1344 : i32
        %sign3A_1346 = arith.extui %sign3A_1345 : i1 to i32
        %sign3A_1347 = arith.subi %sign3A_1343, %sign3A_1346 : i32
        %ne3A_1348 = arith.cmpi ne, %sign3A_1340, %sign3A_1347 : i32
        %rem3A_1349 = arith.remsi %sub3A_1331, %jit3A_1332 : i32
        %ne3A_1350 = arith.constant 0 : i32
        %ne3A_1351 = arith.cmpi ne, %rem3A_1349, %ne3A_1350 : i32
        %and3A_1352 = arith.andi %ne3A_1348, %ne3A_1351 : i1
        %sub3A_1353 = arith.constant 1 : i32
        %sub3A_1354 = arith.subi %div3A_1333, %sub3A_1353 : i32
        %select_n3A_1355 = arith.select %and3A_1352, %sub3A_1354, %div3A_1333 : i32
        %mul3A_1356 = arith.constant 25 : i32
        %mul3A_1357 = arith.muli %select_n3A_1355, %mul3A_1356 : i32
        %sub3A_1358 = arith.subi %sub3A_1331, %mul3A_1357 : i32
        %mul3A_1359 = arith.constant 8 : i32
        %mul3A_1360 = arith.muli %sub3A_1358, %mul3A_1359 : i32
        %mul3A_1361 = arith.constant 256 : i32
        %mul3A_1362 = arith.muli %select_n3A_1355, %mul3A_1361 : i32
        %add3A_1363 = arith.addi %mul3A_2, %mul3A_1362 : i32
        %dma_wait3A_1364 = tpu.memref_slice %arg4[%mul3A_1360, %add3A_1363] : memref<200x16384xf32, #tpu.memory_space<hbm>> -> memref<8x256xf32, #tpu.memory_space<hbm>>
        %dma_wait3A_1365 = tpu.memref_slice %arg4[%mul3A_1360, %add3A_1363] : memref<200x16384xf32, #tpu.memory_space<hbm>> -> memref<8x256xf32, #tpu.memory_space<hbm>>
        tpu.wait_dma2 semaphore(%arg29 : memref<!tpu.dma_semaphore, #tpu.memory_space<semaphore_mem>>) src(%arg17 : memref<8x256xf32, #tpu.memory_space<vmem>>) dst(%dma_wait3A_1365 : memref<8x256xf32, #tpu.memory_space<hbm>>)
      } else {
      }
      %jit3A_551 = arith.constant 25 : i32
      %div3A_552 = arith.divsi %add3A_511, %jit3A_551 : i32
      %sign3A_553 = arith.constant 0 : i32
      %sign3A_554 = arith.cmpi sgt, %add3A_511, %sign3A_553 : i32
      %sign3A_555 = arith.extui %sign3A_554 : i1 to i32
      %sign3A_556 = arith.constant 0 : i32
      %sign3A_557 = arith.cmpi slt, %add3A_511, %sign3A_556 : i32
      %sign3A_558 = arith.extui %sign3A_557 : i1 to i32
      %sign3A_559 = arith.subi %sign3A_555, %sign3A_558 : i32
      %sign3A_560 = arith.constant 0 : i32
      %sign3A_561 = arith.cmpi sgt, %jit3A_551, %sign3A_560 : i32
      %sign3A_562 = arith.extui %sign3A_561 : i1 to i32
      %sign3A_563 = arith.constant 0 : i32
      %sign3A_564 = arith.cmpi slt, %jit3A_551, %sign3A_563 : i32
      %sign3A_565 = arith.extui %sign3A_564 : i1 to i32
      %sign3A_566 = arith.subi %sign3A_562, %sign3A_565 : i32
      %ne3A_567 = arith.cmpi ne, %sign3A_559, %sign3A_566 : i32
      %rem3A_568 = arith.remsi %add3A_511, %jit3A_551 : i32
      %ne3A_569 = arith.constant 0 : i32
      %ne3A_570 = arith.cmpi ne, %rem3A_568, %ne3A_569 : i32
      %and3A_571 = arith.andi %ne3A_567, %ne3A_570 : i1
      %sub3A_572 = arith.constant 1 : i32
      %sub3A_573 = arith.subi %div3A_552, %sub3A_572 : i32
      %select_n3A_574 = arith.select %and3A_571, %sub3A_573, %div3A_552 : i32
      %mul3A_575 = arith.constant 25 : i32
      %mul3A_576 = arith.muli %select_n3A_574, %mul3A_575 : i32
      %sub3A_577 = arith.subi %add3A_511, %mul3A_576 : i32
      %eq3A_578 = arith.constant 0 : i32
      %eq3A_579 = arith.cmpi eq, %sub3A_577, %eq3A_578 : i32
      %broadcast_in_dim3A_580 = arith.constant 0.000000e+00 : f32
      %broadcast_in_dim3A_581 = vector.broadcast %broadcast_in_dim3A_580 : f32 to vector<16xf32>
      %select_n3A_582 = arith.select %eq3A_579, %broadcast_in_dim3A_581, %scan3A_465#0 : vector<16xf32>
      %select_n3A_583 = arith.select %eq3A_579, %broadcast_in_dim3A_581, %scan3A_465#1 : vector<16xf32>
      %select_n3A_584 = arith.select %eq3A_579, %broadcast_in_dim3A_581, %scan3A_465#2 : vector<16xf32>
      %select_n3A_585 = arith.select %eq3A_579, %broadcast_in_dim3A_581, %scan3A_465#3 : vector<16xf32>
      %select_n3A_586 = arith.select %eq3A_579, %broadcast_in_dim3A_581, %scan3A_465#4 : vector<16xf32>
      %select_n3A_587 = arith.select %eq3A_579, %broadcast_in_dim3A_581, %scan3A_465#5 : vector<16xf32>
      %select_n3A_588 = arith.select %eq3A_579, %broadcast_in_dim3A_581, %scan3A_465#6 : vector<16xf32>
      %select_n3A_589 = arith.select %eq3A_579, %broadcast_in_dim3A_581, %scan3A_465#7 : vector<16xf32>
      %select_n3A_590 = arith.select %eq3A_579, %broadcast_in_dim3A_581, %scan3A_465#8 : vector<16xf32>
      %select_n3A_591 = arith.select %eq3A_579, %broadcast_in_dim3A_581, %scan3A_465#9 : vector<16xf32>
      %select_n3A_592 = arith.select %eq3A_579, %broadcast_in_dim3A_581, %scan3A_465#10 : vector<16xf32>
      %select_n3A_593 = arith.select %eq3A_579, %broadcast_in_dim3A_581, %scan3A_465#11 : vector<16xf32>
      %select_n3A_594 = arith.select %eq3A_579, %broadcast_in_dim3A_581, %scan3A_465#12 : vector<16xf32>
      %select_n3A_595 = arith.select %eq3A_579, %broadcast_in_dim3A_581, %scan3A_465#13 : vector<16xf32>
      %select_n3A_596 = arith.select %eq3A_579, %broadcast_in_dim3A_581, %scan3A_465#14 : vector<16xf32>
      %select_n3A_597 = arith.select %eq3A_579, %broadcast_in_dim3A_581, %scan3A_465#15 : vector<16xf32>
      %scan3A_598 = arith.constant 0 : i32
      %scan3A_599 = arith.constant 8 : i32
      %scan3A_600 = arith.addi %scan3A_598, %scan3A_599 : i32
      %scan3A_601 = arith.constant 1 : i32
      %scan3A_602:16 = scf.for %scan3A_1330 = %scan3A_598 to %scan3A_600 step %scan3A_601 iter_args(%scan3A_1331 = %select_n3A_582, %scan3A_1332 = %select_n3A_583, %scan3A_1333 = %select_n3A_584, %scan3A_1334 = %select_n3A_585, %scan3A_1335 = %select_n3A_586, %scan3A_1336 = %select_n3A_587, %scan3A_1337 = %select_n3A_588, %scan3A_1338 = %select_n3A_589, %scan3A_1339 = %select_n3A_590, %scan3A_1340 = %select_n3A_591, %scan3A_1341 = %select_n3A_592, %scan3A_1342 = %select_n3A_593, %scan3A_1343 = %select_n3A_594, %scan3A_1344 = %select_n3A_595, %scan3A_1345 = %select_n3A_596, %scan3A_1346 = %select_n3A_597) -> (vector<16xf32>, vector<16xf32>, vector<16xf32>, vector<16xf32>, vector<16xf32>, vector<16xf32>, vector<16xf32>, vector<16xf32>, vector<16xf32>, vector<16xf32>, vector<16xf32>, vector<16xf32>, vector<16xf32>, vector<16xf32>, vector<16xf32>, vector<16xf32>)  : i32 {
        %get3A = arith.index_cast %scan3A_1330 : i32 to index
        %get3A_1347 = arith.constant 0 : index
        %get3A_1348 = tpu.vector_load %arg9[%get3A, %get3A_1347] {strides = array<i32>} : memref<8x256xi32, #tpu.memory_space<vmem>>, vector<16xi32>,
        %get3A_1349 = arith.index_cast %scan3A_1330 : i32 to index
        %get3A_1350 = arith.constant 16 : index
        %get3A_1351 = tpu.vector_load %arg9[%get3A_1349, %get3A_1350] {strides = array<i32>} : memref<8x256xi32, #tpu.memory_space<vmem>>, vector<16xi32>,
        %get3A_1352 = arith.index_cast %scan3A_1330 : i32 to index
        %get3A_1353 = arith.constant 32 : index
        %get3A_1354 = tpu.vector_load %arg9[%get3A_1352, %get3A_1353] {strides = array<i32>} : memref<8x256xi32, #tpu.memory_space<vmem>>, vector<16xi32>,
        %get3A_1355 = arith.index_cast %scan3A_1330 : i32 to index
        %get3A_1356 = arith.constant 48 : index
        %get3A_1357 = tpu.vector_load %arg9[%get3A_1355, %get3A_1356] {strides = array<i32>} : memref<8x256xi32, #tpu.memory_space<vmem>>, vector<16xi32>,
        %get3A_1358 = arith.index_cast %scan3A_1330 : i32 to index
        %get3A_1359 = arith.constant 64 : index
        %get3A_1360 = tpu.vector_load %arg9[%get3A_1358, %get3A_1359] {strides = array<i32>} : memref<8x256xi32, #tpu.memory_space<vmem>>, vector<16xi32>,
        %get3A_1361 = arith.index_cast %scan3A_1330 : i32 to index
        %get3A_1362 = arith.constant 80 : index
        %get3A_1363 = tpu.vector_load %arg9[%get3A_1361, %get3A_1362] {strides = array<i32>} : memref<8x256xi32, #tpu.memory_space<vmem>>, vector<16xi32>,
        %get3A_1364 = arith.index_cast %scan3A_1330 : i32 to index
        %get3A_1365 = arith.constant 96 : index
        %get3A_1366 = tpu.vector_load %arg9[%get3A_1364, %get3A_1365] {strides = array<i32>} : memref<8x256xi32, #tpu.memory_space<vmem>>, vector<16xi32>,
        %get3A_1367 = arith.index_cast %scan3A_1330 : i32 to index
        %get3A_1368 = arith.constant 112 : index
        %get3A_1369 = tpu.vector_load %arg9[%get3A_1367, %get3A_1368] {strides = array<i32>} : memref<8x256xi32, #tpu.memory_space<vmem>>, vector<16xi32>,
        %get3A_1370 = arith.index_cast %scan3A_1330 : i32 to index
        %get3A_1371 = arith.constant 128 : index
        %get3A_1372 = tpu.vector_load %arg9[%get3A_1370, %get3A_1371] {strides = array<i32>} : memref<8x256xi32, #tpu.memory_space<vmem>>, vector<16xi32>,
        %get3A_1373 = arith.index_cast %scan3A_1330 : i32 to index
        %get3A_1374 = arith.constant 144 : index
        %get3A_1375 = tpu.vector_load %arg9[%get3A_1373, %get3A_1374] {strides = array<i32>} : memref<8x256xi32, #tpu.memory_space<vmem>>, vector<16xi32>,
        %get3A_1376 = arith.index_cast %scan3A_1330 : i32 to index
        %get3A_1377 = arith.constant 160 : index
        %get3A_1378 = tpu.vector_load %arg9[%get3A_1376, %get3A_1377] {strides = array<i32>} : memref<8x256xi32, #tpu.memory_space<vmem>>, vector<16xi32>,
        %get3A_1379 = arith.index_cast %scan3A_1330 : i32 to index
        %get3A_1380 = arith.constant 176 : index
        %get3A_1381 = tpu.vector_load %arg9[%get3A_1379, %get3A_1380] {strides = array<i32>} : memref<8x256xi32, #tpu.memory_space<vmem>>, vector<16xi32>,
        %get3A_1382 = arith.index_cast %scan3A_1330 : i32 to index
        %get3A_1383 = arith.constant 192 : index
        %get3A_1384 = tpu.vector_load %arg9[%get3A_1382, %get3A_1383] {strides = array<i32>} : memref<8x256xi32, #tpu.memory_space<vmem>>, vector<16xi32>,
        %get3A_1385 = arith.index_cast %scan3A_1330 : i32 to index
        %get3A_1386 = arith.constant 208 : index
        %get3A_1387 = tpu.vector_load %arg9[%get3A_1385, %get3A_1386] {strides = array<i32>} : memref<8x256xi32, #tpu.memory_space<vmem>>, vector<16xi32>,
        %get3A_1388 = arith.index_cast %scan3A_1330 : i32 to index
        %get3A_1389 = arith.constant 224 : index
        %get3A_1390 = tpu.vector_load %arg9[%get3A_1388, %get3A_1389] {strides = array<i32>} : memref<8x256xi32, #tpu.memory_space<vmem>>, vector<16xi32>,
        %get3A_1391 = arith.index_cast %scan3A_1330 : i32 to index
        %get3A_1392 = arith.constant 240 : index
        %get3A_1393 = tpu.vector_load %arg9[%get3A_1391, %get3A_1392] {strides = array<i32>} : memref<8x256xi32, #tpu.memory_space<vmem>>, vector<16xi32>,
        %gather3A = tpu.vector_load_idx %arg6[%get3A_1348] : memref<100000xf32, #tpu.memory_space<vmem>>[vector<16xi32>], vector<16xf32>,
        %gather3A_1394 = tpu.vector_load_idx %arg6[%get3A_1351] : memref<100000xf32, #tpu.memory_space<vmem>>[vector<16xi32>], vector<16xf32>,
        %gather3A_1395 = tpu.vector_load_idx %arg6[%get3A_1354] : memref<100000xf32, #tpu.memory_space<vmem>>[vector<16xi32>], vector<16xf32>,
        %gather3A_1396 = tpu.vector_load_idx %arg6[%get3A_1357] : memref<100000xf32, #tpu.memory_space<vmem>>[vector<16xi32>], vector<16xf32>,
        %gather3A_1397 = tpu.vector_load_idx %arg6[%get3A_1360] : memref<100000xf32, #tpu.memory_space<vmem>>[vector<16xi32>], vector<16xf32>,
        %gather3A_1398 = tpu.vector_load_idx %arg6[%get3A_1363] : memref<100000xf32, #tpu.memory_space<vmem>>[vector<16xi32>], vector<16xf32>,
        %gather3A_1399 = tpu.vector_load_idx %arg6[%get3A_1366] : memref<100000xf32, #tpu.memory_space<vmem>>[vector<16xi32>], vector<16xf32>,
        %gather3A_1400 = tpu.vector_load_idx %arg6[%get3A_1369] : memref<100000xf32, #tpu.memory_space<vmem>>[vector<16xi32>], vector<16xf32>,
        %gather3A_1401 = tpu.vector_load_idx %arg6[%get3A_1372] : memref<100000xf32, #tpu.memory_space<vmem>>[vector<16xi32>], vector<16xf32>,
        %gather3A_1402 = tpu.vector_load_idx %arg6[%get3A_1375] : memref<100000xf32, #tpu.memory_space<vmem>>[vector<16xi32>], vector<16xf32>,
        %gather3A_1403 = tpu.vector_load_idx %arg6[%get3A_1378] : memref<100000xf32, #tpu.memory_space<vmem>>[vector<16xi32>], vector<16xf32>,
        %gather3A_1404 = tpu.vector_load_idx %arg6[%get3A_1381] : memref<100000xf32, #tpu.memory_space<vmem>>[vector<16xi32>], vector<16xf32>,
        %gather3A_1405 = tpu.vector_load_idx %arg6[%get3A_1384] : memref<100000xf32, #tpu.memory_space<vmem>>[vector<16xi32>], vector<16xf32>,
        %gather3A_1406 = tpu.vector_load_idx %arg6[%get3A_1387] : memref<100000xf32, #tpu.memory_space<vmem>>[vector<16xi32>], vector<16xf32>,
        %gather3A_1407 = tpu.vector_load_idx %arg6[%get3A_1390] : memref<100000xf32, #tpu.memory_space<vmem>>[vector<16xi32>], vector<16xf32>,
        %gather3A_1408 = tpu.vector_load_idx %arg6[%get3A_1393] : memref<100000xf32, #tpu.memory_space<vmem>>[vector<16xi32>], vector<16xf32>,
        %add3A_1409 = arith.addf %scan3A_1331, %gather3A : vector<16xf32>
        %add3A_1410 = arith.addf %scan3A_1332, %gather3A_1394 : vector<16xf32>
        %add3A_1411 = arith.addf %scan3A_1333, %gather3A_1395 : vector<16xf32>
        %add3A_1412 = arith.addf %scan3A_1334, %gather3A_1396 : vector<16xf32>
        %add3A_1413 = arith.addf %scan3A_1335, %gather3A_1397 : vector<16xf32>
        %add3A_1414 = arith.addf %scan3A_1336, %gather3A_1398 : vector<16xf32>
        %add3A_1415 = arith.addf %scan3A_1337, %gather3A_1399 : vector<16xf32>
        %add3A_1416 = arith.addf %scan3A_1338, %gather3A_1400 : vector<16xf32>
        %add3A_1417 = arith.addf %scan3A_1339, %gather3A_1401 : vector<16xf32>
        %add3A_1418 = arith.addf %scan3A_1340, %gather3A_1402 : vector<16xf32>
        %add3A_1419 = arith.addf %scan3A_1341, %gather3A_1403 : vector<16xf32>
        %add3A_1420 = arith.addf %scan3A_1342, %gather3A_1404 : vector<16xf32>
        %add3A_1421 = arith.addf %scan3A_1343, %gather3A_1405 : vector<16xf32>
        %add3A_1422 = arith.addf %scan3A_1344, %gather3A_1406 : vector<16xf32>
        %add3A_1423 = arith.addf %scan3A_1345, %gather3A_1407 : vector<16xf32>
        %add3A_1424 = arith.addf %scan3A_1346, %gather3A_1408 : vector<16xf32>
        %swap3A = arith.index_cast %scan3A_1330 : i32 to index
        %swap3A_1425 = arith.constant 0 : index
        %swap3A_1426 = tpu.vector_load %arg17[%swap3A, %swap3A_1425] {strides = array<i32>} : memref<8x256xf32, #tpu.memory_space<vmem>>, vector<16xf32>,
        tpu.vector_store %arg17[%swap3A, %swap3A_1425], %add3A_1409 {strides = array<i32>} : memref<8x256xf32, #tpu.memory_space<vmem>>, vector<16xf32>,
        %swap3A_1427 = arith.index_cast %scan3A_1330 : i32 to index
        %swap3A_1428 = arith.constant 16 : index
        %swap3A_1429 = tpu.vector_load %arg17[%swap3A_1427, %swap3A_1428] {strides = array<i32>} : memref<8x256xf32, #tpu.memory_space<vmem>>, vector<16xf32>,
        tpu.vector_store %arg17[%swap3A_1427, %swap3A_1428], %add3A_1410 {strides = array<i32>} : memref<8x256xf32, #tpu.memory_space<vmem>>, vector<16xf32>,
        %swap3A_1430 = arith.index_cast %scan3A_1330 : i32 to index
        %swap3A_1431 = arith.constant 32 : index
        %swap3A_1432 = tpu.vector_load %arg17[%swap3A_1430, %swap3A_1431] {strides = array<i32>} : memref<8x256xf32, #tpu.memory_space<vmem>>, vector<16xf32>,
        tpu.vector_store %arg17[%swap3A_1430, %swap3A_1431], %add3A_1411 {strides = array<i32>} : memref<8x256xf32, #tpu.memory_space<vmem>>, vector<16xf32>,
        %swap3A_1433 = arith.index_cast %scan3A_1330 : i32 to index
        %swap3A_1434 = arith.constant 48 : index
        %swap3A_1435 = tpu.vector_load %arg17[%swap3A_1433, %swap3A_1434] {strides = array<i32>} : memref<8x256xf32, #tpu.memory_space<vmem>>, vector<16xf32>,
        tpu.vector_store %arg17[%swap3A_1433, %swap3A_1434], %add3A_1412 {strides = array<i32>} : memref<8x256xf32, #tpu.memory_space<vmem>>, vector<16xf32>,
        %swap3A_1436 = arith.index_cast %scan3A_1330 : i32 to index
        %swap3A_1437 = arith.constant 64 : index
        %swap3A_1438 = tpu.vector_load %arg17[%swap3A_1436, %swap3A_1437] {strides = array<i32>} : memref<8x256xf32, #tpu.memory_space<vmem>>, vector<16xf32>,
        tpu.vector_store %arg17[%swap3A_1436, %swap3A_1437], %add3A_1413 {strides = array<i32>} : memref<8x256xf32, #tpu.memory_space<vmem>>, vector<16xf32>,
        %swap3A_1439 = arith.index_cast %scan3A_1330 : i32 to index
        %swap3A_1440 = arith.constant 80 : index
        %swap3A_1441 = tpu.vector_load %arg17[%swap3A_1439, %swap3A_1440] {strides = array<i32>} : memref<8x256xf32, #tpu.memory_space<vmem>>, vector<16xf32>,
        tpu.vector_store %arg17[%swap3A_1439, %swap3A_1440], %add3A_1414 {strides = array<i32>} : memref<8x256xf32, #tpu.memory_space<vmem>>, vector<16xf32>,
        %swap3A_1442 = arith.index_cast %scan3A_1330 : i32 to index
        %swap3A_1443 = arith.constant 96 : index
        %swap3A_1444 = tpu.vector_load %arg17[%swap3A_1442, %swap3A_1443] {strides = array<i32>} : memref<8x256xf32, #tpu.memory_space<vmem>>, vector<16xf32>,
        tpu.vector_store %arg17[%swap3A_1442, %swap3A_1443], %add3A_1415 {strides = array<i32>} : memref<8x256xf32, #tpu.memory_space<vmem>>, vector<16xf32>,
        %swap3A_1445 = arith.index_cast %scan3A_1330 : i32 to index
        %swap3A_1446 = arith.constant 112 : index
        %swap3A_1447 = tpu.vector_load %arg17[%swap3A_1445, %swap3A_1446] {strides = array<i32>} : memref<8x256xf32, #tpu.memory_space<vmem>>, vector<16xf32>,
        tpu.vector_store %arg17[%swap3A_1445, %swap3A_1446], %add3A_1416 {strides = array<i32>} : memref<8x256xf32, #tpu.memory_space<vmem>>, vector<16xf32>,
        %swap3A_1448 = arith.index_cast %scan3A_1330 : i32 to index
        %swap3A_1449 = arith.constant 128 : index
        %swap3A_1450 = tpu.vector_load %arg17[%swap3A_1448, %swap3A_1449] {strides = array<i32>} : memref<8x256xf32, #tpu.memory_space<vmem>>, vector<16xf32>,
        tpu.vector_store %arg17[%swap3A_1448, %swap3A_1449], %add3A_1417 {strides = array<i32>} : memref<8x256xf32, #tpu.memory_space<vmem>>, vector<16xf32>,
        %swap3A_1451 = arith.index_cast %scan3A_1330 : i32 to index
        %swap3A_1452 = arith.constant 144 : index
        %swap3A_1453 = tpu.vector_load %arg17[%swap3A_1451, %swap3A_1452] {strides = array<i32>} : memref<8x256xf32, #tpu.memory_space<vmem>>, vector<16xf32>,
        tpu.vector_store %arg17[%swap3A_1451, %swap3A_1452], %add3A_1418 {strides = array<i32>} : memref<8x256xf32, #tpu.memory_space<vmem>>, vector<16xf32>,
        %swap3A_1454 = arith.index_cast %scan3A_1330 : i32 to index
        %swap3A_1455 = arith.constant 160 : index
        %swap3A_1456 = tpu.vector_load %arg17[%swap3A_1454, %swap3A_1455] {strides = array<i32>} : memref<8x256xf32, #tpu.memory_space<vmem>>, vector<16xf32>,
        tpu.vector_store %arg17[%swap3A_1454, %swap3A_1455], %add3A_1419 {strides = array<i32>} : memref<8x256xf32, #tpu.memory_space<vmem>>, vector<16xf32>,
        %swap3A_1457 = arith.index_cast %scan3A_1330 : i32 to index
        %swap3A_1458 = arith.constant 176 : index
        %swap3A_1459 = tpu.vector_load %arg17[%swap3A_1457, %swap3A_1458] {strides = array<i32>} : memref<8x256xf32, #tpu.memory_space<vmem>>, vector<16xf32>,
        tpu.vector_store %arg17[%swap3A_1457, %swap3A_1458], %add3A_1420 {strides = array<i32>} : memref<8x256xf32, #tpu.memory_space<vmem>>, vector<16xf32>,
        %swap3A_1460 = arith.index_cast %scan3A_1330 : i32 to index
        %swap3A_1461 = arith.constant 192 : index
        %swap3A_1462 = tpu.vector_load %arg17[%swap3A_1460, %swap3A_1461] {strides = array<i32>} : memref<8x256xf32, #tpu.memory_space<vmem>>, vector<16xf32>,
        tpu.vector_store %arg17[%swap3A_1460, %swap3A_1461], %add3A_1421 {strides = array<i32>} : memref<8x256xf32, #tpu.memory_space<vmem>>, vector<16xf32>,
        %swap3A_1463 = arith.index_cast %scan3A_1330 : i32 to index
        %swap3A_1464 = arith.constant 208 : index
        %swap3A_1465 = tpu.vector_load %arg17[%swap3A_1463, %swap3A_1464] {strides = array<i32>} : memref<8x256xf32, #tpu.memory_space<vmem>>, vector<16xf32>,
        tpu.vector_store %arg17[%swap3A_1463, %swap3A_1464], %add3A_1422 {strides = array<i32>} : memref<8x256xf32, #tpu.memory_space<vmem>>, vector<16xf32>,
        %swap3A_1466 = arith.index_cast %scan3A_1330 : i32 to index
        %swap3A_1467 = arith.constant 224 : index
        %swap3A_1468 = tpu.vector_load %arg17[%swap3A_1466, %swap3A_1467] {strides = array<i32>} : memref<8x256xf32, #tpu.memory_space<vmem>>, vector<16xf32>,
        tpu.vector_store %arg17[%swap3A_1466, %swap3A_1467], %add3A_1423 {strides = array<i32>} : memref<8x256xf32, #tpu.memory_space<vmem>>, vector<16xf32>,
        %swap3A_1469 = arith.index_cast %scan3A_1330 : i32 to index
        %swap3A_1470 = arith.constant 240 : index
        %swap3A_1471 = tpu.vector_load %arg17[%swap3A_1469, %swap3A_1470] {strides = array<i32>} : memref<8x256xf32, #tpu.memory_space<vmem>>, vector<16xf32>,
        tpu.vector_store %arg17[%swap3A_1469, %swap3A_1470], %add3A_1424 {strides = array<i32>} : memref<8x256xf32, #tpu.memory_space<vmem>>, vector<16xf32>,
        scf.yield %add3A_1409, %add3A_1410, %add3A_1411, %add3A_1412, %add3A_1413, %add3A_1414, %add3A_1415, %add3A_1416, %add3A_1417, %add3A_1418, %add3A_1419, %add3A_1420, %add3A_1421, %add3A_1422, %add3A_1423, %add3A_1424 : vector<16xf32>, vector<16xf32>, vector<16xf32>, vector<16xf32>, vector<16xf32>, vector<16xf32>, vector<16xf32>, vector<16xf32>, vector<16xf32>, vector<16xf32>, vector<16xf32>, vector<16xf32>, vector<16xf32>, vector<16xf32>, vector<16xf32>, vector<16xf32>
      }
      %scan3A_603 = arith.constant 8 : i32
      %jit3A_604 = arith.constant 25 : i32
      %div3A_605 = arith.divsi %add3A_511, %jit3A_604 : i32
      %sign3A_606 = arith.constant 0 : i32
      %sign3A_607 = arith.cmpi sgt, %add3A_511, %sign3A_606 : i32
      %sign3A_608 = arith.extui %sign3A_607 : i1 to i32
      %sign3A_609 = arith.constant 0 : i32
      %sign3A_610 = arith.cmpi slt, %add3A_511, %sign3A_609 : i32
      %sign3A_611 = arith.extui %sign3A_610 : i1 to i32
      %sign3A_612 = arith.subi %sign3A_608, %sign3A_611 : i32
      %sign3A_613 = arith.constant 0 : i32
      %sign3A_614 = arith.cmpi sgt, %jit3A_604, %sign3A_613 : i32
      %sign3A_615 = arith.extui %sign3A_614 : i1 to i32
      %sign3A_616 = arith.constant 0 : i32
      %sign3A_617 = arith.cmpi slt, %jit3A_604, %sign3A_616 : i32
      %sign3A_618 = arith.extui %sign3A_617 : i1 to i32
      %sign3A_619 = arith.subi %sign3A_615, %sign3A_618 : i32
      %ne3A_620 = arith.cmpi ne, %sign3A_612, %sign3A_619 : i32
      %rem3A_621 = arith.remsi %add3A_511, %jit3A_604 : i32
      %ne3A_622 = arith.constant 0 : i32
      %ne3A_623 = arith.cmpi ne, %rem3A_621, %ne3A_622 : i32
      %and3A_624 = arith.andi %ne3A_620, %ne3A_623 : i1
      %sub3A_625 = arith.constant 1 : i32
      %sub3A_626 = arith.subi %div3A_605, %sub3A_625 : i32
      %select_n3A_627 = arith.select %and3A_624, %sub3A_626, %div3A_605 : i32
      %mul3A_628 = arith.constant 25 : i32
      %mul3A_629 = arith.muli %select_n3A_627, %mul3A_628 : i32
      %sub3A_630 = arith.subi %add3A_511, %mul3A_629 : i32
      %mul3A_631 = arith.constant 8 : i32
      %mul3A_632 = arith.muli %sub3A_630, %mul3A_631 : i32
      %mul3A_633 = arith.constant 256 : i32
      %mul3A_634 = arith.muli %select_n3A_627, %mul3A_633 : i32
      %add3A_635 = arith.addi %mul3A_2, %mul3A_634 : i32
      %dma_start3A_636 = tpu.memref_slice %arg4[%mul3A_632, %add3A_635] : memref<200x16384xf32, #tpu.memory_space<hbm>> -> memref<8x256xf32, #tpu.memory_space<hbm>>
      %dma_start3A_637 = tpu.memref_slice %arg4[%mul3A_632, %add3A_635] : memref<200x16384xf32, #tpu.memory_space<hbm>> -> memref<8x256xf32, #tpu.memory_space<hbm>>
      tpu.enqueue_dma source(%arg17 : memref<8x256xf32, #tpu.memory_space<vmem>>) target(%dma_start3A_637 : memref<8x256xf32, #tpu.memory_space<hbm>>) target_semaphore(%arg29 : memref<!tpu.dma_semaphore, #tpu.memory_space<semaphore_mem>>)
      %add3A_638 = arith.constant 8 : i32
      %add3A_639 = arith.addi %add3A_511, %add3A_638 : i32
      %lt3A_640 = arith.constant 50 : i32
      %lt3A_641 = arith.cmpi slt, %add3A_639, %lt3A_640 : i32
      %convert_element_type3A_642 = arith.extui %lt3A_641 : i1 to i32
      %cond3A_643 = arith.constant 0 : i32
      %cond3A_644 = arith.cmpi ne, %convert_element_type3A_642, %cond3A_643 : i32
      scf.if %cond3A_644 {
        %add3A_1330 = arith.constant 8 : i32
        %add3A_1331 = arith.addi %add3A_511, %add3A_1330 : i32
        %jit3A_1332 = arith.constant 25 : i32
        %div3A_1333 = arith.divsi %add3A_1331, %jit3A_1332 : i32
        %sign3A_1334 = arith.constant 0 : i32
        %sign3A_1335 = arith.cmpi sgt, %add3A_1331, %sign3A_1334 : i32
        %sign3A_1336 = arith.extui %sign3A_1335 : i1 to i32
        %sign3A_1337 = arith.constant 0 : i32
        %sign3A_1338 = arith.cmpi slt, %add3A_1331, %sign3A_1337 : i32
        %sign3A_1339 = arith.extui %sign3A_1338 : i1 to i32
        %sign3A_1340 = arith.subi %sign3A_1336, %sign3A_1339 : i32
        %sign3A_1341 = arith.constant 0 : i32
        %sign3A_1342 = arith.cmpi sgt, %jit3A_1332, %sign3A_1341 : i32
        %sign3A_1343 = arith.extui %sign3A_1342 : i1 to i32
        %sign3A_1344 = arith.constant 0 : i32
        %sign3A_1345 = arith.cmpi slt, %jit3A_1332, %sign3A_1344 : i32
        %sign3A_1346 = arith.extui %sign3A_1345 : i1 to i32
        %sign3A_1347 = arith.subi %sign3A_1343, %sign3A_1346 : i32
        %ne3A_1348 = arith.cmpi ne, %sign3A_1340, %sign3A_1347 : i32
        %rem3A_1349 = arith.remsi %add3A_1331, %jit3A_1332 : i32
        %ne3A_1350 = arith.constant 0 : i32
        %ne3A_1351 = arith.cmpi ne, %rem3A_1349, %ne3A_1350 : i32
        %and3A_1352 = arith.andi %ne3A_1348, %ne3A_1351 : i1
        %sub3A_1353 = arith.constant 1 : i32
        %sub3A_1354 = arith.subi %div3A_1333, %sub3A_1353 : i32
        %select_n3A_1355 = arith.select %and3A_1352, %sub3A_1354, %div3A_1333 : i32
        %mul3A_1356 = arith.constant 25 : i32
        %mul3A_1357 = arith.muli %select_n3A_1355, %mul3A_1356 : i32
        %sub3A_1358 = arith.subi %add3A_1331, %mul3A_1357 : i32
        %mul3A_1359 = arith.constant 8 : i32
        %mul3A_1360 = arith.muli %sub3A_1358, %mul3A_1359 : i32
        %mul3A_1361 = arith.constant 256 : i32
        %mul3A_1362 = arith.muli %select_n3A_1355, %mul3A_1361 : i32
        %add3A_1363 = arith.addi %mul3A_2, %mul3A_1362 : i32
        %dma_start3A_1364 = tpu.memref_slice %arg2[%mul3A_1360, %add3A_1363] : memref<200x16384xi32, #tpu.memory_space<hbm>> -> memref<8x256xi32, #tpu.memory_space<hbm>>
        %dma_start3A_1365 = tpu.memref_slice %arg2[%mul3A_1360, %add3A_1363] : memref<200x16384xi32, #tpu.memory_space<hbm>> -> memref<8x256xi32, #tpu.memory_space<hbm>>
        tpu.enqueue_dma source(%dma_start3A_1365 : memref<8x256xi32, #tpu.memory_space<hbm>>) target(%arg9 : memref<8x256xi32, #tpu.memory_space<vmem>>) target_semaphore(%arg21 : memref<!tpu.dma_semaphore, #tpu.memory_space<semaphore_mem>>)
      } else {
      }
      %mul3A_645 = arith.constant 8 : i32
      %mul3A_646 = arith.muli %mul3A_645, %scan3A_225 : i32
      %add3A_647 = arith.constant 3 : i32
      %add3A_648 = arith.addi %mul3A_646, %add3A_647 : i32
      %jit3A_649 = arith.constant 25 : i32
      %div3A_650 = arith.divsi %add3A_648, %jit3A_649 : i32
      %sign3A_651 = arith.constant 0 : i32
      %sign3A_652 = arith.cmpi sgt, %add3A_648, %sign3A_651 : i32
      %sign3A_653 = arith.extui %sign3A_652 : i1 to i32
      %sign3A_654 = arith.constant 0 : i32
      %sign3A_655 = arith.cmpi slt, %add3A_648, %sign3A_654 : i32
      %sign3A_656 = arith.extui %sign3A_655 : i1 to i32
      %sign3A_657 = arith.subi %sign3A_653, %sign3A_656 : i32
      %sign3A_658 = arith.constant 0 : i32
      %sign3A_659 = arith.cmpi sgt, %jit3A_649, %sign3A_658 : i32
      %sign3A_660 = arith.extui %sign3A_659 : i1 to i32
      %sign3A_661 = arith.constant 0 : i32
      %sign3A_662 = arith.cmpi slt, %jit3A_649, %sign3A_661 : i32
      %sign3A_663 = arith.extui %sign3A_662 : i1 to i32
      %sign3A_664 = arith.subi %sign3A_660, %sign3A_663 : i32
      %ne3A_665 = arith.cmpi ne, %sign3A_657, %sign3A_664 : i32
      %rem3A_666 = arith.remsi %add3A_648, %jit3A_649 : i32
      %ne3A_667 = arith.constant 0 : i32
      %ne3A_668 = arith.cmpi ne, %rem3A_666, %ne3A_667 : i32
      %and3A_669 = arith.andi %ne3A_665, %ne3A_668 : i1
      %sub3A_670 = arith.constant 1 : i32
      %sub3A_671 = arith.subi %div3A_650, %sub3A_670 : i32
      %select_n3A_672 = arith.select %and3A_669, %sub3A_671, %div3A_650 : i32
      %mul3A_673 = arith.constant 25 : i32
      %mul3A_674 = arith.muli %select_n3A_672, %mul3A_673 : i32
      %sub3A_675 = arith.subi %add3A_648, %mul3A_674 : i32
      %mul3A_676 = arith.constant 8 : i32
      %mul3A_677 = arith.muli %sub3A_675, %mul3A_676 : i32
      %mul3A_678 = arith.constant 256 : i32
      %mul3A_679 = arith.muli %select_n3A_672, %mul3A_678 : i32
      %add3A_680 = arith.addi %mul3A_2, %mul3A_679 : i32
      %dma_wait3A_681 = tpu.memref_slice %arg2[%mul3A_677, %add3A_680] : memref<200x16384xi32, #tpu.memory_space<hbm>> -> memref<8x256xi32, #tpu.memory_space<hbm>>
      %dma_wait3A_682 = tpu.memref_slice %arg2[%mul3A_677, %add3A_680] : memref<200x16384xi32, #tpu.memory_space<hbm>> -> memref<8x256xi32, #tpu.memory_space<hbm>>
      tpu.wait_dma2 semaphore(%arg22 : memref<!tpu.dma_semaphore, #tpu.memory_space<semaphore_mem>>) src(%dma_wait3A_682 : memref<8x256xi32, #tpu.memory_space<hbm>>) dst(%arg10 : memref<8x256xi32, #tpu.memory_space<vmem>>)
      %ge3A_683 = arith.constant 4 : i32
      %ge3A_684 = arith.cmpi sge, %add3A_648, %ge3A_683 : i32
      %convert_element_type3A_685 = arith.extui %ge3A_684 : i1 to i32
      %cond3A_686 = arith.constant 0 : i32
      %cond3A_687 = arith.cmpi ne, %convert_element_type3A_685, %cond3A_686 : i32
      scf.if %cond3A_687 {
        %sub3A_1330 = arith.constant 4 : i32
        %sub3A_1331 = arith.subi %add3A_648, %sub3A_1330 : i32
        %jit3A_1332 = arith.constant 25 : i32
        %div3A_1333 = arith.divsi %sub3A_1331, %jit3A_1332 : i32
        %sign3A_1334 = arith.constant 0 : i32
        %sign3A_1335 = arith.cmpi sgt, %sub3A_1331, %sign3A_1334 : i32
        %sign3A_1336 = arith.extui %sign3A_1335 : i1 to i32
        %sign3A_1337 = arith.constant 0 : i32
        %sign3A_1338 = arith.cmpi slt, %sub3A_1331, %sign3A_1337 : i32
        %sign3A_1339 = arith.extui %sign3A_1338 : i1 to i32
        %sign3A_1340 = arith.subi %sign3A_1336, %sign3A_1339 : i32
        %sign3A_1341 = arith.constant 0 : i32
        %sign3A_1342 = arith.cmpi sgt, %jit3A_1332, %sign3A_1341 : i32
        %sign3A_1343 = arith.extui %sign3A_1342 : i1 to i32
        %sign3A_1344 = arith.constant 0 : i32
        %sign3A_1345 = arith.cmpi slt, %jit3A_1332, %sign3A_1344 : i32
        %sign3A_1346 = arith.extui %sign3A_1345 : i1 to i32
        %sign3A_1347 = arith.subi %sign3A_1343, %sign3A_1346 : i32
        %ne3A_1348 = arith.cmpi ne, %sign3A_1340, %sign3A_1347 : i32
        %rem3A_1349 = arith.remsi %sub3A_1331, %jit3A_1332 : i32
        %ne3A_1350 = arith.constant 0 : i32
        %ne3A_1351 = arith.cmpi ne, %rem3A_1349, %ne3A_1350 : i32
        %and3A_1352 = arith.andi %ne3A_1348, %ne3A_1351 : i1
        %sub3A_1353 = arith.constant 1 : i32
        %sub3A_1354 = arith.subi %div3A_1333, %sub3A_1353 : i32
        %select_n3A_1355 = arith.select %and3A_1352, %sub3A_1354, %div3A_1333 : i32
        %mul3A_1356 = arith.constant 25 : i32
        %mul3A_1357 = arith.muli %select_n3A_1355, %mul3A_1356 : i32
        %sub3A_1358 = arith.subi %sub3A_1331, %mul3A_1357 : i32
        %mul3A_1359 = arith.constant 8 : i32
        %mul3A_1360 = arith.muli %sub3A_1358, %mul3A_1359 : i32
        %mul3A_1361 = arith.constant 256 : i32
        %mul3A_1362 = arith.muli %select_n3A_1355, %mul3A_1361 : i32
        %add3A_1363 = arith.addi %mul3A_2, %mul3A_1362 : i32
        %dma_wait3A_1364 = tpu.memref_slice %arg4[%mul3A_1360, %add3A_1363] : memref<200x16384xf32, #tpu.memory_space<hbm>> -> memref<8x256xf32, #tpu.memory_space<hbm>>
        %dma_wait3A_1365 = tpu.memref_slice %arg4[%mul3A_1360, %add3A_1363] : memref<200x16384xf32, #tpu.memory_space<hbm>> -> memref<8x256xf32, #tpu.memory_space<hbm>>
        tpu.wait_dma2 semaphore(%arg30 : memref<!tpu.dma_semaphore, #tpu.memory_space<semaphore_mem>>) src(%arg18 : memref<8x256xf32, #tpu.memory_space<vmem>>) dst(%dma_wait3A_1365 : memref<8x256xf32, #tpu.memory_space<hbm>>)
      } else {
      }
      %jit3A_688 = arith.constant 25 : i32
      %div3A_689 = arith.divsi %add3A_648, %jit3A_688 : i32
      %sign3A_690 = arith.constant 0 : i32
      %sign3A_691 = arith.cmpi sgt, %add3A_648, %sign3A_690 : i32
      %sign3A_692 = arith.extui %sign3A_691 : i1 to i32
      %sign3A_693 = arith.constant 0 : i32
      %sign3A_694 = arith.cmpi slt, %add3A_648, %sign3A_693 : i32
      %sign3A_695 = arith.extui %sign3A_694 : i1 to i32
      %sign3A_696 = arith.subi %sign3A_692, %sign3A_695 : i32
      %sign3A_697 = arith.constant 0 : i32
      %sign3A_698 = arith.cmpi sgt, %jit3A_688, %sign3A_697 : i32
      %sign3A_699 = arith.extui %sign3A_698 : i1 to i32
      %sign3A_700 = arith.constant 0 : i32
      %sign3A_701 = arith.cmpi slt, %jit3A_688, %sign3A_700 : i32
      %sign3A_702 = arith.extui %sign3A_701 : i1 to i32
      %sign3A_703 = arith.subi %sign3A_699, %sign3A_702 : i32
      %ne3A_704 = arith.cmpi ne, %sign3A_696, %sign3A_703 : i32
      %rem3A_705 = arith.remsi %add3A_648, %jit3A_688 : i32
      %ne3A_706 = arith.constant 0 : i32
      %ne3A_707 = arith.cmpi ne, %rem3A_705, %ne3A_706 : i32
      %and3A_708 = arith.andi %ne3A_704, %ne3A_707 : i1
      %sub3A_709 = arith.constant 1 : i32
      %sub3A_710 = arith.subi %div3A_689, %sub3A_709 : i32
      %select_n3A_711 = arith.select %and3A_708, %sub3A_710, %div3A_689 : i32
      %mul3A_712 = arith.constant 25 : i32
      %mul3A_713 = arith.muli %select_n3A_711, %mul3A_712 : i32
      %sub3A_714 = arith.subi %add3A_648, %mul3A_713 : i32
      %eq3A_715 = arith.constant 0 : i32
      %eq3A_716 = arith.cmpi eq, %sub3A_714, %eq3A_715 : i32
      %broadcast_in_dim3A_717 = arith.constant 0.000000e+00 : f32
      %broadcast_in_dim3A_718 = vector.broadcast %broadcast_in_dim3A_717 : f32 to vector<16xf32>
      %select_n3A_719 = arith.select %eq3A_716, %broadcast_in_dim3A_718, %scan3A_602#0 : vector<16xf32>
      %select_n3A_720 = arith.select %eq3A_716, %broadcast_in_dim3A_718, %scan3A_602#1 : vector<16xf32>
      %select_n3A_721 = arith.select %eq3A_716, %broadcast_in_dim3A_718, %scan3A_602#2 : vector<16xf32>
      %select_n3A_722 = arith.select %eq3A_716, %broadcast_in_dim3A_718, %scan3A_602#3 : vector<16xf32>
      %select_n3A_723 = arith.select %eq3A_716, %broadcast_in_dim3A_718, %scan3A_602#4 : vector<16xf32>
      %select_n3A_724 = arith.select %eq3A_716, %broadcast_in_dim3A_718, %scan3A_602#5 : vector<16xf32>
      %select_n3A_725 = arith.select %eq3A_716, %broadcast_in_dim3A_718, %scan3A_602#6 : vector<16xf32>
      %select_n3A_726 = arith.select %eq3A_716, %broadcast_in_dim3A_718, %scan3A_602#7 : vector<16xf32>
      %select_n3A_727 = arith.select %eq3A_716, %broadcast_in_dim3A_718, %scan3A_602#8 : vector<16xf32>
      %select_n3A_728 = arith.select %eq3A_716, %broadcast_in_dim3A_718, %scan3A_602#9 : vector<16xf32>
      %select_n3A_729 = arith.select %eq3A_716, %broadcast_in_dim3A_718, %scan3A_602#10 : vector<16xf32>
      %select_n3A_730 = arith.select %eq3A_716, %broadcast_in_dim3A_718, %scan3A_602#11 : vector<16xf32>
      %select_n3A_731 = arith.select %eq3A_716, %broadcast_in_dim3A_718, %scan3A_602#12 : vector<16xf32>
      %select_n3A_732 = arith.select %eq3A_716, %broadcast_in_dim3A_718, %scan3A_602#13 : vector<16xf32>
      %select_n3A_733 = arith.select %eq3A_716, %broadcast_in_dim3A_718, %scan3A_602#14 : vector<16xf32>
      %select_n3A_734 = arith.select %eq3A_716, %broadcast_in_dim3A_718, %scan3A_602#15 : vector<16xf32>
      %scan3A_735 = arith.constant 0 : i32
      %scan3A_736 = arith.constant 8 : i32
      %scan3A_737 = arith.addi %scan3A_735, %scan3A_736 : i32
      %scan3A_738 = arith.constant 1 : i32
      %scan3A_739:16 = scf.for %scan3A_1330 = %scan3A_735 to %scan3A_737 step %scan3A_738 iter_args(%scan3A_1331 = %select_n3A_719, %scan3A_1332 = %select_n3A_720, %scan3A_1333 = %select_n3A_721, %scan3A_1334 = %select_n3A_722, %scan3A_1335 = %select_n3A_723, %scan3A_1336 = %select_n3A_724, %scan3A_1337 = %select_n3A_725, %scan3A_1338 = %select_n3A_726, %scan3A_1339 = %select_n3A_727, %scan3A_1340 = %select_n3A_728, %scan3A_1341 = %select_n3A_729, %scan3A_1342 = %select_n3A_730, %scan3A_1343 = %select_n3A_731, %scan3A_1344 = %select_n3A_732, %scan3A_1345 = %select_n3A_733, %scan3A_1346 = %select_n3A_734) -> (vector<16xf32>, vector<16xf32>, vector<16xf32>, vector<16xf32>, vector<16xf32>, vector<16xf32>, vector<16xf32>, vector<16xf32>, vector<16xf32>, vector<16xf32>, vector<16xf32>, vector<16xf32>, vector<16xf32>, vector<16xf32>, vector<16xf32>, vector<16xf32>)  : i32 {
        %get3A = arith.index_cast %scan3A_1330 : i32 to index
        %get3A_1347 = arith.constant 0 : index
        %get3A_1348 = tpu.vector_load %arg10[%get3A, %get3A_1347] {strides = array<i32>} : memref<8x256xi32, #tpu.memory_space<vmem>>, vector<16xi32>,
        %get3A_1349 = arith.index_cast %scan3A_1330 : i32 to index
        %get3A_1350 = arith.constant 16 : index
        %get3A_1351 = tpu.vector_load %arg10[%get3A_1349, %get3A_1350] {strides = array<i32>} : memref<8x256xi32, #tpu.memory_space<vmem>>, vector<16xi32>,
        %get3A_1352 = arith.index_cast %scan3A_1330 : i32 to index
        %get3A_1353 = arith.constant 32 : index
        %get3A_1354 = tpu.vector_load %arg10[%get3A_1352, %get3A_1353] {strides = array<i32>} : memref<8x256xi32, #tpu.memory_space<vmem>>, vector<16xi32>,
        %get3A_1355 = arith.index_cast %scan3A_1330 : i32 to index
        %get3A_1356 = arith.constant 48 : index
        %get3A_1357 = tpu.vector_load %arg10[%get3A_1355, %get3A_1356] {strides = array<i32>} : memref<8x256xi32, #tpu.memory_space<vmem>>, vector<16xi32>,
        %get3A_1358 = arith.index_cast %scan3A_1330 : i32 to index
        %get3A_1359 = arith.constant 64 : index
        %get3A_1360 = tpu.vector_load %arg10[%get3A_1358, %get3A_1359] {strides = array<i32>} : memref<8x256xi32, #tpu.memory_space<vmem>>, vector<16xi32>,
        %get3A_1361 = arith.index_cast %scan3A_1330 : i32 to index
        %get3A_1362 = arith.constant 80 : index
        %get3A_1363 = tpu.vector_load %arg10[%get3A_1361, %get3A_1362] {strides = array<i32>} : memref<8x256xi32, #tpu.memory_space<vmem>>, vector<16xi32>,
        %get3A_1364 = arith.index_cast %scan3A_1330 : i32 to index
        %get3A_1365 = arith.constant 96 : index
        %get3A_1366 = tpu.vector_load %arg10[%get3A_1364, %get3A_1365] {strides = array<i32>} : memref<8x256xi32, #tpu.memory_space<vmem>>, vector<16xi32>,
        %get3A_1367 = arith.index_cast %scan3A_1330 : i32 to index
        %get3A_1368 = arith.constant 112 : index
        %get3A_1369 = tpu.vector_load %arg10[%get3A_1367, %get3A_1368] {strides = array<i32>} : memref<8x256xi32, #tpu.memory_space<vmem>>, vector<16xi32>,
        %get3A_1370 = arith.index_cast %scan3A_1330 : i32 to index
        %get3A_1371 = arith.constant 128 : index
        %get3A_1372 = tpu.vector_load %arg10[%get3A_1370, %get3A_1371] {strides = array<i32>} : memref<8x256xi32, #tpu.memory_space<vmem>>, vector<16xi32>,
        %get3A_1373 = arith.index_cast %scan3A_1330 : i32 to index
        %get3A_1374 = arith.constant 144 : index
        %get3A_1375 = tpu.vector_load %arg10[%get3A_1373, %get3A_1374] {strides = array<i32>} : memref<8x256xi32, #tpu.memory_space<vmem>>, vector<16xi32>,
        %get3A_1376 = arith.index_cast %scan3A_1330 : i32 to index
        %get3A_1377 = arith.constant 160 : index
        %get3A_1378 = tpu.vector_load %arg10[%get3A_1376, %get3A_1377] {strides = array<i32>} : memref<8x256xi32, #tpu.memory_space<vmem>>, vector<16xi32>,
        %get3A_1379 = arith.index_cast %scan3A_1330 : i32 to index
        %get3A_1380 = arith.constant 176 : index
        %get3A_1381 = tpu.vector_load %arg10[%get3A_1379, %get3A_1380] {strides = array<i32>} : memref<8x256xi32, #tpu.memory_space<vmem>>, vector<16xi32>,
        %get3A_1382 = arith.index_cast %scan3A_1330 : i32 to index
        %get3A_1383 = arith.constant 192 : index
        %get3A_1384 = tpu.vector_load %arg10[%get3A_1382, %get3A_1383] {strides = array<i32>} : memref<8x256xi32, #tpu.memory_space<vmem>>, vector<16xi32>,
        %get3A_1385 = arith.index_cast %scan3A_1330 : i32 to index
        %get3A_1386 = arith.constant 208 : index
        %get3A_1387 = tpu.vector_load %arg10[%get3A_1385, %get3A_1386] {strides = array<i32>} : memref<8x256xi32, #tpu.memory_space<vmem>>, vector<16xi32>,
        %get3A_1388 = arith.index_cast %scan3A_1330 : i32 to index
        %get3A_1389 = arith.constant 224 : index
        %get3A_1390 = tpu.vector_load %arg10[%get3A_1388, %get3A_1389] {strides = array<i32>} : memref<8x256xi32, #tpu.memory_space<vmem>>, vector<16xi32>,
        %get3A_1391 = arith.index_cast %scan3A_1330 : i32 to index
        %get3A_1392 = arith.constant 240 : index
        %get3A_1393 = tpu.vector_load %arg10[%get3A_1391, %get3A_1392] {strides = array<i32>} : memref<8x256xi32, #tpu.memory_space<vmem>>, vector<16xi32>,
        %gather3A = tpu.vector_load_idx %arg6[%get3A_1348] : memref<100000xf32, #tpu.memory_space<vmem>>[vector<16xi32>], vector<16xf32>,
        %gather3A_1394 = tpu.vector_load_idx %arg6[%get3A_1351] : memref<100000xf32, #tpu.memory_space<vmem>>[vector<16xi32>], vector<16xf32>,
        %gather3A_1395 = tpu.vector_load_idx %arg6[%get3A_1354] : memref<100000xf32, #tpu.memory_space<vmem>>[vector<16xi32>], vector<16xf32>,
        %gather3A_1396 = tpu.vector_load_idx %arg6[%get3A_1357] : memref<100000xf32, #tpu.memory_space<vmem>>[vector<16xi32>], vector<16xf32>,
        %gather3A_1397 = tpu.vector_load_idx %arg6[%get3A_1360] : memref<100000xf32, #tpu.memory_space<vmem>>[vector<16xi32>], vector<16xf32>,
        %gather3A_1398 = tpu.vector_load_idx %arg6[%get3A_1363] : memref<100000xf32, #tpu.memory_space<vmem>>[vector<16xi32>], vector<16xf32>,
        %gather3A_1399 = tpu.vector_load_idx %arg6[%get3A_1366] : memref<100000xf32, #tpu.memory_space<vmem>>[vector<16xi32>], vector<16xf32>,
        %gather3A_1400 = tpu.vector_load_idx %arg6[%get3A_1369] : memref<100000xf32, #tpu.memory_space<vmem>>[vector<16xi32>], vector<16xf32>,
        %gather3A_1401 = tpu.vector_load_idx %arg6[%get3A_1372] : memref<100000xf32, #tpu.memory_space<vmem>>[vector<16xi32>], vector<16xf32>,
        %gather3A_1402 = tpu.vector_load_idx %arg6[%get3A_1375] : memref<100000xf32, #tpu.memory_space<vmem>>[vector<16xi32>], vector<16xf32>,
        %gather3A_1403 = tpu.vector_load_idx %arg6[%get3A_1378] : memref<100000xf32, #tpu.memory_space<vmem>>[vector<16xi32>], vector<16xf32>,
        %gather3A_1404 = tpu.vector_load_idx %arg6[%get3A_1381] : memref<100000xf32, #tpu.memory_space<vmem>>[vector<16xi32>], vector<16xf32>,
        %gather3A_1405 = tpu.vector_load_idx %arg6[%get3A_1384] : memref<100000xf32, #tpu.memory_space<vmem>>[vector<16xi32>], vector<16xf32>,
        %gather3A_1406 = tpu.vector_load_idx %arg6[%get3A_1387] : memref<100000xf32, #tpu.memory_space<vmem>>[vector<16xi32>], vector<16xf32>,
        %gather3A_1407 = tpu.vector_load_idx %arg6[%get3A_1390] : memref<100000xf32, #tpu.memory_space<vmem>>[vector<16xi32>], vector<16xf32>,
        %gather3A_1408 = tpu.vector_load_idx %arg6[%get3A_1393] : memref<100000xf32, #tpu.memory_space<vmem>>[vector<16xi32>], vector<16xf32>,
        %add3A_1409 = arith.addf %scan3A_1331, %gather3A : vector<16xf32>
        %add3A_1410 = arith.addf %scan3A_1332, %gather3A_1394 : vector<16xf32>
        %add3A_1411 = arith.addf %scan3A_1333, %gather3A_1395 : vector<16xf32>
        %add3A_1412 = arith.addf %scan3A_1334, %gather3A_1396 : vector<16xf32>
        %add3A_1413 = arith.addf %scan3A_1335, %gather3A_1397 : vector<16xf32>
        %add3A_1414 = arith.addf %scan3A_1336, %gather3A_1398 : vector<16xf32>
        %add3A_1415 = arith.addf %scan3A_1337, %gather3A_1399 : vector<16xf32>
        %add3A_1416 = arith.addf %scan3A_1338, %gather3A_1400 : vector<16xf32>
        %add3A_1417 = arith.addf %scan3A_1339, %gather3A_1401 : vector<16xf32>
        %add3A_1418 = arith.addf %scan3A_1340, %gather3A_1402 : vector<16xf32>
        %add3A_1419 = arith.addf %scan3A_1341, %gather3A_1403 : vector<16xf32>
        %add3A_1420 = arith.addf %scan3A_1342, %gather3A_1404 : vector<16xf32>
        %add3A_1421 = arith.addf %scan3A_1343, %gather3A_1405 : vector<16xf32>
        %add3A_1422 = arith.addf %scan3A_1344, %gather3A_1406 : vector<16xf32>
        %add3A_1423 = arith.addf %scan3A_1345, %gather3A_1407 : vector<16xf32>
        %add3A_1424 = arith.addf %scan3A_1346, %gather3A_1408 : vector<16xf32>
        %swap3A = arith.index_cast %scan3A_1330 : i32 to index
        %swap3A_1425 = arith.constant 0 : index
        %swap3A_1426 = tpu.vector_load %arg18[%swap3A, %swap3A_1425] {strides = array<i32>} : memref<8x256xf32, #tpu.memory_space<vmem>>, vector<16xf32>,
        tpu.vector_store %arg18[%swap3A, %swap3A_1425], %add3A_1409 {strides = array<i32>} : memref<8x256xf32, #tpu.memory_space<vmem>>, vector<16xf32>,
        %swap3A_1427 = arith.index_cast %scan3A_1330 : i32 to index
        %swap3A_1428 = arith.constant 16 : index
        %swap3A_1429 = tpu.vector_load %arg18[%swap3A_1427, %swap3A_1428] {strides = array<i32>} : memref<8x256xf32, #tpu.memory_space<vmem>>, vector<16xf32>,
        tpu.vector_store %arg18[%swap3A_1427, %swap3A_1428], %add3A_1410 {strides = array<i32>} : memref<8x256xf32, #tpu.memory_space<vmem>>, vector<16xf32>,
        %swap3A_1430 = arith.index_cast %scan3A_1330 : i32 to index
        %swap3A_1431 = arith.constant 32 : index
        %swap3A_1432 = tpu.vector_load %arg18[%swap3A_1430, %swap3A_1431] {strides = array<i32>} : memref<8x256xf32, #tpu.memory_space<vmem>>, vector<16xf32>,
        tpu.vector_store %arg18[%swap3A_1430, %swap3A_1431], %add3A_1411 {strides = array<i32>} : memref<8x256xf32, #tpu.memory_space<vmem>>, vector<16xf32>,
        %swap3A_1433 = arith.index_cast %scan3A_1330 : i32 to index
        %swap3A_1434 = arith.constant 48 : index
        %swap3A_1435 = tpu.vector_load %arg18[%swap3A_1433, %swap3A_1434] {strides = array<i32>} : memref<8x256xf32, #tpu.memory_space<vmem>>, vector<16xf32>,
        tpu.vector_store %arg18[%swap3A_1433, %swap3A_1434], %add3A_1412 {strides = array<i32>} : memref<8x256xf32, #tpu.memory_space<vmem>>, vector<16xf32>,
        %swap3A_1436 = arith.index_cast %scan3A_1330 : i32 to index
        %swap3A_1437 = arith.constant 64 : index
        %swap3A_1438 = tpu.vector_load %arg18[%swap3A_1436, %swap3A_1437] {strides = array<i32>} : memref<8x256xf32, #tpu.memory_space<vmem>>, vector<16xf32>,
        tpu.vector_store %arg18[%swap3A_1436, %swap3A_1437], %add3A_1413 {strides = array<i32>} : memref<8x256xf32, #tpu.memory_space<vmem>>, vector<16xf32>,
        %swap3A_1439 = arith.index_cast %scan3A_1330 : i32 to index
        %swap3A_1440 = arith.constant 80 : index
        %swap3A_1441 = tpu.vector_load %arg18[%swap3A_1439, %swap3A_1440] {strides = array<i32>} : memref<8x256xf32, #tpu.memory_space<vmem>>, vector<16xf32>,
        tpu.vector_store %arg18[%swap3A_1439, %swap3A_1440], %add3A_1414 {strides = array<i32>} : memref<8x256xf32, #tpu.memory_space<vmem>>, vector<16xf32>,
        %swap3A_1442 = arith.index_cast %scan3A_1330 : i32 to index
        %swap3A_1443 = arith.constant 96 : index
        %swap3A_1444 = tpu.vector_load %arg18[%swap3A_1442, %swap3A_1443] {strides = array<i32>} : memref<8x256xf32, #tpu.memory_space<vmem>>, vector<16xf32>,
        tpu.vector_store %arg18[%swap3A_1442, %swap3A_1443], %add3A_1415 {strides = array<i32>} : memref<8x256xf32, #tpu.memory_space<vmem>>, vector<16xf32>,
        %swap3A_1445 = arith.index_cast %scan3A_1330 : i32 to index
        %swap3A_1446 = arith.constant 112 : index
        %swap3A_1447 = tpu.vector_load %arg18[%swap3A_1445, %swap3A_1446] {strides = array<i32>} : memref<8x256xf32, #tpu.memory_space<vmem>>, vector<16xf32>,
        tpu.vector_store %arg18[%swap3A_1445, %swap3A_1446], %add3A_1416 {strides = array<i32>} : memref<8x256xf32, #tpu.memory_space<vmem>>, vector<16xf32>,
        %swap3A_1448 = arith.index_cast %scan3A_1330 : i32 to index
        %swap3A_1449 = arith.constant 128 : index
        %swap3A_1450 = tpu.vector_load %arg18[%swap3A_1448, %swap3A_1449] {strides = array<i32>} : memref<8x256xf32, #tpu.memory_space<vmem>>, vector<16xf32>,
        tpu.vector_store %arg18[%swap3A_1448, %swap3A_1449], %add3A_1417 {strides = array<i32>} : memref<8x256xf32, #tpu.memory_space<vmem>>, vector<16xf32>,
        %swap3A_1451 = arith.index_cast %scan3A_1330 : i32 to index
        %swap3A_1452 = arith.constant 144 : index
        %swap3A_1453 = tpu.vector_load %arg18[%swap3A_1451, %swap3A_1452] {strides = array<i32>} : memref<8x256xf32, #tpu.memory_space<vmem>>, vector<16xf32>,
        tpu.vector_store %arg18[%swap3A_1451, %swap3A_1452], %add3A_1418 {strides = array<i32>} : memref<8x256xf32, #tpu.memory_space<vmem>>, vector<16xf32>,
        %swap3A_1454 = arith.index_cast %scan3A_1330 : i32 to index
        %swap3A_1455 = arith.constant 160 : index
        %swap3A_1456 = tpu.vector_load %arg18[%swap3A_1454, %swap3A_1455] {strides = array<i32>} : memref<8x256xf32, #tpu.memory_space<vmem>>, vector<16xf32>,
        tpu.vector_store %arg18[%swap3A_1454, %swap3A_1455], %add3A_1419 {strides = array<i32>} : memref<8x256xf32, #tpu.memory_space<vmem>>, vector<16xf32>,
        %swap3A_1457 = arith.index_cast %scan3A_1330 : i32 to index
        %swap3A_1458 = arith.constant 176 : index
        %swap3A_1459 = tpu.vector_load %arg18[%swap3A_1457, %swap3A_1458] {strides = array<i32>} : memref<8x256xf32, #tpu.memory_space<vmem>>, vector<16xf32>,
        tpu.vector_store %arg18[%swap3A_1457, %swap3A_1458], %add3A_1420 {strides = array<i32>} : memref<8x256xf32, #tpu.memory_space<vmem>>, vector<16xf32>,
        %swap3A_1460 = arith.index_cast %scan3A_1330 : i32 to index
        %swap3A_1461 = arith.constant 192 : index
        %swap3A_1462 = tpu.vector_load %arg18[%swap3A_1460, %swap3A_1461] {strides = array<i32>} : memref<8x256xf32, #tpu.memory_space<vmem>>, vector<16xf32>,
        tpu.vector_store %arg18[%swap3A_1460, %swap3A_1461], %add3A_1421 {strides = array<i32>} : memref<8x256xf32, #tpu.memory_space<vmem>>, vector<16xf32>,
        %swap3A_1463 = arith.index_cast %scan3A_1330 : i32 to index
        %swap3A_1464 = arith.constant 208 : index
        %swap3A_1465 = tpu.vector_load %arg18[%swap3A_1463, %swap3A_1464] {strides = array<i32>} : memref<8x256xf32, #tpu.memory_space<vmem>>, vector<16xf32>,
        tpu.vector_store %arg18[%swap3A_1463, %swap3A_1464], %add3A_1422 {strides = array<i32>} : memref<8x256xf32, #tpu.memory_space<vmem>>, vector<16xf32>,
        %swap3A_1466 = arith.index_cast %scan3A_1330 : i32 to index
        %swap3A_1467 = arith.constant 224 : index
        %swap3A_1468 = tpu.vector_load %arg18[%swap3A_1466, %swap3A_1467] {strides = array<i32>} : memref<8x256xf32, #tpu.memory_space<vmem>>, vector<16xf32>,
        tpu.vector_store %arg18[%swap3A_1466, %swap3A_1467], %add3A_1423 {strides = array<i32>} : memref<8x256xf32, #tpu.memory_space<vmem>>, vector<16xf32>,
        %swap3A_1469 = arith.index_cast %scan3A_1330 : i32 to index
        %swap3A_1470 = arith.constant 240 : index
        %swap3A_1471 = tpu.vector_load %arg18[%swap3A_1469, %swap3A_1470] {strides = array<i32>} : memref<8x256xf32, #tpu.memory_space<vmem>>, vector<16xf32>,
        tpu.vector_store %arg18[%swap3A_1469, %swap3A_1470], %add3A_1424 {strides = array<i32>} : memref<8x256xf32, #tpu.memory_space<vmem>>, vector<16xf32>,
        scf.yield %add3A_1409, %add3A_1410, %add3A_1411, %add3A_1412, %add3A_1413, %add3A_1414, %add3A_1415, %add3A_1416, %add3A_1417, %add3A_1418, %add3A_1419, %add3A_1420, %add3A_1421, %add3A_1422, %add3A_1423, %add3A_1424 : vector<16xf32>, vector<16xf32>, vector<16xf32>, vector<16xf32>, vector<16xf32>, vector<16xf32>, vector<16xf32>, vector<16xf32>, vector<16xf32>, vector<16xf32>, vector<16xf32>, vector<16xf32>, vector<16xf32>, vector<16xf32>, vector<16xf32>, vector<16xf32>
      }
      %scan3A_740 = arith.constant 8 : i32
      %jit3A_741 = arith.constant 25 : i32
      %div3A_742 = arith.divsi %add3A_648, %jit3A_741 : i32
      %sign3A_743 = arith.constant 0 : i32
      %sign3A_744 = arith.cmpi sgt, %add3A_648, %sign3A_743 : i32
      %sign3A_745 = arith.extui %sign3A_744 : i1 to i32
      %sign3A_746 = arith.constant 0 : i32
      %sign3A_747 = arith.cmpi slt, %add3A_648, %sign3A_746 : i32
      %sign3A_748 = arith.extui %sign3A_747 : i1 to i32
      %sign3A_749 = arith.subi %sign3A_745, %sign3A_748 : i32
      %sign3A_750 = arith.constant 0 : i32
      %sign3A_751 = arith.cmpi sgt, %jit3A_741, %sign3A_750 : i32
      %sign3A_752 = arith.extui %sign3A_751 : i1 to i32
      %sign3A_753 = arith.constant 0 : i32
      %sign3A_754 = arith.cmpi slt, %jit3A_741, %sign3A_753 : i32
      %sign3A_755 = arith.extui %sign3A_754 : i1 to i32
      %sign3A_756 = arith.subi %sign3A_752, %sign3A_755 : i32
      %ne3A_757 = arith.cmpi ne, %sign3A_749, %sign3A_756 : i32
      %rem3A_758 = arith.remsi %add3A_648, %jit3A_741 : i32
      %ne3A_759 = arith.constant 0 : i32
      %ne3A_760 = arith.cmpi ne, %rem3A_758, %ne3A_759 : i32
      %and3A_761 = arith.andi %ne3A_757, %ne3A_760 : i1
      %sub3A_762 = arith.constant 1 : i32
      %sub3A_763 = arith.subi %div3A_742, %sub3A_762 : i32
      %select_n3A_764 = arith.select %and3A_761, %sub3A_763, %div3A_742 : i32
      %mul3A_765 = arith.constant 25 : i32
      %mul3A_766 = arith.muli %select_n3A_764, %mul3A_765 : i32
      %sub3A_767 = arith.subi %add3A_648, %mul3A_766 : i32
      %mul3A_768 = arith.constant 8 : i32
      %mul3A_769 = arith.muli %sub3A_767, %mul3A_768 : i32
      %mul3A_770 = arith.constant 256 : i32
      %mul3A_771 = arith.muli %select_n3A_764, %mul3A_770 : i32
      %add3A_772 = arith.addi %mul3A_2, %mul3A_771 : i32
      %dma_start3A_773 = tpu.memref_slice %arg4[%mul3A_769, %add3A_772] : memref<200x16384xf32, #tpu.memory_space<hbm>> -> memref<8x256xf32, #tpu.memory_space<hbm>>
      %dma_start3A_774 = tpu.memref_slice %arg4[%mul3A_769, %add3A_772] : memref<200x16384xf32, #tpu.memory_space<hbm>> -> memref<8x256xf32, #tpu.memory_space<hbm>>
      tpu.enqueue_dma source(%arg18 : memref<8x256xf32, #tpu.memory_space<vmem>>) target(%dma_start3A_774 : memref<8x256xf32, #tpu.memory_space<hbm>>) target_semaphore(%arg30 : memref<!tpu.dma_semaphore, #tpu.memory_space<semaphore_mem>>)
      %add3A_775 = arith.constant 8 : i32
      %add3A_776 = arith.addi %add3A_648, %add3A_775 : i32
      %lt3A_777 = arith.constant 50 : i32
      %lt3A_778 = arith.cmpi slt, %add3A_776, %lt3A_777 : i32
      %convert_element_type3A_779 = arith.extui %lt3A_778 : i1 to i32
      %cond3A_780 = arith.constant 0 : i32
      %cond3A_781 = arith.cmpi ne, %convert_element_type3A_779, %cond3A_780 : i32
      scf.if %cond3A_781 {
        %add3A_1330 = arith.constant 8 : i32
        %add3A_1331 = arith.addi %add3A_648, %add3A_1330 : i32
        %jit3A_1332 = arith.constant 25 : i32
        %div3A_1333 = arith.divsi %add3A_1331, %jit3A_1332 : i32
        %sign3A_1334 = arith.constant 0 : i32
        %sign3A_1335 = arith.cmpi sgt, %add3A_1331, %sign3A_1334 : i32
        %sign3A_1336 = arith.extui %sign3A_1335 : i1 to i32
        %sign3A_1337 = arith.constant 0 : i32
        %sign3A_1338 = arith.cmpi slt, %add3A_1331, %sign3A_1337 : i32
        %sign3A_1339 = arith.extui %sign3A_1338 : i1 to i32
        %sign3A_1340 = arith.subi %sign3A_1336, %sign3A_1339 : i32
        %sign3A_1341 = arith.constant 0 : i32
        %sign3A_1342 = arith.cmpi sgt, %jit3A_1332, %sign3A_1341 : i32
        %sign3A_1343 = arith.extui %sign3A_1342 : i1 to i32
        %sign3A_1344 = arith.constant 0 : i32
        %sign3A_1345 = arith.cmpi slt, %jit3A_1332, %sign3A_1344 : i32
        %sign3A_1346 = arith.extui %sign3A_1345 : i1 to i32
        %sign3A_1347 = arith.subi %sign3A_1343, %sign3A_1346 : i32
        %ne3A_1348 = arith.cmpi ne, %sign3A_1340, %sign3A_1347 : i32
        %rem3A_1349 = arith.remsi %add3A_1331, %jit3A_1332 : i32
        %ne3A_1350 = arith.constant 0 : i32
        %ne3A_1351 = arith.cmpi ne, %rem3A_1349, %ne3A_1350 : i32
        %and3A_1352 = arith.andi %ne3A_1348, %ne3A_1351 : i1
        %sub3A_1353 = arith.constant 1 : i32
        %sub3A_1354 = arith.subi %div3A_1333, %sub3A_1353 : i32
        %select_n3A_1355 = arith.select %and3A_1352, %sub3A_1354, %div3A_1333 : i32
        %mul3A_1356 = arith.constant 25 : i32
        %mul3A_1357 = arith.muli %select_n3A_1355, %mul3A_1356 : i32
        %sub3A_1358 = arith.subi %add3A_1331, %mul3A_1357 : i32
        %mul3A_1359 = arith.constant 8 : i32
        %mul3A_1360 = arith.muli %sub3A_1358, %mul3A_1359 : i32
        %mul3A_1361 = arith.constant 256 : i32
        %mul3A_1362 = arith.muli %select_n3A_1355, %mul3A_1361 : i32
        %add3A_1363 = arith.addi %mul3A_2, %mul3A_1362 : i32
        %dma_start3A_1364 = tpu.memref_slice %arg2[%mul3A_1360, %add3A_1363] : memref<200x16384xi32, #tpu.memory_space<hbm>> -> memref<8x256xi32, #tpu.memory_space<hbm>>
        %dma_start3A_1365 = tpu.memref_slice %arg2[%mul3A_1360, %add3A_1363] : memref<200x16384xi32, #tpu.memory_space<hbm>> -> memref<8x256xi32, #tpu.memory_space<hbm>>
        tpu.enqueue_dma source(%dma_start3A_1365 : memref<8x256xi32, #tpu.memory_space<hbm>>) target(%arg10 : memref<8x256xi32, #tpu.memory_space<vmem>>) target_semaphore(%arg22 : memref<!tpu.dma_semaphore, #tpu.memory_space<semaphore_mem>>)
      } else {
      }
      %mul3A_782 = arith.constant 8 : i32
      %mul3A_783 = arith.muli %mul3A_782, %scan3A_225 : i32
      %add3A_784 = arith.constant 4 : i32
      %add3A_785 = arith.addi %mul3A_783, %add3A_784 : i32
      %jit3A_786 = arith.constant 25 : i32
      %div3A_787 = arith.divsi %add3A_785, %jit3A_786 : i32
      %sign3A_788 = arith.constant 0 : i32
      %sign3A_789 = arith.cmpi sgt, %add3A_785, %sign3A_788 : i32
      %sign3A_790 = arith.extui %sign3A_789 : i1 to i32
      %sign3A_791 = arith.constant 0 : i32
      %sign3A_792 = arith.cmpi slt, %add3A_785, %sign3A_791 : i32
      %sign3A_793 = arith.extui %sign3A_792 : i1 to i32
      %sign3A_794 = arith.subi %sign3A_790, %sign3A_793 : i32
      %sign3A_795 = arith.constant 0 : i32
      %sign3A_796 = arith.cmpi sgt, %jit3A_786, %sign3A_795 : i32
      %sign3A_797 = arith.extui %sign3A_796 : i1 to i32
      %sign3A_798 = arith.constant 0 : i32
      %sign3A_799 = arith.cmpi slt, %jit3A_786, %sign3A_798 : i32
      %sign3A_800 = arith.extui %sign3A_799 : i1 to i32
      %sign3A_801 = arith.subi %sign3A_797, %sign3A_800 : i32
      %ne3A_802 = arith.cmpi ne, %sign3A_794, %sign3A_801 : i32
      %rem3A_803 = arith.remsi %add3A_785, %jit3A_786 : i32
      %ne3A_804 = arith.constant 0 : i32
      %ne3A_805 = arith.cmpi ne, %rem3A_803, %ne3A_804 : i32
      %and3A_806 = arith.andi %ne3A_802, %ne3A_805 : i1
      %sub3A_807 = arith.constant 1 : i32
      %sub3A_808 = arith.subi %div3A_787, %sub3A_807 : i32
      %select_n3A_809 = arith.select %and3A_806, %sub3A_808, %div3A_787 : i32
      %mul3A_810 = arith.constant 25 : i32
      %mul3A_811 = arith.muli %select_n3A_809, %mul3A_810 : i32
      %sub3A_812 = arith.subi %add3A_785, %mul3A_811 : i32
      %mul3A_813 = arith.constant 8 : i32
      %mul3A_814 = arith.muli %sub3A_812, %mul3A_813 : i32
      %mul3A_815 = arith.constant 256 : i32
      %mul3A_816 = arith.muli %select_n3A_809, %mul3A_815 : i32
      %add3A_817 = arith.addi %mul3A_2, %mul3A_816 : i32
      %dma_wait3A_818 = tpu.memref_slice %arg2[%mul3A_814, %add3A_817] : memref<200x16384xi32, #tpu.memory_space<hbm>> -> memref<8x256xi32, #tpu.memory_space<hbm>>
      %dma_wait3A_819 = tpu.memref_slice %arg2[%mul3A_814, %add3A_817] : memref<200x16384xi32, #tpu.memory_space<hbm>> -> memref<8x256xi32, #tpu.memory_space<hbm>>
      tpu.wait_dma2 semaphore(%arg23 : memref<!tpu.dma_semaphore, #tpu.memory_space<semaphore_mem>>) src(%dma_wait3A_819 : memref<8x256xi32, #tpu.memory_space<hbm>>) dst(%arg11 : memref<8x256xi32, #tpu.memory_space<vmem>>)
      %ge3A_820 = arith.constant 4 : i32
      %ge3A_821 = arith.cmpi sge, %add3A_785, %ge3A_820 : i32
      %convert_element_type3A_822 = arith.extui %ge3A_821 : i1 to i32
      %cond3A_823 = arith.constant 0 : i32
      %cond3A_824 = arith.cmpi ne, %convert_element_type3A_822, %cond3A_823 : i32
      scf.if %cond3A_824 {
        %sub3A_1330 = arith.constant 4 : i32
        %sub3A_1331 = arith.subi %add3A_785, %sub3A_1330 : i32
        %jit3A_1332 = arith.constant 25 : i32
        %div3A_1333 = arith.divsi %sub3A_1331, %jit3A_1332 : i32
        %sign3A_1334 = arith.constant 0 : i32
        %sign3A_1335 = arith.cmpi sgt, %sub3A_1331, %sign3A_1334 : i32
        %sign3A_1336 = arith.extui %sign3A_1335 : i1 to i32
        %sign3A_1337 = arith.constant 0 : i32
        %sign3A_1338 = arith.cmpi slt, %sub3A_1331, %sign3A_1337 : i32
        %sign3A_1339 = arith.extui %sign3A_1338 : i1 to i32
        %sign3A_1340 = arith.subi %sign3A_1336, %sign3A_1339 : i32
        %sign3A_1341 = arith.constant 0 : i32
        %sign3A_1342 = arith.cmpi sgt, %jit3A_1332, %sign3A_1341 : i32
        %sign3A_1343 = arith.extui %sign3A_1342 : i1 to i32
        %sign3A_1344 = arith.constant 0 : i32
        %sign3A_1345 = arith.cmpi slt, %jit3A_1332, %sign3A_1344 : i32
        %sign3A_1346 = arith.extui %sign3A_1345 : i1 to i32
        %sign3A_1347 = arith.subi %sign3A_1343, %sign3A_1346 : i32
        %ne3A_1348 = arith.cmpi ne, %sign3A_1340, %sign3A_1347 : i32
        %rem3A_1349 = arith.remsi %sub3A_1331, %jit3A_1332 : i32
        %ne3A_1350 = arith.constant 0 : i32
        %ne3A_1351 = arith.cmpi ne, %rem3A_1349, %ne3A_1350 : i32
        %and3A_1352 = arith.andi %ne3A_1348, %ne3A_1351 : i1
        %sub3A_1353 = arith.constant 1 : i32
        %sub3A_1354 = arith.subi %div3A_1333, %sub3A_1353 : i32
        %select_n3A_1355 = arith.select %and3A_1352, %sub3A_1354, %div3A_1333 : i32
        %mul3A_1356 = arith.constant 25 : i32
        %mul3A_1357 = arith.muli %select_n3A_1355, %mul3A_1356 : i32
        %sub3A_1358 = arith.subi %sub3A_1331, %mul3A_1357 : i32
        %mul3A_1359 = arith.constant 8 : i32
        %mul3A_1360 = arith.muli %sub3A_1358, %mul3A_1359 : i32
        %mul3A_1361 = arith.constant 256 : i32
        %mul3A_1362 = arith.muli %select_n3A_1355, %mul3A_1361 : i32
        %add3A_1363 = arith.addi %mul3A_2, %mul3A_1362 : i32
        %dma_wait3A_1364 = tpu.memref_slice %arg4[%mul3A_1360, %add3A_1363] : memref<200x16384xf32, #tpu.memory_space<hbm>> -> memref<8x256xf32, #tpu.memory_space<hbm>>
        %dma_wait3A_1365 = tpu.memref_slice %arg4[%mul3A_1360, %add3A_1363] : memref<200x16384xf32, #tpu.memory_space<hbm>> -> memref<8x256xf32, #tpu.memory_space<hbm>>
        tpu.wait_dma2 semaphore(%arg27 : memref<!tpu.dma_semaphore, #tpu.memory_space<semaphore_mem>>) src(%arg15 : memref<8x256xf32, #tpu.memory_space<vmem>>) dst(%dma_wait3A_1365 : memref<8x256xf32, #tpu.memory_space<hbm>>)
      } else {
      }
      %jit3A_825 = arith.constant 25 : i32
      %div3A_826 = arith.divsi %add3A_785, %jit3A_825 : i32
      %sign3A_827 = arith.constant 0 : i32
      %sign3A_828 = arith.cmpi sgt, %add3A_785, %sign3A_827 : i32
      %sign3A_829 = arith.extui %sign3A_828 : i1 to i32
      %sign3A_830 = arith.constant 0 : i32
      %sign3A_831 = arith.cmpi slt, %add3A_785, %sign3A_830 : i32
      %sign3A_832 = arith.extui %sign3A_831 : i1 to i32
      %sign3A_833 = arith.subi %sign3A_829, %sign3A_832 : i32
      %sign3A_834 = arith.constant 0 : i32
      %sign3A_835 = arith.cmpi sgt, %jit3A_825, %sign3A_834 : i32
      %sign3A_836 = arith.extui %sign3A_835 : i1 to i32
      %sign3A_837 = arith.constant 0 : i32
      %sign3A_838 = arith.cmpi slt, %jit3A_825, %sign3A_837 : i32
      %sign3A_839 = arith.extui %sign3A_838 : i1 to i32
      %sign3A_840 = arith.subi %sign3A_836, %sign3A_839 : i32
      %ne3A_841 = arith.cmpi ne, %sign3A_833, %sign3A_840 : i32
      %rem3A_842 = arith.remsi %add3A_785, %jit3A_825 : i32
      %ne3A_843 = arith.constant 0 : i32
      %ne3A_844 = arith.cmpi ne, %rem3A_842, %ne3A_843 : i32
      %and3A_845 = arith.andi %ne3A_841, %ne3A_844 : i1
      %sub3A_846 = arith.constant 1 : i32
      %sub3A_847 = arith.subi %div3A_826, %sub3A_846 : i32
      %select_n3A_848 = arith.select %and3A_845, %sub3A_847, %div3A_826 : i32
      %mul3A_849 = arith.constant 25 : i32
      %mul3A_850 = arith.muli %select_n3A_848, %mul3A_849 : i32
      %sub3A_851 = arith.subi %add3A_785, %mul3A_850 : i32
      %eq3A_852 = arith.constant 0 : i32
      %eq3A_853 = arith.cmpi eq, %sub3A_851, %eq3A_852 : i32
      %broadcast_in_dim3A_854 = arith.constant 0.000000e+00 : f32
      %broadcast_in_dim3A_855 = vector.broadcast %broadcast_in_dim3A_854 : f32 to vector<16xf32>
      %select_n3A_856 = arith.select %eq3A_853, %broadcast_in_dim3A_855, %scan3A_739#0 : vector<16xf32>
      %select_n3A_857 = arith.select %eq3A_853, %broadcast_in_dim3A_855, %scan3A_739#1 : vector<16xf32>
      %select_n3A_858 = arith.select %eq3A_853, %broadcast_in_dim3A_855, %scan3A_739#2 : vector<16xf32>
      %select_n3A_859 = arith.select %eq3A_853, %broadcast_in_dim3A_855, %scan3A_739#3 : vector<16xf32>
      %select_n3A_860 = arith.select %eq3A_853, %broadcast_in_dim3A_855, %scan3A_739#4 : vector<16xf32>
      %select_n3A_861 = arith.select %eq3A_853, %broadcast_in_dim3A_855, %scan3A_739#5 : vector<16xf32>
      %select_n3A_862 = arith.select %eq3A_853, %broadcast_in_dim3A_855, %scan3A_739#6 : vector<16xf32>
      %select_n3A_863 = arith.select %eq3A_853, %broadcast_in_dim3A_855, %scan3A_739#7 : vector<16xf32>
      %select_n3A_864 = arith.select %eq3A_853, %broadcast_in_dim3A_855, %scan3A_739#8 : vector<16xf32>
      %select_n3A_865 = arith.select %eq3A_853, %broadcast_in_dim3A_855, %scan3A_739#9 : vector<16xf32>
      %select_n3A_866 = arith.select %eq3A_853, %broadcast_in_dim3A_855, %scan3A_739#10 : vector<16xf32>
      %select_n3A_867 = arith.select %eq3A_853, %broadcast_in_dim3A_855, %scan3A_739#11 : vector<16xf32>
      %select_n3A_868 = arith.select %eq3A_853, %broadcast_in_dim3A_855, %scan3A_739#12 : vector<16xf32>
      %select_n3A_869 = arith.select %eq3A_853, %broadcast_in_dim3A_855, %scan3A_739#13 : vector<16xf32>
      %select_n3A_870 = arith.select %eq3A_853, %broadcast_in_dim3A_855, %scan3A_739#14 : vector<16xf32>
      %select_n3A_871 = arith.select %eq3A_853, %broadcast_in_dim3A_855, %scan3A_739#15 : vector<16xf32>
      %scan3A_872 = arith.constant 0 : i32
      %scan3A_873 = arith.constant 8 : i32
      %scan3A_874 = arith.addi %scan3A_872, %scan3A_873 : i32
      %scan3A_875 = arith.constant 1 : i32
      %scan3A_876:16 = scf.for %scan3A_1330 = %scan3A_872 to %scan3A_874 step %scan3A_875 iter_args(%scan3A_1331 = %select_n3A_856, %scan3A_1332 = %select_n3A_857, %scan3A_1333 = %select_n3A_858, %scan3A_1334 = %select_n3A_859, %scan3A_1335 = %select_n3A_860, %scan3A_1336 = %select_n3A_861, %scan3A_1337 = %select_n3A_862, %scan3A_1338 = %select_n3A_863, %scan3A_1339 = %select_n3A_864, %scan3A_1340 = %select_n3A_865, %scan3A_1341 = %select_n3A_866, %scan3A_1342 = %select_n3A_867, %scan3A_1343 = %select_n3A_868, %scan3A_1344 = %select_n3A_869, %scan3A_1345 = %select_n3A_870, %scan3A_1346 = %select_n3A_871) -> (vector<16xf32>, vector<16xf32>, vector<16xf32>, vector<16xf32>, vector<16xf32>, vector<16xf32>, vector<16xf32>, vector<16xf32>, vector<16xf32>, vector<16xf32>, vector<16xf32>, vector<16xf32>, vector<16xf32>, vector<16xf32>, vector<16xf32>, vector<16xf32>)  : i32 {
        %get3A = arith.index_cast %scan3A_1330 : i32 to index
        %get3A_1347 = arith.constant 0 : index
        %get3A_1348 = tpu.vector_load %arg11[%get3A, %get3A_1347] {strides = array<i32>} : memref<8x256xi32, #tpu.memory_space<vmem>>, vector<16xi32>,
        %get3A_1349 = arith.index_cast %scan3A_1330 : i32 to index
        %get3A_1350 = arith.constant 16 : index
        %get3A_1351 = tpu.vector_load %arg11[%get3A_1349, %get3A_1350] {strides = array<i32>} : memref<8x256xi32, #tpu.memory_space<vmem>>, vector<16xi32>,
        %get3A_1352 = arith.index_cast %scan3A_1330 : i32 to index
        %get3A_1353 = arith.constant 32 : index
        %get3A_1354 = tpu.vector_load %arg11[%get3A_1352, %get3A_1353] {strides = array<i32>} : memref<8x256xi32, #tpu.memory_space<vmem>>, vector<16xi32>,
        %get3A_1355 = arith.index_cast %scan3A_1330 : i32 to index
        %get3A_1356 = arith.constant 48 : index
        %get3A_1357 = tpu.vector_load %arg11[%get3A_1355, %get3A_1356] {strides = array<i32>} : memref<8x256xi32, #tpu.memory_space<vmem>>, vector<16xi32>,
        %get3A_1358 = arith.index_cast %scan3A_1330 : i32 to index
        %get3A_1359 = arith.constant 64 : index
        %get3A_1360 = tpu.vector_load %arg11[%get3A_1358, %get3A_1359] {strides = array<i32>} : memref<8x256xi32, #tpu.memory_space<vmem>>, vector<16xi32>,
        %get3A_1361 = arith.index_cast %scan3A_1330 : i32 to index
        %get3A_1362 = arith.constant 80 : index
        %get3A_1363 = tpu.vector_load %arg11[%get3A_1361, %get3A_1362] {strides = array<i32>} : memref<8x256xi32, #tpu.memory_space<vmem>>, vector<16xi32>,
        %get3A_1364 = arith.index_cast %scan3A_1330 : i32 to index
        %get3A_1365 = arith.constant 96 : index
        %get3A_1366 = tpu.vector_load %arg11[%get3A_1364, %get3A_1365] {strides = array<i32>} : memref<8x256xi32, #tpu.memory_space<vmem>>, vector<16xi32>,
        %get3A_1367 = arith.index_cast %scan3A_1330 : i32 to index
        %get3A_1368 = arith.constant 112 : index
        %get3A_1369 = tpu.vector_load %arg11[%get3A_1367, %get3A_1368] {strides = array<i32>} : memref<8x256xi32, #tpu.memory_space<vmem>>, vector<16xi32>,
        %get3A_1370 = arith.index_cast %scan3A_1330 : i32 to index
        %get3A_1371 = arith.constant 128 : index
        %get3A_1372 = tpu.vector_load %arg11[%get3A_1370, %get3A_1371] {strides = array<i32>} : memref<8x256xi32, #tpu.memory_space<vmem>>, vector<16xi32>,
        %get3A_1373 = arith.index_cast %scan3A_1330 : i32 to index
        %get3A_1374 = arith.constant 144 : index
        %get3A_1375 = tpu.vector_load %arg11[%get3A_1373, %get3A_1374] {strides = array<i32>} : memref<8x256xi32, #tpu.memory_space<vmem>>, vector<16xi32>,
        %get3A_1376 = arith.index_cast %scan3A_1330 : i32 to index
        %get3A_1377 = arith.constant 160 : index
        %get3A_1378 = tpu.vector_load %arg11[%get3A_1376, %get3A_1377] {strides = array<i32>} : memref<8x256xi32, #tpu.memory_space<vmem>>, vector<16xi32>,
        %get3A_1379 = arith.index_cast %scan3A_1330 : i32 to index
        %get3A_1380 = arith.constant 176 : index
        %get3A_1381 = tpu.vector_load %arg11[%get3A_1379, %get3A_1380] {strides = array<i32>} : memref<8x256xi32, #tpu.memory_space<vmem>>, vector<16xi32>,
        %get3A_1382 = arith.index_cast %scan3A_1330 : i32 to index
        %get3A_1383 = arith.constant 192 : index
        %get3A_1384 = tpu.vector_load %arg11[%get3A_1382, %get3A_1383] {strides = array<i32>} : memref<8x256xi32, #tpu.memory_space<vmem>>, vector<16xi32>,
        %get3A_1385 = arith.index_cast %scan3A_1330 : i32 to index
        %get3A_1386 = arith.constant 208 : index
        %get3A_1387 = tpu.vector_load %arg11[%get3A_1385, %get3A_1386] {strides = array<i32>} : memref<8x256xi32, #tpu.memory_space<vmem>>, vector<16xi32>,
        %get3A_1388 = arith.index_cast %scan3A_1330 : i32 to index
        %get3A_1389 = arith.constant 224 : index
        %get3A_1390 = tpu.vector_load %arg11[%get3A_1388, %get3A_1389] {strides = array<i32>} : memref<8x256xi32, #tpu.memory_space<vmem>>, vector<16xi32>,
        %get3A_1391 = arith.index_cast %scan3A_1330 : i32 to index
        %get3A_1392 = arith.constant 240 : index
        %get3A_1393 = tpu.vector_load %arg11[%get3A_1391, %get3A_1392] {strides = array<i32>} : memref<8x256xi32, #tpu.memory_space<vmem>>, vector<16xi32>,
        %gather3A = tpu.vector_load_idx %arg6[%get3A_1348] : memref<100000xf32, #tpu.memory_space<vmem>>[vector<16xi32>], vector<16xf32>,
        %gather3A_1394 = tpu.vector_load_idx %arg6[%get3A_1351] : memref<100000xf32, #tpu.memory_space<vmem>>[vector<16xi32>], vector<16xf32>,
        %gather3A_1395 = tpu.vector_load_idx %arg6[%get3A_1354] : memref<100000xf32, #tpu.memory_space<vmem>>[vector<16xi32>], vector<16xf32>,
        %gather3A_1396 = tpu.vector_load_idx %arg6[%get3A_1357] : memref<100000xf32, #tpu.memory_space<vmem>>[vector<16xi32>], vector<16xf32>,
        %gather3A_1397 = tpu.vector_load_idx %arg6[%get3A_1360] : memref<100000xf32, #tpu.memory_space<vmem>>[vector<16xi32>], vector<16xf32>,
        %gather3A_1398 = tpu.vector_load_idx %arg6[%get3A_1363] : memref<100000xf32, #tpu.memory_space<vmem>>[vector<16xi32>], vector<16xf32>,
        %gather3A_1399 = tpu.vector_load_idx %arg6[%get3A_1366] : memref<100000xf32, #tpu.memory_space<vmem>>[vector<16xi32>], vector<16xf32>,
        %gather3A_1400 = tpu.vector_load_idx %arg6[%get3A_1369] : memref<100000xf32, #tpu.memory_space<vmem>>[vector<16xi32>], vector<16xf32>,
        %gather3A_1401 = tpu.vector_load_idx %arg6[%get3A_1372] : memref<100000xf32, #tpu.memory_space<vmem>>[vector<16xi32>], vector<16xf32>,
        %gather3A_1402 = tpu.vector_load_idx %arg6[%get3A_1375] : memref<100000xf32, #tpu.memory_space<vmem>>[vector<16xi32>], vector<16xf32>,
        %gather3A_1403 = tpu.vector_load_idx %arg6[%get3A_1378] : memref<100000xf32, #tpu.memory_space<vmem>>[vector<16xi32>], vector<16xf32>,
        %gather3A_1404 = tpu.vector_load_idx %arg6[%get3A_1381] : memref<100000xf32, #tpu.memory_space<vmem>>[vector<16xi32>], vector<16xf32>,
        %gather3A_1405 = tpu.vector_load_idx %arg6[%get3A_1384] : memref<100000xf32, #tpu.memory_space<vmem>>[vector<16xi32>], vector<16xf32>,
        %gather3A_1406 = tpu.vector_load_idx %arg6[%get3A_1387] : memref<100000xf32, #tpu.memory_space<vmem>>[vector<16xi32>], vector<16xf32>,
        %gather3A_1407 = tpu.vector_load_idx %arg6[%get3A_1390] : memref<100000xf32, #tpu.memory_space<vmem>>[vector<16xi32>], vector<16xf32>,
        %gather3A_1408 = tpu.vector_load_idx %arg6[%get3A_1393] : memref<100000xf32, #tpu.memory_space<vmem>>[vector<16xi32>], vector<16xf32>,
        %add3A_1409 = arith.addf %scan3A_1331, %gather3A : vector<16xf32>
        %add3A_1410 = arith.addf %scan3A_1332, %gather3A_1394 : vector<16xf32>
        %add3A_1411 = arith.addf %scan3A_1333, %gather3A_1395 : vector<16xf32>
        %add3A_1412 = arith.addf %scan3A_1334, %gather3A_1396 : vector<16xf32>
        %add3A_1413 = arith.addf %scan3A_1335, %gather3A_1397 : vector<16xf32>
        %add3A_1414 = arith.addf %scan3A_1336, %gather3A_1398 : vector<16xf32>
        %add3A_1415 = arith.addf %scan3A_1337, %gather3A_1399 : vector<16xf32>
        %add3A_1416 = arith.addf %scan3A_1338, %gather3A_1400 : vector<16xf32>
        %add3A_1417 = arith.addf %scan3A_1339, %gather3A_1401 : vector<16xf32>
        %add3A_1418 = arith.addf %scan3A_1340, %gather3A_1402 : vector<16xf32>
        %add3A_1419 = arith.addf %scan3A_1341, %gather3A_1403 : vector<16xf32>
        %add3A_1420 = arith.addf %scan3A_1342, %gather3A_1404 : vector<16xf32>
        %add3A_1421 = arith.addf %scan3A_1343, %gather3A_1405 : vector<16xf32>
        %add3A_1422 = arith.addf %scan3A_1344, %gather3A_1406 : vector<16xf32>
        %add3A_1423 = arith.addf %scan3A_1345, %gather3A_1407 : vector<16xf32>
        %add3A_1424 = arith.addf %scan3A_1346, %gather3A_1408 : vector<16xf32>
        %swap3A = arith.index_cast %scan3A_1330 : i32 to index
        %swap3A_1425 = arith.constant 0 : index
        %swap3A_1426 = tpu.vector_load %arg15[%swap3A, %swap3A_1425] {strides = array<i32>} : memref<8x256xf32, #tpu.memory_space<vmem>>, vector<16xf32>,
        tpu.vector_store %arg15[%swap3A, %swap3A_1425], %add3A_1409 {strides = array<i32>} : memref<8x256xf32, #tpu.memory_space<vmem>>, vector<16xf32>,
        %swap3A_1427 = arith.index_cast %scan3A_1330 : i32 to index
        %swap3A_1428 = arith.constant 16 : index
        %swap3A_1429 = tpu.vector_load %arg15[%swap3A_1427, %swap3A_1428] {strides = array<i32>} : memref<8x256xf32, #tpu.memory_space<vmem>>, vector<16xf32>,
        tpu.vector_store %arg15[%swap3A_1427, %swap3A_1428], %add3A_1410 {strides = array<i32>} : memref<8x256xf32, #tpu.memory_space<vmem>>, vector<16xf32>,
        %swap3A_1430 = arith.index_cast %scan3A_1330 : i32 to index
        %swap3A_1431 = arith.constant 32 : index
        %swap3A_1432 = tpu.vector_load %arg15[%swap3A_1430, %swap3A_1431] {strides = array<i32>} : memref<8x256xf32, #tpu.memory_space<vmem>>, vector<16xf32>,
        tpu.vector_store %arg15[%swap3A_1430, %swap3A_1431], %add3A_1411 {strides = array<i32>} : memref<8x256xf32, #tpu.memory_space<vmem>>, vector<16xf32>,
        %swap3A_1433 = arith.index_cast %scan3A_1330 : i32 to index
        %swap3A_1434 = arith.constant 48 : index
        %swap3A_1435 = tpu.vector_load %arg15[%swap3A_1433, %swap3A_1434] {strides = array<i32>} : memref<8x256xf32, #tpu.memory_space<vmem>>, vector<16xf32>,
        tpu.vector_store %arg15[%swap3A_1433, %swap3A_1434], %add3A_1412 {strides = array<i32>} : memref<8x256xf32, #tpu.memory_space<vmem>>, vector<16xf32>,
        %swap3A_1436 = arith.index_cast %scan3A_1330 : i32 to index
        %swap3A_1437 = arith.constant 64 : index
        %swap3A_1438 = tpu.vector_load %arg15[%swap3A_1436, %swap3A_1437] {strides = array<i32>} : memref<8x256xf32, #tpu.memory_space<vmem>>, vector<16xf32>,
        tpu.vector_store %arg15[%swap3A_1436, %swap3A_1437], %add3A_1413 {strides = array<i32>} : memref<8x256xf32, #tpu.memory_space<vmem>>, vector<16xf32>,
        %swap3A_1439 = arith.index_cast %scan3A_1330 : i32 to index
        %swap3A_1440 = arith.constant 80 : index
        %swap3A_1441 = tpu.vector_load %arg15[%swap3A_1439, %swap3A_1440] {strides = array<i32>} : memref<8x256xf32, #tpu.memory_space<vmem>>, vector<16xf32>,
        tpu.vector_store %arg15[%swap3A_1439, %swap3A_1440], %add3A_1414 {strides = array<i32>} : memref<8x256xf32, #tpu.memory_space<vmem>>, vector<16xf32>,
        %swap3A_1442 = arith.index_cast %scan3A_1330 : i32 to index
        %swap3A_1443 = arith.constant 96 : index
        %swap3A_1444 = tpu.vector_load %arg15[%swap3A_1442, %swap3A_1443] {strides = array<i32>} : memref<8x256xf32, #tpu.memory_space<vmem>>, vector<16xf32>,
        tpu.vector_store %arg15[%swap3A_1442, %swap3A_1443], %add3A_1415 {strides = array<i32>} : memref<8x256xf32, #tpu.memory_space<vmem>>, vector<16xf32>,
        %swap3A_1445 = arith.index_cast %scan3A_1330 : i32 to index
        %swap3A_1446 = arith.constant 112 : index
        %swap3A_1447 = tpu.vector_load %arg15[%swap3A_1445, %swap3A_1446] {strides = array<i32>} : memref<8x256xf32, #tpu.memory_space<vmem>>, vector<16xf32>,
        tpu.vector_store %arg15[%swap3A_1445, %swap3A_1446], %add3A_1416 {strides = array<i32>} : memref<8x256xf32, #tpu.memory_space<vmem>>, vector<16xf32>,
        %swap3A_1448 = arith.index_cast %scan3A_1330 : i32 to index
        %swap3A_1449 = arith.constant 128 : index
        %swap3A_1450 = tpu.vector_load %arg15[%swap3A_1448, %swap3A_1449] {strides = array<i32>} : memref<8x256xf32, #tpu.memory_space<vmem>>, vector<16xf32>,
        tpu.vector_store %arg15[%swap3A_1448, %swap3A_1449], %add3A_1417 {strides = array<i32>} : memref<8x256xf32, #tpu.memory_space<vmem>>, vector<16xf32>,
        %swap3A_1451 = arith.index_cast %scan3A_1330 : i32 to index
        %swap3A_1452 = arith.constant 144 : index
        %swap3A_1453 = tpu.vector_load %arg15[%swap3A_1451, %swap3A_1452] {strides = array<i32>} : memref<8x256xf32, #tpu.memory_space<vmem>>, vector<16xf32>,
        tpu.vector_store %arg15[%swap3A_1451, %swap3A_1452], %add3A_1418 {strides = array<i32>} : memref<8x256xf32, #tpu.memory_space<vmem>>, vector<16xf32>,
        %swap3A_1454 = arith.index_cast %scan3A_1330 : i32 to index
        %swap3A_1455 = arith.constant 160 : index
        %swap3A_1456 = tpu.vector_load %arg15[%swap3A_1454, %swap3A_1455] {strides = array<i32>} : memref<8x256xf32, #tpu.memory_space<vmem>>, vector<16xf32>,
        tpu.vector_store %arg15[%swap3A_1454, %swap3A_1455], %add3A_1419 {strides = array<i32>} : memref<8x256xf32, #tpu.memory_space<vmem>>, vector<16xf32>,
        %swap3A_1457 = arith.index_cast %scan3A_1330 : i32 to index
        %swap3A_1458 = arith.constant 176 : index
        %swap3A_1459 = tpu.vector_load %arg15[%swap3A_1457, %swap3A_1458] {strides = array<i32>} : memref<8x256xf32, #tpu.memory_space<vmem>>, vector<16xf32>,
        tpu.vector_store %arg15[%swap3A_1457, %swap3A_1458], %add3A_1420 {strides = array<i32>} : memref<8x256xf32, #tpu.memory_space<vmem>>, vector<16xf32>,
        %swap3A_1460 = arith.index_cast %scan3A_1330 : i32 to index
        %swap3A_1461 = arith.constant 192 : index
        %swap3A_1462 = tpu.vector_load %arg15[%swap3A_1460, %swap3A_1461] {strides = array<i32>} : memref<8x256xf32, #tpu.memory_space<vmem>>, vector<16xf32>,
        tpu.vector_store %arg15[%swap3A_1460, %swap3A_1461], %add3A_1421 {strides = array<i32>} : memref<8x256xf32, #tpu.memory_space<vmem>>, vector<16xf32>,
        %swap3A_1463 = arith.index_cast %scan3A_1330 : i32 to index
        %swap3A_1464 = arith.constant 208 : index
        %swap3A_1465 = tpu.vector_load %arg15[%swap3A_1463, %swap3A_1464] {strides = array<i32>} : memref<8x256xf32, #tpu.memory_space<vmem>>, vector<16xf32>,
        tpu.vector_store %arg15[%swap3A_1463, %swap3A_1464], %add3A_1422 {strides = array<i32>} : memref<8x256xf32, #tpu.memory_space<vmem>>, vector<16xf32>,
        %swap3A_1466 = arith.index_cast %scan3A_1330 : i32 to index
        %swap3A_1467 = arith.constant 224 : index
        %swap3A_1468 = tpu.vector_load %arg15[%swap3A_1466, %swap3A_1467] {strides = array<i32>} : memref<8x256xf32, #tpu.memory_space<vmem>>, vector<16xf32>,
        tpu.vector_store %arg15[%swap3A_1466, %swap3A_1467], %add3A_1423 {strides = array<i32>} : memref<8x256xf32, #tpu.memory_space<vmem>>, vector<16xf32>,
        %swap3A_1469 = arith.index_cast %scan3A_1330 : i32 to index
        %swap3A_1470 = arith.constant 240 : index
        %swap3A_1471 = tpu.vector_load %arg15[%swap3A_1469, %swap3A_1470] {strides = array<i32>} : memref<8x256xf32, #tpu.memory_space<vmem>>, vector<16xf32>,
        tpu.vector_store %arg15[%swap3A_1469, %swap3A_1470], %add3A_1424 {strides = array<i32>} : memref<8x256xf32, #tpu.memory_space<vmem>>, vector<16xf32>,
        scf.yield %add3A_1409, %add3A_1410, %add3A_1411, %add3A_1412, %add3A_1413, %add3A_1414, %add3A_1415, %add3A_1416, %add3A_1417, %add3A_1418, %add3A_1419, %add3A_1420, %add3A_1421, %add3A_1422, %add3A_1423, %add3A_1424 : vector<16xf32>, vector<16xf32>, vector<16xf32>, vector<16xf32>, vector<16xf32>, vector<16xf32>, vector<16xf32>, vector<16xf32>, vector<16xf32>, vector<16xf32>, vector<16xf32>, vector<16xf32>, vector<16xf32>, vector<16xf32>, vector<16xf32>, vector<16xf32>
      }
      %scan3A_877 = arith.constant 8 : i32
      %jit3A_878 = arith.constant 25 : i32
      %div3A_879 = arith.divsi %add3A_785, %jit3A_878 : i32
      %sign3A_880 = arith.constant 0 : i32
      %sign3A_881 = arith.cmpi sgt, %add3A_785, %sign3A_880 : i32
      %sign3A_882 = arith.extui %sign3A_881 : i1 to i32
      %sign3A_883 = arith.constant 0 : i32
      %sign3A_884 = arith.cmpi slt, %add3A_785, %sign3A_883 : i32
      %sign3A_885 = arith.extui %sign3A_884 : i1 to i32
      %sign3A_886 = arith.subi %sign3A_882, %sign3A_885 : i32
      %sign3A_887 = arith.constant 0 : i32
      %sign3A_888 = arith.cmpi sgt, %jit3A_878, %sign3A_887 : i32
      %sign3A_889 = arith.extui %sign3A_888 : i1 to i32
      %sign3A_890 = arith.constant 0 : i32
      %sign3A_891 = arith.cmpi slt, %jit3A_878, %sign3A_890 : i32
      %sign3A_892 = arith.extui %sign3A_891 : i1 to i32
      %sign3A_893 = arith.subi %sign3A_889, %sign3A_892 : i32
      %ne3A_894 = arith.cmpi ne, %sign3A_886, %sign3A_893 : i32
      %rem3A_895 = arith.remsi %add3A_785, %jit3A_878 : i32
      %ne3A_896 = arith.constant 0 : i32
      %ne3A_897 = arith.cmpi ne, %rem3A_895, %ne3A_896 : i32
      %and3A_898 = arith.andi %ne3A_894, %ne3A_897 : i1
      %sub3A_899 = arith.constant 1 : i32
      %sub3A_900 = arith.subi %div3A_879, %sub3A_899 : i32
      %select_n3A_901 = arith.select %and3A_898, %sub3A_900, %div3A_879 : i32
      %mul3A_902 = arith.constant 25 : i32
      %mul3A_903 = arith.muli %select_n3A_901, %mul3A_902 : i32
      %sub3A_904 = arith.subi %add3A_785, %mul3A_903 : i32
      %mul3A_905 = arith.constant 8 : i32
      %mul3A_906 = arith.muli %sub3A_904, %mul3A_905 : i32
      %mul3A_907 = arith.constant 256 : i32
      %mul3A_908 = arith.muli %select_n3A_901, %mul3A_907 : i32
      %add3A_909 = arith.addi %mul3A_2, %mul3A_908 : i32
      %dma_start3A_910 = tpu.memref_slice %arg4[%mul3A_906, %add3A_909] : memref<200x16384xf32, #tpu.memory_space<hbm>> -> memref<8x256xf32, #tpu.memory_space<hbm>>
      %dma_start3A_911 = tpu.memref_slice %arg4[%mul3A_906, %add3A_909] : memref<200x16384xf32, #tpu.memory_space<hbm>> -> memref<8x256xf32, #tpu.memory_space<hbm>>
      tpu.enqueue_dma source(%arg15 : memref<8x256xf32, #tpu.memory_space<vmem>>) target(%dma_start3A_911 : memref<8x256xf32, #tpu.memory_space<hbm>>) target_semaphore(%arg27 : memref<!tpu.dma_semaphore, #tpu.memory_space<semaphore_mem>>)
      %add3A_912 = arith.constant 8 : i32
      %add3A_913 = arith.addi %add3A_785, %add3A_912 : i32
      %lt3A_914 = arith.constant 50 : i32
      %lt3A_915 = arith.cmpi slt, %add3A_913, %lt3A_914 : i32
      %convert_element_type3A_916 = arith.extui %lt3A_915 : i1 to i32
      %cond3A_917 = arith.constant 0 : i32
      %cond3A_918 = arith.cmpi ne, %convert_element_type3A_916, %cond3A_917 : i32
      scf.if %cond3A_918 {
        %add3A_1330 = arith.constant 8 : i32
        %add3A_1331 = arith.addi %add3A_785, %add3A_1330 : i32
        %jit3A_1332 = arith.constant 25 : i32
        %div3A_1333 = arith.divsi %add3A_1331, %jit3A_1332 : i32
        %sign3A_1334 = arith.constant 0 : i32
        %sign3A_1335 = arith.cmpi sgt, %add3A_1331, %sign3A_1334 : i32
        %sign3A_1336 = arith.extui %sign3A_1335 : i1 to i32
        %sign3A_1337 = arith.constant 0 : i32
        %sign3A_1338 = arith.cmpi slt, %add3A_1331, %sign3A_1337 : i32
        %sign3A_1339 = arith.extui %sign3A_1338 : i1 to i32
        %sign3A_1340 = arith.subi %sign3A_1336, %sign3A_1339 : i32
        %sign3A_1341 = arith.constant 0 : i32
        %sign3A_1342 = arith.cmpi sgt, %jit3A_1332, %sign3A_1341 : i32
        %sign3A_1343 = arith.extui %sign3A_1342 : i1 to i32
        %sign3A_1344 = arith.constant 0 : i32
        %sign3A_1345 = arith.cmpi slt, %jit3A_1332, %sign3A_1344 : i32
        %sign3A_1346 = arith.extui %sign3A_1345 : i1 to i32
        %sign3A_1347 = arith.subi %sign3A_1343, %sign3A_1346 : i32
        %ne3A_1348 = arith.cmpi ne, %sign3A_1340, %sign3A_1347 : i32
        %rem3A_1349 = arith.remsi %add3A_1331, %jit3A_1332 : i32
        %ne3A_1350 = arith.constant 0 : i32
        %ne3A_1351 = arith.cmpi ne, %rem3A_1349, %ne3A_1350 : i32
        %and3A_1352 = arith.andi %ne3A_1348, %ne3A_1351 : i1
        %sub3A_1353 = arith.constant 1 : i32
        %sub3A_1354 = arith.subi %div3A_1333, %sub3A_1353 : i32
        %select_n3A_1355 = arith.select %and3A_1352, %sub3A_1354, %div3A_1333 : i32
        %mul3A_1356 = arith.constant 25 : i32
        %mul3A_1357 = arith.muli %select_n3A_1355, %mul3A_1356 : i32
        %sub3A_1358 = arith.subi %add3A_1331, %mul3A_1357 : i32
        %mul3A_1359 = arith.constant 8 : i32
        %mul3A_1360 = arith.muli %sub3A_1358, %mul3A_1359 : i32
        %mul3A_1361 = arith.constant 256 : i32
        %mul3A_1362 = arith.muli %select_n3A_1355, %mul3A_1361 : i32
        %add3A_1363 = arith.addi %mul3A_2, %mul3A_1362 : i32
        %dma_start3A_1364 = tpu.memref_slice %arg2[%mul3A_1360, %add3A_1363] : memref<200x16384xi32, #tpu.memory_space<hbm>> -> memref<8x256xi32, #tpu.memory_space<hbm>>
        %dma_start3A_1365 = tpu.memref_slice %arg2[%mul3A_1360, %add3A_1363] : memref<200x16384xi32, #tpu.memory_space<hbm>> -> memref<8x256xi32, #tpu.memory_space<hbm>>
        tpu.enqueue_dma source(%dma_start3A_1365 : memref<8x256xi32, #tpu.memory_space<hbm>>) target(%arg11 : memref<8x256xi32, #tpu.memory_space<vmem>>) target_semaphore(%arg23 : memref<!tpu.dma_semaphore, #tpu.memory_space<semaphore_mem>>)
      } else {
      }
      %mul3A_919 = arith.constant 8 : i32
      %mul3A_920 = arith.muli %mul3A_919, %scan3A_225 : i32
      %add3A_921 = arith.constant 5 : i32
      %add3A_922 = arith.addi %mul3A_920, %add3A_921 : i32
      %jit3A_923 = arith.constant 25 : i32
      %div3A_924 = arith.divsi %add3A_922, %jit3A_923 : i32
      %sign3A_925 = arith.constant 0 : i32
      %sign3A_926 = arith.cmpi sgt, %add3A_922, %sign3A_925 : i32
      %sign3A_927 = arith.extui %sign3A_926 : i1 to i32
      %sign3A_928 = arith.constant 0 : i32
      %sign3A_929 = arith.cmpi slt, %add3A_922, %sign3A_928 : i32
      %sign3A_930 = arith.extui %sign3A_929 : i1 to i32
      %sign3A_931 = arith.subi %sign3A_927, %sign3A_930 : i32
      %sign3A_932 = arith.constant 0 : i32
      %sign3A_933 = arith.cmpi sgt, %jit3A_923, %sign3A_932 : i32
      %sign3A_934 = arith.extui %sign3A_933 : i1 to i32
      %sign3A_935 = arith.constant 0 : i32
      %sign3A_936 = arith.cmpi slt, %jit3A_923, %sign3A_935 : i32
      %sign3A_937 = arith.extui %sign3A_936 : i1 to i32
      %sign3A_938 = arith.subi %sign3A_934, %sign3A_937 : i32
      %ne3A_939 = arith.cmpi ne, %sign3A_931, %sign3A_938 : i32
      %rem3A_940 = arith.remsi %add3A_922, %jit3A_923 : i32
      %ne3A_941 = arith.constant 0 : i32
      %ne3A_942 = arith.cmpi ne, %rem3A_940, %ne3A_941 : i32
      %and3A_943 = arith.andi %ne3A_939, %ne3A_942 : i1
      %sub3A_944 = arith.constant 1 : i32
      %sub3A_945 = arith.subi %div3A_924, %sub3A_944 : i32
      %select_n3A_946 = arith.select %and3A_943, %sub3A_945, %div3A_924 : i32
      %mul3A_947 = arith.constant 25 : i32
      %mul3A_948 = arith.muli %select_n3A_946, %mul3A_947 : i32
      %sub3A_949 = arith.subi %add3A_922, %mul3A_948 : i32
      %mul3A_950 = arith.constant 8 : i32
      %mul3A_951 = arith.muli %sub3A_949, %mul3A_950 : i32
      %mul3A_952 = arith.constant 256 : i32
      %mul3A_953 = arith.muli %select_n3A_946, %mul3A_952 : i32
      %add3A_954 = arith.addi %mul3A_2, %mul3A_953 : i32
      %dma_wait3A_955 = tpu.memref_slice %arg2[%mul3A_951, %add3A_954] : memref<200x16384xi32, #tpu.memory_space<hbm>> -> memref<8x256xi32, #tpu.memory_space<hbm>>
      %dma_wait3A_956 = tpu.memref_slice %arg2[%mul3A_951, %add3A_954] : memref<200x16384xi32, #tpu.memory_space<hbm>> -> memref<8x256xi32, #tpu.memory_space<hbm>>
      tpu.wait_dma2 semaphore(%arg24 : memref<!tpu.dma_semaphore, #tpu.memory_space<semaphore_mem>>) src(%dma_wait3A_956 : memref<8x256xi32, #tpu.memory_space<hbm>>) dst(%arg12 : memref<8x256xi32, #tpu.memory_space<vmem>>)
      %ge3A_957 = arith.constant 4 : i32
      %ge3A_958 = arith.cmpi sge, %add3A_922, %ge3A_957 : i32
      %convert_element_type3A_959 = arith.extui %ge3A_958 : i1 to i32
      %cond3A_960 = arith.constant 0 : i32
      %cond3A_961 = arith.cmpi ne, %convert_element_type3A_959, %cond3A_960 : i32
      scf.if %cond3A_961 {
        %sub3A_1330 = arith.constant 4 : i32
        %sub3A_1331 = arith.subi %add3A_922, %sub3A_1330 : i32
        %jit3A_1332 = arith.constant 25 : i32
        %div3A_1333 = arith.divsi %sub3A_1331, %jit3A_1332 : i32
        %sign3A_1334 = arith.constant 0 : i32
        %sign3A_1335 = arith.cmpi sgt, %sub3A_1331, %sign3A_1334 : i32
        %sign3A_1336 = arith.extui %sign3A_1335 : i1 to i32
        %sign3A_1337 = arith.constant 0 : i32
        %sign3A_1338 = arith.cmpi slt, %sub3A_1331, %sign3A_1337 : i32
        %sign3A_1339 = arith.extui %sign3A_1338 : i1 to i32
        %sign3A_1340 = arith.subi %sign3A_1336, %sign3A_1339 : i32
        %sign3A_1341 = arith.constant 0 : i32
        %sign3A_1342 = arith.cmpi sgt, %jit3A_1332, %sign3A_1341 : i32
        %sign3A_1343 = arith.extui %sign3A_1342 : i1 to i32
        %sign3A_1344 = arith.constant 0 : i32
        %sign3A_1345 = arith.cmpi slt, %jit3A_1332, %sign3A_1344 : i32
        %sign3A_1346 = arith.extui %sign3A_1345 : i1 to i32
        %sign3A_1347 = arith.subi %sign3A_1343, %sign3A_1346 : i32
        %ne3A_1348 = arith.cmpi ne, %sign3A_1340, %sign3A_1347 : i32
        %rem3A_1349 = arith.remsi %sub3A_1331, %jit3A_1332 : i32
        %ne3A_1350 = arith.constant 0 : i32
        %ne3A_1351 = arith.cmpi ne, %rem3A_1349, %ne3A_1350 : i32
        %and3A_1352 = arith.andi %ne3A_1348, %ne3A_1351 : i1
        %sub3A_1353 = arith.constant 1 : i32
        %sub3A_1354 = arith.subi %div3A_1333, %sub3A_1353 : i32
        %select_n3A_1355 = arith.select %and3A_1352, %sub3A_1354, %div3A_1333 : i32
        %mul3A_1356 = arith.constant 25 : i32
        %mul3A_1357 = arith.muli %select_n3A_1355, %mul3A_1356 : i32
        %sub3A_1358 = arith.subi %sub3A_1331, %mul3A_1357 : i32
        %mul3A_1359 = arith.constant 8 : i32
        %mul3A_1360 = arith.muli %sub3A_1358, %mul3A_1359 : i32
        %mul3A_1361 = arith.constant 256 : i32
        %mul3A_1362 = arith.muli %select_n3A_1355, %mul3A_1361 : i32
        %add3A_1363 = arith.addi %mul3A_2, %mul3A_1362 : i32
        %dma_wait3A_1364 = tpu.memref_slice %arg4[%mul3A_1360, %add3A_1363] : memref<200x16384xf32, #tpu.memory_space<hbm>> -> memref<8x256xf32, #tpu.memory_space<hbm>>
        %dma_wait3A_1365 = tpu.memref_slice %arg4[%mul3A_1360, %add3A_1363] : memref<200x16384xf32, #tpu.memory_space<hbm>> -> memref<8x256xf32, #tpu.memory_space<hbm>>
        tpu.wait_dma2 semaphore(%arg28 : memref<!tpu.dma_semaphore, #tpu.memory_space<semaphore_mem>>) src(%arg16 : memref<8x256xf32, #tpu.memory_space<vmem>>) dst(%dma_wait3A_1365 : memref<8x256xf32, #tpu.memory_space<hbm>>)
      } else {
      }
      %jit3A_962 = arith.constant 25 : i32
      %div3A_963 = arith.divsi %add3A_922, %jit3A_962 : i32
      %sign3A_964 = arith.constant 0 : i32
      %sign3A_965 = arith.cmpi sgt, %add3A_922, %sign3A_964 : i32
      %sign3A_966 = arith.extui %sign3A_965 : i1 to i32
      %sign3A_967 = arith.constant 0 : i32
      %sign3A_968 = arith.cmpi slt, %add3A_922, %sign3A_967 : i32
      %sign3A_969 = arith.extui %sign3A_968 : i1 to i32
      %sign3A_970 = arith.subi %sign3A_966, %sign3A_969 : i32
      %sign3A_971 = arith.constant 0 : i32
      %sign3A_972 = arith.cmpi sgt, %jit3A_962, %sign3A_971 : i32
      %sign3A_973 = arith.extui %sign3A_972 : i1 to i32
      %sign3A_974 = arith.constant 0 : i32
      %sign3A_975 = arith.cmpi slt, %jit3A_962, %sign3A_974 : i32
      %sign3A_976 = arith.extui %sign3A_975 : i1 to i32
      %sign3A_977 = arith.subi %sign3A_973, %sign3A_976 : i32
      %ne3A_978 = arith.cmpi ne, %sign3A_970, %sign3A_977 : i32
      %rem3A_979 = arith.remsi %add3A_922, %jit3A_962 : i32
      %ne3A_980 = arith.constant 0 : i32
      %ne3A_981 = arith.cmpi ne, %rem3A_979, %ne3A_980 : i32
      %and3A_982 = arith.andi %ne3A_978, %ne3A_981 : i1
      %sub3A_983 = arith.constant 1 : i32
      %sub3A_984 = arith.subi %div3A_963, %sub3A_983 : i32
      %select_n3A_985 = arith.select %and3A_982, %sub3A_984, %div3A_963 : i32
      %mul3A_986 = arith.constant 25 : i32
      %mul3A_987 = arith.muli %select_n3A_985, %mul3A_986 : i32
      %sub3A_988 = arith.subi %add3A_922, %mul3A_987 : i32
      %eq3A_989 = arith.constant 0 : i32
      %eq3A_990 = arith.cmpi eq, %sub3A_988, %eq3A_989 : i32
      %broadcast_in_dim3A_991 = arith.constant 0.000000e+00 : f32
      %broadcast_in_dim3A_992 = vector.broadcast %broadcast_in_dim3A_991 : f32 to vector<16xf32>
      %select_n3A_993 = arith.select %eq3A_990, %broadcast_in_dim3A_992, %scan3A_876#0 : vector<16xf32>
      %select_n3A_994 = arith.select %eq3A_990, %broadcast_in_dim3A_992, %scan3A_876#1 : vector<16xf32>
      %select_n3A_995 = arith.select %eq3A_990, %broadcast_in_dim3A_992, %scan3A_876#2 : vector<16xf32>
      %select_n3A_996 = arith.select %eq3A_990, %broadcast_in_dim3A_992, %scan3A_876#3 : vector<16xf32>
      %select_n3A_997 = arith.select %eq3A_990, %broadcast_in_dim3A_992, %scan3A_876#4 : vector<16xf32>
      %select_n3A_998 = arith.select %eq3A_990, %broadcast_in_dim3A_992, %scan3A_876#5 : vector<16xf32>
      %select_n3A_999 = arith.select %eq3A_990, %broadcast_in_dim3A_992, %scan3A_876#6 : vector<16xf32>
      %select_n3A_1000 = arith.select %eq3A_990, %broadcast_in_dim3A_992, %scan3A_876#7 : vector<16xf32>
      %select_n3A_1001 = arith.select %eq3A_990, %broadcast_in_dim3A_992, %scan3A_876#8 : vector<16xf32>
      %select_n3A_1002 = arith.select %eq3A_990, %broadcast_in_dim3A_992, %scan3A_876#9 : vector<16xf32>
      %select_n3A_1003 = arith.select %eq3A_990, %broadcast_in_dim3A_992, %scan3A_876#10 : vector<16xf32>
      %select_n3A_1004 = arith.select %eq3A_990, %broadcast_in_dim3A_992, %scan3A_876#11 : vector<16xf32>
      %select_n3A_1005 = arith.select %eq3A_990, %broadcast_in_dim3A_992, %scan3A_876#12 : vector<16xf32>
      %select_n3A_1006 = arith.select %eq3A_990, %broadcast_in_dim3A_992, %scan3A_876#13 : vector<16xf32>
      %select_n3A_1007 = arith.select %eq3A_990, %broadcast_in_dim3A_992, %scan3A_876#14 : vector<16xf32>
      %select_n3A_1008 = arith.select %eq3A_990, %broadcast_in_dim3A_992, %scan3A_876#15 : vector<16xf32>
      %scan3A_1009 = arith.constant 0 : i32
      %scan3A_1010 = arith.constant 8 : i32
      %scan3A_1011 = arith.addi %scan3A_1009, %scan3A_1010 : i32
      %scan3A_1012 = arith.constant 1 : i32
      %scan3A_1013:16 = scf.for %scan3A_1330 = %scan3A_1009 to %scan3A_1011 step %scan3A_1012 iter_args(%scan3A_1331 = %select_n3A_993, %scan3A_1332 = %select_n3A_994, %scan3A_1333 = %select_n3A_995, %scan3A_1334 = %select_n3A_996, %scan3A_1335 = %select_n3A_997, %scan3A_1336 = %select_n3A_998, %scan3A_1337 = %select_n3A_999, %scan3A_1338 = %select_n3A_1000, %scan3A_1339 = %select_n3A_1001, %scan3A_1340 = %select_n3A_1002, %scan3A_1341 = %select_n3A_1003, %scan3A_1342 = %select_n3A_1004, %scan3A_1343 = %select_n3A_1005, %scan3A_1344 = %select_n3A_1006, %scan3A_1345 = %select_n3A_1007, %scan3A_1346 = %select_n3A_1008) -> (vector<16xf32>, vector<16xf32>, vector<16xf32>, vector<16xf32>, vector<16xf32>, vector<16xf32>, vector<16xf32>, vector<16xf32>, vector<16xf32>, vector<16xf32>, vector<16xf32>, vector<16xf32>, vector<16xf32>, vector<16xf32>, vector<16xf32>, vector<16xf32>)  : i32 {
        %get3A = arith.index_cast %scan3A_1330 : i32 to index
        %get3A_1347 = arith.constant 0 : index
        %get3A_1348 = tpu.vector_load %arg12[%get3A, %get3A_1347] {strides = array<i32>} : memref<8x256xi32, #tpu.memory_space<vmem>>, vector<16xi32>,
        %get3A_1349 = arith.index_cast %scan3A_1330 : i32 to index
        %get3A_1350 = arith.constant 16 : index
        %get3A_1351 = tpu.vector_load %arg12[%get3A_1349, %get3A_1350] {strides = array<i32>} : memref<8x256xi32, #tpu.memory_space<vmem>>, vector<16xi32>,
        %get3A_1352 = arith.index_cast %scan3A_1330 : i32 to index
        %get3A_1353 = arith.constant 32 : index
        %get3A_1354 = tpu.vector_load %arg12[%get3A_1352, %get3A_1353] {strides = array<i32>} : memref<8x256xi32, #tpu.memory_space<vmem>>, vector<16xi32>,
        %get3A_1355 = arith.index_cast %scan3A_1330 : i32 to index
        %get3A_1356 = arith.constant 48 : index
        %get3A_1357 = tpu.vector_load %arg12[%get3A_1355, %get3A_1356] {strides = array<i32>} : memref<8x256xi32, #tpu.memory_space<vmem>>, vector<16xi32>,
        %get3A_1358 = arith.index_cast %scan3A_1330 : i32 to index
        %get3A_1359 = arith.constant 64 : index
        %get3A_1360 = tpu.vector_load %arg12[%get3A_1358, %get3A_1359] {strides = array<i32>} : memref<8x256xi32, #tpu.memory_space<vmem>>, vector<16xi32>,
        %get3A_1361 = arith.index_cast %scan3A_1330 : i32 to index
        %get3A_1362 = arith.constant 80 : index
        %get3A_1363 = tpu.vector_load %arg12[%get3A_1361, %get3A_1362] {strides = array<i32>} : memref<8x256xi32, #tpu.memory_space<vmem>>, vector<16xi32>,
        %get3A_1364 = arith.index_cast %scan3A_1330 : i32 to index
        %get3A_1365 = arith.constant 96 : index
        %get3A_1366 = tpu.vector_load %arg12[%get3A_1364, %get3A_1365] {strides = array<i32>} : memref<8x256xi32, #tpu.memory_space<vmem>>, vector<16xi32>,
        %get3A_1367 = arith.index_cast %scan3A_1330 : i32 to index
        %get3A_1368 = arith.constant 112 : index
        %get3A_1369 = tpu.vector_load %arg12[%get3A_1367, %get3A_1368] {strides = array<i32>} : memref<8x256xi32, #tpu.memory_space<vmem>>, vector<16xi32>,
        %get3A_1370 = arith.index_cast %scan3A_1330 : i32 to index
        %get3A_1371 = arith.constant 128 : index
        %get3A_1372 = tpu.vector_load %arg12[%get3A_1370, %get3A_1371] {strides = array<i32>} : memref<8x256xi32, #tpu.memory_space<vmem>>, vector<16xi32>,
        %get3A_1373 = arith.index_cast %scan3A_1330 : i32 to index
        %get3A_1374 = arith.constant 144 : index
        %get3A_1375 = tpu.vector_load %arg12[%get3A_1373, %get3A_1374] {strides = array<i32>} : memref<8x256xi32, #tpu.memory_space<vmem>>, vector<16xi32>,
        %get3A_1376 = arith.index_cast %scan3A_1330 : i32 to index
        %get3A_1377 = arith.constant 160 : index
        %get3A_1378 = tpu.vector_load %arg12[%get3A_1376, %get3A_1377] {strides = array<i32>} : memref<8x256xi32, #tpu.memory_space<vmem>>, vector<16xi32>,
        %get3A_1379 = arith.index_cast %scan3A_1330 : i32 to index
        %get3A_1380 = arith.constant 176 : index
        %get3A_1381 = tpu.vector_load %arg12[%get3A_1379, %get3A_1380] {strides = array<i32>} : memref<8x256xi32, #tpu.memory_space<vmem>>, vector<16xi32>,
        %get3A_1382 = arith.index_cast %scan3A_1330 : i32 to index
        %get3A_1383 = arith.constant 192 : index
        %get3A_1384 = tpu.vector_load %arg12[%get3A_1382, %get3A_1383] {strides = array<i32>} : memref<8x256xi32, #tpu.memory_space<vmem>>, vector<16xi32>,
        %get3A_1385 = arith.index_cast %scan3A_1330 : i32 to index
        %get3A_1386 = arith.constant 208 : index
        %get3A_1387 = tpu.vector_load %arg12[%get3A_1385, %get3A_1386] {strides = array<i32>} : memref<8x256xi32, #tpu.memory_space<vmem>>, vector<16xi32>,
        %get3A_1388 = arith.index_cast %scan3A_1330 : i32 to index
        %get3A_1389 = arith.constant 224 : index
        %get3A_1390 = tpu.vector_load %arg12[%get3A_1388, %get3A_1389] {strides = array<i32>} : memref<8x256xi32, #tpu.memory_space<vmem>>, vector<16xi32>,
        %get3A_1391 = arith.index_cast %scan3A_1330 : i32 to index
        %get3A_1392 = arith.constant 240 : index
        %get3A_1393 = tpu.vector_load %arg12[%get3A_1391, %get3A_1392] {strides = array<i32>} : memref<8x256xi32, #tpu.memory_space<vmem>>, vector<16xi32>,
        %gather3A = tpu.vector_load_idx %arg6[%get3A_1348] : memref<100000xf32, #tpu.memory_space<vmem>>[vector<16xi32>], vector<16xf32>,
        %gather3A_1394 = tpu.vector_load_idx %arg6[%get3A_1351] : memref<100000xf32, #tpu.memory_space<vmem>>[vector<16xi32>], vector<16xf32>,
        %gather3A_1395 = tpu.vector_load_idx %arg6[%get3A_1354] : memref<100000xf32, #tpu.memory_space<vmem>>[vector<16xi32>], vector<16xf32>,
        %gather3A_1396 = tpu.vector_load_idx %arg6[%get3A_1357] : memref<100000xf32, #tpu.memory_space<vmem>>[vector<16xi32>], vector<16xf32>,
        %gather3A_1397 = tpu.vector_load_idx %arg6[%get3A_1360] : memref<100000xf32, #tpu.memory_space<vmem>>[vector<16xi32>], vector<16xf32>,
        %gather3A_1398 = tpu.vector_load_idx %arg6[%get3A_1363] : memref<100000xf32, #tpu.memory_space<vmem>>[vector<16xi32>], vector<16xf32>,
        %gather3A_1399 = tpu.vector_load_idx %arg6[%get3A_1366] : memref<100000xf32, #tpu.memory_space<vmem>>[vector<16xi32>], vector<16xf32>,
        %gather3A_1400 = tpu.vector_load_idx %arg6[%get3A_1369] : memref<100000xf32, #tpu.memory_space<vmem>>[vector<16xi32>], vector<16xf32>,
        %gather3A_1401 = tpu.vector_load_idx %arg6[%get3A_1372] : memref<100000xf32, #tpu.memory_space<vmem>>[vector<16xi32>], vector<16xf32>,
        %gather3A_1402 = tpu.vector_load_idx %arg6[%get3A_1375] : memref<100000xf32, #tpu.memory_space<vmem>>[vector<16xi32>], vector<16xf32>,
        %gather3A_1403 = tpu.vector_load_idx %arg6[%get3A_1378] : memref<100000xf32, #tpu.memory_space<vmem>>[vector<16xi32>], vector<16xf32>,
        %gather3A_1404 = tpu.vector_load_idx %arg6[%get3A_1381] : memref<100000xf32, #tpu.memory_space<vmem>>[vector<16xi32>], vector<16xf32>,
        %gather3A_1405 = tpu.vector_load_idx %arg6[%get3A_1384] : memref<100000xf32, #tpu.memory_space<vmem>>[vector<16xi32>], vector<16xf32>,
        %gather3A_1406 = tpu.vector_load_idx %arg6[%get3A_1387] : memref<100000xf32, #tpu.memory_space<vmem>>[vector<16xi32>], vector<16xf32>,
        %gather3A_1407 = tpu.vector_load_idx %arg6[%get3A_1390] : memref<100000xf32, #tpu.memory_space<vmem>>[vector<16xi32>], vector<16xf32>,
        %gather3A_1408 = tpu.vector_load_idx %arg6[%get3A_1393] : memref<100000xf32, #tpu.memory_space<vmem>>[vector<16xi32>], vector<16xf32>,
        %add3A_1409 = arith.addf %scan3A_1331, %gather3A : vector<16xf32>
        %add3A_1410 = arith.addf %scan3A_1332, %gather3A_1394 : vector<16xf32>
        %add3A_1411 = arith.addf %scan3A_1333, %gather3A_1395 : vector<16xf32>
        %add3A_1412 = arith.addf %scan3A_1334, %gather3A_1396 : vector<16xf32>
        %add3A_1413 = arith.addf %scan3A_1335, %gather3A_1397 : vector<16xf32>
        %add3A_1414 = arith.addf %scan3A_1336, %gather3A_1398 : vector<16xf32>
        %add3A_1415 = arith.addf %scan3A_1337, %gather3A_1399 : vector<16xf32>
        %add3A_1416 = arith.addf %scan3A_1338, %gather3A_1400 : vector<16xf32>
        %add3A_1417 = arith.addf %scan3A_1339, %gather3A_1401 : vector<16xf32>
        %add3A_1418 = arith.addf %scan3A_1340, %gather3A_1402 : vector<16xf32>
        %add3A_1419 = arith.addf %scan3A_1341, %gather3A_1403 : vector<16xf32>
        %add3A_1420 = arith.addf %scan3A_1342, %gather3A_1404 : vector<16xf32>
        %add3A_1421 = arith.addf %scan3A_1343, %gather3A_1405 : vector<16xf32>
        %add3A_1422 = arith.addf %scan3A_1344, %gather3A_1406 : vector<16xf32>
        %add3A_1423 = arith.addf %scan3A_1345, %gather3A_1407 : vector<16xf32>
        %add3A_1424 = arith.addf %scan3A_1346, %gather3A_1408 : vector<16xf32>
        %swap3A = arith.index_cast %scan3A_1330 : i32 to index
        %swap3A_1425 = arith.constant 0 : index
        %swap3A_1426 = tpu.vector_load %arg16[%swap3A, %swap3A_1425] {strides = array<i32>} : memref<8x256xf32, #tpu.memory_space<vmem>>, vector<16xf32>,
        tpu.vector_store %arg16[%swap3A, %swap3A_1425], %add3A_1409 {strides = array<i32>} : memref<8x256xf32, #tpu.memory_space<vmem>>, vector<16xf32>,
        %swap3A_1427 = arith.index_cast %scan3A_1330 : i32 to index
        %swap3A_1428 = arith.constant 16 : index
        %swap3A_1429 = tpu.vector_load %arg16[%swap3A_1427, %swap3A_1428] {strides = array<i32>} : memref<8x256xf32, #tpu.memory_space<vmem>>, vector<16xf32>,
        tpu.vector_store %arg16[%swap3A_1427, %swap3A_1428], %add3A_1410 {strides = array<i32>} : memref<8x256xf32, #tpu.memory_space<vmem>>, vector<16xf32>,
        %swap3A_1430 = arith.index_cast %scan3A_1330 : i32 to index
        %swap3A_1431 = arith.constant 32 : index
        %swap3A_1432 = tpu.vector_load %arg16[%swap3A_1430, %swap3A_1431] {strides = array<i32>} : memref<8x256xf32, #tpu.memory_space<vmem>>, vector<16xf32>,
        tpu.vector_store %arg16[%swap3A_1430, %swap3A_1431], %add3A_1411 {strides = array<i32>} : memref<8x256xf32, #tpu.memory_space<vmem>>, vector<16xf32>,
        %swap3A_1433 = arith.index_cast %scan3A_1330 : i32 to index
        %swap3A_1434 = arith.constant 48 : index
        %swap3A_1435 = tpu.vector_load %arg16[%swap3A_1433, %swap3A_1434] {strides = array<i32>} : memref<8x256xf32, #tpu.memory_space<vmem>>, vector<16xf32>,
        tpu.vector_store %arg16[%swap3A_1433, %swap3A_1434], %add3A_1412 {strides = array<i32>} : memref<8x256xf32, #tpu.memory_space<vmem>>, vector<16xf32>,
        %swap3A_1436 = arith.index_cast %scan3A_1330 : i32 to index
        %swap3A_1437 = arith.constant 64 : index
        %swap3A_1438 = tpu.vector_load %arg16[%swap3A_1436, %swap3A_1437] {strides = array<i32>} : memref<8x256xf32, #tpu.memory_space<vmem>>, vector<16xf32>,
        tpu.vector_store %arg16[%swap3A_1436, %swap3A_1437], %add3A_1413 {strides = array<i32>} : memref<8x256xf32, #tpu.memory_space<vmem>>, vector<16xf32>,
        %swap3A_1439 = arith.index_cast %scan3A_1330 : i32 to index
        %swap3A_1440 = arith.constant 80 : index
        %swap3A_1441 = tpu.vector_load %arg16[%swap3A_1439, %swap3A_1440] {strides = array<i32>} : memref<8x256xf32, #tpu.memory_space<vmem>>, vector<16xf32>,
        tpu.vector_store %arg16[%swap3A_1439, %swap3A_1440], %add3A_1414 {strides = array<i32>} : memref<8x256xf32, #tpu.memory_space<vmem>>, vector<16xf32>,
        %swap3A_1442 = arith.index_cast %scan3A_1330 : i32 to index
        %swap3A_1443 = arith.constant 96 : index
        %swap3A_1444 = tpu.vector_load %arg16[%swap3A_1442, %swap3A_1443] {strides = array<i32>} : memref<8x256xf32, #tpu.memory_space<vmem>>, vector<16xf32>,
        tpu.vector_store %arg16[%swap3A_1442, %swap3A_1443], %add3A_1415 {strides = array<i32>} : memref<8x256xf32, #tpu.memory_space<vmem>>, vector<16xf32>,
        %swap3A_1445 = arith.index_cast %scan3A_1330 : i32 to index
        %swap3A_1446 = arith.constant 112 : index
        %swap3A_1447 = tpu.vector_load %arg16[%swap3A_1445, %swap3A_1446] {strides = array<i32>} : memref<8x256xf32, #tpu.memory_space<vmem>>, vector<16xf32>,
        tpu.vector_store %arg16[%swap3A_1445, %swap3A_1446], %add3A_1416 {strides = array<i32>} : memref<8x256xf32, #tpu.memory_space<vmem>>, vector<16xf32>,
        %swap3A_1448 = arith.index_cast %scan3A_1330 : i32 to index
        %swap3A_1449 = arith.constant 128 : index
        %swap3A_1450 = tpu.vector_load %arg16[%swap3A_1448, %swap3A_1449] {strides = array<i32>} : memref<8x256xf32, #tpu.memory_space<vmem>>, vector<16xf32>,
        tpu.vector_store %arg16[%swap3A_1448, %swap3A_1449], %add3A_1417 {strides = array<i32>} : memref<8x256xf32, #tpu.memory_space<vmem>>, vector<16xf32>,
        %swap3A_1451 = arith.index_cast %scan3A_1330 : i32 to index
        %swap3A_1452 = arith.constant 144 : index
        %swap3A_1453 = tpu.vector_load %arg16[%swap3A_1451, %swap3A_1452] {strides = array<i32>} : memref<8x256xf32, #tpu.memory_space<vmem>>, vector<16xf32>,
        tpu.vector_store %arg16[%swap3A_1451, %swap3A_1452], %add3A_1418 {strides = array<i32>} : memref<8x256xf32, #tpu.memory_space<vmem>>, vector<16xf32>,
        %swap3A_1454 = arith.index_cast %scan3A_1330 : i32 to index
        %swap3A_1455 = arith.constant 160 : index
        %swap3A_1456 = tpu.vector_load %arg16[%swap3A_1454, %swap3A_1455] {strides = array<i32>} : memref<8x256xf32, #tpu.memory_space<vmem>>, vector<16xf32>,
        tpu.vector_store %arg16[%swap3A_1454, %swap3A_1455], %add3A_1419 {strides = array<i32>} : memref<8x256xf32, #tpu.memory_space<vmem>>, vector<16xf32>,
        %swap3A_1457 = arith.index_cast %scan3A_1330 : i32 to index
        %swap3A_1458 = arith.constant 176 : index
        %swap3A_1459 = tpu.vector_load %arg16[%swap3A_1457, %swap3A_1458] {strides = array<i32>} : memref<8x256xf32, #tpu.memory_space<vmem>>, vector<16xf32>,
        tpu.vector_store %arg16[%swap3A_1457, %swap3A_1458], %add3A_1420 {strides = array<i32>} : memref<8x256xf32, #tpu.memory_space<vmem>>, vector<16xf32>,
        %swap3A_1460 = arith.index_cast %scan3A_1330 : i32 to index
        %swap3A_1461 = arith.constant 192 : index
        %swap3A_1462 = tpu.vector_load %arg16[%swap3A_1460, %swap3A_1461] {strides = array<i32>} : memref<8x256xf32, #tpu.memory_space<vmem>>, vector<16xf32>,
        tpu.vector_store %arg16[%swap3A_1460, %swap3A_1461], %add3A_1421 {strides = array<i32>} : memref<8x256xf32, #tpu.memory_space<vmem>>, vector<16xf32>,
        %swap3A_1463 = arith.index_cast %scan3A_1330 : i32 to index
        %swap3A_1464 = arith.constant 208 : index
        %swap3A_1465 = tpu.vector_load %arg16[%swap3A_1463, %swap3A_1464] {strides = array<i32>} : memref<8x256xf32, #tpu.memory_space<vmem>>, vector<16xf32>,
        tpu.vector_store %arg16[%swap3A_1463, %swap3A_1464], %add3A_1422 {strides = array<i32>} : memref<8x256xf32, #tpu.memory_space<vmem>>, vector<16xf32>,
        %swap3A_1466 = arith.index_cast %scan3A_1330 : i32 to index
        %swap3A_1467 = arith.constant 224 : index
        %swap3A_1468 = tpu.vector_load %arg16[%swap3A_1466, %swap3A_1467] {strides = array<i32>} : memref<8x256xf32, #tpu.memory_space<vmem>>, vector<16xf32>,
        tpu.vector_store %arg16[%swap3A_1466, %swap3A_1467], %add3A_1423 {strides = array<i32>} : memref<8x256xf32, #tpu.memory_space<vmem>>, vector<16xf32>,
        %swap3A_1469 = arith.index_cast %scan3A_1330 : i32 to index
        %swap3A_1470 = arith.constant 240 : index
        %swap3A_1471 = tpu.vector_load %arg16[%swap3A_1469, %swap3A_1470] {strides = array<i32>} : memref<8x256xf32, #tpu.memory_space<vmem>>, vector<16xf32>,
        tpu.vector_store %arg16[%swap3A_1469, %swap3A_1470], %add3A_1424 {strides = array<i32>} : memref<8x256xf32, #tpu.memory_space<vmem>>, vector<16xf32>,
        scf.yield %add3A_1409, %add3A_1410, %add3A_1411, %add3A_1412, %add3A_1413, %add3A_1414, %add3A_1415, %add3A_1416, %add3A_1417, %add3A_1418, %add3A_1419, %add3A_1420, %add3A_1421, %add3A_1422, %add3A_1423, %add3A_1424 : vector<16xf32>, vector<16xf32>, vector<16xf32>, vector<16xf32>, vector<16xf32>, vector<16xf32>, vector<16xf32>, vector<16xf32>, vector<16xf32>, vector<16xf32>, vector<16xf32>, vector<16xf32>, vector<16xf32>, vector<16xf32>, vector<16xf32>, vector<16xf32>
      }
      %scan3A_1014 = arith.constant 8 : i32
      %jit3A_1015 = arith.constant 25 : i32
      %div3A_1016 = arith.divsi %add3A_922, %jit3A_1015 : i32
      %sign3A_1017 = arith.constant 0 : i32
      %sign3A_1018 = arith.cmpi sgt, %add3A_922, %sign3A_1017 : i32
      %sign3A_1019 = arith.extui %sign3A_1018 : i1 to i32
      %sign3A_1020 = arith.constant 0 : i32
      %sign3A_1021 = arith.cmpi slt, %add3A_922, %sign3A_1020 : i32
      %sign3A_1022 = arith.extui %sign3A_1021 : i1 to i32
      %sign3A_1023 = arith.subi %sign3A_1019, %sign3A_1022 : i32
      %sign3A_1024 = arith.constant 0 : i32
      %sign3A_1025 = arith.cmpi sgt, %jit3A_1015, %sign3A_1024 : i32
      %sign3A_1026 = arith.extui %sign3A_1025 : i1 to i32
      %sign3A_1027 = arith.constant 0 : i32
      %sign3A_1028 = arith.cmpi slt, %jit3A_1015, %sign3A_1027 : i32
      %sign3A_1029 = arith.extui %sign3A_1028 : i1 to i32
      %sign3A_1030 = arith.subi %sign3A_1026, %sign3A_1029 : i32
      %ne3A_1031 = arith.cmpi ne, %sign3A_1023, %sign3A_1030 : i32
      %rem3A_1032 = arith.remsi %add3A_922, %jit3A_1015 : i32
      %ne3A_1033 = arith.constant 0 : i32
      %ne3A_1034 = arith.cmpi ne, %rem3A_1032, %ne3A_1033 : i32
      %and3A_1035 = arith.andi %ne3A_1031, %ne3A_1034 : i1
      %sub3A_1036 = arith.constant 1 : i32
      %sub3A_1037 = arith.subi %div3A_1016, %sub3A_1036 : i32
      %select_n3A_1038 = arith.select %and3A_1035, %sub3A_1037, %div3A_1016 : i32
      %mul3A_1039 = arith.constant 25 : i32
      %mul3A_1040 = arith.muli %select_n3A_1038, %mul3A_1039 : i32
      %sub3A_1041 = arith.subi %add3A_922, %mul3A_1040 : i32
      %mul3A_1042 = arith.constant 8 : i32
      %mul3A_1043 = arith.muli %sub3A_1041, %mul3A_1042 : i32
      %mul3A_1044 = arith.constant 256 : i32
      %mul3A_1045 = arith.muli %select_n3A_1038, %mul3A_1044 : i32
      %add3A_1046 = arith.addi %mul3A_2, %mul3A_1045 : i32
      %dma_start3A_1047 = tpu.memref_slice %arg4[%mul3A_1043, %add3A_1046] : memref<200x16384xf32, #tpu.memory_space<hbm>> -> memref<8x256xf32, #tpu.memory_space<hbm>>
      %dma_start3A_1048 = tpu.memref_slice %arg4[%mul3A_1043, %add3A_1046] : memref<200x16384xf32, #tpu.memory_space<hbm>> -> memref<8x256xf32, #tpu.memory_space<hbm>>
      tpu.enqueue_dma source(%arg16 : memref<8x256xf32, #tpu.memory_space<vmem>>) target(%dma_start3A_1048 : memref<8x256xf32, #tpu.memory_space<hbm>>) target_semaphore(%arg28 : memref<!tpu.dma_semaphore, #tpu.memory_space<semaphore_mem>>)
      %add3A_1049 = arith.constant 8 : i32
      %add3A_1050 = arith.addi %add3A_922, %add3A_1049 : i32
      %lt3A_1051 = arith.constant 50 : i32
      %lt3A_1052 = arith.cmpi slt, %add3A_1050, %lt3A_1051 : i32
      %convert_element_type3A_1053 = arith.extui %lt3A_1052 : i1 to i32
      %cond3A_1054 = arith.constant 0 : i32
      %cond3A_1055 = arith.cmpi ne, %convert_element_type3A_1053, %cond3A_1054 : i32
      scf.if %cond3A_1055 {
        %add3A_1330 = arith.constant 8 : i32
        %add3A_1331 = arith.addi %add3A_922, %add3A_1330 : i32
        %jit3A_1332 = arith.constant 25 : i32
        %div3A_1333 = arith.divsi %add3A_1331, %jit3A_1332 : i32
        %sign3A_1334 = arith.constant 0 : i32
        %sign3A_1335 = arith.cmpi sgt, %add3A_1331, %sign3A_1334 : i32
        %sign3A_1336 = arith.extui %sign3A_1335 : i1 to i32
        %sign3A_1337 = arith.constant 0 : i32
        %sign3A_1338 = arith.cmpi slt, %add3A_1331, %sign3A_1337 : i32
        %sign3A_1339 = arith.extui %sign3A_1338 : i1 to i32
        %sign3A_1340 = arith.subi %sign3A_1336, %sign3A_1339 : i32
        %sign3A_1341 = arith.constant 0 : i32
        %sign3A_1342 = arith.cmpi sgt, %jit3A_1332, %sign3A_1341 : i32
        %sign3A_1343 = arith.extui %sign3A_1342 : i1 to i32
        %sign3A_1344 = arith.constant 0 : i32
        %sign3A_1345 = arith.cmpi slt, %jit3A_1332, %sign3A_1344 : i32
        %sign3A_1346 = arith.extui %sign3A_1345 : i1 to i32
        %sign3A_1347 = arith.subi %sign3A_1343, %sign3A_1346 : i32
        %ne3A_1348 = arith.cmpi ne, %sign3A_1340, %sign3A_1347 : i32
        %rem3A_1349 = arith.remsi %add3A_1331, %jit3A_1332 : i32
        %ne3A_1350 = arith.constant 0 : i32
        %ne3A_1351 = arith.cmpi ne, %rem3A_1349, %ne3A_1350 : i32
        %and3A_1352 = arith.andi %ne3A_1348, %ne3A_1351 : i1
        %sub3A_1353 = arith.constant 1 : i32
        %sub3A_1354 = arith.subi %div3A_1333, %sub3A_1353 : i32
        %select_n3A_1355 = arith.select %and3A_1352, %sub3A_1354, %div3A_1333 : i32
        %mul3A_1356 = arith.constant 25 : i32
        %mul3A_1357 = arith.muli %select_n3A_1355, %mul3A_1356 : i32
        %sub3A_1358 = arith.subi %add3A_1331, %mul3A_1357 : i32
        %mul3A_1359 = arith.constant 8 : i32
        %mul3A_1360 = arith.muli %sub3A_1358, %mul3A_1359 : i32
        %mul3A_1361 = arith.constant 256 : i32
        %mul3A_1362 = arith.muli %select_n3A_1355, %mul3A_1361 : i32
        %add3A_1363 = arith.addi %mul3A_2, %mul3A_1362 : i32
        %dma_start3A_1364 = tpu.memref_slice %arg2[%mul3A_1360, %add3A_1363] : memref<200x16384xi32, #tpu.memory_space<hbm>> -> memref<8x256xi32, #tpu.memory_space<hbm>>
        %dma_start3A_1365 = tpu.memref_slice %arg2[%mul3A_1360, %add3A_1363] : memref<200x16384xi32, #tpu.memory_space<hbm>> -> memref<8x256xi32, #tpu.memory_space<hbm>>
        tpu.enqueue_dma source(%dma_start3A_1365 : memref<8x256xi32, #tpu.memory_space<hbm>>) target(%arg12 : memref<8x256xi32, #tpu.memory_space<vmem>>) target_semaphore(%arg24 : memref<!tpu.dma_semaphore, #tpu.memory_space<semaphore_mem>>)
      } else {
      }
      %mul3A_1056 = arith.constant 8 : i32
      %mul3A_1057 = arith.muli %mul3A_1056, %scan3A_225 : i32
      %add3A_1058 = arith.constant 6 : i32
      %add3A_1059 = arith.addi %mul3A_1057, %add3A_1058 : i32
      %jit3A_1060 = arith.constant 25 : i32
      %div3A_1061 = arith.divsi %add3A_1059, %jit3A_1060 : i32
      %sign3A_1062 = arith.constant 0 : i32
      %sign3A_1063 = arith.cmpi sgt, %add3A_1059, %sign3A_1062 : i32
      %sign3A_1064 = arith.extui %sign3A_1063 : i1 to i32
      %sign3A_1065 = arith.constant 0 : i32
      %sign3A_1066 = arith.cmpi slt, %add3A_1059, %sign3A_1065 : i32
      %sign3A_1067 = arith.extui %sign3A_1066 : i1 to i32
      %sign3A_1068 = arith.subi %sign3A_1064, %sign3A_1067 : i32
      %sign3A_1069 = arith.constant 0 : i32
      %sign3A_1070 = arith.cmpi sgt, %jit3A_1060, %sign3A_1069 : i32
      %sign3A_1071 = arith.extui %sign3A_1070 : i1 to i32
      %sign3A_1072 = arith.constant 0 : i32
      %sign3A_1073 = arith.cmpi slt, %jit3A_1060, %sign3A_1072 : i32
      %sign3A_1074 = arith.extui %sign3A_1073 : i1 to i32
      %sign3A_1075 = arith.subi %sign3A_1071, %sign3A_1074 : i32
      %ne3A_1076 = arith.cmpi ne, %sign3A_1068, %sign3A_1075 : i32
      %rem3A_1077 = arith.remsi %add3A_1059, %jit3A_1060 : i32
      %ne3A_1078 = arith.constant 0 : i32
      %ne3A_1079 = arith.cmpi ne, %rem3A_1077, %ne3A_1078 : i32
      %and3A_1080 = arith.andi %ne3A_1076, %ne3A_1079 : i1
      %sub3A_1081 = arith.constant 1 : i32
      %sub3A_1082 = arith.subi %div3A_1061, %sub3A_1081 : i32
      %select_n3A_1083 = arith.select %and3A_1080, %sub3A_1082, %div3A_1061 : i32
      %mul3A_1084 = arith.constant 25 : i32
      %mul3A_1085 = arith.muli %select_n3A_1083, %mul3A_1084 : i32
      %sub3A_1086 = arith.subi %add3A_1059, %mul3A_1085 : i32
      %mul3A_1087 = arith.constant 8 : i32
      %mul3A_1088 = arith.muli %sub3A_1086, %mul3A_1087 : i32
      %mul3A_1089 = arith.constant 256 : i32
      %mul3A_1090 = arith.muli %select_n3A_1083, %mul3A_1089 : i32
      %add3A_1091 = arith.addi %mul3A_2, %mul3A_1090 : i32
      %dma_wait3A_1092 = tpu.memref_slice %arg2[%mul3A_1088, %add3A_1091] : memref<200x16384xi32, #tpu.memory_space<hbm>> -> memref<8x256xi32, #tpu.memory_space<hbm>>
      %dma_wait3A_1093 = tpu.memref_slice %arg2[%mul3A_1088, %add3A_1091] : memref<200x16384xi32, #tpu.memory_space<hbm>> -> memref<8x256xi32, #tpu.memory_space<hbm>>
      tpu.wait_dma2 semaphore(%arg25 : memref<!tpu.dma_semaphore, #tpu.memory_space<semaphore_mem>>) src(%dma_wait3A_1093 : memref<8x256xi32, #tpu.memory_space<hbm>>) dst(%arg13 : memref<8x256xi32, #tpu.memory_space<vmem>>)
      %ge3A_1094 = arith.constant 4 : i32
      %ge3A_1095 = arith.cmpi sge, %add3A_1059, %ge3A_1094 : i32
      %convert_element_type3A_1096 = arith.extui %ge3A_1095 : i1 to i32
      %cond3A_1097 = arith.constant 0 : i32
      %cond3A_1098 = arith.cmpi ne, %convert_element_type3A_1096, %cond3A_1097 : i32
      scf.if %cond3A_1098 {
        %sub3A_1330 = arith.constant 4 : i32
        %sub3A_1331 = arith.subi %add3A_1059, %sub3A_1330 : i32
        %jit3A_1332 = arith.constant 25 : i32
        %div3A_1333 = arith.divsi %sub3A_1331, %jit3A_1332 : i32
        %sign3A_1334 = arith.constant 0 : i32
        %sign3A_1335 = arith.cmpi sgt, %sub3A_1331, %sign3A_1334 : i32
        %sign3A_1336 = arith.extui %sign3A_1335 : i1 to i32
        %sign3A_1337 = arith.constant 0 : i32
        %sign3A_1338 = arith.cmpi slt, %sub3A_1331, %sign3A_1337 : i32
        %sign3A_1339 = arith.extui %sign3A_1338 : i1 to i32
        %sign3A_1340 = arith.subi %sign3A_1336, %sign3A_1339 : i32
        %sign3A_1341 = arith.constant 0 : i32
        %sign3A_1342 = arith.cmpi sgt, %jit3A_1332, %sign3A_1341 : i32
        %sign3A_1343 = arith.extui %sign3A_1342 : i1 to i32
        %sign3A_1344 = arith.constant 0 : i32
        %sign3A_1345 = arith.cmpi slt, %jit3A_1332, %sign3A_1344 : i32
        %sign3A_1346 = arith.extui %sign3A_1345 : i1 to i32
        %sign3A_1347 = arith.subi %sign3A_1343, %sign3A_1346 : i32
        %ne3A_1348 = arith.cmpi ne, %sign3A_1340, %sign3A_1347 : i32
        %rem3A_1349 = arith.remsi %sub3A_1331, %jit3A_1332 : i32
        %ne3A_1350 = arith.constant 0 : i32
        %ne3A_1351 = arith.cmpi ne, %rem3A_1349, %ne3A_1350 : i32
        %and3A_1352 = arith.andi %ne3A_1348, %ne3A_1351 : i1
        %sub3A_1353 = arith.constant 1 : i32
        %sub3A_1354 = arith.subi %div3A_1333, %sub3A_1353 : i32
        %select_n3A_1355 = arith.select %and3A_1352, %sub3A_1354, %div3A_1333 : i32
        %mul3A_1356 = arith.constant 25 : i32
        %mul3A_1357 = arith.muli %select_n3A_1355, %mul3A_1356 : i32
        %sub3A_1358 = arith.subi %sub3A_1331, %mul3A_1357 : i32
        %mul3A_1359 = arith.constant 8 : i32
        %mul3A_1360 = arith.muli %sub3A_1358, %mul3A_1359 : i32
        %mul3A_1361 = arith.constant 256 : i32
        %mul3A_1362 = arith.muli %select_n3A_1355, %mul3A_1361 : i32
        %add3A_1363 = arith.addi %mul3A_2, %mul3A_1362 : i32
        %dma_wait3A_1364 = tpu.memref_slice %arg4[%mul3A_1360, %add3A_1363] : memref<200x16384xf32, #tpu.memory_space<hbm>> -> memref<8x256xf32, #tpu.memory_space<hbm>>
        %dma_wait3A_1365 = tpu.memref_slice %arg4[%mul3A_1360, %add3A_1363] : memref<200x16384xf32, #tpu.memory_space<hbm>> -> memref<8x256xf32, #tpu.memory_space<hbm>>
        tpu.wait_dma2 semaphore(%arg29 : memref<!tpu.dma_semaphore, #tpu.memory_space<semaphore_mem>>) src(%arg17 : memref<8x256xf32, #tpu.memory_space<vmem>>) dst(%dma_wait3A_1365 : memref<8x256xf32, #tpu.memory_space<hbm>>)
      } else {
      }
      %jit3A_1099 = arith.constant 25 : i32
      %div3A_1100 = arith.divsi %add3A_1059, %jit3A_1099 : i32
      %sign3A_1101 = arith.constant 0 : i32
      %sign3A_1102 = arith.cmpi sgt, %add3A_1059, %sign3A_1101 : i32
      %sign3A_1103 = arith.extui %sign3A_1102 : i1 to i32
      %sign3A_1104 = arith.constant 0 : i32
      %sign3A_1105 = arith.cmpi slt, %add3A_1059, %sign3A_1104 : i32
      %sign3A_1106 = arith.extui %sign3A_1105 : i1 to i32
      %sign3A_1107 = arith.subi %sign3A_1103, %sign3A_1106 : i32
      %sign3A_1108 = arith.constant 0 : i32
      %sign3A_1109 = arith.cmpi sgt, %jit3A_1099, %sign3A_1108 : i32
      %sign3A_1110 = arith.extui %sign3A_1109 : i1 to i32
      %sign3A_1111 = arith.constant 0 : i32
      %sign3A_1112 = arith.cmpi slt, %jit3A_1099, %sign3A_1111 : i32
      %sign3A_1113 = arith.extui %sign3A_1112 : i1 to i32
      %sign3A_1114 = arith.subi %sign3A_1110, %sign3A_1113 : i32
      %ne3A_1115 = arith.cmpi ne, %sign3A_1107, %sign3A_1114 : i32
      %rem3A_1116 = arith.remsi %add3A_1059, %jit3A_1099 : i32
      %ne3A_1117 = arith.constant 0 : i32
      %ne3A_1118 = arith.cmpi ne, %rem3A_1116, %ne3A_1117 : i32
      %and3A_1119 = arith.andi %ne3A_1115, %ne3A_1118 : i1
      %sub3A_1120 = arith.constant 1 : i32
      %sub3A_1121 = arith.subi %div3A_1100, %sub3A_1120 : i32
      %select_n3A_1122 = arith.select %and3A_1119, %sub3A_1121, %div3A_1100 : i32
      %mul3A_1123 = arith.constant 25 : i32
      %mul3A_1124 = arith.muli %select_n3A_1122, %mul3A_1123 : i32
      %sub3A_1125 = arith.subi %add3A_1059, %mul3A_1124 : i32
      %eq3A_1126 = arith.constant 0 : i32
      %eq3A_1127 = arith.cmpi eq, %sub3A_1125, %eq3A_1126 : i32
      %broadcast_in_dim3A_1128 = arith.constant 0.000000e+00 : f32
      %broadcast_in_dim3A_1129 = vector.broadcast %broadcast_in_dim3A_1128 : f32 to vector<16xf32>
      %select_n3A_1130 = arith.select %eq3A_1127, %broadcast_in_dim3A_1129, %scan3A_1013#0 : vector<16xf32>
      %select_n3A_1131 = arith.select %eq3A_1127, %broadcast_in_dim3A_1129, %scan3A_1013#1 : vector<16xf32>
      %select_n3A_1132 = arith.select %eq3A_1127, %broadcast_in_dim3A_1129, %scan3A_1013#2 : vector<16xf32>
      %select_n3A_1133 = arith.select %eq3A_1127, %broadcast_in_dim3A_1129, %scan3A_1013#3 : vector<16xf32>
      %select_n3A_1134 = arith.select %eq3A_1127, %broadcast_in_dim3A_1129, %scan3A_1013#4 : vector<16xf32>
      %select_n3A_1135 = arith.select %eq3A_1127, %broadcast_in_dim3A_1129, %scan3A_1013#5 : vector<16xf32>
      %select_n3A_1136 = arith.select %eq3A_1127, %broadcast_in_dim3A_1129, %scan3A_1013#6 : vector<16xf32>
      %select_n3A_1137 = arith.select %eq3A_1127, %broadcast_in_dim3A_1129, %scan3A_1013#7 : vector<16xf32>
      %select_n3A_1138 = arith.select %eq3A_1127, %broadcast_in_dim3A_1129, %scan3A_1013#8 : vector<16xf32>
      %select_n3A_1139 = arith.select %eq3A_1127, %broadcast_in_dim3A_1129, %scan3A_1013#9 : vector<16xf32>
      %select_n3A_1140 = arith.select %eq3A_1127, %broadcast_in_dim3A_1129, %scan3A_1013#10 : vector<16xf32>
      %select_n3A_1141 = arith.select %eq3A_1127, %broadcast_in_dim3A_1129, %scan3A_1013#11 : vector<16xf32>
      %select_n3A_1142 = arith.select %eq3A_1127, %broadcast_in_dim3A_1129, %scan3A_1013#12 : vector<16xf32>
      %select_n3A_1143 = arith.select %eq3A_1127, %broadcast_in_dim3A_1129, %scan3A_1013#13 : vector<16xf32>
      %select_n3A_1144 = arith.select %eq3A_1127, %broadcast_in_dim3A_1129, %scan3A_1013#14 : vector<16xf32>
      %select_n3A_1145 = arith.select %eq3A_1127, %broadcast_in_dim3A_1129, %scan3A_1013#15 : vector<16xf32>
      %scan3A_1146 = arith.constant 0 : i32
      %scan3A_1147 = arith.constant 8 : i32
      %scan3A_1148 = arith.addi %scan3A_1146, %scan3A_1147 : i32
      %scan3A_1149 = arith.constant 1 : i32
      %scan3A_1150:16 = scf.for %scan3A_1330 = %scan3A_1146 to %scan3A_1148 step %scan3A_1149 iter_args(%scan3A_1331 = %select_n3A_1130, %scan3A_1332 = %select_n3A_1131, %scan3A_1333 = %select_n3A_1132, %scan3A_1334 = %select_n3A_1133, %scan3A_1335 = %select_n3A_1134, %scan3A_1336 = %select_n3A_1135, %scan3A_1337 = %select_n3A_1136, %scan3A_1338 = %select_n3A_1137, %scan3A_1339 = %select_n3A_1138, %scan3A_1340 = %select_n3A_1139, %scan3A_1341 = %select_n3A_1140, %scan3A_1342 = %select_n3A_1141, %scan3A_1343 = %select_n3A_1142, %scan3A_1344 = %select_n3A_1143, %scan3A_1345 = %select_n3A_1144, %scan3A_1346 = %select_n3A_1145) -> (vector<16xf32>, vector<16xf32>, vector<16xf32>, vector<16xf32>, vector<16xf32>, vector<16xf32>, vector<16xf32>, vector<16xf32>, vector<16xf32>, vector<16xf32>, vector<16xf32>, vector<16xf32>, vector<16xf32>, vector<16xf32>, vector<16xf32>, vector<16xf32>)  : i32 {
        %get3A = arith.index_cast %scan3A_1330 : i32 to index
        %get3A_1347 = arith.constant 0 : index
        %get3A_1348 = tpu.vector_load %arg13[%get3A, %get3A_1347] {strides = array<i32>} : memref<8x256xi32, #tpu.memory_space<vmem>>, vector<16xi32>,
        %get3A_1349 = arith.index_cast %scan3A_1330 : i32 to index
        %get3A_1350 = arith.constant 16 : index
        %get3A_1351 = tpu.vector_load %arg13[%get3A_1349, %get3A_1350] {strides = array<i32>} : memref<8x256xi32, #tpu.memory_space<vmem>>, vector<16xi32>,
        %get3A_1352 = arith.index_cast %scan3A_1330 : i32 to index
        %get3A_1353 = arith.constant 32 : index
        %get3A_1354 = tpu.vector_load %arg13[%get3A_1352, %get3A_1353] {strides = array<i32>} : memref<8x256xi32, #tpu.memory_space<vmem>>, vector<16xi32>,
        %get3A_1355 = arith.index_cast %scan3A_1330 : i32 to index
        %get3A_1356 = arith.constant 48 : index
        %get3A_1357 = tpu.vector_load %arg13[%get3A_1355, %get3A_1356] {strides = array<i32>} : memref<8x256xi32, #tpu.memory_space<vmem>>, vector<16xi32>,
        %get3A_1358 = arith.index_cast %scan3A_1330 : i32 to index
        %get3A_1359 = arith.constant 64 : index
        %get3A_1360 = tpu.vector_load %arg13[%get3A_1358, %get3A_1359] {strides = array<i32>} : memref<8x256xi32, #tpu.memory_space<vmem>>, vector<16xi32>,
        %get3A_1361 = arith.index_cast %scan3A_1330 : i32 to index
        %get3A_1362 = arith.constant 80 : index
        %get3A_1363 = tpu.vector_load %arg13[%get3A_1361, %get3A_1362] {strides = array<i32>} : memref<8x256xi32, #tpu.memory_space<vmem>>, vector<16xi32>,
        %get3A_1364 = arith.index_cast %scan3A_1330 : i32 to index
        %get3A_1365 = arith.constant 96 : index
        %get3A_1366 = tpu.vector_load %arg13[%get3A_1364, %get3A_1365] {strides = array<i32>} : memref<8x256xi32, #tpu.memory_space<vmem>>, vector<16xi32>,
        %get3A_1367 = arith.index_cast %scan3A_1330 : i32 to index
        %get3A_1368 = arith.constant 112 : index
        %get3A_1369 = tpu.vector_load %arg13[%get3A_1367, %get3A_1368] {strides = array<i32>} : memref<8x256xi32, #tpu.memory_space<vmem>>, vector<16xi32>,
        %get3A_1370 = arith.index_cast %scan3A_1330 : i32 to index
        %get3A_1371 = arith.constant 128 : index
        %get3A_1372 = tpu.vector_load %arg13[%get3A_1370, %get3A_1371] {strides = array<i32>} : memref<8x256xi32, #tpu.memory_space<vmem>>, vector<16xi32>,
        %get3A_1373 = arith.index_cast %scan3A_1330 : i32 to index
        %get3A_1374 = arith.constant 144 : index
        %get3A_1375 = tpu.vector_load %arg13[%get3A_1373, %get3A_1374] {strides = array<i32>} : memref<8x256xi32, #tpu.memory_space<vmem>>, vector<16xi32>,
        %get3A_1376 = arith.index_cast %scan3A_1330 : i32 to index
        %get3A_1377 = arith.constant 160 : index
        %get3A_1378 = tpu.vector_load %arg13[%get3A_1376, %get3A_1377] {strides = array<i32>} : memref<8x256xi32, #tpu.memory_space<vmem>>, vector<16xi32>,
        %get3A_1379 = arith.index_cast %scan3A_1330 : i32 to index
        %get3A_1380 = arith.constant 176 : index
        %get3A_1381 = tpu.vector_load %arg13[%get3A_1379, %get3A_1380] {strides = array<i32>} : memref<8x256xi32, #tpu.memory_space<vmem>>, vector<16xi32>,
        %get3A_1382 = arith.index_cast %scan3A_1330 : i32 to index
        %get3A_1383 = arith.constant 192 : index
        %get3A_1384 = tpu.vector_load %arg13[%get3A_1382, %get3A_1383] {strides = array<i32>} : memref<8x256xi32, #tpu.memory_space<vmem>>, vector<16xi32>,
        %get3A_1385 = arith.index_cast %scan3A_1330 : i32 to index
        %get3A_1386 = arith.constant 208 : index
        %get3A_1387 = tpu.vector_load %arg13[%get3A_1385, %get3A_1386] {strides = array<i32>} : memref<8x256xi32, #tpu.memory_space<vmem>>, vector<16xi32>,
        %get3A_1388 = arith.index_cast %scan3A_1330 : i32 to index
        %get3A_1389 = arith.constant 224 : index
        %get3A_1390 = tpu.vector_load %arg13[%get3A_1388, %get3A_1389] {strides = array<i32>} : memref<8x256xi32, #tpu.memory_space<vmem>>, vector<16xi32>,
        %get3A_1391 = arith.index_cast %scan3A_1330 : i32 to index
        %get3A_1392 = arith.constant 240 : index
        %get3A_1393 = tpu.vector_load %arg13[%get3A_1391, %get3A_1392] {strides = array<i32>} : memref<8x256xi32, #tpu.memory_space<vmem>>, vector<16xi32>,
        %gather3A = tpu.vector_load_idx %arg6[%get3A_1348] : memref<100000xf32, #tpu.memory_space<vmem>>[vector<16xi32>], vector<16xf32>,
        %gather3A_1394 = tpu.vector_load_idx %arg6[%get3A_1351] : memref<100000xf32, #tpu.memory_space<vmem>>[vector<16xi32>], vector<16xf32>,
        %gather3A_1395 = tpu.vector_load_idx %arg6[%get3A_1354] : memref<100000xf32, #tpu.memory_space<vmem>>[vector<16xi32>], vector<16xf32>,
        %gather3A_1396 = tpu.vector_load_idx %arg6[%get3A_1357] : memref<100000xf32, #tpu.memory_space<vmem>>[vector<16xi32>], vector<16xf32>,
        %gather3A_1397 = tpu.vector_load_idx %arg6[%get3A_1360] : memref<100000xf32, #tpu.memory_space<vmem>>[vector<16xi32>], vector<16xf32>,
        %gather3A_1398 = tpu.vector_load_idx %arg6[%get3A_1363] : memref<100000xf32, #tpu.memory_space<vmem>>[vector<16xi32>], vector<16xf32>,
        %gather3A_1399 = tpu.vector_load_idx %arg6[%get3A_1366] : memref<100000xf32, #tpu.memory_space<vmem>>[vector<16xi32>], vector<16xf32>,
        %gather3A_1400 = tpu.vector_load_idx %arg6[%get3A_1369] : memref<100000xf32, #tpu.memory_space<vmem>>[vector<16xi32>], vector<16xf32>,
        %gather3A_1401 = tpu.vector_load_idx %arg6[%get3A_1372] : memref<100000xf32, #tpu.memory_space<vmem>>[vector<16xi32>], vector<16xf32>,
        %gather3A_1402 = tpu.vector_load_idx %arg6[%get3A_1375] : memref<100000xf32, #tpu.memory_space<vmem>>[vector<16xi32>], vector<16xf32>,
        %gather3A_1403 = tpu.vector_load_idx %arg6[%get3A_1378] : memref<100000xf32, #tpu.memory_space<vmem>>[vector<16xi32>], vector<16xf32>,
        %gather3A_1404 = tpu.vector_load_idx %arg6[%get3A_1381] : memref<100000xf32, #tpu.memory_space<vmem>>[vector<16xi32>], vector<16xf32>,
        %gather3A_1405 = tpu.vector_load_idx %arg6[%get3A_1384] : memref<100000xf32, #tpu.memory_space<vmem>>[vector<16xi32>], vector<16xf32>,
        %gather3A_1406 = tpu.vector_load_idx %arg6[%get3A_1387] : memref<100000xf32, #tpu.memory_space<vmem>>[vector<16xi32>], vector<16xf32>,
        %gather3A_1407 = tpu.vector_load_idx %arg6[%get3A_1390] : memref<100000xf32, #tpu.memory_space<vmem>>[vector<16xi32>], vector<16xf32>,
        %gather3A_1408 = tpu.vector_load_idx %arg6[%get3A_1393] : memref<100000xf32, #tpu.memory_space<vmem>>[vector<16xi32>], vector<16xf32>,
        %add3A_1409 = arith.addf %scan3A_1331, %gather3A : vector<16xf32>
        %add3A_1410 = arith.addf %scan3A_1332, %gather3A_1394 : vector<16xf32>
        %add3A_1411 = arith.addf %scan3A_1333, %gather3A_1395 : vector<16xf32>
        %add3A_1412 = arith.addf %scan3A_1334, %gather3A_1396 : vector<16xf32>
        %add3A_1413 = arith.addf %scan3A_1335, %gather3A_1397 : vector<16xf32>
        %add3A_1414 = arith.addf %scan3A_1336, %gather3A_1398 : vector<16xf32>
        %add3A_1415 = arith.addf %scan3A_1337, %gather3A_1399 : vector<16xf32>
        %add3A_1416 = arith.addf %scan3A_1338, %gather3A_1400 : vector<16xf32>
        %add3A_1417 = arith.addf %scan3A_1339, %gather3A_1401 : vector<16xf32>
        %add3A_1418 = arith.addf %scan3A_1340, %gather3A_1402 : vector<16xf32>
        %add3A_1419 = arith.addf %scan3A_1341, %gather3A_1403 : vector<16xf32>
        %add3A_1420 = arith.addf %scan3A_1342, %gather3A_1404 : vector<16xf32>
        %add3A_1421 = arith.addf %scan3A_1343, %gather3A_1405 : vector<16xf32>
        %add3A_1422 = arith.addf %scan3A_1344, %gather3A_1406 : vector<16xf32>
        %add3A_1423 = arith.addf %scan3A_1345, %gather3A_1407 : vector<16xf32>
        %add3A_1424 = arith.addf %scan3A_1346, %gather3A_1408 : vector<16xf32>
        %swap3A = arith.index_cast %scan3A_1330 : i32 to index
        %swap3A_1425 = arith.constant 0 : index
        %swap3A_1426 = tpu.vector_load %arg17[%swap3A, %swap3A_1425] {strides = array<i32>} : memref<8x256xf32, #tpu.memory_space<vmem>>, vector<16xf32>,
        tpu.vector_store %arg17[%swap3A, %swap3A_1425], %add3A_1409 {strides = array<i32>} : memref<8x256xf32, #tpu.memory_space<vmem>>, vector<16xf32>,
        %swap3A_1427 = arith.index_cast %scan3A_1330 : i32 to index
        %swap3A_1428 = arith.constant 16 : index
        %swap3A_1429 = tpu.vector_load %arg17[%swap3A_1427, %swap3A_1428] {strides = array<i32>} : memref<8x256xf32, #tpu.memory_space<vmem>>, vector<16xf32>,
        tpu.vector_store %arg17[%swap3A_1427, %swap3A_1428], %add3A_1410 {strides = array<i32>} : memref<8x256xf32, #tpu.memory_space<vmem>>, vector<16xf32>,
        %swap3A_1430 = arith.index_cast %scan3A_1330 : i32 to index
        %swap3A_1431 = arith.constant 32 : index
        %swap3A_1432 = tpu.vector_load %arg17[%swap3A_1430, %swap3A_1431] {strides = array<i32>} : memref<8x256xf32, #tpu.memory_space<vmem>>, vector<16xf32>,
        tpu.vector_store %arg17[%swap3A_1430, %swap3A_1431], %add3A_1411 {strides = array<i32>} : memref<8x256xf32, #tpu.memory_space<vmem>>, vector<16xf32>,
        %swap3A_1433 = arith.index_cast %scan3A_1330 : i32 to index
        %swap3A_1434 = arith.constant 48 : index
        %swap3A_1435 = tpu.vector_load %arg17[%swap3A_1433, %swap3A_1434] {strides = array<i32>} : memref<8x256xf32, #tpu.memory_space<vmem>>, vector<16xf32>,
        tpu.vector_store %arg17[%swap3A_1433, %swap3A_1434], %add3A_1412 {strides = array<i32>} : memref<8x256xf32, #tpu.memory_space<vmem>>, vector<16xf32>,
        %swap3A_1436 = arith.index_cast %scan3A_1330 : i32 to index
        %swap3A_1437 = arith.constant 64 : index
        %swap3A_1438 = tpu.vector_load %arg17[%swap3A_1436, %swap3A_1437] {strides = array<i32>} : memref<8x256xf32, #tpu.memory_space<vmem>>, vector<16xf32>,
        tpu.vector_store %arg17[%swap3A_1436, %swap3A_1437], %add3A_1413 {strides = array<i32>} : memref<8x256xf32, #tpu.memory_space<vmem>>, vector<16xf32>,
        %swap3A_1439 = arith.index_cast %scan3A_1330 : i32 to index
        %swap3A_1440 = arith.constant 80 : index
        %swap3A_1441 = tpu.vector_load %arg17[%swap3A_1439, %swap3A_1440] {strides = array<i32>} : memref<8x256xf32, #tpu.memory_space<vmem>>, vector<16xf32>,
        tpu.vector_store %arg17[%swap3A_1439, %swap3A_1440], %add3A_1414 {strides = array<i32>} : memref<8x256xf32, #tpu.memory_space<vmem>>, vector<16xf32>,
        %swap3A_1442 = arith.index_cast %scan3A_1330 : i32 to index
        %swap3A_1443 = arith.constant 96 : index
        %swap3A_1444 = tpu.vector_load %arg17[%swap3A_1442, %swap3A_1443] {strides = array<i32>} : memref<8x256xf32, #tpu.memory_space<vmem>>, vector<16xf32>,
        tpu.vector_store %arg17[%swap3A_1442, %swap3A_1443], %add3A_1415 {strides = array<i32>} : memref<8x256xf32, #tpu.memory_space<vmem>>, vector<16xf32>,
        %swap3A_1445 = arith.index_cast %scan3A_1330 : i32 to index
        %swap3A_1446 = arith.constant 112 : index
        %swap3A_1447 = tpu.vector_load %arg17[%swap3A_1445, %swap3A_1446] {strides = array<i32>} : memref<8x256xf32, #tpu.memory_space<vmem>>, vector<16xf32>,
        tpu.vector_store %arg17[%swap3A_1445, %swap3A_1446], %add3A_1416 {strides = array<i32>} : memref<8x256xf32, #tpu.memory_space<vmem>>, vector<16xf32>,
        %swap3A_1448 = arith.index_cast %scan3A_1330 : i32 to index
        %swap3A_1449 = arith.constant 128 : index
        %swap3A_1450 = tpu.vector_load %arg17[%swap3A_1448, %swap3A_1449] {strides = array<i32>} : memref<8x256xf32, #tpu.memory_space<vmem>>, vector<16xf32>,
        tpu.vector_store %arg17[%swap3A_1448, %swap3A_1449], %add3A_1417 {strides = array<i32>} : memref<8x256xf32, #tpu.memory_space<vmem>>, vector<16xf32>,
        %swap3A_1451 = arith.index_cast %scan3A_1330 : i32 to index
        %swap3A_1452 = arith.constant 144 : index
        %swap3A_1453 = tpu.vector_load %arg17[%swap3A_1451, %swap3A_1452] {strides = array<i32>} : memref<8x256xf32, #tpu.memory_space<vmem>>, vector<16xf32>,
        tpu.vector_store %arg17[%swap3A_1451, %swap3A_1452], %add3A_1418 {strides = array<i32>} : memref<8x256xf32, #tpu.memory_space<vmem>>, vector<16xf32>,
        %swap3A_1454 = arith.index_cast %scan3A_1330 : i32 to index
        %swap3A_1455 = arith.constant 160 : index
        %swap3A_1456 = tpu.vector_load %arg17[%swap3A_1454, %swap3A_1455] {strides = array<i32>} : memref<8x256xf32, #tpu.memory_space<vmem>>, vector<16xf32>,
        tpu.vector_store %arg17[%swap3A_1454, %swap3A_1455], %add3A_1419 {strides = array<i32>} : memref<8x256xf32, #tpu.memory_space<vmem>>, vector<16xf32>,
        %swap3A_1457 = arith.index_cast %scan3A_1330 : i32 to index
        %swap3A_1458 = arith.constant 176 : index
        %swap3A_1459 = tpu.vector_load %arg17[%swap3A_1457, %swap3A_1458] {strides = array<i32>} : memref<8x256xf32, #tpu.memory_space<vmem>>, vector<16xf32>,
        tpu.vector_store %arg17[%swap3A_1457, %swap3A_1458], %add3A_1420 {strides = array<i32>} : memref<8x256xf32, #tpu.memory_space<vmem>>, vector<16xf32>,
        %swap3A_1460 = arith.index_cast %scan3A_1330 : i32 to index
        %swap3A_1461 = arith.constant 192 : index
        %swap3A_1462 = tpu.vector_load %arg17[%swap3A_1460, %swap3A_1461] {strides = array<i32>} : memref<8x256xf32, #tpu.memory_space<vmem>>, vector<16xf32>,
        tpu.vector_store %arg17[%swap3A_1460, %swap3A_1461], %add3A_1421 {strides = array<i32>} : memref<8x256xf32, #tpu.memory_space<vmem>>, vector<16xf32>,
        %swap3A_1463 = arith.index_cast %scan3A_1330 : i32 to index
        %swap3A_1464 = arith.constant 208 : index
        %swap3A_1465 = tpu.vector_load %arg17[%swap3A_1463, %swap3A_1464] {strides = array<i32>} : memref<8x256xf32, #tpu.memory_space<vmem>>, vector<16xf32>,
        tpu.vector_store %arg17[%swap3A_1463, %swap3A_1464], %add3A_1422 {strides = array<i32>} : memref<8x256xf32, #tpu.memory_space<vmem>>, vector<16xf32>,
        %swap3A_1466 = arith.index_cast %scan3A_1330 : i32 to index
        %swap3A_1467 = arith.constant 224 : index
        %swap3A_1468 = tpu.vector_load %arg17[%swap3A_1466, %swap3A_1467] {strides = array<i32>} : memref<8x256xf32, #tpu.memory_space<vmem>>, vector<16xf32>,
        tpu.vector_store %arg17[%swap3A_1466, %swap3A_1467], %add3A_1423 {strides = array<i32>} : memref<8x256xf32, #tpu.memory_space<vmem>>, vector<16xf32>,
        %swap3A_1469 = arith.index_cast %scan3A_1330 : i32 to index
        %swap3A_1470 = arith.constant 240 : index
        %swap3A_1471 = tpu.vector_load %arg17[%swap3A_1469, %swap3A_1470] {strides = array<i32>} : memref<8x256xf32, #tpu.memory_space<vmem>>, vector<16xf32>,
        tpu.vector_store %arg17[%swap3A_1469, %swap3A_1470], %add3A_1424 {strides = array<i32>} : memref<8x256xf32, #tpu.memory_space<vmem>>, vector<16xf32>,
        scf.yield %add3A_1409, %add3A_1410, %add3A_1411, %add3A_1412, %add3A_1413, %add3A_1414, %add3A_1415, %add3A_1416, %add3A_1417, %add3A_1418, %add3A_1419, %add3A_1420, %add3A_1421, %add3A_1422, %add3A_1423, %add3A_1424 : vector<16xf32>, vector<16xf32>, vector<16xf32>, vector<16xf32>, vector<16xf32>, vector<16xf32>, vector<16xf32>, vector<16xf32>, vector<16xf32>, vector<16xf32>, vector<16xf32>, vector<16xf32>, vector<16xf32>, vector<16xf32>, vector<16xf32>, vector<16xf32>
      }
      %scan3A_1151 = arith.constant 8 : i32
      %jit3A_1152 = arith.constant 25 : i32
      %div3A_1153 = arith.divsi %add3A_1059, %jit3A_1152 : i32
      %sign3A_1154 = arith.constant 0 : i32
      %sign3A_1155 = arith.cmpi sgt, %add3A_1059, %sign3A_1154 : i32
      %sign3A_1156 = arith.extui %sign3A_1155 : i1 to i32
      %sign3A_1157 = arith.constant 0 : i32
      %sign3A_1158 = arith.cmpi slt, %add3A_1059, %sign3A_1157 : i32
      %sign3A_1159 = arith.extui %sign3A_1158 : i1 to i32
      %sign3A_1160 = arith.subi %sign3A_1156, %sign3A_1159 : i32
      %sign3A_1161 = arith.constant 0 : i32
      %sign3A_1162 = arith.cmpi sgt, %jit3A_1152, %sign3A_1161 : i32
      %sign3A_1163 = arith.extui %sign3A_1162 : i1 to i32
      %sign3A_1164 = arith.constant 0 : i32
      %sign3A_1165 = arith.cmpi slt, %jit3A_1152, %sign3A_1164 : i32
      %sign3A_1166 = arith.extui %sign3A_1165 : i1 to i32
      %sign3A_1167 = arith.subi %sign3A_1163, %sign3A_1166 : i32
      %ne3A_1168 = arith.cmpi ne, %sign3A_1160, %sign3A_1167 : i32
      %rem3A_1169 = arith.remsi %add3A_1059, %jit3A_1152 : i32
      %ne3A_1170 = arith.constant 0 : i32
      %ne3A_1171 = arith.cmpi ne, %rem3A_1169, %ne3A_1170 : i32
      %and3A_1172 = arith.andi %ne3A_1168, %ne3A_1171 : i1
      %sub3A_1173 = arith.constant 1 : i32
      %sub3A_1174 = arith.subi %div3A_1153, %sub3A_1173 : i32
      %select_n3A_1175 = arith.select %and3A_1172, %sub3A_1174, %div3A_1153 : i32
      %mul3A_1176 = arith.constant 25 : i32
      %mul3A_1177 = arith.muli %select_n3A_1175, %mul3A_1176 : i32
      %sub3A_1178 = arith.subi %add3A_1059, %mul3A_1177 : i32
      %mul3A_1179 = arith.constant 8 : i32
      %mul3A_1180 = arith.muli %sub3A_1178, %mul3A_1179 : i32
      %mul3A_1181 = arith.constant 256 : i32
      %mul3A_1182 = arith.muli %select_n3A_1175, %mul3A_1181 : i32
      %add3A_1183 = arith.addi %mul3A_2, %mul3A_1182 : i32
      %dma_start3A_1184 = tpu.memref_slice %arg4[%mul3A_1180, %add3A_1183] : memref<200x16384xf32, #tpu.memory_space<hbm>> -> memref<8x256xf32, #tpu.memory_space<hbm>>
      %dma_start3A_1185 = tpu.memref_slice %arg4[%mul3A_1180, %add3A_1183] : memref<200x16384xf32, #tpu.memory_space<hbm>> -> memref<8x256xf32, #tpu.memory_space<hbm>>
      tpu.enqueue_dma source(%arg17 : memref<8x256xf32, #tpu.memory_space<vmem>>) target(%dma_start3A_1185 : memref<8x256xf32, #tpu.memory_space<hbm>>) target_semaphore(%arg29 : memref<!tpu.dma_semaphore, #tpu.memory_space<semaphore_mem>>)
      %add3A_1186 = arith.constant 8 : i32
      %add3A_1187 = arith.addi %add3A_1059, %add3A_1186 : i32
      %lt3A_1188 = arith.constant 50 : i32
      %lt3A_1189 = arith.cmpi slt, %add3A_1187, %lt3A_1188 : i32
      %convert_element_type3A_1190 = arith.extui %lt3A_1189 : i1 to i32
      %cond3A_1191 = arith.constant 0 : i32
      %cond3A_1192 = arith.cmpi ne, %convert_element_type3A_1190, %cond3A_1191 : i32
      scf.if %cond3A_1192 {
        %add3A_1330 = arith.constant 8 : i32
        %add3A_1331 = arith.addi %add3A_1059, %add3A_1330 : i32
        %jit3A_1332 = arith.constant 25 : i32
        %div3A_1333 = arith.divsi %add3A_1331, %jit3A_1332 : i32
        %sign3A_1334 = arith.constant 0 : i32
        %sign3A_1335 = arith.cmpi sgt, %add3A_1331, %sign3A_1334 : i32
        %sign3A_1336 = arith.extui %sign3A_1335 : i1 to i32
        %sign3A_1337 = arith.constant 0 : i32
        %sign3A_1338 = arith.cmpi slt, %add3A_1331, %sign3A_1337 : i32
        %sign3A_1339 = arith.extui %sign3A_1338 : i1 to i32
        %sign3A_1340 = arith.subi %sign3A_1336, %sign3A_1339 : i32
        %sign3A_1341 = arith.constant 0 : i32
        %sign3A_1342 = arith.cmpi sgt, %jit3A_1332, %sign3A_1341 : i32
        %sign3A_1343 = arith.extui %sign3A_1342 : i1 to i32
        %sign3A_1344 = arith.constant 0 : i32
        %sign3A_1345 = arith.cmpi slt, %jit3A_1332, %sign3A_1344 : i32
        %sign3A_1346 = arith.extui %sign3A_1345 : i1 to i32
        %sign3A_1347 = arith.subi %sign3A_1343, %sign3A_1346 : i32
        %ne3A_1348 = arith.cmpi ne, %sign3A_1340, %sign3A_1347 : i32
        %rem3A_1349 = arith.remsi %add3A_1331, %jit3A_1332 : i32
        %ne3A_1350 = arith.constant 0 : i32
        %ne3A_1351 = arith.cmpi ne, %rem3A_1349, %ne3A_1350 : i32
        %and3A_1352 = arith.andi %ne3A_1348, %ne3A_1351 : i1
        %sub3A_1353 = arith.constant 1 : i32
        %sub3A_1354 = arith.subi %div3A_1333, %sub3A_1353 : i32
        %select_n3A_1355 = arith.select %and3A_1352, %sub3A_1354, %div3A_1333 : i32
        %mul3A_1356 = arith.constant 25 : i32
        %mul3A_1357 = arith.muli %select_n3A_1355, %mul3A_1356 : i32
        %sub3A_1358 = arith.subi %add3A_1331, %mul3A_1357 : i32
        %mul3A_1359 = arith.constant 8 : i32
        %mul3A_1360 = arith.muli %sub3A_1358, %mul3A_1359 : i32
        %mul3A_1361 = arith.constant 256 : i32
        %mul3A_1362 = arith.muli %select_n3A_1355, %mul3A_1361 : i32
        %add3A_1363 = arith.addi %mul3A_2, %mul3A_1362 : i32
        %dma_start3A_1364 = tpu.memref_slice %arg2[%mul3A_1360, %add3A_1363] : memref<200x16384xi32, #tpu.memory_space<hbm>> -> memref<8x256xi32, #tpu.memory_space<hbm>>
        %dma_start3A_1365 = tpu.memref_slice %arg2[%mul3A_1360, %add3A_1363] : memref<200x16384xi32, #tpu.memory_space<hbm>> -> memref<8x256xi32, #tpu.memory_space<hbm>>
        tpu.enqueue_dma source(%dma_start3A_1365 : memref<8x256xi32, #tpu.memory_space<hbm>>) target(%arg13 : memref<8x256xi32, #tpu.memory_space<vmem>>) target_semaphore(%arg25 : memref<!tpu.dma_semaphore, #tpu.memory_space<semaphore_mem>>)
      } else {
      }
      %mul3A_1193 = arith.constant 8 : i32
      %mul3A_1194 = arith.muli %mul3A_1193, %scan3A_225 : i32
      %add3A_1195 = arith.constant 7 : i32
      %add3A_1196 = arith.addi %mul3A_1194, %add3A_1195 : i32
      %jit3A_1197 = arith.constant 25 : i32
      %div3A_1198 = arith.divsi %add3A_1196, %jit3A_1197 : i32
      %sign3A_1199 = arith.constant 0 : i32
      %sign3A_1200 = arith.cmpi sgt, %add3A_1196, %sign3A_1199 : i32
      %sign3A_1201 = arith.extui %sign3A_1200 : i1 to i32
      %sign3A_1202 = arith.constant 0 : i32
      %sign3A_1203 = arith.cmpi slt, %add3A_1196, %sign3A_1202 : i32
      %sign3A_1204 = arith.extui %sign3A_1203 : i1 to i32
      %sign3A_1205 = arith.subi %sign3A_1201, %sign3A_1204 : i32
      %sign3A_1206 = arith.constant 0 : i32
      %sign3A_1207 = arith.cmpi sgt, %jit3A_1197, %sign3A_1206 : i32
      %sign3A_1208 = arith.extui %sign3A_1207 : i1 to i32
      %sign3A_1209 = arith.constant 0 : i32
      %sign3A_1210 = arith.cmpi slt, %jit3A_1197, %sign3A_1209 : i32
      %sign3A_1211 = arith.extui %sign3A_1210 : i1 to i32
      %sign3A_1212 = arith.subi %sign3A_1208, %sign3A_1211 : i32
      %ne3A_1213 = arith.cmpi ne, %sign3A_1205, %sign3A_1212 : i32
      %rem3A_1214 = arith.remsi %add3A_1196, %jit3A_1197 : i32
      %ne3A_1215 = arith.constant 0 : i32
      %ne3A_1216 = arith.cmpi ne, %rem3A_1214, %ne3A_1215 : i32
      %and3A_1217 = arith.andi %ne3A_1213, %ne3A_1216 : i1
      %sub3A_1218 = arith.constant 1 : i32
      %sub3A_1219 = arith.subi %div3A_1198, %sub3A_1218 : i32
      %select_n3A_1220 = arith.select %and3A_1217, %sub3A_1219, %div3A_1198 : i32
      %mul3A_1221 = arith.constant 25 : i32
      %mul3A_1222 = arith.muli %select_n3A_1220, %mul3A_1221 : i32
      %sub3A_1223 = arith.subi %add3A_1196, %mul3A_1222 : i32
      %mul3A_1224 = arith.constant 8 : i32
      %mul3A_1225 = arith.muli %sub3A_1223, %mul3A_1224 : i32
      %mul3A_1226 = arith.constant 256 : i32
      %mul3A_1227 = arith.muli %select_n3A_1220, %mul3A_1226 : i32
      %add3A_1228 = arith.addi %mul3A_2, %mul3A_1227 : i32
      %dma_wait3A_1229 = tpu.memref_slice %arg2[%mul3A_1225, %add3A_1228] : memref<200x16384xi32, #tpu.memory_space<hbm>> -> memref<8x256xi32, #tpu.memory_space<hbm>>
      %dma_wait3A_1230 = tpu.memref_slice %arg2[%mul3A_1225, %add3A_1228] : memref<200x16384xi32, #tpu.memory_space<hbm>> -> memref<8x256xi32, #tpu.memory_space<hbm>>
      tpu.wait_dma2 semaphore(%arg26 : memref<!tpu.dma_semaphore, #tpu.memory_space<semaphore_mem>>) src(%dma_wait3A_1230 : memref<8x256xi32, #tpu.memory_space<hbm>>) dst(%arg14 : memref<8x256xi32, #tpu.memory_space<vmem>>)
      %ge3A_1231 = arith.constant 4 : i32
      %ge3A_1232 = arith.cmpi sge, %add3A_1196, %ge3A_1231 : i32
      %convert_element_type3A_1233 = arith.extui %ge3A_1232 : i1 to i32
      %cond3A_1234 = arith.constant 0 : i32
      %cond3A_1235 = arith.cmpi ne, %convert_element_type3A_1233, %cond3A_1234 : i32
      scf.if %cond3A_1235 {
        %sub3A_1330 = arith.constant 4 : i32
        %sub3A_1331 = arith.subi %add3A_1196, %sub3A_1330 : i32
        %jit3A_1332 = arith.constant 25 : i32
        %div3A_1333 = arith.divsi %sub3A_1331, %jit3A_1332 : i32
        %sign3A_1334 = arith.constant 0 : i32
        %sign3A_1335 = arith.cmpi sgt, %sub3A_1331, %sign3A_1334 : i32
        %sign3A_1336 = arith.extui %sign3A_1335 : i1 to i32
        %sign3A_1337 = arith.constant 0 : i32
        %sign3A_1338 = arith.cmpi slt, %sub3A_1331, %sign3A_1337 : i32
        %sign3A_1339 = arith.extui %sign3A_1338 : i1 to i32
        %sign3A_1340 = arith.subi %sign3A_1336, %sign3A_1339 : i32
        %sign3A_1341 = arith.constant 0 : i32
        %sign3A_1342 = arith.cmpi sgt, %jit3A_1332, %sign3A_1341 : i32
        %sign3A_1343 = arith.extui %sign3A_1342 : i1 to i32
        %sign3A_1344 = arith.constant 0 : i32
        %sign3A_1345 = arith.cmpi slt, %jit3A_1332, %sign3A_1344 : i32
        %sign3A_1346 = arith.extui %sign3A_1345 : i1 to i32
        %sign3A_1347 = arith.subi %sign3A_1343, %sign3A_1346 : i32
        %ne3A_1348 = arith.cmpi ne, %sign3A_1340, %sign3A_1347 : i32
        %rem3A_1349 = arith.remsi %sub3A_1331, %jit3A_1332 : i32
        %ne3A_1350 = arith.constant 0 : i32
        %ne3A_1351 = arith.cmpi ne, %rem3A_1349, %ne3A_1350 : i32
        %and3A_1352 = arith.andi %ne3A_1348, %ne3A_1351 : i1
        %sub3A_1353 = arith.constant 1 : i32
        %sub3A_1354 = arith.subi %div3A_1333, %sub3A_1353 : i32
        %select_n3A_1355 = arith.select %and3A_1352, %sub3A_1354, %div3A_1333 : i32
        %mul3A_1356 = arith.constant 25 : i32
        %mul3A_1357 = arith.muli %select_n3A_1355, %mul3A_1356 : i32
        %sub3A_1358 = arith.subi %sub3A_1331, %mul3A_1357 : i32
        %mul3A_1359 = arith.constant 8 : i32
        %mul3A_1360 = arith.muli %sub3A_1358, %mul3A_1359 : i32
        %mul3A_1361 = arith.constant 256 : i32
        %mul3A_1362 = arith.muli %select_n3A_1355, %mul3A_1361 : i32
        %add3A_1363 = arith.addi %mul3A_2, %mul3A_1362 : i32
        %dma_wait3A_1364 = tpu.memref_slice %arg4[%mul3A_1360, %add3A_1363] : memref<200x16384xf32, #tpu.memory_space<hbm>> -> memref<8x256xf32, #tpu.memory_space<hbm>>
        %dma_wait3A_1365 = tpu.memref_slice %arg4[%mul3A_1360, %add3A_1363] : memref<200x16384xf32, #tpu.memory_space<hbm>> -> memref<8x256xf32, #tpu.memory_space<hbm>>
        tpu.wait_dma2 semaphore(%arg30 : memref<!tpu.dma_semaphore, #tpu.memory_space<semaphore_mem>>) src(%arg18 : memref<8x256xf32, #tpu.memory_space<vmem>>) dst(%dma_wait3A_1365 : memref<8x256xf32, #tpu.memory_space<hbm>>)
      } else {
      }
      %jit3A_1236 = arith.constant 25 : i32
      %div3A_1237 = arith.divsi %add3A_1196, %jit3A_1236 : i32
      %sign3A_1238 = arith.constant 0 : i32
      %sign3A_1239 = arith.cmpi sgt, %add3A_1196, %sign3A_1238 : i32
      %sign3A_1240 = arith.extui %sign3A_1239 : i1 to i32
      %sign3A_1241 = arith.constant 0 : i32
      %sign3A_1242 = arith.cmpi slt, %add3A_1196, %sign3A_1241 : i32
      %sign3A_1243 = arith.extui %sign3A_1242 : i1 to i32
      %sign3A_1244 = arith.subi %sign3A_1240, %sign3A_1243 : i32
      %sign3A_1245 = arith.constant 0 : i32
      %sign3A_1246 = arith.cmpi sgt, %jit3A_1236, %sign3A_1245 : i32
      %sign3A_1247 = arith.extui %sign3A_1246 : i1 to i32
      %sign3A_1248 = arith.constant 0 : i32
      %sign3A_1249 = arith.cmpi slt, %jit3A_1236, %sign3A_1248 : i32
      %sign3A_1250 = arith.extui %sign3A_1249 : i1 to i32
      %sign3A_1251 = arith.subi %sign3A_1247, %sign3A_1250 : i32
      %ne3A_1252 = arith.cmpi ne, %sign3A_1244, %sign3A_1251 : i32
      %rem3A_1253 = arith.remsi %add3A_1196, %jit3A_1236 : i32
      %ne3A_1254 = arith.constant 0 : i32
      %ne3A_1255 = arith.cmpi ne, %rem3A_1253, %ne3A_1254 : i32
      %and3A_1256 = arith.andi %ne3A_1252, %ne3A_1255 : i1
      %sub3A_1257 = arith.constant 1 : i32
      %sub3A_1258 = arith.subi %div3A_1237, %sub3A_1257 : i32
      %select_n3A_1259 = arith.select %and3A_1256, %sub3A_1258, %div3A_1237 : i32
      %mul3A_1260 = arith.constant 25 : i32
      %mul3A_1261 = arith.muli %select_n3A_1259, %mul3A_1260 : i32
      %sub3A_1262 = arith.subi %add3A_1196, %mul3A_1261 : i32
      %eq3A_1263 = arith.constant 0 : i32
      %eq3A_1264 = arith.cmpi eq, %sub3A_1262, %eq3A_1263 : i32
      %broadcast_in_dim3A_1265 = arith.constant 0.000000e+00 : f32
      %broadcast_in_dim3A_1266 = vector.broadcast %broadcast_in_dim3A_1265 : f32 to vector<16xf32>
      %select_n3A_1267 = arith.select %eq3A_1264, %broadcast_in_dim3A_1266, %scan3A_1150#0 : vector<16xf32>
      %select_n3A_1268 = arith.select %eq3A_1264, %broadcast_in_dim3A_1266, %scan3A_1150#1 : vector<16xf32>
      %select_n3A_1269 = arith.select %eq3A_1264, %broadcast_in_dim3A_1266, %scan3A_1150#2 : vector<16xf32>
      %select_n3A_1270 = arith.select %eq3A_1264, %broadcast_in_dim3A_1266, %scan3A_1150#3 : vector<16xf32>
      %select_n3A_1271 = arith.select %eq3A_1264, %broadcast_in_dim3A_1266, %scan3A_1150#4 : vector<16xf32>
      %select_n3A_1272 = arith.select %eq3A_1264, %broadcast_in_dim3A_1266, %scan3A_1150#5 : vector<16xf32>
      %select_n3A_1273 = arith.select %eq3A_1264, %broadcast_in_dim3A_1266, %scan3A_1150#6 : vector<16xf32>
      %select_n3A_1274 = arith.select %eq3A_1264, %broadcast_in_dim3A_1266, %scan3A_1150#7 : vector<16xf32>
      %select_n3A_1275 = arith.select %eq3A_1264, %broadcast_in_dim3A_1266, %scan3A_1150#8 : vector<16xf32>
      %select_n3A_1276 = arith.select %eq3A_1264, %broadcast_in_dim3A_1266, %scan3A_1150#9 : vector<16xf32>
      %select_n3A_1277 = arith.select %eq3A_1264, %broadcast_in_dim3A_1266, %scan3A_1150#10 : vector<16xf32>
      %select_n3A_1278 = arith.select %eq3A_1264, %broadcast_in_dim3A_1266, %scan3A_1150#11 : vector<16xf32>
      %select_n3A_1279 = arith.select %eq3A_1264, %broadcast_in_dim3A_1266, %scan3A_1150#12 : vector<16xf32>
      %select_n3A_1280 = arith.select %eq3A_1264, %broadcast_in_dim3A_1266, %scan3A_1150#13 : vector<16xf32>
      %select_n3A_1281 = arith.select %eq3A_1264, %broadcast_in_dim3A_1266, %scan3A_1150#14 : vector<16xf32>
      %select_n3A_1282 = arith.select %eq3A_1264, %broadcast_in_dim3A_1266, %scan3A_1150#15 : vector<16xf32>
      %scan3A_1283 = arith.constant 0 : i32
      %scan3A_1284 = arith.constant 8 : i32
      %scan3A_1285 = arith.addi %scan3A_1283, %scan3A_1284 : i32
      %scan3A_1286 = arith.constant 1 : i32
      %scan3A_1287:16 = scf.for %scan3A_1330 = %scan3A_1283 to %scan3A_1285 step %scan3A_1286 iter_args(%scan3A_1331 = %select_n3A_1267, %scan3A_1332 = %select_n3A_1268, %scan3A_1333 = %select_n3A_1269, %scan3A_1334 = %select_n3A_1270, %scan3A_1335 = %select_n3A_1271, %scan3A_1336 = %select_n3A_1272, %scan3A_1337 = %select_n3A_1273, %scan3A_1338 = %select_n3A_1274, %scan3A_1339 = %select_n3A_1275, %scan3A_1340 = %select_n3A_1276, %scan3A_1341 = %select_n3A_1277, %scan3A_1342 = %select_n3A_1278, %scan3A_1343 = %select_n3A_1279, %scan3A_1344 = %select_n3A_1280, %scan3A_1345 = %select_n3A_1281, %scan3A_1346 = %select_n3A_1282) -> (vector<16xf32>, vector<16xf32>, vector<16xf32>, vector<16xf32>, vector<16xf32>, vector<16xf32>, vector<16xf32>, vector<16xf32>, vector<16xf32>, vector<16xf32>, vector<16xf32>, vector<16xf32>, vector<16xf32>, vector<16xf32>, vector<16xf32>, vector<16xf32>)  : i32 {
        %get3A = arith.index_cast %scan3A_1330 : i32 to index
        %get3A_1347 = arith.constant 0 : index
        %get3A_1348 = tpu.vector_load %arg14[%get3A, %get3A_1347] {strides = array<i32>} : memref<8x256xi32, #tpu.memory_space<vmem>>, vector<16xi32>,
        %get3A_1349 = arith.index_cast %scan3A_1330 : i32 to index
        %get3A_1350 = arith.constant 16 : index
        %get3A_1351 = tpu.vector_load %arg14[%get3A_1349, %get3A_1350] {strides = array<i32>} : memref<8x256xi32, #tpu.memory_space<vmem>>, vector<16xi32>,
        %get3A_1352 = arith.index_cast %scan3A_1330 : i32 to index
        %get3A_1353 = arith.constant 32 : index
        %get3A_1354 = tpu.vector_load %arg14[%get3A_1352, %get3A_1353] {strides = array<i32>} : memref<8x256xi32, #tpu.memory_space<vmem>>, vector<16xi32>,
        %get3A_1355 = arith.index_cast %scan3A_1330 : i32 to index
        %get3A_1356 = arith.constant 48 : index
        %get3A_1357 = tpu.vector_load %arg14[%get3A_1355, %get3A_1356] {strides = array<i32>} : memref<8x256xi32, #tpu.memory_space<vmem>>, vector<16xi32>,
        %get3A_1358 = arith.index_cast %scan3A_1330 : i32 to index
        %get3A_1359 = arith.constant 64 : index
        %get3A_1360 = tpu.vector_load %arg14[%get3A_1358, %get3A_1359] {strides = array<i32>} : memref<8x256xi32, #tpu.memory_space<vmem>>, vector<16xi32>,
        %get3A_1361 = arith.index_cast %scan3A_1330 : i32 to index
        %get3A_1362 = arith.constant 80 : index
        %get3A_1363 = tpu.vector_load %arg14[%get3A_1361, %get3A_1362] {strides = array<i32>} : memref<8x256xi32, #tpu.memory_space<vmem>>, vector<16xi32>,
        %get3A_1364 = arith.index_cast %scan3A_1330 : i32 to index
        %get3A_1365 = arith.constant 96 : index
        %get3A_1366 = tpu.vector_load %arg14[%get3A_1364, %get3A_1365] {strides = array<i32>} : memref<8x256xi32, #tpu.memory_space<vmem>>, vector<16xi32>,
        %get3A_1367 = arith.index_cast %scan3A_1330 : i32 to index
        %get3A_1368 = arith.constant 112 : index
        %get3A_1369 = tpu.vector_load %arg14[%get3A_1367, %get3A_1368] {strides = array<i32>} : memref<8x256xi32, #tpu.memory_space<vmem>>, vector<16xi32>,
        %get3A_1370 = arith.index_cast %scan3A_1330 : i32 to index
        %get3A_1371 = arith.constant 128 : index
        %get3A_1372 = tpu.vector_load %arg14[%get3A_1370, %get3A_1371] {strides = array<i32>} : memref<8x256xi32, #tpu.memory_space<vmem>>, vector<16xi32>,
        %get3A_1373 = arith.index_cast %scan3A_1330 : i32 to index
        %get3A_1374 = arith.constant 144 : index
        %get3A_1375 = tpu.vector_load %arg14[%get3A_1373, %get3A_1374] {strides = array<i32>} : memref<8x256xi32, #tpu.memory_space<vmem>>, vector<16xi32>,
        %get3A_1376 = arith.index_cast %scan3A_1330 : i32 to index
        %get3A_1377 = arith.constant 160 : index
        %get3A_1378 = tpu.vector_load %arg14[%get3A_1376, %get3A_1377] {strides = array<i32>} : memref<8x256xi32, #tpu.memory_space<vmem>>, vector<16xi32>,
        %get3A_1379 = arith.index_cast %scan3A_1330 : i32 to index
        %get3A_1380 = arith.constant 176 : index
        %get3A_1381 = tpu.vector_load %arg14[%get3A_1379, %get3A_1380] {strides = array<i32>} : memref<8x256xi32, #tpu.memory_space<vmem>>, vector<16xi32>,
        %get3A_1382 = arith.index_cast %scan3A_1330 : i32 to index
        %get3A_1383 = arith.constant 192 : index
        %get3A_1384 = tpu.vector_load %arg14[%get3A_1382, %get3A_1383] {strides = array<i32>} : memref<8x256xi32, #tpu.memory_space<vmem>>, vector<16xi32>,
        %get3A_1385 = arith.index_cast %scan3A_1330 : i32 to index
        %get3A_1386 = arith.constant 208 : index
        %get3A_1387 = tpu.vector_load %arg14[%get3A_1385, %get3A_1386] {strides = array<i32>} : memref<8x256xi32, #tpu.memory_space<vmem>>, vector<16xi32>,
        %get3A_1388 = arith.index_cast %scan3A_1330 : i32 to index
        %get3A_1389 = arith.constant 224 : index
        %get3A_1390 = tpu.vector_load %arg14[%get3A_1388, %get3A_1389] {strides = array<i32>} : memref<8x256xi32, #tpu.memory_space<vmem>>, vector<16xi32>,
        %get3A_1391 = arith.index_cast %scan3A_1330 : i32 to index
        %get3A_1392 = arith.constant 240 : index
        %get3A_1393 = tpu.vector_load %arg14[%get3A_1391, %get3A_1392] {strides = array<i32>} : memref<8x256xi32, #tpu.memory_space<vmem>>, vector<16xi32>,
        %gather3A = tpu.vector_load_idx %arg6[%get3A_1348] : memref<100000xf32, #tpu.memory_space<vmem>>[vector<16xi32>], vector<16xf32>,
        %gather3A_1394 = tpu.vector_load_idx %arg6[%get3A_1351] : memref<100000xf32, #tpu.memory_space<vmem>>[vector<16xi32>], vector<16xf32>,
        %gather3A_1395 = tpu.vector_load_idx %arg6[%get3A_1354] : memref<100000xf32, #tpu.memory_space<vmem>>[vector<16xi32>], vector<16xf32>,
        %gather3A_1396 = tpu.vector_load_idx %arg6[%get3A_1357] : memref<100000xf32, #tpu.memory_space<vmem>>[vector<16xi32>], vector<16xf32>,
        %gather3A_1397 = tpu.vector_load_idx %arg6[%get3A_1360] : memref<100000xf32, #tpu.memory_space<vmem>>[vector<16xi32>], vector<16xf32>,
        %gather3A_1398 = tpu.vector_load_idx %arg6[%get3A_1363] : memref<100000xf32, #tpu.memory_space<vmem>>[vector<16xi32>], vector<16xf32>,
        %gather3A_1399 = tpu.vector_load_idx %arg6[%get3A_1366] : memref<100000xf32, #tpu.memory_space<vmem>>[vector<16xi32>], vector<16xf32>,
        %gather3A_1400 = tpu.vector_load_idx %arg6[%get3A_1369] : memref<100000xf32, #tpu.memory_space<vmem>>[vector<16xi32>], vector<16xf32>,
        %gather3A_1401 = tpu.vector_load_idx %arg6[%get3A_1372] : memref<100000xf32, #tpu.memory_space<vmem>>[vector<16xi32>], vector<16xf32>,
        %gather3A_1402 = tpu.vector_load_idx %arg6[%get3A_1375] : memref<100000xf32, #tpu.memory_space<vmem>>[vector<16xi32>], vector<16xf32>,
        %gather3A_1403 = tpu.vector_load_idx %arg6[%get3A_1378] : memref<100000xf32, #tpu.memory_space<vmem>>[vector<16xi32>], vector<16xf32>,
        %gather3A_1404 = tpu.vector_load_idx %arg6[%get3A_1381] : memref<100000xf32, #tpu.memory_space<vmem>>[vector<16xi32>], vector<16xf32>,
        %gather3A_1405 = tpu.vector_load_idx %arg6[%get3A_1384] : memref<100000xf32, #tpu.memory_space<vmem>>[vector<16xi32>], vector<16xf32>,
        %gather3A_1406 = tpu.vector_load_idx %arg6[%get3A_1387] : memref<100000xf32, #tpu.memory_space<vmem>>[vector<16xi32>], vector<16xf32>,
        %gather3A_1407 = tpu.vector_load_idx %arg6[%get3A_1390] : memref<100000xf32, #tpu.memory_space<vmem>>[vector<16xi32>], vector<16xf32>,
        %gather3A_1408 = tpu.vector_load_idx %arg6[%get3A_1393] : memref<100000xf32, #tpu.memory_space<vmem>>[vector<16xi32>], vector<16xf32>,
        %add3A_1409 = arith.addf %scan3A_1331, %gather3A : vector<16xf32>
        %add3A_1410 = arith.addf %scan3A_1332, %gather3A_1394 : vector<16xf32>
        %add3A_1411 = arith.addf %scan3A_1333, %gather3A_1395 : vector<16xf32>
        %add3A_1412 = arith.addf %scan3A_1334, %gather3A_1396 : vector<16xf32>
        %add3A_1413 = arith.addf %scan3A_1335, %gather3A_1397 : vector<16xf32>
        %add3A_1414 = arith.addf %scan3A_1336, %gather3A_1398 : vector<16xf32>
        %add3A_1415 = arith.addf %scan3A_1337, %gather3A_1399 : vector<16xf32>
        %add3A_1416 = arith.addf %scan3A_1338, %gather3A_1400 : vector<16xf32>
        %add3A_1417 = arith.addf %scan3A_1339, %gather3A_1401 : vector<16xf32>
        %add3A_1418 = arith.addf %scan3A_1340, %gather3A_1402 : vector<16xf32>
        %add3A_1419 = arith.addf %scan3A_1341, %gather3A_1403 : vector<16xf32>
        %add3A_1420 = arith.addf %scan3A_1342, %gather3A_1404 : vector<16xf32>
        %add3A_1421 = arith.addf %scan3A_1343, %gather3A_1405 : vector<16xf32>
        %add3A_1422 = arith.addf %scan3A_1344, %gather3A_1406 : vector<16xf32>
        %add3A_1423 = arith.addf %scan3A_1345, %gather3A_1407 : vector<16xf32>
        %add3A_1424 = arith.addf %scan3A_1346, %gather3A_1408 : vector<16xf32>
        %swap3A = arith.index_cast %scan3A_1330 : i32 to index
        %swap3A_1425 = arith.constant 0 : index
        %swap3A_1426 = tpu.vector_load %arg18[%swap3A, %swap3A_1425] {strides = array<i32>} : memref<8x256xf32, #tpu.memory_space<vmem>>, vector<16xf32>,
        tpu.vector_store %arg18[%swap3A, %swap3A_1425], %add3A_1409 {strides = array<i32>} : memref<8x256xf32, #tpu.memory_space<vmem>>, vector<16xf32>,
        %swap3A_1427 = arith.index_cast %scan3A_1330 : i32 to index
        %swap3A_1428 = arith.constant 16 : index
        %swap3A_1429 = tpu.vector_load %arg18[%swap3A_1427, %swap3A_1428] {strides = array<i32>} : memref<8x256xf32, #tpu.memory_space<vmem>>, vector<16xf32>,
        tpu.vector_store %arg18[%swap3A_1427, %swap3A_1428], %add3A_1410 {strides = array<i32>} : memref<8x256xf32, #tpu.memory_space<vmem>>, vector<16xf32>,
        %swap3A_1430 = arith.index_cast %scan3A_1330 : i32 to index
        %swap3A_1431 = arith.constant 32 : index
        %swap3A_1432 = tpu.vector_load %arg18[%swap3A_1430, %swap3A_1431] {strides = array<i32>} : memref<8x256xf32, #tpu.memory_space<vmem>>, vector<16xf32>,
        tpu.vector_store %arg18[%swap3A_1430, %swap3A_1431], %add3A_1411 {strides = array<i32>} : memref<8x256xf32, #tpu.memory_space<vmem>>, vector<16xf32>,
        %swap3A_1433 = arith.index_cast %scan3A_1330 : i32 to index
        %swap3A_1434 = arith.constant 48 : index
        %swap3A_1435 = tpu.vector_load %arg18[%swap3A_1433, %swap3A_1434] {strides = array<i32>} : memref<8x256xf32, #tpu.memory_space<vmem>>, vector<16xf32>,
        tpu.vector_store %arg18[%swap3A_1433, %swap3A_1434], %add3A_1412 {strides = array<i32>} : memref<8x256xf32, #tpu.memory_space<vmem>>, vector<16xf32>,
        %swap3A_1436 = arith.index_cast %scan3A_1330 : i32 to index
        %swap3A_1437 = arith.constant 64 : index
        %swap3A_1438 = tpu.vector_load %arg18[%swap3A_1436, %swap3A_1437] {strides = array<i32>} : memref<8x256xf32, #tpu.memory_space<vmem>>, vector<16xf32>,
        tpu.vector_store %arg18[%swap3A_1436, %swap3A_1437], %add3A_1413 {strides = array<i32>} : memref<8x256xf32, #tpu.memory_space<vmem>>, vector<16xf32>,
        %swap3A_1439 = arith.index_cast %scan3A_1330 : i32 to index
        %swap3A_1440 = arith.constant 80 : index
        %swap3A_1441 = tpu.vector_load %arg18[%swap3A_1439, %swap3A_1440] {strides = array<i32>} : memref<8x256xf32, #tpu.memory_space<vmem>>, vector<16xf32>,
        tpu.vector_store %arg18[%swap3A_1439, %swap3A_1440], %add3A_1414 {strides = array<i32>} : memref<8x256xf32, #tpu.memory_space<vmem>>, vector<16xf32>,
        %swap3A_1442 = arith.index_cast %scan3A_1330 : i32 to index
        %swap3A_1443 = arith.constant 96 : index
        %swap3A_1444 = tpu.vector_load %arg18[%swap3A_1442, %swap3A_1443] {strides = array<i32>} : memref<8x256xf32, #tpu.memory_space<vmem>>, vector<16xf32>,
        tpu.vector_store %arg18[%swap3A_1442, %swap3A_1443], %add3A_1415 {strides = array<i32>} : memref<8x256xf32, #tpu.memory_space<vmem>>, vector<16xf32>,
        %swap3A_1445 = arith.index_cast %scan3A_1330 : i32 to index
        %swap3A_1446 = arith.constant 112 : index
        %swap3A_1447 = tpu.vector_load %arg18[%swap3A_1445, %swap3A_1446] {strides = array<i32>} : memref<8x256xf32, #tpu.memory_space<vmem>>, vector<16xf32>,
        tpu.vector_store %arg18[%swap3A_1445, %swap3A_1446], %add3A_1416 {strides = array<i32>} : memref<8x256xf32, #tpu.memory_space<vmem>>, vector<16xf32>,
        %swap3A_1448 = arith.index_cast %scan3A_1330 : i32 to index
        %swap3A_1449 = arith.constant 128 : index
        %swap3A_1450 = tpu.vector_load %arg18[%swap3A_1448, %swap3A_1449] {strides = array<i32>} : memref<8x256xf32, #tpu.memory_space<vmem>>, vector<16xf32>,
        tpu.vector_store %arg18[%swap3A_1448, %swap3A_1449], %add3A_1417 {strides = array<i32>} : memref<8x256xf32, #tpu.memory_space<vmem>>, vector<16xf32>,
        %swap3A_1451 = arith.index_cast %scan3A_1330 : i32 to index
        %swap3A_1452 = arith.constant 144 : index
        %swap3A_1453 = tpu.vector_load %arg18[%swap3A_1451, %swap3A_1452] {strides = array<i32>} : memref<8x256xf32, #tpu.memory_space<vmem>>, vector<16xf32>,
        tpu.vector_store %arg18[%swap3A_1451, %swap3A_1452], %add3A_1418 {strides = array<i32>} : memref<8x256xf32, #tpu.memory_space<vmem>>, vector<16xf32>,
        %swap3A_1454 = arith.index_cast %scan3A_1330 : i32 to index
        %swap3A_1455 = arith.constant 160 : index
        %swap3A_1456 = tpu.vector_load %arg18[%swap3A_1454, %swap3A_1455] {strides = array<i32>} : memref<8x256xf32, #tpu.memory_space<vmem>>, vector<16xf32>,
        tpu.vector_store %arg18[%swap3A_1454, %swap3A_1455], %add3A_1419 {strides = array<i32>} : memref<8x256xf32, #tpu.memory_space<vmem>>, vector<16xf32>,
        %swap3A_1457 = arith.index_cast %scan3A_1330 : i32 to index
        %swap3A_1458 = arith.constant 176 : index
        %swap3A_1459 = tpu.vector_load %arg18[%swap3A_1457, %swap3A_1458] {strides = array<i32>} : memref<8x256xf32, #tpu.memory_space<vmem>>, vector<16xf32>,
        tpu.vector_store %arg18[%swap3A_1457, %swap3A_1458], %add3A_1420 {strides = array<i32>} : memref<8x256xf32, #tpu.memory_space<vmem>>, vector<16xf32>,
        %swap3A_1460 = arith.index_cast %scan3A_1330 : i32 to index
        %swap3A_1461 = arith.constant 192 : index
        %swap3A_1462 = tpu.vector_load %arg18[%swap3A_1460, %swap3A_1461] {strides = array<i32>} : memref<8x256xf32, #tpu.memory_space<vmem>>, vector<16xf32>,
        tpu.vector_store %arg18[%swap3A_1460, %swap3A_1461], %add3A_1421 {strides = array<i32>} : memref<8x256xf32, #tpu.memory_space<vmem>>, vector<16xf32>,
        %swap3A_1463 = arith.index_cast %scan3A_1330 : i32 to index
        %swap3A_1464 = arith.constant 208 : index
        %swap3A_1465 = tpu.vector_load %arg18[%swap3A_1463, %swap3A_1464] {strides = array<i32>} : memref<8x256xf32, #tpu.memory_space<vmem>>, vector<16xf32>,
        tpu.vector_store %arg18[%swap3A_1463, %swap3A_1464], %add3A_1422 {strides = array<i32>} : memref<8x256xf32, #tpu.memory_space<vmem>>, vector<16xf32>,
        %swap3A_1466 = arith.index_cast %scan3A_1330 : i32 to index
        %swap3A_1467 = arith.constant 224 : index
        %swap3A_1468 = tpu.vector_load %arg18[%swap3A_1466, %swap3A_1467] {strides = array<i32>} : memref<8x256xf32, #tpu.memory_space<vmem>>, vector<16xf32>,
        tpu.vector_store %arg18[%swap3A_1466, %swap3A_1467], %add3A_1423 {strides = array<i32>} : memref<8x256xf32, #tpu.memory_space<vmem>>, vector<16xf32>,
        %swap3A_1469 = arith.index_cast %scan3A_1330 : i32 to index
        %swap3A_1470 = arith.constant 240 : index
        %swap3A_1471 = tpu.vector_load %arg18[%swap3A_1469, %swap3A_1470] {strides = array<i32>} : memref<8x256xf32, #tpu.memory_space<vmem>>, vector<16xf32>,
        tpu.vector_store %arg18[%swap3A_1469, %swap3A_1470], %add3A_1424 {strides = array<i32>} : memref<8x256xf32, #tpu.memory_space<vmem>>, vector<16xf32>,
        scf.yield %add3A_1409, %add3A_1410, %add3A_1411, %add3A_1412, %add3A_1413, %add3A_1414, %add3A_1415, %add3A_1416, %add3A_1417, %add3A_1418, %add3A_1419, %add3A_1420, %add3A_1421, %add3A_1422, %add3A_1423, %add3A_1424 : vector<16xf32>, vector<16xf32>, vector<16xf32>, vector<16xf32>, vector<16xf32>, vector<16xf32>, vector<16xf32>, vector<16xf32>, vector<16xf32>, vector<16xf32>, vector<16xf32>, vector<16xf32>, vector<16xf32>, vector<16xf32>, vector<16xf32>, vector<16xf32>
      }
      %scan3A_1288 = arith.constant 8 : i32
      %jit3A_1289 = arith.constant 25 : i32
      %div3A_1290 = arith.divsi %add3A_1196, %jit3A_1289 : i32
      %sign3A_1291 = arith.constant 0 : i32
      %sign3A_1292 = arith.cmpi sgt, %add3A_1196, %sign3A_1291 : i32
      %sign3A_1293 = arith.extui %sign3A_1292 : i1 to i32
      %sign3A_1294 = arith.constant 0 : i32
      %sign3A_1295 = arith.cmpi slt, %add3A_1196, %sign3A_1294 : i32
      %sign3A_1296 = arith.extui %sign3A_1295 : i1 to i32
      %sign3A_1297 = arith.subi %sign3A_1293, %sign3A_1296 : i32
      %sign3A_1298 = arith.constant 0 : i32
      %sign3A_1299 = arith.cmpi sgt, %jit3A_1289, %sign3A_1298 : i32
      %sign3A_1300 = arith.extui %sign3A_1299 : i1 to i32
      %sign3A_1301 = arith.constant 0 : i32
      %sign3A_1302 = arith.cmpi slt, %jit3A_1289, %sign3A_1301 : i32
      %sign3A_1303 = arith.extui %sign3A_1302 : i1 to i32
      %sign3A_1304 = arith.subi %sign3A_1300, %sign3A_1303 : i32
      %ne3A_1305 = arith.cmpi ne, %sign3A_1297, %sign3A_1304 : i32
      %rem3A_1306 = arith.remsi %add3A_1196, %jit3A_1289 : i32
      %ne3A_1307 = arith.constant 0 : i32
      %ne3A_1308 = arith.cmpi ne, %rem3A_1306, %ne3A_1307 : i32
      %and3A_1309 = arith.andi %ne3A_1305, %ne3A_1308 : i1
      %sub3A_1310 = arith.constant 1 : i32
      %sub3A_1311 = arith.subi %div3A_1290, %sub3A_1310 : i32
      %select_n3A_1312 = arith.select %and3A_1309, %sub3A_1311, %div3A_1290 : i32
      %mul3A_1313 = arith.constant 25 : i32
      %mul3A_1314 = arith.muli %select_n3A_1312, %mul3A_1313 : i32
      %sub3A_1315 = arith.subi %add3A_1196, %mul3A_1314 : i32
      %mul3A_1316 = arith.constant 8 : i32
      %mul3A_1317 = arith.muli %sub3A_1315, %mul3A_1316 : i32
      %mul3A_1318 = arith.constant 256 : i32
      %mul3A_1319 = arith.muli %select_n3A_1312, %mul3A_1318 : i32
      %add3A_1320 = arith.addi %mul3A_2, %mul3A_1319 : i32
      %dma_start3A_1321 = tpu.memref_slice %arg4[%mul3A_1317, %add3A_1320] : memref<200x16384xf32, #tpu.memory_space<hbm>> -> memref<8x256xf32, #tpu.memory_space<hbm>>
      %dma_start3A_1322 = tpu.memref_slice %arg4[%mul3A_1317, %add3A_1320] : memref<200x16384xf32, #tpu.memory_space<hbm>> -> memref<8x256xf32, #tpu.memory_space<hbm>>
      tpu.enqueue_dma source(%arg18 : memref<8x256xf32, #tpu.memory_space<vmem>>) target(%dma_start3A_1322 : memref<8x256xf32, #tpu.memory_space<hbm>>) target_semaphore(%arg30 : memref<!tpu.dma_semaphore, #tpu.memory_space<semaphore_mem>>)
      %add3A_1323 = arith.constant 8 : i32
      %add3A_1324 = arith.addi %add3A_1196, %add3A_1323 : i32
      %lt3A_1325 = arith.constant 50 : i32
      %lt3A_1326 = arith.cmpi slt, %add3A_1324, %lt3A_1325 : i32
      %convert_element_type3A_1327 = arith.extui %lt3A_1326 : i1 to i32
      %cond3A_1328 = arith.constant 0 : i32
      %cond3A_1329 = arith.cmpi ne, %convert_element_type3A_1327, %cond3A_1328 : i32
      scf.if %cond3A_1329 {
        %add3A_1330 = arith.constant 8 : i32
        %add3A_1331 = arith.addi %add3A_1196, %add3A_1330 : i32
        %jit3A_1332 = arith.constant 25 : i32
        %div3A_1333 = arith.divsi %add3A_1331, %jit3A_1332 : i32
        %sign3A_1334 = arith.constant 0 : i32
        %sign3A_1335 = arith.cmpi sgt, %add3A_1331, %sign3A_1334 : i32
        %sign3A_1336 = arith.extui %sign3A_1335 : i1 to i32
        %sign3A_1337 = arith.constant 0 : i32
        %sign3A_1338 = arith.cmpi slt, %add3A_1331, %sign3A_1337 : i32
        %sign3A_1339 = arith.extui %sign3A_1338 : i1 to i32
        %sign3A_1340 = arith.subi %sign3A_1336, %sign3A_1339 : i32
        %sign3A_1341 = arith.constant 0 : i32
        %sign3A_1342 = arith.cmpi sgt, %jit3A_1332, %sign3A_1341 : i32
        %sign3A_1343 = arith.extui %sign3A_1342 : i1 to i32
        %sign3A_1344 = arith.constant 0 : i32
        %sign3A_1345 = arith.cmpi slt, %jit3A_1332, %sign3A_1344 : i32
        %sign3A_1346 = arith.extui %sign3A_1345 : i1 to i32
        %sign3A_1347 = arith.subi %sign3A_1343, %sign3A_1346 : i32
        %ne3A_1348 = arith.cmpi ne, %sign3A_1340, %sign3A_1347 : i32
        %rem3A_1349 = arith.remsi %add3A_1331, %jit3A_1332 : i32
        %ne3A_1350 = arith.constant 0 : i32
        %ne3A_1351 = arith.cmpi ne, %rem3A_1349, %ne3A_1350 : i32
        %and3A_1352 = arith.andi %ne3A_1348, %ne3A_1351 : i1
        %sub3A_1353 = arith.constant 1 : i32
        %sub3A_1354 = arith.subi %div3A_1333, %sub3A_1353 : i32
        %select_n3A_1355 = arith.select %and3A_1352, %sub3A_1354, %div3A_1333 : i32
        %mul3A_1356 = arith.constant 25 : i32
        %mul3A_1357 = arith.muli %select_n3A_1355, %mul3A_1356 : i32
        %sub3A_1358 = arith.subi %add3A_1331, %mul3A_1357 : i32
        %mul3A_1359 = arith.constant 8 : i32
        %mul3A_1360 = arith.muli %sub3A_1358, %mul3A_1359 : i32
        %mul3A_1361 = arith.constant 256 : i32
        %mul3A_1362 = arith.muli %select_n3A_1355, %mul3A_1361 : i32
        %add3A_1363 = arith.addi %mul3A_2, %mul3A_1362 : i32
        %dma_start3A_1364 = tpu.memref_slice %arg2[%mul3A_1360, %add3A_1363] : memref<200x16384xi32, #tpu.memory_space<hbm>> -> memref<8x256xi32, #tpu.memory_space<hbm>>
        %dma_start3A_1365 = tpu.memref_slice %arg2[%mul3A_1360, %add3A_1363] : memref<200x16384xi32, #tpu.memory_space<hbm>> -> memref<8x256xi32, #tpu.memory_space<hbm>>
        tpu.enqueue_dma source(%dma_start3A_1365 : memref<8x256xi32, #tpu.memory_space<hbm>>) target(%arg14 : memref<8x256xi32, #tpu.memory_space<vmem>>) target_semaphore(%arg26 : memref<!tpu.dma_semaphore, #tpu.memory_space<semaphore_mem>>)
      } else {
      }
      scf.yield %scan3A_1287#0, %scan3A_1287#1, %scan3A_1287#2, %scan3A_1287#3, %scan3A_1287#4, %scan3A_1287#5, %scan3A_1287#6, %scan3A_1287#7, %scan3A_1287#8, %scan3A_1287#9, %scan3A_1287#10, %scan3A_1287#11, %scan3A_1287#12, %scan3A_1287#13, %scan3A_1287#14, %scan3A_1287#15 : vector<16xf32>, vector<16xf32>, vector<16xf32>, vector<16xf32>, vector<16xf32>, vector<16xf32>, vector<16xf32>, vector<16xf32>, vector<16xf32>, vector<16xf32>, vector<16xf32>, vector<16xf32>, vector<16xf32>, vector<16xf32>, vector<16xf32>, vector<16xf32>
    }
    %scan3A_87 = arith.constant 6 : i32
    %add3A_88 = arith.constant 256 : i32
    %add3A_89 = arith.addi %mul3A_2, %add3A_88 : i32
    %dma_wait3A = arith.constant 184 : i32
    %dma_wait3A_90 = tpu.memref_slice %arg2[%dma_wait3A, %add3A_89] : memref<200x16384xi32, #tpu.memory_space<hbm>> -> memref<8x256xi32, #tpu.memory_space<hbm>>
    %dma_wait3A_91 = arith.constant 184 : i32
    %dma_wait3A_92 = tpu.memref_slice %arg2[%dma_wait3A_91, %add3A_89] : memref<200x16384xi32, #tpu.memory_space<hbm>> -> memref<8x256xi32, #tpu.memory_space<hbm>>
    tpu.wait_dma2 semaphore(%arg19 : memref<!tpu.dma_semaphore, #tpu.memory_space<semaphore_mem>>) src(%dma_wait3A_92 : memref<8x256xi32, #tpu.memory_space<hbm>>) dst(%arg7 : memref<8x256xi32, #tpu.memory_space<vmem>>)
    %add3A_93 = arith.constant 256 : i32
    %add3A_94 = arith.addi %mul3A_2, %add3A_93 : i32
    %dma_wait3A_95 = arith.constant 152 : i32
    %dma_wait3A_96 = tpu.memref_slice %arg4[%dma_wait3A_95, %add3A_94] : memref<200x16384xf32, #tpu.memory_space<hbm>> -> memref<8x256xf32, #tpu.memory_space<hbm>>
    %dma_wait3A_97 = arith.constant 152 : i32
    %dma_wait3A_98 = tpu.memref_slice %arg4[%dma_wait3A_97, %add3A_94] : memref<200x16384xf32, #tpu.memory_space<hbm>> -> memref<8x256xf32, #tpu.memory_space<hbm>>
    tpu.wait_dma2 semaphore(%arg27 : memref<!tpu.dma_semaphore, #tpu.memory_space<semaphore_mem>>) src(%arg15 : memref<8x256xf32, #tpu.memory_space<vmem>>) dst(%dma_wait3A_98 : memref<8x256xf32, #tpu.memory_space<hbm>>)
    %broadcast_in_dim3A_99 = arith.constant 0.000000e+00 : f32
    %broadcast_in_dim3A_100 = vector.broadcast %broadcast_in_dim3A_99 : f32 to vector<16xf32>
    %jit3A = arith.constant false
    %select_n3A = arith.select %jit3A, %broadcast_in_dim3A_100, %scan3A_86#0 : vector<16xf32>
    %jit3A_101 = arith.constant false
    %select_n3A_102 = arith.select %jit3A_101, %broadcast_in_dim3A_100, %scan3A_86#1 : vector<16xf32>
    %jit3A_103 = arith.constant false
    %select_n3A_104 = arith.select %jit3A_103, %broadcast_in_dim3A_100, %scan3A_86#2 : vector<16xf32>
    %jit3A_105 = arith.constant false
    %select_n3A_106 = arith.select %jit3A_105, %broadcast_in_dim3A_100, %scan3A_86#3 : vector<16xf32>
    %jit3A_107 = arith.constant false
    %select_n3A_108 = arith.select %jit3A_107, %broadcast_in_dim3A_100, %scan3A_86#4 : vector<16xf32>
    %jit3A_109 = arith.constant false
    %select_n3A_110 = arith.select %jit3A_109, %broadcast_in_dim3A_100, %scan3A_86#5 : vector<16xf32>
    %jit3A_111 = arith.constant false
    %select_n3A_112 = arith.select %jit3A_111, %broadcast_in_dim3A_100, %scan3A_86#6 : vector<16xf32>
    %jit3A_113 = arith.constant false
    %select_n3A_114 = arith.select %jit3A_113, %broadcast_in_dim3A_100, %scan3A_86#7 : vector<16xf32>
    %jit3A_115 = arith.constant false
    %select_n3A_116 = arith.select %jit3A_115, %broadcast_in_dim3A_100, %scan3A_86#8 : vector<16xf32>
    %jit3A_117 = arith.constant false
    %select_n3A_118 = arith.select %jit3A_117, %broadcast_in_dim3A_100, %scan3A_86#9 : vector<16xf32>
    %jit3A_119 = arith.constant false
    %select_n3A_120 = arith.select %jit3A_119, %broadcast_in_dim3A_100, %scan3A_86#10 : vector<16xf32>
    %jit3A_121 = arith.constant false
    %select_n3A_122 = arith.select %jit3A_121, %broadcast_in_dim3A_100, %scan3A_86#11 : vector<16xf32>
    %jit3A_123 = arith.constant false
    %select_n3A_124 = arith.select %jit3A_123, %broadcast_in_dim3A_100, %scan3A_86#12 : vector<16xf32>
    %jit3A_125 = arith.constant false
    %select_n3A_126 = arith.select %jit3A_125, %broadcast_in_dim3A_100, %scan3A_86#13 : vector<16xf32>
    %jit3A_127 = arith.constant false
    %select_n3A_128 = arith.select %jit3A_127, %broadcast_in_dim3A_100, %scan3A_86#14 : vector<16xf32>
    %jit3A_129 = arith.constant false
    %select_n3A_130 = arith.select %jit3A_129, %broadcast_in_dim3A_100, %scan3A_86#15 : vector<16xf32>
    %scan3A_131 = arith.constant 0 : i32
    %scan3A_132 = arith.constant 8 : i32
    %scan3A_133 = arith.addi %scan3A_131, %scan3A_132 : i32
    %scan3A_134 = arith.constant 1 : i32
    %scan3A_135:16 = scf.for %scan3A_225 = %scan3A_131 to %scan3A_133 step %scan3A_134 iter_args(%scan3A_226 = %select_n3A, %scan3A_227 = %select_n3A_102, %scan3A_228 = %select_n3A_104, %scan3A_229 = %select_n3A_106, %scan3A_230 = %select_n3A_108, %scan3A_231 = %select_n3A_110, %scan3A_232 = %select_n3A_112, %scan3A_233 = %select_n3A_114, %scan3A_234 = %select_n3A_116, %scan3A_235 = %select_n3A_118, %scan3A_236 = %select_n3A_120, %scan3A_237 = %select_n3A_122, %scan3A_238 = %select_n3A_124, %scan3A_239 = %select_n3A_126, %scan3A_240 = %select_n3A_128, %scan3A_241 = %select_n3A_130) -> (vector<16xf32>, vector<16xf32>, vector<16xf32>, vector<16xf32>, vector<16xf32>, vector<16xf32>, vector<16xf32>, vector<16xf32>, vector<16xf32>, vector<16xf32>, vector<16xf32>, vector<16xf32>, vector<16xf32>, vector<16xf32>, vector<16xf32>, vector<16xf32>)  : i32 {
      %get3A = arith.index_cast %scan3A_225 : i32 to index
      %get3A_242 = arith.constant 0 : index
      %get3A_243 = tpu.vector_load %arg7[%get3A, %get3A_242] {strides = array<i32>} : memref<8x256xi32, #tpu.memory_space<vmem>>, vector<16xi32>,
      %get3A_244 = arith.index_cast %scan3A_225 : i32 to index
      %get3A_245 = arith.constant 16 : index
      %get3A_246 = tpu.vector_load %arg7[%get3A_244, %get3A_245] {strides = array<i32>} : memref<8x256xi32, #tpu.memory_space<vmem>>, vector<16xi32>,
      %get3A_247 = arith.index_cast %scan3A_225 : i32 to index
      %get3A_248 = arith.constant 32 : index
      %get3A_249 = tpu.vector_load %arg7[%get3A_247, %get3A_248] {strides = array<i32>} : memref<8x256xi32, #tpu.memory_space<vmem>>, vector<16xi32>,
      %get3A_250 = arith.index_cast %scan3A_225 : i32 to index
      %get3A_251 = arith.constant 48 : index
      %get3A_252 = tpu.vector_load %arg7[%get3A_250, %get3A_251] {strides = array<i32>} : memref<8x256xi32, #tpu.memory_space<vmem>>, vector<16xi32>,
      %get3A_253 = arith.index_cast %scan3A_225 : i32 to index
      %get3A_254 = arith.constant 64 : index
      %get3A_255 = tpu.vector_load %arg7[%get3A_253, %get3A_254] {strides = array<i32>} : memref<8x256xi32, #tpu.memory_space<vmem>>, vector<16xi32>,
      %get3A_256 = arith.index_cast %scan3A_225 : i32 to index
      %get3A_257 = arith.constant 80 : index
      %get3A_258 = tpu.vector_load %arg7[%get3A_256, %get3A_257] {strides = array<i32>} : memref<8x256xi32, #tpu.memory_space<vmem>>, vector<16xi32>,
      %get3A_259 = arith.index_cast %scan3A_225 : i32 to index
      %get3A_260 = arith.constant 96 : index
      %get3A_261 = tpu.vector_load %arg7[%get3A_259, %get3A_260] {strides = array<i32>} : memref<8x256xi32, #tpu.memory_space<vmem>>, vector<16xi32>,
      %get3A_262 = arith.index_cast %scan3A_225 : i32 to index
      %get3A_263 = arith.constant 112 : index
      %get3A_264 = tpu.vector_load %arg7[%get3A_262, %get3A_263] {strides = array<i32>} : memref<8x256xi32, #tpu.memory_space<vmem>>, vector<16xi32>,
      %get3A_265 = arith.index_cast %scan3A_225 : i32 to index
      %get3A_266 = arith.constant 128 : index
      %get3A_267 = tpu.vector_load %arg7[%get3A_265, %get3A_266] {strides = array<i32>} : memref<8x256xi32, #tpu.memory_space<vmem>>, vector<16xi32>,
      %get3A_268 = arith.index_cast %scan3A_225 : i32 to index
      %get3A_269 = arith.constant 144 : index
      %get3A_270 = tpu.vector_load %arg7[%get3A_268, %get3A_269] {strides = array<i32>} : memref<8x256xi32, #tpu.memory_space<vmem>>, vector<16xi32>,
      %get3A_271 = arith.index_cast %scan3A_225 : i32 to index
      %get3A_272 = arith.constant 160 : index
      %get3A_273 = tpu.vector_load %arg7[%get3A_271, %get3A_272] {strides = array<i32>} : memref<8x256xi32, #tpu.memory_space<vmem>>, vector<16xi32>,
      %get3A_274 = arith.index_cast %scan3A_225 : i32 to index
      %get3A_275 = arith.constant 176 : index
      %get3A_276 = tpu.vector_load %arg7[%get3A_274, %get3A_275] {strides = array<i32>} : memref<8x256xi32, #tpu.memory_space<vmem>>, vector<16xi32>,
      %get3A_277 = arith.index_cast %scan3A_225 : i32 to index
      %get3A_278 = arith.constant 192 : index
      %get3A_279 = tpu.vector_load %arg7[%get3A_277, %get3A_278] {strides = array<i32>} : memref<8x256xi32, #tpu.memory_space<vmem>>, vector<16xi32>,
      %get3A_280 = arith.index_cast %scan3A_225 : i32 to index
      %get3A_281 = arith.constant 208 : index
      %get3A_282 = tpu.vector_load %arg7[%get3A_280, %get3A_281] {strides = array<i32>} : memref<8x256xi32, #tpu.memory_space<vmem>>, vector<16xi32>,
      %get3A_283 = arith.index_cast %scan3A_225 : i32 to index
      %get3A_284 = arith.constant 224 : index
      %get3A_285 = tpu.vector_load %arg7[%get3A_283, %get3A_284] {strides = array<i32>} : memref<8x256xi32, #tpu.memory_space<vmem>>, vector<16xi32>,
      %get3A_286 = arith.index_cast %scan3A_225 : i32 to index
      %get3A_287 = arith.constant 240 : index
      %get3A_288 = tpu.vector_load %arg7[%get3A_286, %get3A_287] {strides = array<i32>} : memref<8x256xi32, #tpu.memory_space<vmem>>, vector<16xi32>,
      %gather3A = tpu.vector_load_idx %arg6[%get3A_243] : memref<100000xf32, #tpu.memory_space<vmem>>[vector<16xi32>], vector<16xf32>,
      %gather3A_289 = tpu.vector_load_idx %arg6[%get3A_246] : memref<100000xf32, #tpu.memory_space<vmem>>[vector<16xi32>], vector<16xf32>,
      %gather3A_290 = tpu.vector_load_idx %arg6[%get3A_249] : memref<100000xf32, #tpu.memory_space<vmem>>[vector<16xi32>], vector<16xf32>,
      %gather3A_291 = tpu.vector_load_idx %arg6[%get3A_252] : memref<100000xf32, #tpu.memory_space<vmem>>[vector<16xi32>], vector<16xf32>,
      %gather3A_292 = tpu.vector_load_idx %arg6[%get3A_255] : memref<100000xf32, #tpu.memory_space<vmem>>[vector<16xi32>], vector<16xf32>,
      %gather3A_293 = tpu.vector_load_idx %arg6[%get3A_258] : memref<100000xf32, #tpu.memory_space<vmem>>[vector<16xi32>], vector<16xf32>,
      %gather3A_294 = tpu.vector_load_idx %arg6[%get3A_261] : memref<100000xf32, #tpu.memory_space<vmem>>[vector<16xi32>], vector<16xf32>,
      %gather3A_295 = tpu.vector_load_idx %arg6[%get3A_264] : memref<100000xf32, #tpu.memory_space<vmem>>[vector<16xi32>], vector<16xf32>,
      %gather3A_296 = tpu.vector_load_idx %arg6[%get3A_267] : memref<100000xf32, #tpu.memory_space<vmem>>[vector<16xi32>], vector<16xf32>,
      %gather3A_297 = tpu.vector_load_idx %arg6[%get3A_270] : memref<100000xf32, #tpu.memory_space<vmem>>[vector<16xi32>], vector<16xf32>,
      %gather3A_298 = tpu.vector_load_idx %arg6[%get3A_273] : memref<100000xf32, #tpu.memory_space<vmem>>[vector<16xi32>], vector<16xf32>,
      %gather3A_299 = tpu.vector_load_idx %arg6[%get3A_276] : memref<100000xf32, #tpu.memory_space<vmem>>[vector<16xi32>], vector<16xf32>,
      %gather3A_300 = tpu.vector_load_idx %arg6[%get3A_279] : memref<100000xf32, #tpu.memory_space<vmem>>[vector<16xi32>], vector<16xf32>,
      %gather3A_301 = tpu.vector_load_idx %arg6[%get3A_282] : memref<100000xf32, #tpu.memory_space<vmem>>[vector<16xi32>], vector<16xf32>,
      %gather3A_302 = tpu.vector_load_idx %arg6[%get3A_285] : memref<100000xf32, #tpu.memory_space<vmem>>[vector<16xi32>], vector<16xf32>,
      %gather3A_303 = tpu.vector_load_idx %arg6[%get3A_288] : memref<100000xf32, #tpu.memory_space<vmem>>[vector<16xi32>], vector<16xf32>,
      %add3A_304 = arith.addf %scan3A_226, %gather3A : vector<16xf32>
      %add3A_305 = arith.addf %scan3A_227, %gather3A_289 : vector<16xf32>
      %add3A_306 = arith.addf %scan3A_228, %gather3A_290 : vector<16xf32>
      %add3A_307 = arith.addf %scan3A_229, %gather3A_291 : vector<16xf32>
      %add3A_308 = arith.addf %scan3A_230, %gather3A_292 : vector<16xf32>
      %add3A_309 = arith.addf %scan3A_231, %gather3A_293 : vector<16xf32>
      %add3A_310 = arith.addf %scan3A_232, %gather3A_294 : vector<16xf32>
      %add3A_311 = arith.addf %scan3A_233, %gather3A_295 : vector<16xf32>
      %add3A_312 = arith.addf %scan3A_234, %gather3A_296 : vector<16xf32>
      %add3A_313 = arith.addf %scan3A_235, %gather3A_297 : vector<16xf32>
      %add3A_314 = arith.addf %scan3A_236, %gather3A_298 : vector<16xf32>
      %add3A_315 = arith.addf %scan3A_237, %gather3A_299 : vector<16xf32>
      %add3A_316 = arith.addf %scan3A_238, %gather3A_300 : vector<16xf32>
      %add3A_317 = arith.addf %scan3A_239, %gather3A_301 : vector<16xf32>
      %add3A_318 = arith.addf %scan3A_240, %gather3A_302 : vector<16xf32>
      %add3A_319 = arith.addf %scan3A_241, %gather3A_303 : vector<16xf32>
      %swap3A = arith.index_cast %scan3A_225 : i32 to index
      %swap3A_320 = arith.constant 0 : index
      %swap3A_321 = tpu.vector_load %arg15[%swap3A, %swap3A_320] {strides = array<i32>} : memref<8x256xf32, #tpu.memory_space<vmem>>, vector<16xf32>,
      tpu.vector_store %arg15[%swap3A, %swap3A_320], %add3A_304 {strides = array<i32>} : memref<8x256xf32, #tpu.memory_space<vmem>>, vector<16xf32>,
      %swap3A_322 = arith.index_cast %scan3A_225 : i32 to index
      %swap3A_323 = arith.constant 16 : index
      %swap3A_324 = tpu.vector_load %arg15[%swap3A_322, %swap3A_323] {strides = array<i32>} : memref<8x256xf32, #tpu.memory_space<vmem>>, vector<16xf32>,
      tpu.vector_store %arg15[%swap3A_322, %swap3A_323], %add3A_305 {strides = array<i32>} : memref<8x256xf32, #tpu.memory_space<vmem>>, vector<16xf32>,
      %swap3A_325 = arith.index_cast %scan3A_225 : i32 to index
      %swap3A_326 = arith.constant 32 : index
      %swap3A_327 = tpu.vector_load %arg15[%swap3A_325, %swap3A_326] {strides = array<i32>} : memref<8x256xf32, #tpu.memory_space<vmem>>, vector<16xf32>,
      tpu.vector_store %arg15[%swap3A_325, %swap3A_326], %add3A_306 {strides = array<i32>} : memref<8x256xf32, #tpu.memory_space<vmem>>, vector<16xf32>,
      %swap3A_328 = arith.index_cast %scan3A_225 : i32 to index
      %swap3A_329 = arith.constant 48 : index
      %swap3A_330 = tpu.vector_load %arg15[%swap3A_328, %swap3A_329] {strides = array<i32>} : memref<8x256xf32, #tpu.memory_space<vmem>>, vector<16xf32>,
      tpu.vector_store %arg15[%swap3A_328, %swap3A_329], %add3A_307 {strides = array<i32>} : memref<8x256xf32, #tpu.memory_space<vmem>>, vector<16xf32>,
      %swap3A_331 = arith.index_cast %scan3A_225 : i32 to index
      %swap3A_332 = arith.constant 64 : index
      %swap3A_333 = tpu.vector_load %arg15[%swap3A_331, %swap3A_332] {strides = array<i32>} : memref<8x256xf32, #tpu.memory_space<vmem>>, vector<16xf32>,
      tpu.vector_store %arg15[%swap3A_331, %swap3A_332], %add3A_308 {strides = array<i32>} : memref<8x256xf32, #tpu.memory_space<vmem>>, vector<16xf32>,
      %swap3A_334 = arith.index_cast %scan3A_225 : i32 to index
      %swap3A_335 = arith.constant 80 : index
      %swap3A_336 = tpu.vector_load %arg15[%swap3A_334, %swap3A_335] {strides = array<i32>} : memref<8x256xf32, #tpu.memory_space<vmem>>, vector<16xf32>,
      tpu.vector_store %arg15[%swap3A_334, %swap3A_335], %add3A_309 {strides = array<i32>} : memref<8x256xf32, #tpu.memory_space<vmem>>, vector<16xf32>,
      %swap3A_337 = arith.index_cast %scan3A_225 : i32 to index
      %swap3A_338 = arith.constant 96 : index
      %swap3A_339 = tpu.vector_load %arg15[%swap3A_337, %swap3A_338] {strides = array<i32>} : memref<8x256xf32, #tpu.memory_space<vmem>>, vector<16xf32>,
      tpu.vector_store %arg15[%swap3A_337, %swap3A_338], %add3A_310 {strides = array<i32>} : memref<8x256xf32, #tpu.memory_space<vmem>>, vector<16xf32>,
      %swap3A_340 = arith.index_cast %scan3A_225 : i32 to index
      %swap3A_341 = arith.constant 112 : index
      %swap3A_342 = tpu.vector_load %arg15[%swap3A_340, %swap3A_341] {strides = array<i32>} : memref<8x256xf32, #tpu.memory_space<vmem>>, vector<16xf32>,
      tpu.vector_store %arg15[%swap3A_340, %swap3A_341], %add3A_311 {strides = array<i32>} : memref<8x256xf32, #tpu.memory_space<vmem>>, vector<16xf32>,
      %swap3A_343 = arith.index_cast %scan3A_225 : i32 to index
      %swap3A_344 = arith.constant 128 : index
      %swap3A_345 = tpu.vector_load %arg15[%swap3A_343, %swap3A_344] {strides = array<i32>} : memref<8x256xf32, #tpu.memory_space<vmem>>, vector<16xf32>,
      tpu.vector_store %arg15[%swap3A_343, %swap3A_344], %add3A_312 {strides = array<i32>} : memref<8x256xf32, #tpu.memory_space<vmem>>, vector<16xf32>,
      %swap3A_346 = arith.index_cast %scan3A_225 : i32 to index
      %swap3A_347 = arith.constant 144 : index
      %swap3A_348 = tpu.vector_load %arg15[%swap3A_346, %swap3A_347] {strides = array<i32>} : memref<8x256xf32, #tpu.memory_space<vmem>>, vector<16xf32>,
      tpu.vector_store %arg15[%swap3A_346, %swap3A_347], %add3A_313 {strides = array<i32>} : memref<8x256xf32, #tpu.memory_space<vmem>>, vector<16xf32>,
      %swap3A_349 = arith.index_cast %scan3A_225 : i32 to index
      %swap3A_350 = arith.constant 160 : index
      %swap3A_351 = tpu.vector_load %arg15[%swap3A_349, %swap3A_350] {strides = array<i32>} : memref<8x256xf32, #tpu.memory_space<vmem>>, vector<16xf32>,
      tpu.vector_store %arg15[%swap3A_349, %swap3A_350], %add3A_314 {strides = array<i32>} : memref<8x256xf32, #tpu.memory_space<vmem>>, vector<16xf32>,
      %swap3A_352 = arith.index_cast %scan3A_225 : i32 to index
      %swap3A_353 = arith.constant 176 : index
      %swap3A_354 = tpu.vector_load %arg15[%swap3A_352, %swap3A_353] {strides = array<i32>} : memref<8x256xf32, #tpu.memory_space<vmem>>, vector<16xf32>,
      tpu.vector_store %arg15[%swap3A_352, %swap3A_353], %add3A_315 {strides = array<i32>} : memref<8x256xf32, #tpu.memory_space<vmem>>, vector<16xf32>,
      %swap3A_355 = arith.index_cast %scan3A_225 : i32 to index
      %swap3A_356 = arith.constant 192 : index
      %swap3A_357 = tpu.vector_load %arg15[%swap3A_355, %swap3A_356] {strides = array<i32>} : memref<8x256xf32, #tpu.memory_space<vmem>>, vector<16xf32>,
      tpu.vector_store %arg15[%swap3A_355, %swap3A_356], %add3A_316 {strides = array<i32>} : memref<8x256xf32, #tpu.memory_space<vmem>>, vector<16xf32>,
      %swap3A_358 = arith.index_cast %scan3A_225 : i32 to index
      %swap3A_359 = arith.constant 208 : index
      %swap3A_360 = tpu.vector_load %arg15[%swap3A_358, %swap3A_359] {strides = array<i32>} : memref<8x256xf32, #tpu.memory_space<vmem>>, vector<16xf32>,
      tpu.vector_store %arg15[%swap3A_358, %swap3A_359], %add3A_317 {strides = array<i32>} : memref<8x256xf32, #tpu.memory_space<vmem>>, vector<16xf32>,
      %swap3A_361 = arith.index_cast %scan3A_225 : i32 to index
      %swap3A_362 = arith.constant 224 : index
      %swap3A_363 = tpu.vector_load %arg15[%swap3A_361, %swap3A_362] {strides = array<i32>} : memref<8x256xf32, #tpu.memory_space<vmem>>, vector<16xf32>,
      tpu.vector_store %arg15[%swap3A_361, %swap3A_362], %add3A_318 {strides = array<i32>} : memref<8x256xf32, #tpu.memory_space<vmem>>, vector<16xf32>,
      %swap3A_364 = arith.index_cast %scan3A_225 : i32 to index
      %swap3A_365 = arith.constant 240 : index
      %swap3A_366 = tpu.vector_load %arg15[%swap3A_364, %swap3A_365] {strides = array<i32>} : memref<8x256xf32, #tpu.memory_space<vmem>>, vector<16xf32>,
      tpu.vector_store %arg15[%swap3A_364, %swap3A_365], %add3A_319 {strides = array<i32>} : memref<8x256xf32, #tpu.memory_space<vmem>>, vector<16xf32>,
      scf.yield %add3A_304, %add3A_305, %add3A_306, %add3A_307, %add3A_308, %add3A_309, %add3A_310, %add3A_311, %add3A_312, %add3A_313, %add3A_314, %add3A_315, %add3A_316, %add3A_317, %add3A_318, %add3A_319 : vector<16xf32>, vector<16xf32>, vector<16xf32>, vector<16xf32>, vector<16xf32>, vector<16xf32>, vector<16xf32>, vector<16xf32>, vector<16xf32>, vector<16xf32>, vector<16xf32>, vector<16xf32>, vector<16xf32>, vector<16xf32>, vector<16xf32>, vector<16xf32>
    }
    %scan3A_136 = arith.constant 8 : i32
    %add3A_137 = arith.constant 256 : i32
    %add3A_138 = arith.addi %mul3A_2, %add3A_137 : i32
    %dma_start3A_139 = arith.constant 184 : i32
    %dma_start3A_140 = tpu.memref_slice %arg4[%dma_start3A_139, %add3A_138] : memref<200x16384xf32, #tpu.memory_space<hbm>> -> memref<8x256xf32, #tpu.memory_space<hbm>>
    %dma_start3A_141 = arith.constant 184 : i32
    %dma_start3A_142 = tpu.memref_slice %arg4[%dma_start3A_141, %add3A_138] : memref<200x16384xf32, #tpu.memory_space<hbm>> -> memref<8x256xf32, #tpu.memory_space<hbm>>
    tpu.enqueue_dma source(%arg15 : memref<8x256xf32, #tpu.memory_space<vmem>>) target(%dma_start3A_142 : memref<8x256xf32, #tpu.memory_space<hbm>>) target_semaphore(%arg27 : memref<!tpu.dma_semaphore, #tpu.memory_space<semaphore_mem>>)
    %add3A_143 = arith.constant 256 : i32
    %add3A_144 = arith.addi %mul3A_2, %add3A_143 : i32
    %dma_wait3A_145 = arith.constant 192 : i32
    %dma_wait3A_146 = tpu.memref_slice %arg2[%dma_wait3A_145, %add3A_144] : memref<200x16384xi32, #tpu.memory_space<hbm>> -> memref<8x256xi32, #tpu.memory_space<hbm>>
    %dma_wait3A_147 = arith.constant 192 : i32
    %dma_wait3A_148 = tpu.memref_slice %arg2[%dma_wait3A_147, %add3A_144] : memref<200x16384xi32, #tpu.memory_space<hbm>> -> memref<8x256xi32, #tpu.memory_space<hbm>>
    tpu.wait_dma2 semaphore(%arg20 : memref<!tpu.dma_semaphore, #tpu.memory_space<semaphore_mem>>) src(%dma_wait3A_148 : memref<8x256xi32, #tpu.memory_space<hbm>>) dst(%arg8 : memref<8x256xi32, #tpu.memory_space<vmem>>)
    %add3A_149 = arith.constant 256 : i32
    %add3A_150 = arith.addi %mul3A_2, %add3A_149 : i32
    %dma_wait3A_151 = arith.constant 160 : i32
    %dma_wait3A_152 = tpu.memref_slice %arg4[%dma_wait3A_151, %add3A_150] : memref<200x16384xf32, #tpu.memory_space<hbm>> -> memref<8x256xf32, #tpu.memory_space<hbm>>
    %dma_wait3A_153 = arith.constant 160 : i32
    %dma_wait3A_154 = tpu.memref_slice %arg4[%dma_wait3A_153, %add3A_150] : memref<200x16384xf32, #tpu.memory_space<hbm>> -> memref<8x256xf32, #tpu.memory_space<hbm>>
    tpu.wait_dma2 semaphore(%arg28 : memref<!tpu.dma_semaphore, #tpu.memory_space<semaphore_mem>>) src(%arg16 : memref<8x256xf32, #tpu.memory_space<vmem>>) dst(%dma_wait3A_154 : memref<8x256xf32, #tpu.memory_space<hbm>>)
    %broadcast_in_dim3A_155 = arith.constant 0.000000e+00 : f32
    %broadcast_in_dim3A_156 = vector.broadcast %broadcast_in_dim3A_155 : f32 to vector<16xf32>
    %jit3A_157 = arith.constant false
    %select_n3A_158 = arith.select %jit3A_157, %broadcast_in_dim3A_156, %scan3A_135#0 : vector<16xf32>
    %jit3A_159 = arith.constant false
    %select_n3A_160 = arith.select %jit3A_159, %broadcast_in_dim3A_156, %scan3A_135#1 : vector<16xf32>
    %jit3A_161 = arith.constant false
    %select_n3A_162 = arith.select %jit3A_161, %broadcast_in_dim3A_156, %scan3A_135#2 : vector<16xf32>
    %jit3A_163 = arith.constant false
    %select_n3A_164 = arith.select %jit3A_163, %broadcast_in_dim3A_156, %scan3A_135#3 : vector<16xf32>
    %jit3A_165 = arith.constant false
    %select_n3A_166 = arith.select %jit3A_165, %broadcast_in_dim3A_156, %scan3A_135#4 : vector<16xf32>
    %jit3A_167 = arith.constant false
    %select_n3A_168 = arith.select %jit3A_167, %broadcast_in_dim3A_156, %scan3A_135#5 : vector<16xf32>
    %jit3A_169 = arith.constant false
    %select_n3A_170 = arith.select %jit3A_169, %broadcast_in_dim3A_156, %scan3A_135#6 : vector<16xf32>
    %jit3A_171 = arith.constant false
    %select_n3A_172 = arith.select %jit3A_171, %broadcast_in_dim3A_156, %scan3A_135#7 : vector<16xf32>
    %jit3A_173 = arith.constant false
    %select_n3A_174 = arith.select %jit3A_173, %broadcast_in_dim3A_156, %scan3A_135#8 : vector<16xf32>
    %jit3A_175 = arith.constant false
    %select_n3A_176 = arith.select %jit3A_175, %broadcast_in_dim3A_156, %scan3A_135#9 : vector<16xf32>
    %jit3A_177 = arith.constant false
    %select_n3A_178 = arith.select %jit3A_177, %broadcast_in_dim3A_156, %scan3A_135#10 : vector<16xf32>
    %jit3A_179 = arith.constant false
    %select_n3A_180 = arith.select %jit3A_179, %broadcast_in_dim3A_156, %scan3A_135#11 : vector<16xf32>
    %jit3A_181 = arith.constant false
    %select_n3A_182 = arith.select %jit3A_181, %broadcast_in_dim3A_156, %scan3A_135#12 : vector<16xf32>
    %jit3A_183 = arith.constant false
    %select_n3A_184 = arith.select %jit3A_183, %broadcast_in_dim3A_156, %scan3A_135#13 : vector<16xf32>
    %jit3A_185 = arith.constant false
    %select_n3A_186 = arith.select %jit3A_185, %broadcast_in_dim3A_156, %scan3A_135#14 : vector<16xf32>
    %jit3A_187 = arith.constant false
    %select_n3A_188 = arith.select %jit3A_187, %broadcast_in_dim3A_156, %scan3A_135#15 : vector<16xf32>
    %scan3A_189 = arith.constant 0 : i32
    %scan3A_190 = arith.constant 8 : i32
    %scan3A_191 = arith.addi %scan3A_189, %scan3A_190 : i32
    %scan3A_192 = arith.constant 1 : i32
    %scan3A_193:16 = scf.for %scan3A_225 = %scan3A_189 to %scan3A_191 step %scan3A_192 iter_args(%scan3A_226 = %select_n3A_158, %scan3A_227 = %select_n3A_160, %scan3A_228 = %select_n3A_162, %scan3A_229 = %select_n3A_164, %scan3A_230 = %select_n3A_166, %scan3A_231 = %select_n3A_168, %scan3A_232 = %select_n3A_170, %scan3A_233 = %select_n3A_172, %scan3A_234 = %select_n3A_174, %scan3A_235 = %select_n3A_176, %scan3A_236 = %select_n3A_178, %scan3A_237 = %select_n3A_180, %scan3A_238 = %select_n3A_182, %scan3A_239 = %select_n3A_184, %scan3A_240 = %select_n3A_186, %scan3A_241 = %select_n3A_188) -> (vector<16xf32>, vector<16xf32>, vector<16xf32>, vector<16xf32>, vector<16xf32>, vector<16xf32>, vector<16xf32>, vector<16xf32>, vector<16xf32>, vector<16xf32>, vector<16xf32>, vector<16xf32>, vector<16xf32>, vector<16xf32>, vector<16xf32>, vector<16xf32>)  : i32 {
      %get3A = arith.index_cast %scan3A_225 : i32 to index
      %get3A_242 = arith.constant 0 : index
      %get3A_243 = tpu.vector_load %arg8[%get3A, %get3A_242] {strides = array<i32>} : memref<8x256xi32, #tpu.memory_space<vmem>>, vector<16xi32>,
      %get3A_244 = arith.index_cast %scan3A_225 : i32 to index
      %get3A_245 = arith.constant 16 : index
      %get3A_246 = tpu.vector_load %arg8[%get3A_244, %get3A_245] {strides = array<i32>} : memref<8x256xi32, #tpu.memory_space<vmem>>, vector<16xi32>,
      %get3A_247 = arith.index_cast %scan3A_225 : i32 to index
      %get3A_248 = arith.constant 32 : index
      %get3A_249 = tpu.vector_load %arg8[%get3A_247, %get3A_248] {strides = array<i32>} : memref<8x256xi32, #tpu.memory_space<vmem>>, vector<16xi32>,
      %get3A_250 = arith.index_cast %scan3A_225 : i32 to index
      %get3A_251 = arith.constant 48 : index
      %get3A_252 = tpu.vector_load %arg8[%get3A_250, %get3A_251] {strides = array<i32>} : memref<8x256xi32, #tpu.memory_space<vmem>>, vector<16xi32>,
      %get3A_253 = arith.index_cast %scan3A_225 : i32 to index
      %get3A_254 = arith.constant 64 : index
      %get3A_255 = tpu.vector_load %arg8[%get3A_253, %get3A_254] {strides = array<i32>} : memref<8x256xi32, #tpu.memory_space<vmem>>, vector<16xi32>,
      %get3A_256 = arith.index_cast %scan3A_225 : i32 to index
      %get3A_257 = arith.constant 80 : index
      %get3A_258 = tpu.vector_load %arg8[%get3A_256, %get3A_257] {strides = array<i32>} : memref<8x256xi32, #tpu.memory_space<vmem>>, vector<16xi32>,
      %get3A_259 = arith.index_cast %scan3A_225 : i32 to index
      %get3A_260 = arith.constant 96 : index
      %get3A_261 = tpu.vector_load %arg8[%get3A_259, %get3A_260] {strides = array<i32>} : memref<8x256xi32, #tpu.memory_space<vmem>>, vector<16xi32>,
      %get3A_262 = arith.index_cast %scan3A_225 : i32 to index
      %get3A_263 = arith.constant 112 : index
      %get3A_264 = tpu.vector_load %arg8[%get3A_262, %get3A_263] {strides = array<i32>} : memref<8x256xi32, #tpu.memory_space<vmem>>, vector<16xi32>,
      %get3A_265 = arith.index_cast %scan3A_225 : i32 to index
      %get3A_266 = arith.constant 128 : index
      %get3A_267 = tpu.vector_load %arg8[%get3A_265, %get3A_266] {strides = array<i32>} : memref<8x256xi32, #tpu.memory_space<vmem>>, vector<16xi32>,
      %get3A_268 = arith.index_cast %scan3A_225 : i32 to index
      %get3A_269 = arith.constant 144 : index
      %get3A_270 = tpu.vector_load %arg8[%get3A_268, %get3A_269] {strides = array<i32>} : memref<8x256xi32, #tpu.memory_space<vmem>>, vector<16xi32>,
      %get3A_271 = arith.index_cast %scan3A_225 : i32 to index
      %get3A_272 = arith.constant 160 : index
      %get3A_273 = tpu.vector_load %arg8[%get3A_271, %get3A_272] {strides = array<i32>} : memref<8x256xi32, #tpu.memory_space<vmem>>, vector<16xi32>,
      %get3A_274 = arith.index_cast %scan3A_225 : i32 to index
      %get3A_275 = arith.constant 176 : index
      %get3A_276 = tpu.vector_load %arg8[%get3A_274, %get3A_275] {strides = array<i32>} : memref<8x256xi32, #tpu.memory_space<vmem>>, vector<16xi32>,
      %get3A_277 = arith.index_cast %scan3A_225 : i32 to index
      %get3A_278 = arith.constant 192 : index
      %get3A_279 = tpu.vector_load %arg8[%get3A_277, %get3A_278] {strides = array<i32>} : memref<8x256xi32, #tpu.memory_space<vmem>>, vector<16xi32>,
      %get3A_280 = arith.index_cast %scan3A_225 : i32 to index
      %get3A_281 = arith.constant 208 : index
      %get3A_282 = tpu.vector_load %arg8[%get3A_280, %get3A_281] {strides = array<i32>} : memref<8x256xi32, #tpu.memory_space<vmem>>, vector<16xi32>,
      %get3A_283 = arith.index_cast %scan3A_225 : i32 to index
      %get3A_284 = arith.constant 224 : index
      %get3A_285 = tpu.vector_load %arg8[%get3A_283, %get3A_284] {strides = array<i32>} : memref<8x256xi32, #tpu.memory_space<vmem>>, vector<16xi32>,
      %get3A_286 = arith.index_cast %scan3A_225 : i32 to index
      %get3A_287 = arith.constant 240 : index
      %get3A_288 = tpu.vector_load %arg8[%get3A_286, %get3A_287] {strides = array<i32>} : memref<8x256xi32, #tpu.memory_space<vmem>>, vector<16xi32>,
      %gather3A = tpu.vector_load_idx %arg6[%get3A_243] : memref<100000xf32, #tpu.memory_space<vmem>>[vector<16xi32>], vector<16xf32>,
      %gather3A_289 = tpu.vector_load_idx %arg6[%get3A_246] : memref<100000xf32, #tpu.memory_space<vmem>>[vector<16xi32>], vector<16xf32>,
      %gather3A_290 = tpu.vector_load_idx %arg6[%get3A_249] : memref<100000xf32, #tpu.memory_space<vmem>>[vector<16xi32>], vector<16xf32>,
      %gather3A_291 = tpu.vector_load_idx %arg6[%get3A_252] : memref<100000xf32, #tpu.memory_space<vmem>>[vector<16xi32>], vector<16xf32>,
      %gather3A_292 = tpu.vector_load_idx %arg6[%get3A_255] : memref<100000xf32, #tpu.memory_space<vmem>>[vector<16xi32>], vector<16xf32>,
      %gather3A_293 = tpu.vector_load_idx %arg6[%get3A_258] : memref<100000xf32, #tpu.memory_space<vmem>>[vector<16xi32>], vector<16xf32>,
      %gather3A_294 = tpu.vector_load_idx %arg6[%get3A_261] : memref<100000xf32, #tpu.memory_space<vmem>>[vector<16xi32>], vector<16xf32>,
      %gather3A_295 = tpu.vector_load_idx %arg6[%get3A_264] : memref<100000xf32, #tpu.memory_space<vmem>>[vector<16xi32>], vector<16xf32>,
      %gather3A_296 = tpu.vector_load_idx %arg6[%get3A_267] : memref<100000xf32, #tpu.memory_space<vmem>>[vector<16xi32>], vector<16xf32>,
      %gather3A_297 = tpu.vector_load_idx %arg6[%get3A_270] : memref<100000xf32, #tpu.memory_space<vmem>>[vector<16xi32>], vector<16xf32>,
      %gather3A_298 = tpu.vector_load_idx %arg6[%get3A_273] : memref<100000xf32, #tpu.memory_space<vmem>>[vector<16xi32>], vector<16xf32>,
      %gather3A_299 = tpu.vector_load_idx %arg6[%get3A_276] : memref<100000xf32, #tpu.memory_space<vmem>>[vector<16xi32>], vector<16xf32>,
      %gather3A_300 = tpu.vector_load_idx %arg6[%get3A_279] : memref<100000xf32, #tpu.memory_space<vmem>>[vector<16xi32>], vector<16xf32>,
      %gather3A_301 = tpu.vector_load_idx %arg6[%get3A_282] : memref<100000xf32, #tpu.memory_space<vmem>>[vector<16xi32>], vector<16xf32>,
      %gather3A_302 = tpu.vector_load_idx %arg6[%get3A_285] : memref<100000xf32, #tpu.memory_space<vmem>>[vector<16xi32>], vector<16xf32>,
      %gather3A_303 = tpu.vector_load_idx %arg6[%get3A_288] : memref<100000xf32, #tpu.memory_space<vmem>>[vector<16xi32>], vector<16xf32>,
      %add3A_304 = arith.addf %scan3A_226, %gather3A : vector<16xf32>
      %add3A_305 = arith.addf %scan3A_227, %gather3A_289 : vector<16xf32>
      %add3A_306 = arith.addf %scan3A_228, %gather3A_290 : vector<16xf32>
      %add3A_307 = arith.addf %scan3A_229, %gather3A_291 : vector<16xf32>
      %add3A_308 = arith.addf %scan3A_230, %gather3A_292 : vector<16xf32>
      %add3A_309 = arith.addf %scan3A_231, %gather3A_293 : vector<16xf32>
      %add3A_310 = arith.addf %scan3A_232, %gather3A_294 : vector<16xf32>
      %add3A_311 = arith.addf %scan3A_233, %gather3A_295 : vector<16xf32>
      %add3A_312 = arith.addf %scan3A_234, %gather3A_296 : vector<16xf32>
      %add3A_313 = arith.addf %scan3A_235, %gather3A_297 : vector<16xf32>
      %add3A_314 = arith.addf %scan3A_236, %gather3A_298 : vector<16xf32>
      %add3A_315 = arith.addf %scan3A_237, %gather3A_299 : vector<16xf32>
      %add3A_316 = arith.addf %scan3A_238, %gather3A_300 : vector<16xf32>
      %add3A_317 = arith.addf %scan3A_239, %gather3A_301 : vector<16xf32>
      %add3A_318 = arith.addf %scan3A_240, %gather3A_302 : vector<16xf32>
      %add3A_319 = arith.addf %scan3A_241, %gather3A_303 : vector<16xf32>
      %swap3A = arith.index_cast %scan3A_225 : i32 to index
      %swap3A_320 = arith.constant 0 : index
      %swap3A_321 = tpu.vector_load %arg16[%swap3A, %swap3A_320] {strides = array<i32>} : memref<8x256xf32, #tpu.memory_space<vmem>>, vector<16xf32>,
      tpu.vector_store %arg16[%swap3A, %swap3A_320], %add3A_304 {strides = array<i32>} : memref<8x256xf32, #tpu.memory_space<vmem>>, vector<16xf32>,
      %swap3A_322 = arith.index_cast %scan3A_225 : i32 to index
      %swap3A_323 = arith.constant 16 : index
      %swap3A_324 = tpu.vector_load %arg16[%swap3A_322, %swap3A_323] {strides = array<i32>} : memref<8x256xf32, #tpu.memory_space<vmem>>, vector<16xf32>,
      tpu.vector_store %arg16[%swap3A_322, %swap3A_323], %add3A_305 {strides = array<i32>} : memref<8x256xf32, #tpu.memory_space<vmem>>, vector<16xf32>,
      %swap3A_325 = arith.index_cast %scan3A_225 : i32 to index
      %swap3A_326 = arith.constant 32 : index
      %swap3A_327 = tpu.vector_load %arg16[%swap3A_325, %swap3A_326] {strides = array<i32>} : memref<8x256xf32, #tpu.memory_space<vmem>>, vector<16xf32>,
      tpu.vector_store %arg16[%swap3A_325, %swap3A_326], %add3A_306 {strides = array<i32>} : memref<8x256xf32, #tpu.memory_space<vmem>>, vector<16xf32>,
      %swap3A_328 = arith.index_cast %scan3A_225 : i32 to index
      %swap3A_329 = arith.constant 48 : index
      %swap3A_330 = tpu.vector_load %arg16[%swap3A_328, %swap3A_329] {strides = array<i32>} : memref<8x256xf32, #tpu.memory_space<vmem>>, vector<16xf32>,
      tpu.vector_store %arg16[%swap3A_328, %swap3A_329], %add3A_307 {strides = array<i32>} : memref<8x256xf32, #tpu.memory_space<vmem>>, vector<16xf32>,
      %swap3A_331 = arith.index_cast %scan3A_225 : i32 to index
      %swap3A_332 = arith.constant 64 : index
      %swap3A_333 = tpu.vector_load %arg16[%swap3A_331, %swap3A_332] {strides = array<i32>} : memref<8x256xf32, #tpu.memory_space<vmem>>, vector<16xf32>,
      tpu.vector_store %arg16[%swap3A_331, %swap3A_332], %add3A_308 {strides = array<i32>} : memref<8x256xf32, #tpu.memory_space<vmem>>, vector<16xf32>,
      %swap3A_334 = arith.index_cast %scan3A_225 : i32 to index
      %swap3A_335 = arith.constant 80 : index
      %swap3A_336 = tpu.vector_load %arg16[%swap3A_334, %swap3A_335] {strides = array<i32>} : memref<8x256xf32, #tpu.memory_space<vmem>>, vector<16xf32>,
      tpu.vector_store %arg16[%swap3A_334, %swap3A_335], %add3A_309 {strides = array<i32>} : memref<8x256xf32, #tpu.memory_space<vmem>>, vector<16xf32>,
      %swap3A_337 = arith.index_cast %scan3A_225 : i32 to index
      %swap3A_338 = arith.constant 96 : index
      %swap3A_339 = tpu.vector_load %arg16[%swap3A_337, %swap3A_338] {strides = array<i32>} : memref<8x256xf32, #tpu.memory_space<vmem>>, vector<16xf32>,
      tpu.vector_store %arg16[%swap3A_337, %swap3A_338], %add3A_310 {strides = array<i32>} : memref<8x256xf32, #tpu.memory_space<vmem>>, vector<16xf32>,
      %swap3A_340 = arith.index_cast %scan3A_225 : i32 to index
      %swap3A_341 = arith.constant 112 : index
      %swap3A_342 = tpu.vector_load %arg16[%swap3A_340, %swap3A_341] {strides = array<i32>} : memref<8x256xf32, #tpu.memory_space<vmem>>, vector<16xf32>,
      tpu.vector_store %arg16[%swap3A_340, %swap3A_341], %add3A_311 {strides = array<i32>} : memref<8x256xf32, #tpu.memory_space<vmem>>, vector<16xf32>,
      %swap3A_343 = arith.index_cast %scan3A_225 : i32 to index
      %swap3A_344 = arith.constant 128 : index
      %swap3A_345 = tpu.vector_load %arg16[%swap3A_343, %swap3A_344] {strides = array<i32>} : memref<8x256xf32, #tpu.memory_space<vmem>>, vector<16xf32>,
      tpu.vector_store %arg16[%swap3A_343, %swap3A_344], %add3A_312 {strides = array<i32>} : memref<8x256xf32, #tpu.memory_space<vmem>>, vector<16xf32>,
      %swap3A_346 = arith.index_cast %scan3A_225 : i32 to index
      %swap3A_347 = arith.constant 144 : index
      %swap3A_348 = tpu.vector_load %arg16[%swap3A_346, %swap3A_347] {strides = array<i32>} : memref<8x256xf32, #tpu.memory_space<vmem>>, vector<16xf32>,
      tpu.vector_store %arg16[%swap3A_346, %swap3A_347], %add3A_313 {strides = array<i32>} : memref<8x256xf32, #tpu.memory_space<vmem>>, vector<16xf32>,
      %swap3A_349 = arith.index_cast %scan3A_225 : i32 to index
      %swap3A_350 = arith.constant 160 : index
      %swap3A_351 = tpu.vector_load %arg16[%swap3A_349, %swap3A_350] {strides = array<i32>} : memref<8x256xf32, #tpu.memory_space<vmem>>, vector<16xf32>,
      tpu.vector_store %arg16[%swap3A_349, %swap3A_350], %add3A_314 {strides = array<i32>} : memref<8x256xf32, #tpu.memory_space<vmem>>, vector<16xf32>,
      %swap3A_352 = arith.index_cast %scan3A_225 : i32 to index
      %swap3A_353 = arith.constant 176 : index
      %swap3A_354 = tpu.vector_load %arg16[%swap3A_352, %swap3A_353] {strides = array<i32>} : memref<8x256xf32, #tpu.memory_space<vmem>>, vector<16xf32>,
      tpu.vector_store %arg16[%swap3A_352, %swap3A_353], %add3A_315 {strides = array<i32>} : memref<8x256xf32, #tpu.memory_space<vmem>>, vector<16xf32>,
      %swap3A_355 = arith.index_cast %scan3A_225 : i32 to index
      %swap3A_356 = arith.constant 192 : index
      %swap3A_357 = tpu.vector_load %arg16[%swap3A_355, %swap3A_356] {strides = array<i32>} : memref<8x256xf32, #tpu.memory_space<vmem>>, vector<16xf32>,
      tpu.vector_store %arg16[%swap3A_355, %swap3A_356], %add3A_316 {strides = array<i32>} : memref<8x256xf32, #tpu.memory_space<vmem>>, vector<16xf32>,
      %swap3A_358 = arith.index_cast %scan3A_225 : i32 to index
      %swap3A_359 = arith.constant 208 : index
      %swap3A_360 = tpu.vector_load %arg16[%swap3A_358, %swap3A_359] {strides = array<i32>} : memref<8x256xf32, #tpu.memory_space<vmem>>, vector<16xf32>,
      tpu.vector_store %arg16[%swap3A_358, %swap3A_359], %add3A_317 {strides = array<i32>} : memref<8x256xf32, #tpu.memory_space<vmem>>, vector<16xf32>,
      %swap3A_361 = arith.index_cast %scan3A_225 : i32 to index
      %swap3A_362 = arith.constant 224 : index
      %swap3A_363 = tpu.vector_load %arg16[%swap3A_361, %swap3A_362] {strides = array<i32>} : memref<8x256xf32, #tpu.memory_space<vmem>>, vector<16xf32>,
      tpu.vector_store %arg16[%swap3A_361, %swap3A_362], %add3A_318 {strides = array<i32>} : memref<8x256xf32, #tpu.memory_space<vmem>>, vector<16xf32>,
      %swap3A_364 = arith.index_cast %scan3A_225 : i32 to index
      %swap3A_365 = arith.constant 240 : index
      %swap3A_366 = tpu.vector_load %arg16[%swap3A_364, %swap3A_365] {strides = array<i32>} : memref<8x256xf32, #tpu.memory_space<vmem>>, vector<16xf32>,
      tpu.vector_store %arg16[%swap3A_364, %swap3A_365], %add3A_319 {strides = array<i32>} : memref<8x256xf32, #tpu.memory_space<vmem>>, vector<16xf32>,
      scf.yield %add3A_304, %add3A_305, %add3A_306, %add3A_307, %add3A_308, %add3A_309, %add3A_310, %add3A_311, %add3A_312, %add3A_313, %add3A_314, %add3A_315, %add3A_316, %add3A_317, %add3A_318, %add3A_319 : vector<16xf32>, vector<16xf32>, vector<16xf32>, vector<16xf32>, vector<16xf32>, vector<16xf32>, vector<16xf32>, vector<16xf32>, vector<16xf32>, vector<16xf32>, vector<16xf32>, vector<16xf32>, vector<16xf32>, vector<16xf32>, vector<16xf32>, vector<16xf32>
    }
    %scan3A_194 = arith.constant 8 : i32
    %add3A_195 = arith.constant 256 : i32
    %add3A_196 = arith.addi %mul3A_2, %add3A_195 : i32
    %dma_start3A_197 = arith.constant 192 : i32
    %dma_start3A_198 = tpu.memref_slice %arg4[%dma_start3A_197, %add3A_196] : memref<200x16384xf32, #tpu.memory_space<hbm>> -> memref<8x256xf32, #tpu.memory_space<hbm>>
    %dma_start3A_199 = arith.constant 192 : i32
    %dma_start3A_200 = tpu.memref_slice %arg4[%dma_start3A_199, %add3A_196] : memref<200x16384xf32, #tpu.memory_space<hbm>> -> memref<8x256xf32, #tpu.memory_space<hbm>>
    tpu.enqueue_dma source(%arg16 : memref<8x256xf32, #tpu.memory_space<vmem>>) target(%dma_start3A_200 : memref<8x256xf32, #tpu.memory_space<hbm>>) target_semaphore(%arg28 : memref<!tpu.dma_semaphore, #tpu.memory_space<semaphore_mem>>)
    %add3A_201 = arith.constant 256 : i32
    %add3A_202 = arith.addi %mul3A_2, %add3A_201 : i32
    %dma_wait3A_203 = arith.constant 168 : i32
    %dma_wait3A_204 = tpu.memref_slice %arg4[%dma_wait3A_203, %add3A_202] : memref<200x16384xf32, #tpu.memory_space<hbm>> -> memref<8x256xf32, #tpu.memory_space<hbm>>
    %dma_wait3A_205 = arith.constant 168 : i32
    %dma_wait3A_206 = tpu.memref_slice %arg4[%dma_wait3A_205, %add3A_202] : memref<200x16384xf32, #tpu.memory_space<hbm>> -> memref<8x256xf32, #tpu.memory_space<hbm>>
    tpu.wait_dma2 semaphore(%arg29 : memref<!tpu.dma_semaphore, #tpu.memory_space<semaphore_mem>>) src(%arg17 : memref<8x256xf32, #tpu.memory_space<vmem>>) dst(%dma_wait3A_206 : memref<8x256xf32, #tpu.memory_space<hbm>>)
    %add3A_207 = arith.constant 256 : i32
    %add3A_208 = arith.addi %mul3A_2, %add3A_207 : i32
    %dma_wait3A_209 = arith.constant 176 : i32
    %dma_wait3A_210 = tpu.memref_slice %arg4[%dma_wait3A_209, %add3A_208] : memref<200x16384xf32, #tpu.memory_space<hbm>> -> memref<8x256xf32, #tpu.memory_space<hbm>>
    %dma_wait3A_211 = arith.constant 176 : i32
    %dma_wait3A_212 = tpu.memref_slice %arg4[%dma_wait3A_211, %add3A_208] : memref<200x16384xf32, #tpu.memory_space<hbm>> -> memref<8x256xf32, #tpu.memory_space<hbm>>
    tpu.wait_dma2 semaphore(%arg30 : memref<!tpu.dma_semaphore, #tpu.memory_space<semaphore_mem>>) src(%arg18 : memref<8x256xf32, #tpu.memory_space<vmem>>) dst(%dma_wait3A_212 : memref<8x256xf32, #tpu.memory_space<hbm>>)
    %add3A_213 = arith.constant 256 : i32
    %add3A_214 = arith.addi %mul3A_2, %add3A_213 : i32
    %dma_wait3A_215 = arith.constant 184 : i32
    %dma_wait3A_216 = tpu.memref_slice %arg4[%dma_wait3A_215, %add3A_214] : memref<200x16384xf32, #tpu.memory_space<hbm>> -> memref<8x256xf32, #tpu.memory_space<hbm>>
    %dma_wait3A_217 = arith.constant 184 : i32
    %dma_wait3A_218 = tpu.memref_slice %arg4[%dma_wait3A_217, %add3A_214] : memref<200x16384xf32, #tpu.memory_space<hbm>> -> memref<8x256xf32, #tpu.memory_space<hbm>>
    tpu.wait_dma2 semaphore(%arg27 : memref<!tpu.dma_semaphore, #tpu.memory_space<semaphore_mem>>) src(%arg15 : memref<8x256xf32, #tpu.memory_space<vmem>>) dst(%dma_wait3A_218 : memref<8x256xf32, #tpu.memory_space<hbm>>)
    %add3A_219 = arith.constant 256 : i32
    %add3A_220 = arith.addi %mul3A_2, %add3A_219 : i32
    %dma_wait3A_221 = arith.constant 192 : i32
    %dma_wait3A_222 = tpu.memref_slice %arg4[%dma_wait3A_221, %add3A_220] : memref<200x16384xf32, #tpu.memory_space<hbm>> -> memref<8x256xf32, #tpu.memory_space<hbm>>
    %dma_wait3A_223 = arith.constant 192 : i32
    %dma_wait3A_224 = tpu.memref_slice %arg4[%dma_wait3A_223, %add3A_220] : memref<200x16384xf32, #tpu.memory_space<hbm>> -> memref<8x256xf32, #tpu.memory_space<hbm>>
    tpu.wait_dma2 semaphore(%arg28 : memref<!tpu.dma_semaphore, #tpu.memory_space<semaphore_mem>>) src(%arg16 : memref<8x256xf32, #tpu.memory_space<vmem>>) dst(%dma_wait3A_224 : memref<8x256xf32, #tpu.memory_space<hbm>>)
    return
  }
}

</mosaic_0001>

<sc_bundles>
// kernel: kernel.3.cloned.1.call-start
scs
__scs_entry_jumppad:
0x0: {  	(pc) =	sbr.rel $0x88, $3  }
0x1: {  	(tag) =	ssettag $0x0;
	lr =	simm.s32 $0x1  }
0x2: {  	[smem:$0x3F9F] =	sst lr;
	_ =	strace $0xD0000000  }
0x3: {  	_ = 	snop  }
0x4: {  	_ = 	snop  }
0x5: {  	_ = 	snop  }
0x6: {  	_ = 	snop  }
0x7: {  	_ = 	snop  }
__scs_overlays_trampoline_lowered:
0x8: {  	[smem:$0x3FAE] =	sst s0  }
0x9: {  	[smem:$0x3FAF] =	sst s1  }
0xa: {  	[smem:$0x3FB0] =	sst s2  }
0xb: {  	[smem:$0x3FB1] =	sst s3  }
0xc: {  	[smem:$0x3FB2] =	sst s4  }
0xd: {  	[smem:$0x3FB3] =	sst s5  }
0xe: {  	[smem:$0x3FB4] =	sst s6  }
0xf: {  	[smem:$0x3FB5] =	sst s7  }
0x10: {  	[smem:$0x3FB6] =	sst s8  }
0x11: {  	[smem:$0x3FB7] =	sst s9;
	s0 =	simm.s32 @!p0 $0x0  }
0x12: {  	s1 =	sld [smem:$0x3F9D];
	s0 =	simm.s32 @p0 $0x1  }
0x13: {  	[smem:$0x3FB8] =	sst s0;
	s0 =	simm.s32 @!p1 $0x0  }
0x14: {  	s2 =	sld [smem:$0x3F9C];
	s0 =	simm.s32 @p1 $0x1  }
0x15: {  	[smem:$0x3FB9] =	sst s0;
	s0 =	simm.s32 @!p2 $0x0  }
0x16: {  	s3 =	sld [smem:$0x3FDB];
	s0 =	simm.s32 @p2 $0x1  }
0x17: {  	s4 =	simm.s32 $0x1BF5;
	[smem:$0x3FBB] =	sst s0  }
0x18: {  	s0 =	sld [smem:$0x3F9E];
	_ =	swait.ge [sflag:s4], $0x0  }
0x19: {  	s7 =	sld [smem:$0x3F9F]  }
0x1a: {  	s8 =	sadd.s32 $0xFFFFE003, lr  }
0x1b: {  	s9 =	sadd.s32 $0xFFFFFEF7, lr;
	s5 =	simm.s32 $0xFFFFFFFF;
	p2 =	slt.u32 s8, $0xFFFFF086  }
0x1c: {  	p1 =	slt.u32 s9, $0xF7A;
	s5 =	simm.s32 @!p2 $0x0  }
0x1d: {  	s5 =	simm.s32 @p1 $0x1;
	p0 =	seq.s32 s7, s2  }
0x1e: {  	s7 =	smul.u32 @!p0 $0xF7A, s2;
	p2 =	seq.s32 @!p0 s5, $0x0  }
0x1f: {  	s9 =	smul.u32 $0xF7A, s1;
	s8 =	simm.s32 @!p0 $0x1BF5;
	p2 =	por !p2, p0  }
0x20: {  	[sflag:s8] =	ssyncset.s32 @!p0 $0xFFFFF086;
	s6 =	sadd.s32 @!p0 s3, s7;
	s7 =	simm.s32 @!p0 $0x108  }
0x21: {  	s3 =	sadd.s32 s3, s9;
	s6 =	sadd.s32 @!p0 $0x88, s6;
	s7 =	simm.s32 @p2 $0x1082  }
0x22: {  	[simem:s7], [sflag:s8] =	dma.local @!p0 [hbm:s6], $0xF7A  }
0x23: {  	s9 =	sor.u32 $0xD0000000, s2;
	s6 =	simm.s32 $0x108;
	_ =	swait.ge @!p0 [sflag:s8], $0x0  }
0x24: {  	s3 =	sadd.s32 $0x88, s3;
	s6 =	simm.s32 @!p1 $0x1082;
	[sflag:s4] =	ssyncset.s32 $0xFFFFF086  }
0x25: {  	[simem:s6], [sflag:s4] =	dma.local [hbm:s3], $0xF7A  }
0x26: {  	[smem:$0x3F9F] =	sst s1;
	(tag) =	ssettag s2;
	_ =	strace s9  }
0x27: {  	s1 =	sld [smem:$0x3FAF]  }
0x28: {  	s2 =	sld [smem:$0x3FB0]  }
0x29: {  	s4 =	sld [smem:$0x3FB2]  }
0x2a: {  	p0 =	seq.s32 s5, $0x0;
	s5 =	sld [smem:$0x3FB3]  }
0x2b: {  	s6 =	sld [smem:$0x3FB4]  }
0x2c: {  	s7 =	sld [smem:$0x3FB5]  }
0x2d: {  	s3 =	simm.s32 $0x108;
	s8 =	sld [smem:$0x3FB6]  }
0x2e: {  	s3 =	simm.s32 @!p0 $0x1082;
	s9 =	sld [smem:$0x3FB7]  }
0x2f: {  	lr =	sadd.s32 s0, s3;
	s0 =	sld [smem:$0x3FAE]  }
0x30: {  	s3 =	sld [smem:$0x3FB1]  }
0x31: {  	[smem:$0x3FBA] =	sst s10  }
0x32: {  	s10 =	sld [smem:$0x3FB8];
	_ =	sdelay $0x3  }
0x33: {  	p0 =	seq.s32 s10, $0x1;
	s10 =	sld [smem:$0x3FBA];
	_ =	sdelay $0x3  }
0x34: {  	[smem:$0x3FBA] =	sst s10  }
0x35: {  	s10 =	sld [smem:$0x3FB9];
	_ =	sdelay $0x3  }
0x36: {  	p1 =	seq.s32 s10, $0x1;
	s10 =	sld [smem:$0x3FBA];
	_ =	sdelay $0x3  }
0x37: {  	[smem:$0x3FBA] =	sst s10  }
0x38: {  	s10 =	sld [smem:$0x3FBB]  }
0x39: {  	_ = 	snop;
	(pc) =	sbr.ind lr, $3  }
0x3a: {  	_ = 	snop  }
0x3b: {  	_ = 	snop  }
0x3c: {  	p2 =	seq.s32 s10, $0x1;
	s10 =	sld [smem:$0x3FBA]  }
0x3d: {  	_ =	shalt  }
0x3e: {  	_ =	shalt  }
0x3f: {  	_ =	shalt  }
0x40: {  	_ =	shalt  }
0x41: {  	_ =	shalt  }
0x42: {  	_ =	shalt  }
0x43: {  	_ =	shalt  }
0x44: {  	_ =	shalt  }
0x45: {  	_ =	shalt  }
0x46: {  	_ =	shalt  }
0x47: {  	_ =	shalt  }
0x48: {  	_ =	shalt  }
0x49: {  	_ =	shalt  }
0x4a: {  	_ =	shalt  }
0x4b: {  	_ =	shalt  }
0x4c: {  	_ =	shalt  }
0x4d: {  	_ =	shalt  }
0x4e: {  	_ =	shalt  }
0x4f: {  	_ =	shalt  }
0x50: {  	_ =	shalt  }
0x51: {  	_ =	shalt  }
0x52: {  	_ =	shalt  }
0x53: {  	_ =	shalt  }
0x54: {  	_ =	shalt  }
0x55: {  	_ =	shalt  }
0x56: {  	_ =	shalt  }
0x57: {  	_ =	shalt  }
0x58: {  	_ =	shalt  }
0x59: {  	_ =	shalt  }
0x5a: {  	_ =	shalt  }
0x5b: {  	_ =	shalt  }
0x5c: {  	_ =	shalt  }
0x5d: {  	_ =	shalt  }
0x5e: {  	_ =	shalt  }
0x5f: {  	_ =	shalt  }
0x60: {  	_ =	shalt  }
0x61: {  	_ =	shalt  }
0x62: {  	_ =	shalt  }
0x63: {  	_ =	shalt  }
0x64: {  	_ =	shalt  }
0x65: {  	_ =	shalt  }
0x66: {  	_ =	shalt  }
0x67: {  	_ =	shalt  }
0x68: {  	_ =	shalt  }
0x69: {  	_ =	shalt  }
0x6a: {  	_ =	shalt  }
0x6b: {  	_ =	shalt  }
0x6c: {  	_ =	shalt  }
0x6d: {  	_ =	shalt  }
0x6e: {  	_ =	shalt  }
0x6f: {  	_ =	shalt  }
0x70: {  	_ =	shalt  }
0x71: {  	_ =	shalt  }
0x72: {  	_ =	shalt  }
0x73: {  	_ =	shalt  }
0x74: {  	_ =	shalt  }
0x75: {  	_ =	shalt  }
0x76: {  	_ =	shalt  }
0x77: {  	_ =	shalt  }
0x78: {  	_ =	shalt  }
0x79: {  	_ =	shalt  }
0x7a: {  	_ =	shalt  }
0x7b: {  	_ =	shalt  }
0x7c: {  	_ =	shalt  }
0x7d: {  	_ =	shalt  }
0x7e: {  	_ =	shalt  }
0x7f: {  	_ =	shalt  }
0x80: {  	_ =	shalt  }
0x81: {  	_ =	shalt  }
0x82: {  	_ =	shalt  }
0x83: {  	_ =	shalt  }
0x84: {  	_ =	shalt  }
0x85: {  	_ =	shalt  }
0x86: {  	_ =	shalt  }
0x87: {  	_ =	shalt  }
.Lfunc_end0:
.L_simem_size_0:
called_computation_lowered:
.L_overlay_start_0:
0x88: {  	s2 =	sld [smem:$0x3FD9]  }
0x89: {  	s3 =	sld [smem:$0x3FFE];
	_ =	sdelay $0x1  }
0x8a: {  	s1 =	srdreg.scid  }
0x8b: {  	s0 =	sand.u32 $0x1, s1  }
0x8c: {  	s18 =	sshll.u32 s0, $0xA;
	s2 =	sadd.s32 s3, s2  }
0x8d: {  	s2 =	sadd.s32 s2, s18  }
0x8e: {  	[smem:$0x3FC6] =	sst s2  }
0x8f: {  	_ = 	snop  }
0x90: {  	s2 =	sld [smem:$0x3FC9]  }
0x91: {  	s19 =	sld [smem:$0x3FC8]  }
0x92: {  	s4 =	sld [smem:$0x3FD0];
	(tm) =	ssettm $0x1  }
0x93: {  	s5 =	sld [smem:$0x3FFB];
	_ =	sdelay $0x3  }
0x94: {  	_ =	strace s5  }
0x95: {  	s5 =	sld [smem:$0x3FFC];
	_ =	sdelay $0x3  }
0x96: {  	_ =	strace s5  }
0x97: {  	s5 =	sld [smem:$0x3FFD];
	_ =	sdelay $0x3  }
0x98: {  	_ =	strace s5  }
0x99: {  	_ =	strace $0x8FFFFFFF  }
0x9a: {  	s20 =	sld [smem:$0x3FDB];
	_ =	sdelay $0x1  }
0x9b: {  	s6 =	simm.s32 $_scs_section_size  }
0x9c: {  	s7 =	simm.s32 $_size__tile_overlayer_lowered;
	s8 =	simm.s32 $_tile_overlayer_lowered  }
0x9d: {  	s23 =	simm.s32 $0x1BFF;
	s22 =	sshll.u32 s8, $0x1;
	s5 =	sadd.s32 s6, s20  }
0x9e: {  	s9 =	simm.s32 $0x0;
	s21 =	sshll.u32 s7, $0x1;
	s7 =	sadd.s32 s22, s5  }
0x9f: {  	[timem:s9], [sflag:s23] =	dma.local [hbm:s7], s21  }
0xa0: {  	_ =	swait.ge [sflag:s23], s21  }
0xa1: {  	s6 =	ssub.s32 $0x0, s21;
	[sflag:s23] =	ssyncset.done $0x0  }
0xa2: {  	[sflag:s23] =	ssyncadd.s32 s6;
	_ =	sdelay $0x1  }
0xa3: {  	s24 =	simm.s32 $0x1B8B  }
0xa4: {  	_ =	swait.ge [sflag:s24], $0x1  }
0xa5: {  	[sflag:s24] =	ssyncset.done $0x0  }
0xa6: {  	s25 =	simm.s32 $0x1B8E;
	[sflag:s24] =	ssyncadd.s32 $0xFFFFFFFF  }
0xa7: {  	s26 =	simm.s32 $execute0_lowered;
	[smem:$0x3FD2] =	sst s25  }
0xa8: {  	s6 =	sshll.u32 s26, $0x1;
	_ =	strace $0x80000046;
	[dreg:$0x1] =	wrdreg $0xFFFFFFFF  }
0xa9: {  	s28 =	simm.s32 $_size_execute0_lowered;
	s5 =	sadd.s32 s5, s6;
	[dreg:$0x0] =	wrdreg $0x0  }
0xaa: {  	s6 =	sshll.u32 s28, $0x1;
	[dreg:$0x2] =	wrdreg s5  }
0xab: {  	[dreg:$0x3] =	wrdreg s6  }
0xac: {  	[dreg:$0x4] =	wrdreg $0xC0  }
0xad: {  	_ =	task [dreg:s9], $0x5FFFF  }
0xae: {  	[dreg:$0x1] =	wrdreg $0xFFFFFFFF  }
0xaf: {  	[dreg:$0x0] =	wrdreg $0x60  }
0xb0: {  	[dreg:$0x2] =	wrdreg s2  }
0xb1: {  	[dreg:$0x3] =	wrdreg s19  }
0xb2: {  	[dreg:$0x4] =	wrdreg s4  }
0xb3: {  	[dreg:$0x5] =	wrdreg $0x0  }
0xb4: {  	[dreg:$0x6] =	wrdreg $0x9  }
0xb5: {  	_ =	task.clear_ibuf [dreg:s9], $0x7FFFF;
	_ =	strace $0x90000046  }
0xb6: {  	s29 =	simm.s32 $0x9;
	_ =	strace $0x80000048  }
0xb7: {  	_ =	swait.ge [sflag:s29], $0x1  }
0xb8: {  	[sflag:s29] =	ssyncadd.s32 $0xFFFFFFFF  }
0xb9: {  	_ =	strace $0x90000048  }
0xba: {  	_ =	sfence  }
0xbb: {  	s30 =	sld [smem:$0x0];
	_ =	sdelay $0x2  }
0xbc: {  	s31 =	sshll.u32 s1, $0xD;
	s1 =	sshrl.u32 s1, $0x2  }
0xbd: {  	s3 =	sand.u32 $0x4000, s31;
	s1 =	sadd.s32 s1, s30  }
0xbe: {  	s0 =	sor.u32 s3, s0;
	s1 =	sshll.u32 s1, $0x11  }
0xbf: {  	s0 =	sor.u32 s1, s0  }
0xc0: {  	s0 =	sadd.s32 $0x8F2B, s0  }
0xc1: {  	[sflag:s0] =	ssyncadd.remote.s32 $0x1  }
0xc2: {  	_ =	sfence.sel $0xFFFF  }
0xc3: {  	[dreg:$0x0] =	wrdreg $0xFFFFFFFF;
	(pc) =	sbr.abs _section_cstart, $3  }
0xc4: {  	[dreg:$0x1] =	wrdreg $0xFFFFFFFF  }
0xc5: {  	_ =	task.clear_ibuf [dreg:s9], $0x2FFFF;
	_ =	strace $0x9FFFFFFF  }
0xc6: {  	(tm) =	ssettm $0x7FFFFFFF  }
0xc7: {  	_ =	shalt  }
tec
execute0_lowered:
.L_overlay_start_1:
0x0: {  	(tag) =	ssettag $0x1  }
0x1: {  	s0 =	rddreg [dreg:$0x0]  }
0x2: {  	s3 =	rddreg [dreg:$0x2]  }
0x3: {  	s1 =	srdreg.scid;
	s2 =	stileid.u32;
	s5 =	simm.s32 $0x0  }
0x4: {  	s28 =	simm.s32 $0x1870;
	s30 =	simm.s32 $0x1;
	s31 =	simm.s32 $0x1DF70  }
0x5: {  	s8 =	simm.s32 $0xA;
	s9 =	simm.s32 $0x7;
	s1 =	sand.u32 $0x1, s1  }
0x6: {  	s10 =	simm.s32 $0xB;
	s4 =	sshll.u32 s2, $0xA;
	s6 =	sshll.u32 s1, $0x9  }
0x7: {  	s11 =	simm.s32 $0x8;
	s12 =	simm.s32 $0xC;
	s4 =	sor.u32 s6, s4  }
0x8: {  	s14 =	simm.s32 $0x0;
	[smem:$0x7FF] =	sst s5;
	s7 =	sadd.s32 s0, s4  }
0x9: {  	_ =	strace $0x80000047;
	s19 =	sadd.s32 $0x4000, s7;
	[dreg:$0x5] =	wrdreg s7  }
0xa: {  	p0 =	sne.s32 s2, $0x0;
	s20 =	sadd.s32 $0x8000, s7;
	[dreg:$0x6] =	wrdreg s19  }
0xb: {  	s2 =	simm.s32 $0x2;
	s21 =	sadd.s32 $0xC000, s7;
	[dreg:$0x7] =	wrdreg s20  }
0xc: {  	s1 =	ssub.s32 $0x2, s1;
	s22 =	sadd.s32 $0x10000, s7;
	[dreg:$0x8] =	wrdreg s21  }
0xd: {  	s18 =	sshrl.u32 s1, $0x1;
	s23 =	sadd.s32 $0x14000, s7;
	[dreg:$0x9] =	wrdreg s22  }
0xe: {  	s1 =	ssub.s32 s1, s18;
	s24 =	sadd.s32 $0x18000, s7;
	[dreg:$0xa] =	wrdreg s23  }
0xf: {  	s13 =	sadd.s32 s3, s4;
	s25 =	sadd.s32 $0x1C000, s7;
	[dreg:$0xb] =	wrdreg s24  }
0x10: {  	s15 =	sshll.u32 s4, $0x3;
	s26 =	sadd.s32 $0x5C100, s13;
	[dreg:$0xc] =	wrdreg s25  }
0x11: {  	s4 =	simm.s32 $0x9;
	s29 =	sadd.s32 $0x60100, s13;
	[dreg:$0xd] =	wrdreg s26  }
0x12: {  	s1 =	smax.u32 s1, $0x1;
	s7 =	simm.s32 $0x6;
	[dreg:$0xe] =	wrdreg s29  }
0x13: {  	[dreg:$0xf] =	wrdreg s1;
	s19 =	simm.s32 $0x19F70;
	s20 =	simm.s32 $0x1A770  }
0x14: {  	s1 =	simm.s32 $0x1E770;
	s21 =	simm.s32 $0x3;
	s22 =	simm.s32 $0x1EF70  }
0x15: {  	s23 =	simm.s32 $0x4;
	s24 =	simm.s32 $0x1F770;
	s25 =	simm.s32 $0x5  }
.LBB2_1:
0x16: {  	[dreg:$0x10] =	wrdreg s14  }
0x17: {  	s6 =	rddreg [dreg:$0x5]  }
0x18: {  	s18 =	rddreg [dreg:$0x6]  }
0x19: {  	[tilespmem:s19], [sflag:$0x1] =	stream.linear.gather [hbm4b:s6+s5], $0x800, $0x38;
	[tilespmem:$0x1FF70] =	vst v63  }
0x1a: {  	s26 =	rddreg [dreg:$0x7]  }
0x1b: {  	[tilespmem:s20], [sflag:$0x2] =	stream.linear.gather [hbm4b:s18+s5], $0x800, $0x38;
	[tilespmem:$0x1FF70] =	vst v63  }
0x1c: {  	s29 =	simm.s32 $0x1AF70;
	s14 =	rddreg [dreg:$0x8]  }
0x1d: {  	[tilespmem:s29], [sflag:$0x3] =	stream.linear.gather [hbm4b:s26+s5], $0x800, $0x38;
	[tilespmem:$0x1FF70] =	vst v63  }
0x1e: {  	s16 =	simm.s32 $0x1B770;
	s17 =	rddreg [dreg:$0x9]  }
0x1f: {  	[tilespmem:s16], [sflag:$0x4] =	stream.linear.gather [hbm4b:s14+s5], $0x800, $0x38;
	[tilespmem:$0x1FF70] =	vst v63  }
0x20: {  	s18 =	simm.s32 $0x1BF70;
	s26 =	rddreg [dreg:$0xa]  }
0x21: {  	[tilespmem:s18], [sflag:$0x5] =	stream.linear.gather [hbm4b:s17+s5], $0x800, $0x38;
	[tilespmem:$0x1FF70] =	vst v63  }
0x22: {  	s29 =	simm.s32 $0x1C770;
	s16 =	rddreg [dreg:$0xb]  }
0x23: {  	[tilespmem:s29], [sflag:$0x6] =	stream.linear.gather [hbm4b:s26+s5], $0x800, $0x38;
	[tilespmem:$0x1FF70] =	vst v63  }
0x24: {  	s17 =	simm.s32 $0x1CF70;
	s18 =	rddreg [dreg:$0xc]  }
0x25: {  	[tilespmem:s17], [sflag:$0x7] =	stream.linear.gather [hbm4b:s16+s5], $0x800, $0x38;
	[tilespmem:$0x1FF70] =	vst v63  }
0x26: {  	s14 =	simm.s32 @!p0 $0x1C0D;
	s17 =	rddreg [dreg:$0x3]  }
0x27: {  	s26 =	simm.s32 $0x1D770;
	s16 =	rddreg [dreg:$0x1];
	s6 =	sshrl.u32 @!p0 s17, $0x3  }
0x28: {  	[tilespmem:s26], [sflag:$0x8] =	stream.linear.gather [hbm4b:s18+s5], $0x800, $0x38;
	[tilespmem:$0x1FF70] =	vst v63  }
0x29: {  	[spmem:s6], [sflag:s14] =	dma.local @!p0 [hbm:s16], $0x30E0  }
0x2a: {  	s6 =	simm.s32 @!p0 $0xD  }
0x2b: {  	_ =	swait.ge @!p0 [sflag:s6], $0x30E0  }
0x2c: {  	[sflag:s6] =	ssyncset.done @!p0 $0x0  }
0x2d: {  	v0 =	vimm.f32 $0.0e+00;
	[sflag:s6] =	ssyncadd.s32 @!p0 $0xFFFFCF20  }
0x2e: {  	v2 =	vimm.f32 $0.0e+00;
	v1 =	vimm.f32 $0.0e+00;
	v3 =	vimm.f32 $0.0e+00;
	s29 =	simm.s32 $0xD;
	[bflag:$0x0] =	sbarrier.arrive $0xFFFF  }
0x2f: {  	v4 =	vimm.f32 $0.0e+00;
	v5 =	vimm.f32 $0.0e+00;
	v6 =	vimm.f32 $0.0e+00;
	[tilespmem:s28], [sflag:$0xD] =	stream.linear.gather [spmem:s17], $0x18700, $0x38;
	[tilespmem:$0x1FF70] =	vst v63  }
0x30: {  	v7 =	vimm.f32 $0.0e+00;
	v8 =	vimm.f32 $0.0e+00;
	v9 =	vimm.f32 $0.0e+00;
	_ =	swait.ge [sflag:s29], $0x18700  }
0x31: {  	v10 =	vimm.f32 $0.0e+00;
	v11 =	vimm.f32 $0.0e+00;
	v12 =	vimm.f32 $0.0e+00;
	[sflag:s29] =	ssyncset.done $0x0  }
0x32: {  	v13 =	vimm.f32 $0.0e+00;
	v14 =	vimm.f32 $0.0e+00;
	v15 =	vimm.f32 $0.0e+00;
	s16 =	simm.s32 $0x0;
	[sflag:s29] =	ssyncadd.s32 $0xFFFE7900  }
.LBB2_2:
0x33: {  	_ =	swait.ge [sflag:s30], $0x800  }
0x34: {  	p2 =	seq.s32 s16, $0x0;
	[sflag:s30] =	ssyncset.done $0x0  }
0x35: {  	s6 =	simm.s32 @!p2 $0x9;
	[sflag:s30] =	ssyncadd.s32 $0xFFFFF800  }
0x36: {  	_ =	swait.ge @!p2 [sflag:s6], $0x800  }
0x37: {  	[sflag:s6] =	ssyncset.done @!p2 $0x0  }
0x38: {  	s18 =	simm.s32 $0x0;
	[sflag:s6] =	ssyncadd.s32 @!p2 $0xFFFFF800  }
0x39: {  	v17 =	vld [tilespmem:s18+$0x19F70]  }
0x3a: {  	v18 =	vld [tilespmem:s18+$0x19F80]  }
0x3b: {  	v19 =	vld [tilespmem:s18+$0x19F90]  }
0x3c: {  	v20 =	vld [tilespmem:s18+$0x19FA0]  }
0x3d: {  	v21 =	vld [tilespmem:s18+$0x19FB0]  }
0x3e: {  	p1 =	sgt.u32 s16, $0x3;
	s6 =	simm.s32 $0xFFFFFFE7;
	v22 =	vld [tilespmem:s18+$0x19FC0]  }
0x3f: {  	s17 =	sshll.u32 s16, $0x3;
	s6 =	simm.s32 @!p1 $0x0;
	v26 =	vld [tilespmem:s18+$0x19FD0]  }
0x40: {  	v23 =	vld [tilespmem:s18+$0x19FE0];
	s6 =	sadd.s32 s17, s6  }
0x41: {  	v24 =	vld [tilespmem:s18+$0x1A370];
	p3 =	seq.s32 s6, $0x0  }
0x42: {  	v25 =	vld [tilespmem:s18+$0x1A380];
	v15 =	vpsel p3, $0x0, v15  }
0x43: {  	v27 =	vld [tilespmem:s18+$0x1A390];
	v16 =	vpsel p3, $0x0, v14;
	v14 =	vpsel p3, $0x0, v13;
	v12 =	vpsel p3, $0x0, v12  }
0x44: {  	v28 =	vld [tilespmem:s18+$0x1A3A0];
	v13 =	vpsel p3, $0x0, v11;
	v11 =	vpsel p3, $0x0, v10;
	v9 =	vpsel p3, $0x0, v9  }
0x45: {  	v29 =	vld [tilespmem:s18+$0x1A3B0];
	v10 =	vpsel p3, $0x0, v8;
	v8 =	vpsel p3, $0x0, v7;
	v6 =	vpsel p3, $0x0, v6  }
0x46: {  	v30 =	vld [tilespmem:s18+$0x1A3C0];
	v7 =	vpsel p3, $0x0, v5;
	v5 =	vpsel p3, $0x0, v4;
	v4 =	vpsel p3, $0x0, v3  }
0x47: {  	s29 =	simm.s32 $0x200;
	v3 =	vpsel p3, $0x0, v1;
	v1 =	vpsel p3, $0x0, v2;
	v0 =	vpsel p3, $0x0, v0;
	v2 =	vld [tilespmem:s18+$0x1A3D0]  }
.LBB2_3:
0x48: {  	p3 =	sne.s32 s29, $0xE00;
	v31 =	vld [tilespmem:s18+$0x1A3E0]  }
0x49: {  	v17 =	vld.idx.msk [tilespmem:v17+s28+$0x0], $0xffff  }
0x4a: {  	v18 =	vld.idx.msk [tilespmem:v18+s28+$0x0], $0xffff  }
0x4b: {  	v19 =	vld.idx.msk [tilespmem:v19+s28+$0x0], $0xffff  }
0x4c: {  	v20 =	vld.idx.msk [tilespmem:v20+s28+$0x0], $0xffff  }
0x4d: {  	v21 =	vld.idx.msk [tilespmem:v21+s28+$0x0], $0xffff  }
0x4e: {  	v22 =	vld.idx.msk [tilespmem:v22+s28+$0x0], $0xffff  }
0x4f: {  	v15 =	vadd.f32 v17, v15;
	v26 =	vld.idx.msk [tilespmem:v26+s28+$0x0], $0xffff  }
0x50: {  	v16 =	vadd.f32 v18, v16;
	v17 =	vld.idx.msk [tilespmem:v31+s28+$0x0], $0xffff  }
0x51: {  	v14 =	vadd.f32 v19, v14;
	v18 =	vld.idx.msk [tilespmem:v23+s28+$0x0], $0xffff  }
0x52: {  	v12 =	vadd.f32 v20, v12;
	v19 =	vld.idx.msk [tilespmem:v24+s28+$0x0], $0xffff  }
0x53: {  	v13 =	vadd.f32 v21, v13;
	v20 =	vld.idx.msk [tilespmem:v25+s28+$0x0], $0xffff  }
0x54: {  	v11 =	vadd.f32 v22, v11;
	v21 =	vld.idx.msk [tilespmem:v27+s28+$0x0], $0xffff  }
0x55: {  	v9 =	vadd.f32 v26, v9;
	v22 =	vld.idx.msk [tilespmem:v28+s28+$0x0], $0xffff  }
0x56: {  	v0 =	vadd.f32 v17, v0;
	v23 =	vld.idx.msk [tilespmem:v29+s28+$0x0], $0xffff  }
0x57: {  	v10 =	vadd.f32 v18, v10;
	v24 =	vld.idx.msk [tilespmem:v30+s28+$0x0], $0xffff  }
0x58: {  	s14 =	sshra.s32 s29, $0x2;
	v8 =	vadd.f32 v19, v8;
	v2 =	vld.idx.msk [tilespmem:v2+s28+$0x0], $0xffff;
	[tilespmem:s18+$0x1E3E0] =	vst v0  }
0x59: {  	v6 =	vadd.f32 v20, v6;
	v17 =	vld [tilespmem:s14+$0x19F70];
	[tilespmem:s18+$0x1DF70] =	vst v15  }
0x5a: {  	v7 =	vadd.f32 v21, v7;
	v18 =	vld [tilespmem:s14+$0x19F80];
	[tilespmem:s18+$0x1DF80] =	vst v16  }
0x5b: {  	v5 =	vadd.f32 v22, v5;
	v19 =	vld [tilespmem:s14+$0x19F90];
	[tilespmem:s18+$0x1DF90] =	vst v14  }
0x5c: {  	v4 =	vadd.f32 v23, v4;
	v20 =	vld [tilespmem:s14+$0x19FA0];
	[tilespmem:s18+$0x1DFA0] =	vst v12  }
0x5d: {  	v3 =	vadd.f32 v24, v3;
	v21 =	vld [tilespmem:s14+$0x19FB0];
	[tilespmem:s18+$0x1DFB0] =	vst v13  }
0x5e: {  	v1 =	vadd.f32 v2, v1;
	v22 =	vld [tilespmem:s14+$0x19FC0];
	[tilespmem:s18+$0x1DFC0] =	vst v11  }
0x5f: {  	v26 =	vld [tilespmem:s14+$0x19FD0];
	[tilespmem:s18+$0x1DFD0] =	vst v9  }
0x60: {  	v23 =	vld [tilespmem:s14+$0x19FE0];
	[tilespmem:s18+$0x1DFE0] =	vst v10  }
0x61: {  	v24 =	vld [tilespmem:s14+$0x1A370];
	[tilespmem:s18+$0x1E370] =	vst v8  }
0x62: {  	v25 =	vld [tilespmem:s14+$0x1A380];
	[tilespmem:s18+$0x1E380] =	vst v6  }
.Ltmp0:
0x63: {  	v27 =	vld [tilespmem:s14+$0x1A390];
	[tilespmem:s18+$0x1E390] =	vst v7;
	(pc) =	sbr.rel @p3 .LBB2_3-.Ltmp0, $4  }
0x64: {  	v28 =	vld [tilespmem:s14+$0x1A3A0];
	[tilespmem:s18+$0x1E3A0] =	vst v5  }
0x65: {  	v29 =	vld [tilespmem:s14+$0x1A3B0];
	[tilespmem:s18+$0x1E3B0] =	vst v4  }
0x66: {  	v30 =	vld [tilespmem:s14+$0x1A3C0];
	[tilespmem:s18+$0x1E3C0] =	vst v3  }
0x67: {  	s29 =	sadd.s32 $0x200, s29;
	v2 =	vld [tilespmem:s14+$0x1A3D0];
	[tilespmem:s18+$0x1E3D0] =	vst v1;
	s18 =	smov.u32 s14  }
0x68: {  	_ =	sdelay $0x2  }
0x69: {  	v31 =	vld [tilespmem:s18+$0x1A3E0]  }
0x6a: {  	v17 =	vld.idx.msk [tilespmem:v17+s28+$0x0], $0xffff  }
0x6b: {  	v18 =	vld.idx.msk [tilespmem:v18+s28+$0x0], $0xffff  }
0x6c: {  	v19 =	vld.idx.msk [tilespmem:v19+s28+$0x0], $0xffff  }
0x6d: {  	v20 =	vld.idx.msk [tilespmem:v20+s28+$0x0], $0xffff  }
0x6e: {  	v21 =	vld.idx.msk [tilespmem:v21+s28+$0x0], $0xffff  }
0x6f: {  	v22 =	vld.idx.msk [tilespmem:v22+s28+$0x0], $0xffff  }
0x70: {  	v26 =	vld.idx.msk [tilespmem:v26+s28+$0x0], $0xffff  }
0x71: {  	v23 =	vld.idx.msk [tilespmem:v23+s28+$0x0], $0xffff  }
0x72: {  	v24 =	vld.idx.msk [tilespmem:v24+s28+$0x0], $0xffff  }
0x73: {  	v25 =	vld.idx.msk [tilespmem:v25+s28+$0x0], $0xffff  }
0x74: {  	v31 =	vld.idx.msk [tilespmem:v31+s28+$0x0], $0xffff  }
0x75: {  	v27 =	vld.idx.msk [tilespmem:v27+s28+$0x0], $0xffff  }
0x76: {  	v28 =	vld.idx.msk [tilespmem:v28+s28+$0x0], $0xffff  }
0x77: {  	v29 =	vld.idx.msk [tilespmem:v29+s28+$0x0], $0xffff;
	v15 =	vadd.f32 v17, v15  }
0x78: {  	v2 =	vld.idx.msk [tilespmem:v2+s28+$0x0], $0xffff;
	v32 =	vadd.f32 v19, v14  }
0x79: {  	v33 =	vadd.f32 v20, v12;
	v31 =	vadd.f32 v31, v0;
	v0 =	vld.idx.msk [tilespmem:v30+s28+$0x0], $0xffff;
	[tilespmem:s18+$0x1DF70] =	vst v15  }
0x7a: {  	v34 =	vadd.f32 v21, v13;
	[tilespmem:s18+$0x1DF90] =	vst v32  }
0x7b: {  	v35 =	vadd.f32 v22, v11;
	[tilespmem:s18+$0x1DFA0] =	vst v33  }
0x7c: {  	v36 =	vadd.f32 v26, v9;
	[tilespmem:s18+$0x1DFB0] =	vst v34  }
0x7d: {  	v37 =	vadd.f32 v23, v10;
	[tilespmem:s18+$0x1DFC0] =	vst v35  }
0x7e: {  	v38 =	vadd.f32 v24, v8;
	[tilespmem:s18+$0x1DFD0] =	vst v36  }
0x7f: {  	v39 =	vadd.f32 v25, v6;
	[tilespmem:s18+$0x1DFE0] =	vst v37  }
0x80: {  	v40 =	vadd.f32 v27, v7;
	[tilespmem:s18+$0x1E370] =	vst v38  }
0x81: {  	v41 =	vadd.f32 v28, v5;
	[tilespmem:s18+$0x1E380] =	vst v39  }
0x82: {  	s29 =	sadd.s32 $0x8, s17;
	v29 =	vadd.f32 v29, v4;
	[tilespmem:s18+$0x1E390] =	vst v40  }
0x83: {  	s14 =	simm.s32 $0x800;
	s26 =	smulhi.u32 $0x51EB851F, s29;
	v42 =	vadd.f32 v2, v1;
	[tilespmem:s18+$0x1E3A0] =	vst v41  }
0x84: {  	s6 =	sshll.u32 s6, $0x11;
	s14 =	simm.s32 @!p1 $0x3;
	[tilespmem:s18+$0x1E3B0] =	vst v29  }
0x85: {  	s6 =	sor.u32 s14, s6;
	s14 =	sshrl.u32 s26, $0x3;
	v30 =	vadd.f32 v18, v16;
	[tilespmem:s18+$0x1E3D0] =	vst v42  }
0x86: {  	s26 =	smul.u32 $0x7FE7, s14;
	[tilespmem:s18+$0x1E3E0] =	vst v31;
	v0 =	vadd.f32 v0, v3  }
0x87: {  	s6 =	sshrl.u32 s6, $0x3;
	[tilespmem:s18+$0x1DF80] =	vst v30  }
0x88: {  	s6 =	sadd.s32 s6, s13;
	s14 =	sshll.u32 s14, $0xB;
	[tilespmem:s18+$0x1E3C0] =	vst v0;
	s18 =	sadd.s32 s29, s26  }
0x89: {  	[hbm4b:s6+s5] =	stream.linear.scatter [tilespmem:s31], [sflag:$0x9], $0x800, $0x38;
	[tilespmem:$0x1FF70] =	vst v63  }
0x8a: {  	s14 =	sadd.s32 s15, s14;
	s6 =	sshll.u32 s18, $0x11  }
0x8b: {  	s6 =	sadd.s32 s6, s14  }
0x8c: {  	s6 =	sshrl.u32 s6, $0x3  }
0x8d: {  	s6 =	sadd.s32 s0, s6  }
0x8e: {  	[tilespmem:s19], [sflag:$0x1] =	stream.linear.gather [hbm4b:s6+s5], $0x800, $0x38;
	[tilespmem:$0x1FF70] =	vst v63  }
0x8f: {  	_ =	swait.ge [sflag:s2], $0x800  }
0x90: {  	[sflag:s2] =	ssyncset.done $0x0  }
0x91: {  	s6 =	simm.s32 @!p2 $0xA;
	[sflag:s2] =	ssyncadd.s32 $0xFFFFF800  }
0x92: {  	_ =	swait.ge @!p2 [sflag:s6], $0x800  }
0x93: {  	[sflag:s6] =	ssyncset.done @!p2 $0x0  }
0x94: {  	s18 =	simm.s32 $0x0;
	[sflag:s6] =	ssyncadd.s32 @!p2 $0xFFFFF800  }
0x95: {  	v16 =	vld [tilespmem:s18+$0x1A770]  }
0x96: {  	s14 =	sor.u32 $0x1, s17;
	v17 =	vld [tilespmem:s18+$0x1A780]  }
0x97: {  	s26 =	smulhi.u32 $0x51EB851F, s14;
	v18 =	vld [tilespmem:s18+$0x1A790]  }
0x98: {  	v19 =	vld [tilespmem:s18+$0x1A7A0]  }
0x99: {  	s6 =	sshrl.u32 s26, $0x3;
	v20 =	vld [tilespmem:s18+$0x1A7B0]  }
0x9a: {  	s26 =	smul.u32 $0xFFFFFFE7, s6;
	v22 =	vld [tilespmem:s18+$0x1A7C0]  }
0x9b: {  	v25 =	vld [tilespmem:s18+$0x1A7D0]  }
0x9c: {  	v21 =	vld [tilespmem:s18+$0x1A7E0];
	s29 =	sadd.s32 s14, s26  }
0x9d: {  	v23 =	vld [tilespmem:s18+$0x1AB70];
	p6 =	seq.s32 s29, $0x0  }
0x9e: {  	v24 =	vld [tilespmem:s18+$0x1AB80];
	v13 =	vpsel p6, $0x0, v15  }
0x9f: {  	v26 =	vld [tilespmem:s18+$0x1AB90];
	v14 =	vpsel p6, $0x0, v30;
	v12 =	vpsel p6, $0x0, v32;
	v10 =	vpsel p6, $0x0, v33  }
0xa0: {  	v27 =	vld [tilespmem:s18+$0x1ABA0];
	v11 =	vpsel p6, $0x0, v34;
	v9 =	vpsel p6, $0x0, v35;
	v7 =	vpsel p6, $0x0, v36  }
0xa1: {  	v28 =	vld [tilespmem:s18+$0x1ABB0];
	v8 =	vpsel p6, $0x0, v37;
	v6 =	vpsel p6, $0x0, v38;
	v4 =	vpsel p6, $0x0, v39  }
0xa2: {  	v5 =	vpsel p6, $0x0, v40;
	v3 =	vpsel p6, $0x0, v41;
	v2 =	vpsel p6, $0x0, v29;
	v29 =	vld [tilespmem:s18+$0x1ABC0]  }
0xa3: {  	s14 =	simm.s32 $0x200;
	v1 =	vpsel p6, $0x0, v0;
	v0 =	vpsel p6, $0x0, v42;
	v15 =	vpsel p6, $0x0, v31;
	v30 =	vld [tilespmem:s18+$0x1ABD0]  }
.LBB2_5:
0xa4: {  	p1 =	sne.s32 s14, $0xE00;
	v31 =	vld [tilespmem:s18+$0x1ABE0]  }
0xa5: {  	v16 =	vld.idx.msk [tilespmem:v16+s28+$0x0], $0xffff  }
0xa6: {  	v17 =	vld.idx.msk [tilespmem:v17+s28+$0x0], $0xffff  }
0xa7: {  	v18 =	vld.idx.msk [tilespmem:v18+s28+$0x0], $0xffff  }
0xa8: {  	v19 =	vld.idx.msk [tilespmem:v19+s28+$0x0], $0xffff  }
0xa9: {  	v20 =	vld.idx.msk [tilespmem:v20+s28+$0x0], $0xffff  }
0xaa: {  	v22 =	vld.idx.msk [tilespmem:v22+s28+$0x0], $0xffff  }
0xab: {  	v13 =	vadd.f32 v16, v13;
	v25 =	vld.idx.msk [tilespmem:v25+s28+$0x0], $0xffff  }
0xac: {  	v14 =	vadd.f32 v17, v14;
	v16 =	vld.idx.msk [tilespmem:v31+s28+$0x0], $0xffff  }
0xad: {  	v12 =	vadd.f32 v18, v12;
	v17 =	vld.idx.msk [tilespmem:v21+s28+$0x0], $0xffff  }
0xae: {  	v10 =	vadd.f32 v19, v10;
	v18 =	vld.idx.msk [tilespmem:v23+s28+$0x0], $0xffff  }
0xaf: {  	v11 =	vadd.f32 v20, v11;
	v19 =	vld.idx.msk [tilespmem:v24+s28+$0x0], $0xffff  }
0xb0: {  	v9 =	vadd.f32 v22, v9;
	v20 =	vld.idx.msk [tilespmem:v26+s28+$0x0], $0xffff  }
0xb1: {  	v7 =	vadd.f32 v25, v7;
	v21 =	vld.idx.msk [tilespmem:v27+s28+$0x0], $0xffff  }
0xb2: {  	v15 =	vadd.f32 v16, v15;
	v22 =	vld.idx.msk [tilespmem:v28+s28+$0x0], $0xffff  }
0xb3: {  	v8 =	vadd.f32 v17, v8;
	v23 =	vld.idx.msk [tilespmem:v29+s28+$0x0], $0xffff  }
0xb4: {  	s26 =	sshra.s32 s14, $0x2;
	v6 =	vadd.f32 v18, v6;
	v24 =	vld.idx.msk [tilespmem:v30+s28+$0x0], $0xffff;
	[tilespmem:s18+$0x1EBE0] =	vst v15  }
0xb5: {  	v4 =	vadd.f32 v19, v4;
	v16 =	vld [tilespmem:s26+$0x1A770];
	[tilespmem:s18+$0x1E770] =	vst v13  }
0xb6: {  	v5 =	vadd.f32 v20, v5;
	v17 =	vld [tilespmem:s26+$0x1A780];
	[tilespmem:s18+$0x1E780] =	vst v14  }
0xb7: {  	v3 =	vadd.f32 v21, v3;
	v18 =	vld [tilespmem:s26+$0x1A790];
	[tilespmem:s18+$0x1E790] =	vst v12  }
0xb8: {  	v2 =	vadd.f32 v22, v2;
	v19 =	vld [tilespmem:s26+$0x1A7A0];
	[tilespmem:s18+$0x1E7A0] =	vst v10  }
0xb9: {  	v1 =	vadd.f32 v23, v1;
	v20 =	vld [tilespmem:s26+$0x1A7B0];
	[tilespmem:s18+$0x1E7B0] =	vst v11  }
0xba: {  	v0 =	vadd.f32 v24, v0;
	v22 =	vld [tilespmem:s26+$0x1A7C0];
	[tilespmem:s18+$0x1E7C0] =	vst v9  }
0xbb: {  	v25 =	vld [tilespmem:s26+$0x1A7D0];
	[tilespmem:s18+$0x1E7D0] =	vst v7  }
0xbc: {  	v21 =	vld [tilespmem:s26+$0x1A7E0];
	[tilespmem:s18+$0x1E7E0] =	vst v8  }
0xbd: {  	v23 =	vld [tilespmem:s26+$0x1AB70];
	[tilespmem:s18+$0x1EB70] =	vst v6  }
0xbe: {  	v24 =	vld [tilespmem:s26+$0x1AB80];
	[tilespmem:s18+$0x1EB80] =	vst v4  }
.Ltmp1:
0xbf: {  	v26 =	vld [tilespmem:s26+$0x1AB90];
	[tilespmem:s18+$0x1EB90] =	vst v5;
	(pc) =	sbr.rel @p1 .LBB2_5-.Ltmp1, $4  }
0xc0: {  	v27 =	vld [tilespmem:s26+$0x1ABA0];
	[tilespmem:s18+$0x1EBA0] =	vst v3  }
0xc1: {  	v28 =	vld [tilespmem:s26+$0x1ABB0];
	[tilespmem:s18+$0x1EBB0] =	vst v2  }
0xc2: {  	v29 =	vld [tilespmem:s26+$0x1ABC0];
	[tilespmem:s18+$0x1EBC0] =	vst v1  }
0xc3: {  	s14 =	sadd.s32 $0x200, s14;
	v30 =	vld [tilespmem:s26+$0x1ABD0];
	[tilespmem:s18+$0x1EBD0] =	vst v0;
	s18 =	smov.u32 s26  }
0xc4: {  	_ =	sdelay $0x2  }
0xc5: {  	v31 =	vld [tilespmem:s18+$0x1ABE0]  }
0xc6: {  	v16 =	vld.idx.msk [tilespmem:v16+s28+$0x0], $0xffff  }
0xc7: {  	v17 =	vld.idx.msk [tilespmem:v17+s28+$0x0], $0xffff  }
0xc8: {  	v18 =	vld.idx.msk [tilespmem:v18+s28+$0x0], $0xffff  }
0xc9: {  	v19 =	vld.idx.msk [tilespmem:v19+s28+$0x0], $0xffff  }
0xca: {  	v20 =	vld.idx.msk [tilespmem:v20+s28+$0x0], $0xffff  }
0xcb: {  	v22 =	vld.idx.msk [tilespmem:v22+s28+$0x0], $0xffff  }
0xcc: {  	v25 =	vld.idx.msk [tilespmem:v25+s28+$0x0], $0xffff  }
0xcd: {  	v21 =	vld.idx.msk [tilespmem:v21+s28+$0x0], $0xffff  }
0xce: {  	v23 =	vld.idx.msk [tilespmem:v23+s28+$0x0], $0xffff  }
0xcf: {  	v24 =	vld.idx.msk [tilespmem:v24+s28+$0x0], $0xffff  }
0xd0: {  	v26 =	vld.idx.msk [tilespmem:v26+s28+$0x0], $0xffff  }
0xd1: {  	v27 =	vld.idx.msk [tilespmem:v27+s28+$0x0], $0xffff  }
0xd2: {  	v28 =	vld.idx.msk [tilespmem:v28+s28+$0x0], $0xffff  }
0xd3: {  	v29 =	vld.idx.msk [tilespmem:v29+s28+$0x0], $0xffff;
	v13 =	vadd.f32 v16, v13  }
0xd4: {  	v16 =	vld.idx.msk [tilespmem:v30+s28+$0x0], $0xffff;
	v14 =	vadd.f32 v17, v14  }
0xd5: {  	v12 =	vadd.f32 v18, v12;
	v31 =	vld.idx.msk [tilespmem:v31+s28+$0x0], $0xffff;
	[tilespmem:s18+$0x1E770] =	vst v13  }
0xd6: {  	v10 =	vadd.f32 v19, v10;
	[tilespmem:s18+$0x1E780] =	vst v14  }
0xd7: {  	v11 =	vadd.f32 v20, v11;
	[tilespmem:s18+$0x1E790] =	vst v12  }
0xd8: {  	v9 =	vadd.f32 v22, v9;
	[tilespmem:s18+$0x1E7A0] =	vst v10  }
0xd9: {  	v7 =	vadd.f32 v25, v7;
	[tilespmem:s18+$0x1E7B0] =	vst v11  }
0xda: {  	v8 =	vadd.f32 v21, v8;
	[tilespmem:s18+$0x1E7C0] =	vst v9  }
0xdb: {  	v6 =	vadd.f32 v23, v6;
	[tilespmem:s18+$0x1E7D0] =	vst v7  }
0xdc: {  	v4 =	vadd.f32 v24, v4;
	[tilespmem:s18+$0x1E7E0] =	vst v8  }
0xdd: {  	v5 =	vadd.f32 v26, v5;
	[tilespmem:s18+$0x1EB70] =	vst v6  }
0xde: {  	v3 =	vadd.f32 v27, v3;
	[tilespmem:s18+$0x1EB80] =	vst v4  }
0xdf: {  	v2 =	vadd.f32 v28, v2;
	[tilespmem:s18+$0x1EB90] =	vst v5  }
0xe0: {  	s6 =	sshll.u32 s6, $0xB;
	s14 =	sadd.s32 $0x9, s17;
	v1 =	vadd.f32 v29, v1;
	[tilespmem:s18+$0x1EBA0] =	vst v3  }
0xe1: {  	s26 =	sshll.u32 s29, $0x11;
	s6 =	sadd.s32 s15, s6;
	s29 =	smulhi.u32 $0x51EB851F, s14;
	[tilespmem:s18+$0x1EBB0] =	vst v2;
	v0 =	vadd.f32 v16, v0  }
0xe2: {  	s6 =	sadd.s32 s26, s6;
	[tilespmem:s18+$0x1EBC0] =	vst v1;
	v15 =	vadd.f32 v31, v15  }
0xe3: {  	s6 =	sshrl.u32 s6, $0x3;
	s26 =	sshrl.u32 s29, $0x3;
	[tilespmem:s18+$0x1EBD0] =	vst v0  }
0xe4: {  	s6 =	sadd.s32 s3, s6;
	[tilespmem:s18+$0x1EBE0] =	vst v15;
	s18 =	smul.u32 $0x7FE7, s26  }
0xe5: {  	[hbm4b:s6+s5] =	stream.linear.scatter [tilespmem:s1], [sflag:$0xA], $0x800, $0x38;
	[tilespmem:$0x1FF70] =	vst v63  }
0xe6: {  	s14 =	sadd.s32 s14, s18;
	s18 =	sshll.u32 s26, $0xB  }
0xe7: {  	s6 =	sshll.u32 s14, $0x11;
	s14 =	sadd.s32 s15, s18  }
0xe8: {  	s6 =	sadd.s32 s6, s14  }
0xe9: {  	s6 =	sshrl.u32 s6, $0x3  }
0xea: {  	s6 =	sadd.s32 s0, s6  }
0xeb: {  	[tilespmem:s20], [sflag:$0x2] =	stream.linear.gather [hbm4b:s6+s5], $0x800, $0x38;
	[tilespmem:$0x1FF70] =	vst v63  }
0xec: {  	_ =	swait.ge [sflag:s21], $0x800  }
0xed: {  	[sflag:s21] =	ssyncset.done $0x0  }
0xee: {  	s6 =	simm.s32 @!p2 $0xB;
	[sflag:s21] =	ssyncadd.s32 $0xFFFFF800  }
0xef: {  	_ =	swait.ge @!p2 [sflag:s6], $0x800  }
0xf0: {  	[sflag:s6] =	ssyncset.done @!p2 $0x0  }
0xf1: {  	s18 =	simm.s32 $0x0;
	[sflag:s6] =	ssyncadd.s32 @!p2 $0xFFFFF800  }
0xf2: {  	v16 =	vld [tilespmem:s18+$0x1AF70]  }
0xf3: {  	s14 =	sor.u32 $0x2, s17;
	v17 =	vld [tilespmem:s18+$0x1AF80]  }
0xf4: {  	s26 =	smulhi.u32 $0x51EB851F, s14;
	v18 =	vld [tilespmem:s18+$0x1AF90]  }
0xf5: {  	v19 =	vld [tilespmem:s18+$0x1AFA0]  }
0xf6: {  	s6 =	sshrl.u32 s26, $0x3;
	v20 =	vld [tilespmem:s18+$0x1AFB0]  }
0xf7: {  	s26 =	smul.u32 $0xFFFFFFE7, s6;
	v22 =	vld [tilespmem:s18+$0x1AFC0]  }
0xf8: {  	v25 =	vld [tilespmem:s18+$0x1AFD0]  }
0xf9: {  	v21 =	vld [tilespmem:s18+$0x1AFE0];
	s29 =	sadd.s32 s14, s26  }
0xfa: {  	v23 =	vld [tilespmem:s18+$0x1B370];
	p1 =	seq.s32 s29, $0x0  }
0xfb: {  	v24 =	vld [tilespmem:s18+$0x1B380];
	v13 =	vpsel p1, $0x0, v13  }
0xfc: {  	v26 =	vld [tilespmem:s18+$0x1B390];
	v14 =	vpsel p1, $0x0, v14;
	v12 =	vpsel p1, $0x0, v12;
	v10 =	vpsel p1, $0x0, v10  }
0xfd: {  	v27 =	vld [tilespmem:s18+$0x1B3A0];
	v11 =	vpsel p1, $0x0, v11;
	v9 =	vpsel p1, $0x0, v9;
	v7 =	vpsel p1, $0x0, v7  }
0xfe: {  	v28 =	vld [tilespmem:s18+$0x1B3B0];
	v8 =	vpsel p1, $0x0, v8;
	v6 =	vpsel p1, $0x0, v6;
	v4 =	vpsel p1, $0x0, v4  }
0xff: {  	v29 =	vld [tilespmem:s18+$0x1B3C0];
	v5 =	vpsel p1, $0x0, v5;
	v3 =	vpsel p1, $0x0, v3;
	v2 =	vpsel p1, $0x0, v2  }
0x100: {  	v30 =	vld [tilespmem:s18+$0x1B3D0];
	s14 =	simm.s32 $0x200;
	v1 =	vpsel p1, $0x0, v1;
	v0 =	vpsel p1, $0x0, v0;
	v15 =	vpsel p1, $0x0, v15  }
.LBB2_7:
0x101: {  	p1 =	sne.s32 s14, $0xE00;
	v31 =	vld [tilespmem:s18+$0x1B3E0]  }
0x102: {  	v16 =	vld.idx.msk [tilespmem:v16+s28+$0x0], $0xffff  }
0x103: {  	v17 =	vld.idx.msk [tilespmem:v17+s28+$0x0], $0xffff  }
0x104: {  	v18 =	vld.idx.msk [tilespmem:v18+s28+$0x0], $0xffff  }
0x105: {  	v19 =	vld.idx.msk [tilespmem:v19+s28+$0x0], $0xffff  }
0x106: {  	v20 =	vld.idx.msk [tilespmem:v20+s28+$0x0], $0xffff  }
0x107: {  	v22 =	vld.idx.msk [tilespmem:v22+s28+$0x0], $0xffff  }
0x108: {  	v13 =	vadd.f32 v16, v13;
	v25 =	vld.idx.msk [tilespmem:v25+s28+$0x0], $0xffff  }
0x109: {  	v14 =	vadd.f32 v17, v14;
	v16 =	vld.idx.msk [tilespmem:v31+s28+$0x0], $0xffff  }
0x10a: {  	v12 =	vadd.f32 v18, v12;
	v17 =	vld.idx.msk [tilespmem:v21+s28+$0x0], $0xffff  }
0x10b: {  	v10 =	vadd.f32 v19, v10;
	v18 =	vld.idx.msk [tilespmem:v23+s28+$0x0], $0xffff  }
0x10c: {  	v11 =	vadd.f32 v20, v11;
	v19 =	vld.idx.msk [tilespmem:v24+s28+$0x0], $0xffff  }
0x10d: {  	v9 =	vadd.f32 v22, v9;
	v20 =	vld.idx.msk [tilespmem:v26+s28+$0x0], $0xffff  }
0x10e: {  	v7 =	vadd.f32 v25, v7;
	v21 =	vld.idx.msk [tilespmem:v27+s28+$0x0], $0xffff  }
0x10f: {  	v15 =	vadd.f32 v16, v15;
	v22 =	vld.idx.msk [tilespmem:v28+s28+$0x0], $0xffff  }
0x110: {  	v8 =	vadd.f32 v17, v8;
	v23 =	vld.idx.msk [tilespmem:v29+s28+$0x0], $0xffff  }
0x111: {  	s26 =	sshra.s32 s14, $0x2;
	v6 =	vadd.f32 v18, v6;
	v24 =	vld.idx.msk [tilespmem:v30+s28+$0x0], $0xffff;
	[tilespmem:s18+$0x1F3E0] =	vst v15  }
0x112: {  	v4 =	vadd.f32 v19, v4;
	v16 =	vld [tilespmem:s26+$0x1AF70];
	[tilespmem:s18+$0x1EF70] =	vst v13  }
0x113: {  	v5 =	vadd.f32 v20, v5;
	v17 =	vld [tilespmem:s26+$0x1AF80];
	[tilespmem:s18+$0x1EF80] =	vst v14  }
0x114: {  	v3 =	vadd.f32 v21, v3;
	v18 =	vld [tilespmem:s26+$0x1AF90];
	[tilespmem:s18+$0x1EF90] =	vst v12  }
0x115: {  	v2 =	vadd.f32 v22, v2;
	v19 =	vld [tilespmem:s26+$0x1AFA0];
	[tilespmem:s18+$0x1EFA0] =	vst v10  }
0x116: {  	v1 =	vadd.f32 v23, v1;
	v20 =	vld [tilespmem:s26+$0x1AFB0];
	[tilespmem:s18+$0x1EFB0] =	vst v11  }
0x117: {  	v0 =	vadd.f32 v24, v0;
	v22 =	vld [tilespmem:s26+$0x1AFC0];
	[tilespmem:s18+$0x1EFC0] =	vst v9  }
0x118: {  	v25 =	vld [tilespmem:s26+$0x1AFD0];
	[tilespmem:s18+$0x1EFD0] =	vst v7  }
0x119: {  	v21 =	vld [tilespmem:s26+$0x1AFE0];
	[tilespmem:s18+$0x1EFE0] =	vst v8  }
0x11a: {  	v23 =	vld [tilespmem:s26+$0x1B370];
	[tilespmem:s18+$0x1F370] =	vst v6  }
0x11b: {  	v24 =	vld [tilespmem:s26+$0x1B380];
	[tilespmem:s18+$0x1F380] =	vst v4  }
.Ltmp2:
0x11c: {  	v26 =	vld [tilespmem:s26+$0x1B390];
	[tilespmem:s18+$0x1F390] =	vst v5;
	(pc) =	sbr.rel @p1 .LBB2_7-.Ltmp2, $4  }
0x11d: {  	v27 =	vld [tilespmem:s26+$0x1B3A0];
	[tilespmem:s18+$0x1F3A0] =	vst v3  }
0x11e: {  	v28 =	vld [tilespmem:s26+$0x1B3B0];
	[tilespmem:s18+$0x1F3B0] =	vst v2  }
0x11f: {  	v29 =	vld [tilespmem:s26+$0x1B3C0];
	[tilespmem:s18+$0x1F3C0] =	vst v1  }
0x120: {  	s14 =	sadd.s32 $0x200, s14;
	v30 =	vld [tilespmem:s26+$0x1B3D0];
	[tilespmem:s18+$0x1F3D0] =	vst v0;
	s18 =	smov.u32 s26  }
0x121: {  	_ =	sdelay $0x2  }
0x122: {  	v31 =	vld [tilespmem:s18+$0x1B3E0]  }
0x123: {  	v16 =	vld.idx.msk [tilespmem:v16+s28+$0x0], $0xffff  }
0x124: {  	v17 =	vld.idx.msk [tilespmem:v17+s28+$0x0], $0xffff  }
0x125: {  	v18 =	vld.idx.msk [tilespmem:v18+s28+$0x0], $0xffff  }
0x126: {  	v19 =	vld.idx.msk [tilespmem:v19+s28+$0x0], $0xffff  }
0x127: {  	v20 =	vld.idx.msk [tilespmem:v20+s28+$0x0], $0xffff  }
0x128: {  	v22 =	vld.idx.msk [tilespmem:v22+s28+$0x0], $0xffff  }
0x129: {  	v25 =	vld.idx.msk [tilespmem:v25+s28+$0x0], $0xffff  }
0x12a: {  	v21 =	vld.idx.msk [tilespmem:v21+s28+$0x0], $0xffff  }
0x12b: {  	v23 =	vld.idx.msk [tilespmem:v23+s28+$0x0], $0xffff  }
0x12c: {  	v24 =	vld.idx.msk [tilespmem:v24+s28+$0x0], $0xffff  }
0x12d: {  	v26 =	vld.idx.msk [tilespmem:v26+s28+$0x0], $0xffff  }
0x12e: {  	v27 =	vld.idx.msk [tilespmem:v27+s28+$0x0], $0xffff  }
0x12f: {  	v28 =	vld.idx.msk [tilespmem:v28+s28+$0x0], $0xffff  }
0x130: {  	v29 =	vld.idx.msk [tilespmem:v29+s28+$0x0], $0xffff;
	v13 =	vadd.f32 v16, v13  }
0x131: {  	v16 =	vld.idx.msk [tilespmem:v30+s28+$0x0], $0xffff;
	v14 =	vadd.f32 v17, v14  }
0x132: {  	v12 =	vadd.f32 v18, v12;
	v31 =	vld.idx.msk [tilespmem:v31+s28+$0x0], $0xffff;
	[tilespmem:s18+$0x1EF70] =	vst v13  }
0x133: {  	v10 =	vadd.f32 v19, v10;
	[tilespmem:s18+$0x1EF80] =	vst v14  }
0x134: {  	v11 =	vadd.f32 v20, v11;
	[tilespmem:s18+$0x1EF90] =	vst v12  }
0x135: {  	v9 =	vadd.f32 v22, v9;
	[tilespmem:s18+$0x1EFA0] =	vst v10  }
0x136: {  	v7 =	vadd.f32 v25, v7;
	[tilespmem:s18+$0x1EFB0] =	vst v11  }
0x137: {  	v8 =	vadd.f32 v21, v8;
	[tilespmem:s18+$0x1EFC0] =	vst v9  }
0x138: {  	v6 =	vadd.f32 v23, v6;
	[tilespmem:s18+$0x1EFD0] =	vst v7  }
0x139: {  	v4 =	vadd.f32 v24, v4;
	[tilespmem:s18+$0x1EFE0] =	vst v8  }
0x13a: {  	v5 =	vadd.f32 v26, v5;
	[tilespmem:s18+$0x1F370] =	vst v6  }
0x13b: {  	v3 =	vadd.f32 v27, v3;
	[tilespmem:s18+$0x1F380] =	vst v4  }
0x13c: {  	p1 =	seq.s32 s16, $0x5;
	v2 =	vadd.f32 v28, v2;
	[tilespmem:s18+$0x1F390] =	vst v5  }
0x13d: {  	s6 =	sshll.u32 s6, $0xB;
	s14 =	sadd.s32 @!p1 $0xA, s17;
	v1 =	vadd.f32 v29, v1;
	[tilespmem:s18+$0x1F3A0] =	vst v3  }
0x13e: {  	s26 =	sshll.u32 s29, $0x11;
	s6 =	sadd.s32 s15, s6;
	s29 =	smulhi.u32 @!p1 $0x51EB851F, s14;
	[tilespmem:s18+$0x1F3B0] =	vst v2;
	v0 =	vadd.f32 v16, v0  }
0x13f: {  	s6 =	sadd.s32 s26, s6;
	[tilespmem:s18+$0x1F3C0] =	vst v1;
	v15 =	vadd.f32 v31, v15  }
0x140: {  	s6 =	sshrl.u32 s6, $0x3;
	s26 =	sshrl.u32 @!p1 s29, $0x3;
	[tilespmem:s18+$0x1F3D0] =	vst v0  }
0x141: {  	s6 =	sadd.s32 s3, s6;
	[tilespmem:s18+$0x1F3E0] =	vst v15;
	s18 =	smul.u32 @!p1 $0x7FE7, s26  }
0x142: {  	[hbm4b:s6+s5] =	stream.linear.scatter [tilespmem:s22], [sflag:$0xB], $0x800, $0x38;
	[tilespmem:$0x1FF70] =	vst v63  }
0x143: {  	s6 =	sadd.s32 @!p1 s14, s18;
	s14 =	sshll.u32 @!p1 s26, $0xB  }
0x144: {  	s6 =	sshll.u32 @!p1 s6, $0x11;
	s14 =	sadd.s32 @!p1 s15, s14  }
0x145: {  	s6 =	sadd.s32 @!p1 s6, s14  }
0x146: {  	s6 =	sshrl.u32 @!p1 s6, $0x3  }
0x147: {  	s18 =	simm.s32 @!p1 $0x1AF70;
	s14 =	simm.s32 @!p1 $0x0;
	s6 =	sadd.s32 @!p1 s0, s6  }
0x148: {  	[tilespmem:s18], [sflag:$0x3] =	stream.linear.gather @!p1 [hbm4b:s6+s14], $0x800, $0x38;
	[tilespmem:$0x1FF70] =	vst v63  }
0x149: {  	_ =	swait.ge [sflag:s23], $0x800  }
0x14a: {  	[sflag:s23] =	ssyncset.done $0x0  }
0x14b: {  	s6 =	simm.s32 @!p2 $0xC;
	[sflag:s23] =	ssyncadd.s32 $0xFFFFF800  }
0x14c: {  	_ =	swait.ge @!p2 [sflag:s6], $0x800  }
0x14d: {  	[sflag:s6] =	ssyncset.done @!p2 $0x0  }
0x14e: {  	s18 =	simm.s32 $0x0;
	[sflag:s6] =	ssyncadd.s32 @!p2 $0xFFFFF800  }
0x14f: {  	v16 =	vld [tilespmem:s18+$0x1B770]  }
0x150: {  	s14 =	sor.u32 $0x3, s17;
	v17 =	vld [tilespmem:s18+$0x1B780]  }
0x151: {  	s26 =	smulhi.u32 $0x51EB851F, s14;
	v18 =	vld [tilespmem:s18+$0x1B790]  }
0x152: {  	v19 =	vld [tilespmem:s18+$0x1B7A0]  }
0x153: {  	s6 =	sshrl.u32 s26, $0x3;
	v20 =	vld [tilespmem:s18+$0x1B7B0]  }
0x154: {  	s26 =	smul.u32 $0xFFFFFFE7, s6;
	v22 =	vld [tilespmem:s18+$0x1B7C0]  }
0x155: {  	v25 =	vld [tilespmem:s18+$0x1B7D0]  }
0x156: {  	v21 =	vld [tilespmem:s18+$0x1B7E0];
	s29 =	sadd.s32 s14, s26  }
0x157: {  	v23 =	vld [tilespmem:s18+$0x1BB70];
	p6 =	seq.s32 s29, $0x0  }
0x158: {  	v24 =	vld [tilespmem:s18+$0x1BB80];
	v13 =	vpsel p6, $0x0, v13  }
0x159: {  	v26 =	vld [tilespmem:s18+$0x1BB90];
	v14 =	vpsel p6, $0x0, v14;
	v12 =	vpsel p6, $0x0, v12;
	v10 =	vpsel p6, $0x0, v10  }
0x15a: {  	v27 =	vld [tilespmem:s18+$0x1BBA0];
	v11 =	vpsel p6, $0x0, v11;
	v9 =	vpsel p6, $0x0, v9;
	v7 =	vpsel p6, $0x0, v7  }
0x15b: {  	v28 =	vld [tilespmem:s18+$0x1BBB0];
	v8 =	vpsel p6, $0x0, v8;
	v6 =	vpsel p6, $0x0, v6;
	v4 =	vpsel p6, $0x0, v4  }
0x15c: {  	v29 =	vld [tilespmem:s18+$0x1BBC0];
	v5 =	vpsel p6, $0x0, v5;
	v3 =	vpsel p6, $0x0, v3;
	v2 =	vpsel p6, $0x0, v2  }
0x15d: {  	v30 =	vld [tilespmem:s18+$0x1BBD0];
	s14 =	simm.s32 $0x200;
	v1 =	vpsel p6, $0x0, v1;
	v0 =	vpsel p6, $0x0, v0;
	v15 =	vpsel p6, $0x0, v15  }
.LBB2_9:
0x15e: {  	p2 =	sne.s32 s14, $0xE00;
	v31 =	vld [tilespmem:s18+$0x1BBE0]  }
0x15f: {  	v16 =	vld.idx.msk [tilespmem:v16+s28+$0x0], $0xffff  }
0x160: {  	v17 =	vld.idx.msk [tilespmem:v17+s28+$0x0], $0xffff  }
0x161: {  	v18 =	vld.idx.msk [tilespmem:v18+s28+$0x0], $0xffff  }
0x162: {  	v19 =	vld.idx.msk [tilespmem:v19+s28+$0x0], $0xffff  }
0x163: {  	v20 =	vld.idx.msk [tilespmem:v20+s28+$0x0], $0xffff  }
0x164: {  	v22 =	vld.idx.msk [tilespmem:v22+s28+$0x0], $0xffff  }
0x165: {  	v13 =	vadd.f32 v16, v13;
	v25 =	vld.idx.msk [tilespmem:v25+s28+$0x0], $0xffff  }
0x166: {  	v14 =	vadd.f32 v17, v14;
	v16 =	vld.idx.msk [tilespmem:v31+s28+$0x0], $0xffff  }
0x167: {  	v12 =	vadd.f32 v18, v12;
	v17 =	vld.idx.msk [tilespmem:v21+s28+$0x0], $0xffff  }
0x168: {  	v10 =	vadd.f32 v19, v10;
	v18 =	vld.idx.msk [tilespmem:v23+s28+$0x0], $0xffff  }
0x169: {  	v11 =	vadd.f32 v20, v11;
	v19 =	vld.idx.msk [tilespmem:v24+s28+$0x0], $0xffff  }
0x16a: {  	v9 =	vadd.f32 v22, v9;
	v20 =	vld.idx.msk [tilespmem:v26+s28+$0x0], $0xffff  }
0x16b: {  	v7 =	vadd.f32 v25, v7;
	v21 =	vld.idx.msk [tilespmem:v27+s28+$0x0], $0xffff  }
0x16c: {  	v15 =	vadd.f32 v16, v15;
	v22 =	vld.idx.msk [tilespmem:v28+s28+$0x0], $0xffff  }
0x16d: {  	v8 =	vadd.f32 v17, v8;
	v23 =	vld.idx.msk [tilespmem:v29+s28+$0x0], $0xffff  }
0x16e: {  	s26 =	sshra.s32 s14, $0x2;
	v6 =	vadd.f32 v18, v6;
	v24 =	vld.idx.msk [tilespmem:v30+s28+$0x0], $0xffff;
	[tilespmem:s18+$0x1FBE0] =	vst v15  }
0x16f: {  	v4 =	vadd.f32 v19, v4;
	v16 =	vld [tilespmem:s26+$0x1B770];
	[tilespmem:s18+$0x1F770] =	vst v13  }
0x170: {  	v5 =	vadd.f32 v20, v5;
	v17 =	vld [tilespmem:s26+$0x1B780];
	[tilespmem:s18+$0x1F780] =	vst v14  }
0x171: {  	v3 =	vadd.f32 v21, v3;
	v18 =	vld [tilespmem:s26+$0x1B790];
	[tilespmem:s18+$0x1F790] =	vst v12  }
0x172: {  	v2 =	vadd.f32 v22, v2;
	v19 =	vld [tilespmem:s26+$0x1B7A0];
	[tilespmem:s18+$0x1F7A0] =	vst v10  }
0x173: {  	v1 =	vadd.f32 v23, v1;
	v20 =	vld [tilespmem:s26+$0x1B7B0];
	[tilespmem:s18+$0x1F7B0] =	vst v11  }
0x174: {  	v0 =	vadd.f32 v24, v0;
	v22 =	vld [tilespmem:s26+$0x1B7C0];
	[tilespmem:s18+$0x1F7C0] =	vst v9  }
0x175: {  	v25 =	vld [tilespmem:s26+$0x1B7D0];
	[tilespmem:s18+$0x1F7D0] =	vst v7  }
0x176: {  	v21 =	vld [tilespmem:s26+$0x1B7E0];
	[tilespmem:s18+$0x1F7E0] =	vst v8  }
0x177: {  	v23 =	vld [tilespmem:s26+$0x1BB70];
	[tilespmem:s18+$0x1FB70] =	vst v6  }
0x178: {  	v24 =	vld [tilespmem:s26+$0x1BB80];
	[tilespmem:s18+$0x1FB80] =	vst v4  }
.Ltmp3:
0x179: {  	v26 =	vld [tilespmem:s26+$0x1BB90];
	[tilespmem:s18+$0x1FB90] =	vst v5;
	(pc) =	sbr.rel @p2 .LBB2_9-.Ltmp3, $4  }
0x17a: {  	v27 =	vld [tilespmem:s26+$0x1BBA0];
	[tilespmem:s18+$0x1FBA0] =	vst v3  }
0x17b: {  	v28 =	vld [tilespmem:s26+$0x1BBB0];
	[tilespmem:s18+$0x1FBB0] =	vst v2  }
0x17c: {  	v29 =	vld [tilespmem:s26+$0x1BBC0];
	[tilespmem:s18+$0x1FBC0] =	vst v1  }
0x17d: {  	s14 =	sadd.s32 $0x200, s14;
	v30 =	vld [tilespmem:s26+$0x1BBD0];
	[tilespmem:s18+$0x1FBD0] =	vst v0;
	s18 =	smov.u32 s26  }
0x17e: {  	_ =	sdelay $0x2  }
0x17f: {  	v31 =	vld [tilespmem:s18+$0x1BBE0]  }
0x180: {  	v16 =	vld.idx.msk [tilespmem:v16+s28+$0x0], $0xffff  }
0x181: {  	v17 =	vld.idx.msk [tilespmem:v17+s28+$0x0], $0xffff  }
0x182: {  	v18 =	vld.idx.msk [tilespmem:v18+s28+$0x0], $0xffff  }
0x183: {  	v19 =	vld.idx.msk [tilespmem:v19+s28+$0x0], $0xffff  }
0x184: {  	v20 =	vld.idx.msk [tilespmem:v20+s28+$0x0], $0xffff  }
0x185: {  	v22 =	vld.idx.msk [tilespmem:v22+s28+$0x0], $0xffff  }
0x186: {  	v25 =	vld.idx.msk [tilespmem:v25+s28+$0x0], $0xffff  }
0x187: {  	v21 =	vld.idx.msk [tilespmem:v21+s28+$0x0], $0xffff  }
0x188: {  	v23 =	vld.idx.msk [tilespmem:v23+s28+$0x0], $0xffff  }
0x189: {  	v24 =	vld.idx.msk [tilespmem:v24+s28+$0x0], $0xffff  }
0x18a: {  	v26 =	vld.idx.msk [tilespmem:v26+s28+$0x0], $0xffff  }
0x18b: {  	v27 =	vld.idx.msk [tilespmem:v27+s28+$0x0], $0xffff  }
0x18c: {  	v28 =	vld.idx.msk [tilespmem:v28+s28+$0x0], $0xffff  }
0x18d: {  	v29 =	vld.idx.msk [tilespmem:v29+s28+$0x0], $0xffff;
	v13 =	vadd.f32 v16, v13  }
0x18e: {  	v16 =	vld.idx.msk [tilespmem:v30+s28+$0x0], $0xffff;
	v14 =	vadd.f32 v17, v14  }
0x18f: {  	v12 =	vadd.f32 v18, v12;
	v31 =	vld.idx.msk [tilespmem:v31+s28+$0x0], $0xffff;
	[tilespmem:s18+$0x1F770] =	vst v13  }
0x190: {  	v10 =	vadd.f32 v19, v10;
	[tilespmem:s18+$0x1F780] =	vst v14  }
0x191: {  	v11 =	vadd.f32 v20, v11;
	[tilespmem:s18+$0x1F790] =	vst v12  }
0x192: {  	v9 =	vadd.f32 v22, v9;
	[tilespmem:s18+$0x1F7A0] =	vst v10  }
0x193: {  	v7 =	vadd.f32 v25, v7;
	[tilespmem:s18+$0x1F7B0] =	vst v11  }
0x194: {  	v8 =	vadd.f32 v21, v8;
	[tilespmem:s18+$0x1F7C0] =	vst v9  }
0x195: {  	v6 =	vadd.f32 v23, v6;
	[tilespmem:s18+$0x1F7D0] =	vst v7  }
0x196: {  	v4 =	vadd.f32 v24, v4;
	[tilespmem:s18+$0x1F7E0] =	vst v8  }
0x197: {  	v5 =	vadd.f32 v26, v5;
	[tilespmem:s18+$0x1FB70] =	vst v6  }
0x198: {  	v3 =	vadd.f32 v27, v3;
	[tilespmem:s18+$0x1FB80] =	vst v4  }
0x199: {  	v2 =	vadd.f32 v28, v2;
	[tilespmem:s18+$0x1FB90] =	vst v5  }
0x19a: {  	s6 =	sshll.u32 s6, $0xB;
	s14 =	sadd.s32 @!p1 $0xB, s17;
	v1 =	vadd.f32 v29, v1;
	[tilespmem:s18+$0x1FBA0] =	vst v3  }
0x19b: {  	s26 =	sshll.u32 s29, $0x11;
	s6 =	sadd.s32 s15, s6;
	s29 =	smulhi.u32 @!p1 $0x51EB851F, s14;
	[tilespmem:s18+$0x1FBB0] =	vst v2;
	v0 =	vadd.f32 v16, v0  }
0x19c: {  	s6 =	sadd.s32 s26, s6;
	[tilespmem:s18+$0x1FBC0] =	vst v1;
	v15 =	vadd.f32 v31, v15  }
0x19d: {  	s6 =	sshrl.u32 s6, $0x3;
	s26 =	sshrl.u32 @!p1 s29, $0x3;
	[tilespmem:s18+$0x1FBD0] =	vst v0  }
0x19e: {  	s6 =	sadd.s32 s3, s6;
	[tilespmem:s18+$0x1FBE0] =	vst v15;
	s18 =	smul.u32 @!p1 $0x7FE7, s26  }
0x19f: {  	[hbm4b:s6+s5] =	stream.linear.scatter [tilespmem:s24], [sflag:$0xC], $0x800, $0x38;
	[tilespmem:$0x1FF70] =	vst v63  }
0x1a0: {  	s6 =	sadd.s32 @!p1 s14, s18;
	s14 =	sshll.u32 @!p1 s26, $0xB  }
0x1a1: {  	s6 =	sshll.u32 @!p1 s6, $0x11;
	s14 =	sadd.s32 @!p1 s15, s14  }
0x1a2: {  	s6 =	sadd.s32 @!p1 s6, s14  }
0x1a3: {  	s6 =	sshrl.u32 @!p1 s6, $0x3  }
0x1a4: {  	s18 =	simm.s32 @!p1 $0x1B770;
	s14 =	simm.s32 @!p1 $0x0;
	s6 =	sadd.s32 @!p1 s0, s6  }
0x1a5: {  	[tilespmem:s18], [sflag:$0x4] =	stream.linear.gather @!p1 [hbm4b:s6+s14], $0x800, $0x38;
	[tilespmem:$0x1FF70] =	vst v63  }
0x1a6: {  	_ =	swait.ge [sflag:s25], $0x800  }
0x1a7: {  	[sflag:s25] =	ssyncset.done $0x0  }
0x1a8: {  	[sflag:s25] =	ssyncadd.s32 $0xFFFFF800  }
0x1a9: {  	_ =	swait.ge [sflag:s4], $0x800  }
0x1aa: {  	[sflag:s4] =	ssyncset.done $0x0  }
0x1ab: {  	s18 =	simm.s32 $0x0;
	[sflag:s4] =	ssyncadd.s32 $0xFFFFF800  }
0x1ac: {  	v16 =	vld [tilespmem:s18+$0x1BF70]  }
0x1ad: {  	s14 =	sor.u32 $0x4, s17;
	v17 =	vld [tilespmem:s18+$0x1BF80]  }
0x1ae: {  	s26 =	smulhi.u32 $0x51EB851F, s14;
	v18 =	vld [tilespmem:s18+$0x1BF90]  }
0x1af: {  	v19 =	vld [tilespmem:s18+$0x1BFA0]  }
0x1b0: {  	s6 =	sshrl.u32 s26, $0x3;
	v20 =	vld [tilespmem:s18+$0x1BFB0]  }
0x1b1: {  	s26 =	smul.u32 $0xFFFFFFE7, s6;
	v22 =	vld [tilespmem:s18+$0x1BFC0]  }
0x1b2: {  	v25 =	vld [tilespmem:s18+$0x1BFD0]  }
0x1b3: {  	s29 =	sadd.s32 s14, s26;
	v21 =	vld [tilespmem:s18+$0x1BFE0]  }
0x1b4: {  	p2 =	seq.s32 s29, $0x0;
	v23 =	vld [tilespmem:s18+$0x1C370]  }
0x1b5: {  	v24 =	vld [tilespmem:s18+$0x1C380];
	v13 =	vpsel p2, $0x0, v13  }
0x1b6: {  	v26 =	vld [tilespmem:s18+$0x1C390];
	v14 =	vpsel p2, $0x0, v14;
	v12 =	vpsel p2, $0x0, v12;
	v10 =	vpsel p2, $0x0, v10  }
0x1b7: {  	v27 =	vld [tilespmem:s18+$0x1C3A0];
	v11 =	vpsel p2, $0x0, v11;
	v9 =	vpsel p2, $0x0, v9;
	v7 =	vpsel p2, $0x0, v7  }
0x1b8: {  	v28 =	vld [tilespmem:s18+$0x1C3B0];
	v8 =	vpsel p2, $0x0, v8;
	v6 =	vpsel p2, $0x0, v6;
	v4 =	vpsel p2, $0x0, v4  }
0x1b9: {  	v29 =	vld [tilespmem:s18+$0x1C3C0];
	v5 =	vpsel p2, $0x0, v5;
	v3 =	vpsel p2, $0x0, v3;
	v2 =	vpsel p2, $0x0, v2  }
0x1ba: {  	s14 =	simm.s32 $0x200;
	v30 =	vld [tilespmem:s18+$0x1C3D0];
	v1 =	vpsel p2, $0x0, v1;
	v0 =	vpsel p2, $0x0, v0;
	v15 =	vpsel p2, $0x0, v15  }
.LBB2_11:
0x1bb: {  	p2 =	sne.s32 s14, $0xE00;
	v31 =	vld [tilespmem:s18+$0x1C3E0]  }
0x1bc: {  	v16 =	vld.idx.msk [tilespmem:v16+s28+$0x0], $0xffff  }
0x1bd: {  	v17 =	vld.idx.msk [tilespmem:v17+s28+$0x0], $0xffff  }
0x1be: {  	v18 =	vld.idx.msk [tilespmem:v18+s28+$0x0], $0xffff  }
0x1bf: {  	v19 =	vld.idx.msk [tilespmem:v19+s28+$0x0], $0xffff  }
0x1c0: {  	v20 =	vld.idx.msk [tilespmem:v20+s28+$0x0], $0xffff  }
0x1c1: {  	v22 =	vld.idx.msk [tilespmem:v22+s28+$0x0], $0xffff  }
0x1c2: {  	v13 =	vadd.f32 v16, v13;
	v25 =	vld.idx.msk [tilespmem:v25+s28+$0x0], $0xffff  }
0x1c3: {  	v14 =	vadd.f32 v17, v14;
	v16 =	vld.idx.msk [tilespmem:v31+s28+$0x0], $0xffff  }
0x1c4: {  	v12 =	vadd.f32 v18, v12;
	v17 =	vld.idx.msk [tilespmem:v21+s28+$0x0], $0xffff  }
0x1c5: {  	v10 =	vadd.f32 v19, v10;
	v18 =	vld.idx.msk [tilespmem:v23+s28+$0x0], $0xffff  }
0x1c6: {  	v11 =	vadd.f32 v20, v11;
	v19 =	vld.idx.msk [tilespmem:v24+s28+$0x0], $0xffff  }
0x1c7: {  	v9 =	vadd.f32 v22, v9;
	v20 =	vld.idx.msk [tilespmem:v26+s28+$0x0], $0xffff  }
0x1c8: {  	v7 =	vadd.f32 v25, v7;
	v21 =	vld.idx.msk [tilespmem:v27+s28+$0x0], $0xffff  }
0x1c9: {  	v15 =	vadd.f32 v16, v15;
	v22 =	vld.idx.msk [tilespmem:v28+s28+$0x0], $0xffff  }
0x1ca: {  	v8 =	vadd.f32 v17, v8;
	v23 =	vld.idx.msk [tilespmem:v29+s28+$0x0], $0xffff  }
0x1cb: {  	s26 =	sshra.s32 s14, $0x2;
	v6 =	vadd.f32 v18, v6;
	v24 =	vld.idx.msk [tilespmem:v30+s28+$0x0], $0xffff;
	[tilespmem:s18+$0x1E3E0] =	vst v15  }
0x1cc: {  	v4 =	vadd.f32 v19, v4;
	v16 =	vld [tilespmem:s26+$0x1BF70];
	[tilespmem:s18+$0x1DF70] =	vst v13  }
0x1cd: {  	v5 =	vadd.f32 v20, v5;
	v17 =	vld [tilespmem:s26+$0x1BF80];
	[tilespmem:s18+$0x1DF80] =	vst v14  }
0x1ce: {  	v3 =	vadd.f32 v21, v3;
	v18 =	vld [tilespmem:s26+$0x1BF90];
	[tilespmem:s18+$0x1DF90] =	vst v12  }
0x1cf: {  	v2 =	vadd.f32 v22, v2;
	v19 =	vld [tilespmem:s26+$0x1BFA0];
	[tilespmem:s18+$0x1DFA0] =	vst v10  }
0x1d0: {  	v1 =	vadd.f32 v23, v1;
	v20 =	vld [tilespmem:s26+$0x1BFB0];
	[tilespmem:s18+$0x1DFB0] =	vst v11  }
0x1d1: {  	v0 =	vadd.f32 v24, v0;
	v22 =	vld [tilespmem:s26+$0x1BFC0];
	[tilespmem:s18+$0x1DFC0] =	vst v9  }
0x1d2: {  	v25 =	vld [tilespmem:s26+$0x1BFD0];
	[tilespmem:s18+$0x1DFD0] =	vst v7  }
0x1d3: {  	v21 =	vld [tilespmem:s26+$0x1BFE0];
	[tilespmem:s18+$0x1DFE0] =	vst v8  }
0x1d4: {  	v23 =	vld [tilespmem:s26+$0x1C370];
	[tilespmem:s18+$0x1E370] =	vst v6  }
0x1d5: {  	v24 =	vld [tilespmem:s26+$0x1C380];
	[tilespmem:s18+$0x1E380] =	vst v4  }
.Ltmp4:
0x1d6: {  	v26 =	vld [tilespmem:s26+$0x1C390];
	[tilespmem:s18+$0x1E390] =	vst v5;
	(pc) =	sbr.rel @p2 .LBB2_11-.Ltmp4, $4  }
0x1d7: {  	v27 =	vld [tilespmem:s26+$0x1C3A0];
	[tilespmem:s18+$0x1E3A0] =	vst v3  }
0x1d8: {  	v28 =	vld [tilespmem:s26+$0x1C3B0];
	[tilespmem:s18+$0x1E3B0] =	vst v2  }
0x1d9: {  	v29 =	vld [tilespmem:s26+$0x1C3C0];
	[tilespmem:s18+$0x1E3C0] =	vst v1  }
0x1da: {  	s14 =	sadd.s32 $0x200, s14;
	v30 =	vld [tilespmem:s26+$0x1C3D0];
	[tilespmem:s18+$0x1E3D0] =	vst v0;
	s18 =	smov.u32 s26  }
0x1db: {  	_ =	sdelay $0x2  }
0x1dc: {  	v31 =	vld [tilespmem:s18+$0x1C3E0]  }
0x1dd: {  	v16 =	vld.idx.msk [tilespmem:v16+s28+$0x0], $0xffff  }
0x1de: {  	v17 =	vld.idx.msk [tilespmem:v17+s28+$0x0], $0xffff  }
0x1df: {  	v18 =	vld.idx.msk [tilespmem:v18+s28+$0x0], $0xffff  }
0x1e0: {  	v19 =	vld.idx.msk [tilespmem:v19+s28+$0x0], $0xffff  }
0x1e1: {  	v20 =	vld.idx.msk [tilespmem:v20+s28+$0x0], $0xffff  }
0x1e2: {  	v22 =	vld.idx.msk [tilespmem:v22+s28+$0x0], $0xffff  }
0x1e3: {  	v25 =	vld.idx.msk [tilespmem:v25+s28+$0x0], $0xffff  }
0x1e4: {  	v21 =	vld.idx.msk [tilespmem:v21+s28+$0x0], $0xffff  }
0x1e5: {  	v23 =	vld.idx.msk [tilespmem:v23+s28+$0x0], $0xffff  }
0x1e6: {  	v24 =	vld.idx.msk [tilespmem:v24+s28+$0x0], $0xffff  }
0x1e7: {  	v26 =	vld.idx.msk [tilespmem:v26+s28+$0x0], $0xffff  }
0x1e8: {  	v27 =	vld.idx.msk [tilespmem:v27+s28+$0x0], $0xffff  }
0x1e9: {  	v28 =	vld.idx.msk [tilespmem:v28+s28+$0x0], $0xffff  }
0x1ea: {  	v29 =	vld.idx.msk [tilespmem:v29+s28+$0x0], $0xffff;
	v13 =	vadd.f32 v16, v13  }
0x1eb: {  	v16 =	vld.idx.msk [tilespmem:v30+s28+$0x0], $0xffff;
	v14 =	vadd.f32 v17, v14  }
0x1ec: {  	v12 =	vadd.f32 v18, v12;
	v31 =	vld.idx.msk [tilespmem:v31+s28+$0x0], $0xffff;
	[tilespmem:s18+$0x1DF70] =	vst v13  }
0x1ed: {  	v10 =	vadd.f32 v19, v10;
	[tilespmem:s18+$0x1DF80] =	vst v14  }
0x1ee: {  	v11 =	vadd.f32 v20, v11;
	[tilespmem:s18+$0x1DF90] =	vst v12  }
0x1ef: {  	v9 =	vadd.f32 v22, v9;
	[tilespmem:s18+$0x1DFA0] =	vst v10  }
0x1f0: {  	v7 =	vadd.f32 v25, v7;
	[tilespmem:s18+$0x1DFB0] =	vst v11  }
0x1f1: {  	v8 =	vadd.f32 v21, v8;
	[tilespmem:s18+$0x1DFC0] =	vst v9  }
0x1f2: {  	v6 =	vadd.f32 v23, v6;
	[tilespmem:s18+$0x1DFD0] =	vst v7  }
0x1f3: {  	v4 =	vadd.f32 v24, v4;
	[tilespmem:s18+$0x1DFE0] =	vst v8  }
0x1f4: {  	v5 =	vadd.f32 v26, v5;
	[tilespmem:s18+$0x1E370] =	vst v6  }
0x1f5: {  	v3 =	vadd.f32 v27, v3;
	[tilespmem:s18+$0x1E380] =	vst v4  }
0x1f6: {  	v2 =	vadd.f32 v28, v2;
	[tilespmem:s18+$0x1E390] =	vst v5  }
0x1f7: {  	s6 =	sshll.u32 s6, $0xB;
	s14 =	sadd.s32 @!p1 $0xC, s17;
	v1 =	vadd.f32 v29, v1;
	[tilespmem:s18+$0x1E3A0] =	vst v3  }
0x1f8: {  	s26 =	sshll.u32 s29, $0x11;
	s6 =	sadd.s32 s15, s6;
	s29 =	smulhi.u32 @!p1 $0x51EB851F, s14;
	[tilespmem:s18+$0x1E3B0] =	vst v2;
	v0 =	vadd.f32 v16, v0  }
0x1f9: {  	s6 =	sadd.s32 s26, s6;
	[tilespmem:s18+$0x1E3C0] =	vst v1;
	v15 =	vadd.f32 v31, v15  }
0x1fa: {  	s6 =	sshrl.u32 s6, $0x3;
	s26 =	sshrl.u32 @!p1 s29, $0x3;
	[tilespmem:s18+$0x1E3D0] =	vst v0  }
0x1fb: {  	s6 =	sadd.s32 s3, s6;
	[tilespmem:s18+$0x1E3E0] =	vst v15;
	s18 =	smul.u32 @!p1 $0x7FE7, s26  }
0x1fc: {  	[hbm4b:s6+s5] =	stream.linear.scatter [tilespmem:s31], [sflag:$0x9], $0x800, $0x38;
	[tilespmem:$0x1FF70] =	vst v63  }
0x1fd: {  	s6 =	sadd.s32 @!p1 s14, s18;
	s14 =	sshll.u32 @!p1 s26, $0xB  }
0x1fe: {  	s6 =	sshll.u32 @!p1 s6, $0x11;
	s14 =	sadd.s32 @!p1 s15, s14  }
0x1ff: {  	s6 =	sadd.s32 @!p1 s6, s14  }
0x200: {  	s6 =	sshrl.u32 @!p1 s6, $0x3  }
0x201: {  	s18 =	simm.s32 @!p1 $0x1BF70;
	s14 =	simm.s32 @!p1 $0x0;
	s6 =	sadd.s32 @!p1 s0, s6  }
0x202: {  	[tilespmem:s18], [sflag:$0x5] =	stream.linear.gather @!p1 [hbm4b:s6+s14], $0x800, $0x38;
	[tilespmem:$0x1FF70] =	vst v63  }
0x203: {  	_ =	swait.ge [sflag:s7], $0x800  }
0x204: {  	[sflag:s7] =	ssyncset.done $0x0  }
0x205: {  	[sflag:s7] =	ssyncadd.s32 $0xFFFFF800  }
0x206: {  	_ =	swait.ge [sflag:s8], $0x800  }
0x207: {  	[sflag:s8] =	ssyncset.done $0x0  }
0x208: {  	s18 =	simm.s32 $0x0;
	[sflag:s8] =	ssyncadd.s32 $0xFFFFF800  }
0x209: {  	v16 =	vld [tilespmem:s18+$0x1C770]  }
0x20a: {  	s14 =	sor.u32 $0x5, s17;
	v17 =	vld [tilespmem:s18+$0x1C780]  }
0x20b: {  	s26 =	smulhi.u32 $0x51EB851F, s14;
	v18 =	vld [tilespmem:s18+$0x1C790]  }
0x20c: {  	v19 =	vld [tilespmem:s18+$0x1C7A0]  }
0x20d: {  	s6 =	sshrl.u32 s26, $0x3;
	v20 =	vld [tilespmem:s18+$0x1C7B0]  }
0x20e: {  	s26 =	smul.u32 $0xFFFFFFE7, s6;
	v22 =	vld [tilespmem:s18+$0x1C7C0]  }
0x20f: {  	v25 =	vld [tilespmem:s18+$0x1C7D0]  }
0x210: {  	s29 =	sadd.s32 s14, s26;
	v21 =	vld [tilespmem:s18+$0x1C7E0]  }
0x211: {  	p2 =	seq.s32 s29, $0x0;
	v23 =	vld [tilespmem:s18+$0x1CB70]  }
0x212: {  	v24 =	vld [tilespmem:s18+$0x1CB80];
	v13 =	vpsel p2, $0x0, v13  }
0x213: {  	v26 =	vld [tilespmem:s18+$0x1CB90];
	v14 =	vpsel p2, $0x0, v14;
	v12 =	vpsel p2, $0x0, v12;
	v10 =	vpsel p2, $0x0, v10  }
0x214: {  	v27 =	vld [tilespmem:s18+$0x1CBA0];
	v11 =	vpsel p2, $0x0, v11;
	v9 =	vpsel p2, $0x0, v9;
	v7 =	vpsel p2, $0x0, v7  }
0x215: {  	v28 =	vld [tilespmem:s18+$0x1CBB0];
	v8 =	vpsel p2, $0x0, v8;
	v6 =	vpsel p2, $0x0, v6;
	v4 =	vpsel p2, $0x0, v4  }
0x216: {  	v29 =	vld [tilespmem:s18+$0x1CBC0];
	v5 =	vpsel p2, $0x0, v5;
	v3 =	vpsel p2, $0x0, v3;
	v2 =	vpsel p2, $0x0, v2  }
0x217: {  	s14 =	simm.s32 $0x200;
	v30 =	vld [tilespmem:s18+$0x1CBD0];
	v1 =	vpsel p2, $0x0, v1;
	v0 =	vpsel p2, $0x0, v0;
	v15 =	vpsel p2, $0x0, v15  }
.LBB2_13:
0x218: {  	p2 =	sne.s32 s14, $0xE00;
	v31 =	vld [tilespmem:s18+$0x1CBE0]  }
0x219: {  	v16 =	vld.idx.msk [tilespmem:v16+s28+$0x0], $0xffff  }
0x21a: {  	v17 =	vld.idx.msk [tilespmem:v17+s28+$0x0], $0xffff  }
0x21b: {  	v18 =	vld.idx.msk [tilespmem:v18+s28+$0x0], $0xffff  }
0x21c: {  	v19 =	vld.idx.msk [tilespmem:v19+s28+$0x0], $0xffff  }
0x21d: {  	v20 =	vld.idx.msk [tilespmem:v20+s28+$0x0], $0xffff  }
0x21e: {  	v22 =	vld.idx.msk [tilespmem:v22+s28+$0x0], $0xffff  }
0x21f: {  	v13 =	vadd.f32 v16, v13;
	v25 =	vld.idx.msk [tilespmem:v25+s28+$0x0], $0xffff  }
0x220: {  	v14 =	vadd.f32 v17, v14;
	v16 =	vld.idx.msk [tilespmem:v31+s28+$0x0], $0xffff  }
0x221: {  	v12 =	vadd.f32 v18, v12;
	v17 =	vld.idx.msk [tilespmem:v21+s28+$0x0], $0xffff  }
0x222: {  	v10 =	vadd.f32 v19, v10;
	v18 =	vld.idx.msk [tilespmem:v23+s28+$0x0], $0xffff  }
0x223: {  	v11 =	vadd.f32 v20, v11;
	v19 =	vld.idx.msk [tilespmem:v24+s28+$0x0], $0xffff  }
0x224: {  	v9 =	vadd.f32 v22, v9;
	v20 =	vld.idx.msk [tilespmem:v26+s28+$0x0], $0xffff  }
0x225: {  	v7 =	vadd.f32 v25, v7;
	v21 =	vld.idx.msk [tilespmem:v27+s28+$0x0], $0xffff  }
0x226: {  	v15 =	vadd.f32 v16, v15;
	v22 =	vld.idx.msk [tilespmem:v28+s28+$0x0], $0xffff  }
0x227: {  	v8 =	vadd.f32 v17, v8;
	v23 =	vld.idx.msk [tilespmem:v29+s28+$0x0], $0xffff  }
0x228: {  	s26 =	sshra.s32 s14, $0x2;
	v6 =	vadd.f32 v18, v6;
	v24 =	vld.idx.msk [tilespmem:v30+s28+$0x0], $0xffff;
	[tilespmem:s18+$0x1EBE0] =	vst v15  }
0x229: {  	v4 =	vadd.f32 v19, v4;
	v16 =	vld [tilespmem:s26+$0x1C770];
	[tilespmem:s18+$0x1E770] =	vst v13  }
0x22a: {  	v5 =	vadd.f32 v20, v5;
	v17 =	vld [tilespmem:s26+$0x1C780];
	[tilespmem:s18+$0x1E780] =	vst v14  }
0x22b: {  	v3 =	vadd.f32 v21, v3;
	v18 =	vld [tilespmem:s26+$0x1C790];
	[tilespmem:s18+$0x1E790] =	vst v12  }
0x22c: {  	v2 =	vadd.f32 v22, v2;
	v19 =	vld [tilespmem:s26+$0x1C7A0];
	[tilespmem:s18+$0x1E7A0] =	vst v10  }
0x22d: {  	v1 =	vadd.f32 v23, v1;
	v20 =	vld [tilespmem:s26+$0x1C7B0];
	[tilespmem:s18+$0x1E7B0] =	vst v11  }
0x22e: {  	v0 =	vadd.f32 v24, v0;
	v22 =	vld [tilespmem:s26+$0x1C7C0];
	[tilespmem:s18+$0x1E7C0] =	vst v9  }
0x22f: {  	v25 =	vld [tilespmem:s26+$0x1C7D0];
	[tilespmem:s18+$0x1E7D0] =	vst v7  }
0x230: {  	v21 =	vld [tilespmem:s26+$0x1C7E0];
	[tilespmem:s18+$0x1E7E0] =	vst v8  }
0x231: {  	v23 =	vld [tilespmem:s26+$0x1CB70];
	[tilespmem:s18+$0x1EB70] =	vst v6  }
0x232: {  	v24 =	vld [tilespmem:s26+$0x1CB80];
	[tilespmem:s18+$0x1EB80] =	vst v4  }
.Ltmp5:
0x233: {  	v26 =	vld [tilespmem:s26+$0x1CB90];
	[tilespmem:s18+$0x1EB90] =	vst v5;
	(pc) =	sbr.rel @p2 .LBB2_13-.Ltmp5, $4  }
0x234: {  	v27 =	vld [tilespmem:s26+$0x1CBA0];
	[tilespmem:s18+$0x1EBA0] =	vst v3  }
0x235: {  	v28 =	vld [tilespmem:s26+$0x1CBB0];
	[tilespmem:s18+$0x1EBB0] =	vst v2  }
0x236: {  	v29 =	vld [tilespmem:s26+$0x1CBC0];
	[tilespmem:s18+$0x1EBC0] =	vst v1  }
0x237: {  	s14 =	sadd.s32 $0x200, s14;
	v30 =	vld [tilespmem:s26+$0x1CBD0];
	[tilespmem:s18+$0x1EBD0] =	vst v0;
	s18 =	smov.u32 s26  }
0x238: {  	_ =	sdelay $0x2  }
0x239: {  	v31 =	vld [tilespmem:s18+$0x1CBE0]  }
0x23a: {  	v16 =	vld.idx.msk [tilespmem:v16+s28+$0x0], $0xffff  }
0x23b: {  	v17 =	vld.idx.msk [tilespmem:v17+s28+$0x0], $0xffff  }
0x23c: {  	v18 =	vld.idx.msk [tilespmem:v18+s28+$0x0], $0xffff  }
0x23d: {  	v19 =	vld.idx.msk [tilespmem:v19+s28+$0x0], $0xffff  }
0x23e: {  	v20 =	vld.idx.msk [tilespmem:v20+s28+$0x0], $0xffff  }
0x23f: {  	v22 =	vld.idx.msk [tilespmem:v22+s28+$0x0], $0xffff  }
0x240: {  	v25 =	vld.idx.msk [tilespmem:v25+s28+$0x0], $0xffff  }
0x241: {  	v21 =	vld.idx.msk [tilespmem:v21+s28+$0x0], $0xffff  }
0x242: {  	v23 =	vld.idx.msk [tilespmem:v23+s28+$0x0], $0xffff  }
0x243: {  	v24 =	vld.idx.msk [tilespmem:v24+s28+$0x0], $0xffff  }
0x244: {  	v26 =	vld.idx.msk [tilespmem:v26+s28+$0x0], $0xffff  }
0x245: {  	v27 =	vld.idx.msk [tilespmem:v27+s28+$0x0], $0xffff  }
0x246: {  	v28 =	vld.idx.msk [tilespmem:v28+s28+$0x0], $0xffff  }
0x247: {  	v29 =	vld.idx.msk [tilespmem:v29+s28+$0x0], $0xffff;
	v13 =	vadd.f32 v16, v13  }
0x248: {  	v16 =	vld.idx.msk [tilespmem:v30+s28+$0x0], $0xffff;
	v14 =	vadd.f32 v17, v14  }
0x249: {  	v12 =	vadd.f32 v18, v12;
	v31 =	vld.idx.msk [tilespmem:v31+s28+$0x0], $0xffff;
	[tilespmem:s18+$0x1E770] =	vst v13  }
0x24a: {  	v10 =	vadd.f32 v19, v10;
	[tilespmem:s18+$0x1E780] =	vst v14  }
0x24b: {  	v11 =	vadd.f32 v20, v11;
	[tilespmem:s18+$0x1E790] =	vst v12  }
0x24c: {  	v9 =	vadd.f32 v22, v9;
	[tilespmem:s18+$0x1E7A0] =	vst v10  }
0x24d: {  	v7 =	vadd.f32 v25, v7;
	[tilespmem:s18+$0x1E7B0] =	vst v11  }
0x24e: {  	v8 =	vadd.f32 v21, v8;
	[tilespmem:s18+$0x1E7C0] =	vst v9  }
0x24f: {  	v6 =	vadd.f32 v23, v6;
	[tilespmem:s18+$0x1E7D0] =	vst v7  }
0x250: {  	v4 =	vadd.f32 v24, v4;
	[tilespmem:s18+$0x1E7E0] =	vst v8  }
0x251: {  	v5 =	vadd.f32 v26, v5;
	[tilespmem:s18+$0x1EB70] =	vst v6  }
0x252: {  	v3 =	vadd.f32 v27, v3;
	[tilespmem:s18+$0x1EB80] =	vst v4  }
0x253: {  	v2 =	vadd.f32 v28, v2;
	[tilespmem:s18+$0x1EB90] =	vst v5  }
0x254: {  	s6 =	sshll.u32 s6, $0xB;
	s14 =	sadd.s32 @!p1 $0xD, s17;
	v1 =	vadd.f32 v29, v1;
	[tilespmem:s18+$0x1EBA0] =	vst v3  }
0x255: {  	s26 =	sshll.u32 s29, $0x11;
	s6 =	sadd.s32 s15, s6;
	s29 =	smulhi.u32 @!p1 $0x51EB851F, s14;
	[tilespmem:s18+$0x1EBB0] =	vst v2;
	v0 =	vadd.f32 v16, v0  }
0x256: {  	s6 =	sadd.s32 s26, s6;
	[tilespmem:s18+$0x1EBC0] =	vst v1;
	v15 =	vadd.f32 v31, v15  }
0x257: {  	s6 =	sshrl.u32 s6, $0x3;
	s26 =	sshrl.u32 @!p1 s29, $0x3;
	[tilespmem:s18+$0x1EBD0] =	vst v0  }
0x258: {  	s6 =	sadd.s32 s3, s6;
	[tilespmem:s18+$0x1EBE0] =	vst v15;
	s18 =	smul.u32 @!p1 $0x7FE7, s26  }
0x259: {  	[hbm4b:s6+s5] =	stream.linear.scatter [tilespmem:s1], [sflag:$0xA], $0x800, $0x38;
	[tilespmem:$0x1FF70] =	vst v63  }
0x25a: {  	s6 =	sadd.s32 @!p1 s14, s18;
	s14 =	sshll.u32 @!p1 s26, $0xB  }
0x25b: {  	s6 =	sshll.u32 @!p1 s6, $0x11;
	s14 =	sadd.s32 @!p1 s15, s14  }
0x25c: {  	s6 =	sadd.s32 @!p1 s6, s14  }
0x25d: {  	s6 =	sshrl.u32 @!p1 s6, $0x3  }
0x25e: {  	s18 =	simm.s32 @!p1 $0x1C770;
	s14 =	simm.s32 @!p1 $0x0;
	s6 =	sadd.s32 @!p1 s0, s6  }
0x25f: {  	[tilespmem:s18], [sflag:$0x6] =	stream.linear.gather @!p1 [hbm4b:s6+s14], $0x800, $0x38;
	[tilespmem:$0x1FF70] =	vst v63  }
0x260: {  	_ =	swait.ge [sflag:s9], $0x800  }
0x261: {  	[sflag:s9] =	ssyncset.done $0x0  }
0x262: {  	[sflag:s9] =	ssyncadd.s32 $0xFFFFF800  }
0x263: {  	_ =	swait.ge [sflag:s10], $0x800  }
0x264: {  	[sflag:s10] =	ssyncset.done $0x0  }
0x265: {  	s18 =	simm.s32 $0x0;
	[sflag:s10] =	ssyncadd.s32 $0xFFFFF800  }
0x266: {  	v16 =	vld [tilespmem:s18+$0x1CF70]  }
0x267: {  	s14 =	sor.u32 $0x6, s17;
	v17 =	vld [tilespmem:s18+$0x1CF80]  }
0x268: {  	s26 =	smulhi.u32 $0x51EB851F, s14;
	v18 =	vld [tilespmem:s18+$0x1CF90]  }
0x269: {  	v19 =	vld [tilespmem:s18+$0x1CFA0]  }
0x26a: {  	s6 =	sshrl.u32 s26, $0x3;
	v20 =	vld [tilespmem:s18+$0x1CFB0]  }
0x26b: {  	s26 =	smul.u32 $0xFFFFFFE7, s6;
	v22 =	vld [tilespmem:s18+$0x1CFC0]  }
0x26c: {  	v25 =	vld [tilespmem:s18+$0x1CFD0]  }
0x26d: {  	s29 =	sadd.s32 s14, s26;
	v21 =	vld [tilespmem:s18+$0x1CFE0]  }
0x26e: {  	p2 =	seq.s32 s29, $0x0;
	v23 =	vld [tilespmem:s18+$0x1D370]  }
0x26f: {  	v24 =	vld [tilespmem:s18+$0x1D380];
	v13 =	vpsel p2, $0x0, v13  }
0x270: {  	v26 =	vld [tilespmem:s18+$0x1D390];
	v14 =	vpsel p2, $0x0, v14;
	v12 =	vpsel p2, $0x0, v12;
	v10 =	vpsel p2, $0x0, v10  }
0x271: {  	v27 =	vld [tilespmem:s18+$0x1D3A0];
	v11 =	vpsel p2, $0x0, v11;
	v9 =	vpsel p2, $0x0, v9;
	v7 =	vpsel p2, $0x0, v7  }
0x272: {  	v28 =	vld [tilespmem:s18+$0x1D3B0];
	v8 =	vpsel p2, $0x0, v8;
	v6 =	vpsel p2, $0x0, v6;
	v4 =	vpsel p2, $0x0, v4  }
0x273: {  	v29 =	vld [tilespmem:s18+$0x1D3C0];
	v5 =	vpsel p2, $0x0, v5;
	v3 =	vpsel p2, $0x0, v3;
	v2 =	vpsel p2, $0x0, v2  }
0x274: {  	s14 =	simm.s32 $0x200;
	v30 =	vld [tilespmem:s18+$0x1D3D0];
	v1 =	vpsel p2, $0x0, v1;
	v0 =	vpsel p2, $0x0, v0;
	v15 =	vpsel p2, $0x0, v15  }
.LBB2_15:
0x275: {  	p2 =	sne.s32 s14, $0xE00;
	v31 =	vld [tilespmem:s18+$0x1D3E0]  }
0x276: {  	v16 =	vld.idx.msk [tilespmem:v16+s28+$0x0], $0xffff  }
0x277: {  	v17 =	vld.idx.msk [tilespmem:v17+s28+$0x0], $0xffff  }
0x278: {  	v18 =	vld.idx.msk [tilespmem:v18+s28+$0x0], $0xffff  }
0x279: {  	v19 =	vld.idx.msk [tilespmem:v19+s28+$0x0], $0xffff  }
0x27a: {  	v20 =	vld.idx.msk [tilespmem:v20+s28+$0x0], $0xffff  }
0x27b: {  	v22 =	vld.idx.msk [tilespmem:v22+s28+$0x0], $0xffff  }
0x27c: {  	v13 =	vadd.f32 v16, v13;
	v25 =	vld.idx.msk [tilespmem:v25+s28+$0x0], $0xffff  }
0x27d: {  	v14 =	vadd.f32 v17, v14;
	v16 =	vld.idx.msk [tilespmem:v31+s28+$0x0], $0xffff  }
0x27e: {  	v12 =	vadd.f32 v18, v12;
	v17 =	vld.idx.msk [tilespmem:v21+s28+$0x0], $0xffff  }
0x27f: {  	v10 =	vadd.f32 v19, v10;
	v18 =	vld.idx.msk [tilespmem:v23+s28+$0x0], $0xffff  }
0x280: {  	v11 =	vadd.f32 v20, v11;
	v19 =	vld.idx.msk [tilespmem:v24+s28+$0x0], $0xffff  }
0x281: {  	v9 =	vadd.f32 v22, v9;
	v20 =	vld.idx.msk [tilespmem:v26+s28+$0x0], $0xffff  }
0x282: {  	v7 =	vadd.f32 v25, v7;
	v21 =	vld.idx.msk [tilespmem:v27+s28+$0x0], $0xffff  }
0x283: {  	v15 =	vadd.f32 v16, v15;
	v22 =	vld.idx.msk [tilespmem:v28+s28+$0x0], $0xffff  }
0x284: {  	v8 =	vadd.f32 v17, v8;
	v23 =	vld.idx.msk [tilespmem:v29+s28+$0x0], $0xffff  }
0x285: {  	s26 =	sshra.s32 s14, $0x2;
	v6 =	vadd.f32 v18, v6;
	v24 =	vld.idx.msk [tilespmem:v30+s28+$0x0], $0xffff;
	[tilespmem:s18+$0x1F3E0] =	vst v15  }
0x286: {  	v4 =	vadd.f32 v19, v4;
	v16 =	vld [tilespmem:s26+$0x1CF70];
	[tilespmem:s18+$0x1EF70] =	vst v13  }
0x287: {  	v5 =	vadd.f32 v20, v5;
	v17 =	vld [tilespmem:s26+$0x1CF80];
	[tilespmem:s18+$0x1EF80] =	vst v14  }
0x288: {  	v3 =	vadd.f32 v21, v3;
	v18 =	vld [tilespmem:s26+$0x1CF90];
	[tilespmem:s18+$0x1EF90] =	vst v12  }
0x289: {  	v2 =	vadd.f32 v22, v2;
	v19 =	vld [tilespmem:s26+$0x1CFA0];
	[tilespmem:s18+$0x1EFA0] =	vst v10  }
0x28a: {  	v1 =	vadd.f32 v23, v1;
	v20 =	vld [tilespmem:s26+$0x1CFB0];
	[tilespmem:s18+$0x1EFB0] =	vst v11  }
0x28b: {  	v0 =	vadd.f32 v24, v0;
	v22 =	vld [tilespmem:s26+$0x1CFC0];
	[tilespmem:s18+$0x1EFC0] =	vst v9  }
0x28c: {  	v25 =	vld [tilespmem:s26+$0x1CFD0];
	[tilespmem:s18+$0x1EFD0] =	vst v7  }
0x28d: {  	v21 =	vld [tilespmem:s26+$0x1CFE0];
	[tilespmem:s18+$0x1EFE0] =	vst v8  }
0x28e: {  	v23 =	vld [tilespmem:s26+$0x1D370];
	[tilespmem:s18+$0x1F370] =	vst v6  }
0x28f: {  	v24 =	vld [tilespmem:s26+$0x1D380];
	[tilespmem:s18+$0x1F380] =	vst v4  }
.Ltmp6:
0x290: {  	v26 =	vld [tilespmem:s26+$0x1D390];
	[tilespmem:s18+$0x1F390] =	vst v5;
	(pc) =	sbr.rel @p2 .LBB2_15-.Ltmp6, $4  }
0x291: {  	v27 =	vld [tilespmem:s26+$0x1D3A0];
	[tilespmem:s18+$0x1F3A0] =	vst v3  }
0x292: {  	v28 =	vld [tilespmem:s26+$0x1D3B0];
	[tilespmem:s18+$0x1F3B0] =	vst v2  }
0x293: {  	v29 =	vld [tilespmem:s26+$0x1D3C0];
	[tilespmem:s18+$0x1F3C0] =	vst v1  }
0x294: {  	s14 =	sadd.s32 $0x200, s14;
	v30 =	vld [tilespmem:s26+$0x1D3D0];
	[tilespmem:s18+$0x1F3D0] =	vst v0;
	s18 =	smov.u32 s26  }
0x295: {  	_ =	sdelay $0x2  }
0x296: {  	v31 =	vld [tilespmem:s18+$0x1D3E0]  }
0x297: {  	v16 =	vld.idx.msk [tilespmem:v16+s28+$0x0], $0xffff  }
0x298: {  	v17 =	vld.idx.msk [tilespmem:v17+s28+$0x0], $0xffff  }
0x299: {  	v18 =	vld.idx.msk [tilespmem:v18+s28+$0x0], $0xffff  }
0x29a: {  	v19 =	vld.idx.msk [tilespmem:v19+s28+$0x0], $0xffff  }
0x29b: {  	v20 =	vld.idx.msk [tilespmem:v20+s28+$0x0], $0xffff  }
0x29c: {  	v22 =	vld.idx.msk [tilespmem:v22+s28+$0x0], $0xffff  }
0x29d: {  	v25 =	vld.idx.msk [tilespmem:v25+s28+$0x0], $0xffff  }
0x29e: {  	v21 =	vld.idx.msk [tilespmem:v21+s28+$0x0], $0xffff  }
0x29f: {  	v23 =	vld.idx.msk [tilespmem:v23+s28+$0x0], $0xffff  }
0x2a0: {  	v24 =	vld.idx.msk [tilespmem:v24+s28+$0x0], $0xffff  }
0x2a1: {  	v31 =	vld.idx.msk [tilespmem:v31+s28+$0x0], $0xffff  }
0x2a2: {  	v26 =	vld.idx.msk [tilespmem:v26+s28+$0x0], $0xffff  }
0x2a3: {  	v27 =	vld.idx.msk [tilespmem:v27+s28+$0x0], $0xffff  }
0x2a4: {  	v28 =	vld.idx.msk [tilespmem:v28+s28+$0x0], $0xffff;
	v13 =	vadd.f32 v16, v13  }
0x2a5: {  	v16 =	vld.idx.msk [tilespmem:v30+s28+$0x0], $0xffff;
	v14 =	vadd.f32 v17, v14  }
0x2a6: {  	v12 =	vadd.f32 v18, v12;
	v31 =	vadd.f32 v31, v15;
	v15 =	vld.idx.msk [tilespmem:v29+s28+$0x0], $0xffff;
	[tilespmem:s18+$0x1EF70] =	vst v13  }
0x2a7: {  	v10 =	vadd.f32 v19, v10;
	[tilespmem:s18+$0x1EF80] =	vst v14  }
0x2a8: {  	v11 =	vadd.f32 v20, v11;
	[tilespmem:s18+$0x1EF90] =	vst v12  }
0x2a9: {  	v9 =	vadd.f32 v22, v9;
	[tilespmem:s18+$0x1EFA0] =	vst v10  }
0x2aa: {  	v7 =	vadd.f32 v25, v7;
	[tilespmem:s18+$0x1EFB0] =	vst v11  }
0x2ab: {  	v8 =	vadd.f32 v21, v8;
	[tilespmem:s18+$0x1EFC0] =	vst v9  }
0x2ac: {  	v6 =	vadd.f32 v23, v6;
	[tilespmem:s18+$0x1EFD0] =	vst v7  }
0x2ad: {  	v4 =	vadd.f32 v24, v4;
	[tilespmem:s18+$0x1EFE0] =	vst v8  }
0x2ae: {  	v3 =	vadd.f32 v27, v3;
	[tilespmem:s18+$0x1F370] =	vst v6  }
0x2af: {  	v2 =	vadd.f32 v28, v2;
	[tilespmem:s18+$0x1F380] =	vst v4  }
0x2b0: {  	v0 =	vadd.f32 v16, v0;
	[tilespmem:s18+$0x1F3A0] =	vst v3  }
0x2b1: {  	s6 =	sshll.u32 s6, $0xB;
	s14 =	sadd.s32 @!p1 $0xE, s17;
	[tilespmem:s18+$0x1F3B0] =	vst v2  }
0x2b2: {  	s26 =	sshll.u32 s29, $0x11;
	s6 =	sadd.s32 s15, s6;
	s29 =	smulhi.u32 @!p1 $0x51EB851F, s14;
	v29 =	vadd.f32 v26, v5;
	[tilespmem:s18+$0x1F3D0] =	vst v0  }
0x2b3: {  	s6 =	sadd.s32 s26, s6;
	[tilespmem:s18+$0x1F3E0] =	vst v31;
	v1 =	vadd.f32 v15, v1  }
0x2b4: {  	s6 =	sshrl.u32 s6, $0x3;
	s26 =	sshrl.u32 @!p1 s29, $0x3;
	[tilespmem:s18+$0x1F390] =	vst v29  }
0x2b5: {  	s6 =	sadd.s32 s3, s6;
	[tilespmem:s18+$0x1F3C0] =	vst v1;
	s18 =	smul.u32 @!p1 $0x7FE7, s26  }
0x2b6: {  	[hbm4b:s6+s5] =	stream.linear.scatter [tilespmem:s22], [sflag:$0xB], $0x800, $0x38;
	[tilespmem:$0x1FF70] =	vst v63  }
0x2b7: {  	s6 =	sadd.s32 @!p1 s14, s18;
	s14 =	sshll.u32 @!p1 s26, $0xB  }
0x2b8: {  	s6 =	sshll.u32 @!p1 s6, $0x11;
	s14 =	sadd.s32 @!p1 s15, s14  }
0x2b9: {  	s6 =	sadd.s32 @!p1 s6, s14  }
0x2ba: {  	s6 =	sshrl.u32 @!p1 s6, $0x3  }
0x2bb: {  	s18 =	simm.s32 @!p1 $0x1CF70;
	s14 =	simm.s32 @!p1 $0x0;
	s6 =	sadd.s32 @!p1 s0, s6  }
0x2bc: {  	[tilespmem:s18], [sflag:$0x7] =	stream.linear.gather @!p1 [hbm4b:s6+s14], $0x800, $0x38;
	[tilespmem:$0x1FF70] =	vst v63  }
0x2bd: {  	_ =	swait.ge [sflag:s11], $0x800  }
0x2be: {  	[sflag:s11] =	ssyncset.done $0x0  }
0x2bf: {  	[sflag:s11] =	ssyncadd.s32 $0xFFFFF800  }
0x2c0: {  	_ =	swait.ge [sflag:s12], $0x800  }
0x2c1: {  	[sflag:s12] =	ssyncset.done $0x0  }
0x2c2: {  	s18 =	simm.s32 $0x0;
	[sflag:s12] =	ssyncadd.s32 $0xFFFFF800  }
0x2c3: {  	v15 =	vld [tilespmem:s18+$0x1D770]  }
0x2c4: {  	s14 =	sor.u32 $0x7, s17;
	v17 =	vld [tilespmem:s18+$0x1D780]  }
0x2c5: {  	s26 =	smulhi.u32 $0x51EB851F, s14;
	v18 =	vld [tilespmem:s18+$0x1D790]  }
0x2c6: {  	v19 =	vld [tilespmem:s18+$0x1D7A0]  }
0x2c7: {  	s6 =	sshrl.u32 s26, $0x3;
	v20 =	vld [tilespmem:s18+$0x1D7B0]  }
0x2c8: {  	s26 =	smul.u32 $0xFFFFFFE7, s6;
	v22 =	vld [tilespmem:s18+$0x1D7C0]  }
0x2c9: {  	v25 =	vld [tilespmem:s18+$0x1D7D0]  }
0x2ca: {  	s29 =	sadd.s32 s14, s26;
	v21 =	vld [tilespmem:s18+$0x1D7E0]  }
0x2cb: {  	p2 =	seq.s32 s29, $0x0;
	v23 =	vld [tilespmem:s18+$0x1DB70]  }
0x2cc: {  	v24 =	vld [tilespmem:s18+$0x1DB80];
	v13 =	vpsel p2, $0x0, v13  }
0x2cd: {  	v26 =	vld [tilespmem:s18+$0x1DB90];
	v14 =	vpsel p2, $0x0, v14;
	v12 =	vpsel p2, $0x0, v12;
	v10 =	vpsel p2, $0x0, v10  }
0x2ce: {  	v27 =	vld [tilespmem:s18+$0x1DBA0];
	v11 =	vpsel p2, $0x0, v11;
	v9 =	vpsel p2, $0x0, v9;
	v7 =	vpsel p2, $0x0, v7  }
0x2cf: {  	v28 =	vld [tilespmem:s18+$0x1DBB0];
	v8 =	vpsel p2, $0x0, v8;
	v6 =	vpsel p2, $0x0, v6;
	v5 =	vpsel p2, $0x0, v4  }
0x2d0: {  	v30 =	vld [tilespmem:s18+$0x1DBD0];
	v16 =	vpsel p2, $0x0, v29;
	v4 =	vpsel p2, $0x0, v3;
	v3 =	vpsel p2, $0x0, v2  }
0x2d1: {  	s14 =	simm.s32 $0x200;
	v29 =	vld [tilespmem:s18+$0x1DBC0];
	v1 =	vpsel p2, $0x0, v1;
	v2 =	vpsel p2, $0x0, v0;
	v0 =	vpsel p2, $0x0, v31  }
.LBB2_17:
0x2d2: {  	p2 =	sne.s32 s14, $0xE00;
	v31 =	vld [tilespmem:s18+$0x1DBE0]  }
0x2d3: {  	v15 =	vld.idx.msk [tilespmem:v15+s28+$0x0], $0xffff  }
0x2d4: {  	v17 =	vld.idx.msk [tilespmem:v17+s28+$0x0], $0xffff  }
0x2d5: {  	v18 =	vld.idx.msk [tilespmem:v18+s28+$0x0], $0xffff  }
0x2d6: {  	v19 =	vld.idx.msk [tilespmem:v19+s28+$0x0], $0xffff  }
0x2d7: {  	v20 =	vld.idx.msk [tilespmem:v20+s28+$0x0], $0xffff  }
0x2d8: {  	v22 =	vld.idx.msk [tilespmem:v22+s28+$0x0], $0xffff  }
0x2d9: {  	v13 =	vadd.f32 v15, v13;
	v25 =	vld.idx.msk [tilespmem:v25+s28+$0x0], $0xffff  }
0x2da: {  	v14 =	vadd.f32 v17, v14;
	v15 =	vld.idx.msk [tilespmem:v31+s28+$0x0], $0xffff  }
0x2db: {  	v12 =	vadd.f32 v18, v12;
	v17 =	vld.idx.msk [tilespmem:v21+s28+$0x0], $0xffff  }
0x2dc: {  	v10 =	vadd.f32 v19, v10;
	v18 =	vld.idx.msk [tilespmem:v23+s28+$0x0], $0xffff  }
0x2dd: {  	v11 =	vadd.f32 v20, v11;
	v19 =	vld.idx.msk [tilespmem:v24+s28+$0x0], $0xffff  }
0x2de: {  	v9 =	vadd.f32 v22, v9;
	v20 =	vld.idx.msk [tilespmem:v26+s28+$0x0], $0xffff  }
0x2df: {  	v7 =	vadd.f32 v25, v7;
	v21 =	vld.idx.msk [tilespmem:v27+s28+$0x0], $0xffff  }
0x2e0: {  	v0 =	vadd.f32 v15, v0;
	v22 =	vld.idx.msk [tilespmem:v28+s28+$0x0], $0xffff  }
0x2e1: {  	v8 =	vadd.f32 v17, v8;
	v23 =	vld.idx.msk [tilespmem:v29+s28+$0x0], $0xffff  }
0x2e2: {  	s26 =	sshra.s32 s14, $0x2;
	v6 =	vadd.f32 v18, v6;
	v24 =	vld.idx.msk [tilespmem:v30+s28+$0x0], $0xffff;
	[tilespmem:s18+$0x1FBE0] =	vst v0  }
0x2e3: {  	v5 =	vadd.f32 v19, v5;
	v15 =	vld [tilespmem:s26+$0x1D770];
	[tilespmem:s18+$0x1F770] =	vst v13  }
0x2e4: {  	v16 =	vadd.f32 v20, v16;
	v17 =	vld [tilespmem:s26+$0x1D780];
	[tilespmem:s18+$0x1F780] =	vst v14  }
0x2e5: {  	v4 =	vadd.f32 v21, v4;
	v18 =	vld [tilespmem:s26+$0x1D790];
	[tilespmem:s18+$0x1F790] =	vst v12  }
0x2e6: {  	v3 =	vadd.f32 v22, v3;
	v19 =	vld [tilespmem:s26+$0x1D7A0];
	[tilespmem:s18+$0x1F7A0] =	vst v10  }
0x2e7: {  	v1 =	vadd.f32 v23, v1;
	v20 =	vld [tilespmem:s26+$0x1D7B0];
	[tilespmem:s18+$0x1F7B0] =	vst v11  }
0x2e8: {  	v2 =	vadd.f32 v24, v2;
	v22 =	vld [tilespmem:s26+$0x1D7C0];
	[tilespmem:s18+$0x1F7C0] =	vst v9  }
0x2e9: {  	v25 =	vld [tilespmem:s26+$0x1D7D0];
	[tilespmem:s18+$0x1F7D0] =	vst v7  }
0x2ea: {  	v21 =	vld [tilespmem:s26+$0x1D7E0];
	[tilespmem:s18+$0x1F7E0] =	vst v8  }
0x2eb: {  	v23 =	vld [tilespmem:s26+$0x1DB70];
	[tilespmem:s18+$0x1FB70] =	vst v6  }
0x2ec: {  	v24 =	vld [tilespmem:s26+$0x1DB80];
	[tilespmem:s18+$0x1FB80] =	vst v5  }
.Ltmp7:
0x2ed: {  	v26 =	vld [tilespmem:s26+$0x1DB90];
	[tilespmem:s18+$0x1FB90] =	vst v16;
	(pc) =	sbr.rel @p2 .LBB2_17-.Ltmp7, $4  }
0x2ee: {  	v27 =	vld [tilespmem:s26+$0x1DBA0];
	[tilespmem:s18+$0x1FBA0] =	vst v4  }
0x2ef: {  	v28 =	vld [tilespmem:s26+$0x1DBB0];
	[tilespmem:s18+$0x1FBB0] =	vst v3  }
0x2f0: {  	v29 =	vld [tilespmem:s26+$0x1DBC0];
	[tilespmem:s18+$0x1FBC0] =	vst v1  }
0x2f1: {  	s14 =	sadd.s32 $0x200, s14;
	v30 =	vld [tilespmem:s26+$0x1DBD0];
	[tilespmem:s18+$0x1FBD0] =	vst v2;
	s18 =	smov.u32 s26  }
0x2f2: {  	_ =	sdelay $0x2  }
0x2f3: {  	v31 =	vld [tilespmem:s18+$0x1DBE0]  }
0x2f4: {  	v15 =	vld.idx.msk [tilespmem:v15+s28+$0x0], $0xffff  }
0x2f5: {  	v17 =	vld.idx.msk [tilespmem:v17+s28+$0x0], $0xffff  }
0x2f6: {  	v18 =	vld.idx.msk [tilespmem:v18+s28+$0x0], $0xffff  }
0x2f7: {  	v19 =	vld.idx.msk [tilespmem:v19+s28+$0x0], $0xffff  }
0x2f8: {  	v20 =	vld.idx.msk [tilespmem:v20+s28+$0x0], $0xffff  }
0x2f9: {  	v22 =	vld.idx.msk [tilespmem:v22+s28+$0x0], $0xffff  }
0x2fa: {  	v25 =	vld.idx.msk [tilespmem:v25+s28+$0x0], $0xffff  }
0x2fb: {  	v21 =	vld.idx.msk [tilespmem:v21+s28+$0x0], $0xffff  }
0x2fc: {  	v23 =	vld.idx.msk [tilespmem:v23+s28+$0x0], $0xffff  }
0x2fd: {  	v24 =	vld.idx.msk [tilespmem:v24+s28+$0x0], $0xffff  }
0x2fe: {  	v26 =	vld.idx.msk [tilespmem:v26+s28+$0x0], $0xffff  }
0x2ff: {  	v27 =	vld.idx.msk [tilespmem:v27+s28+$0x0], $0xffff  }
0x300: {  	v28 =	vld.idx.msk [tilespmem:v28+s28+$0x0], $0xffff  }
0x301: {  	v29 =	vld.idx.msk [tilespmem:v29+s28+$0x0], $0xffff;
	v15 =	vadd.f32 v15, v13  }
0x302: {  	v30 =	vld.idx.msk [tilespmem:v30+s28+$0x0], $0xffff;
	v14 =	vadd.f32 v17, v14  }
0x303: {  	v13 =	vadd.f32 v18, v12;
	v31 =	vld.idx.msk [tilespmem:v31+s28+$0x0], $0xffff;
	[tilespmem:s18+$0x1F770] =	vst v15  }
0x304: {  	v12 =	vadd.f32 v19, v10;
	[tilespmem:s18+$0x1F780] =	vst v14  }
0x305: {  	v11 =	vadd.f32 v20, v11;
	[tilespmem:s18+$0x1F790] =	vst v13  }
0x306: {  	v10 =	vadd.f32 v22, v9;
	[tilespmem:s18+$0x1F7A0] =	vst v12  }
0x307: {  	v9 =	vadd.f32 v25, v7;
	[tilespmem:s18+$0x1F7B0] =	vst v11  }
0x308: {  	v8 =	vadd.f32 v21, v8;
	[tilespmem:s18+$0x1F7C0] =	vst v10  }
0x309: {  	v7 =	vadd.f32 v23, v6;
	[tilespmem:s18+$0x1F7D0] =	vst v9  }
0x30a: {  	v6 =	vadd.f32 v24, v5;
	[tilespmem:s18+$0x1F7E0] =	vst v8  }
0x30b: {  	v5 =	vadd.f32 v26, v16;
	[tilespmem:s18+$0x1FB70] =	vst v7  }
0x30c: {  	v4 =	vadd.f32 v27, v4;
	[tilespmem:s18+$0x1FB80] =	vst v6  }
0x30d: {  	v3 =	vadd.f32 v28, v3;
	[tilespmem:s18+$0x1FB90] =	vst v5  }
0x30e: {  	s6 =	sshll.u32 s6, $0xB;
	v1 =	vadd.f32 v29, v1;
	[tilespmem:s18+$0x1FBA0] =	vst v4  }
.Ltmp8:
0x30f: {  	s14 =	sshll.u32 s29, $0x11;
	s6 =	sadd.s32 s15, s6;
	v2 =	vadd.f32 v30, v2;
	[tilespmem:s18+$0x1FBB0] =	vst v3;
	(pc) =	sbr.rel @p1 .LBB2_20-.Ltmp8, $4  }
0x310: {  	s6 =	sadd.s32 s14, s6;
	[tilespmem:s18+$0x1FBC0] =	vst v1;
	v0 =	vadd.f32 v31, v0  }
0x311: {  	s6 =	sshrl.u32 s6, $0x3;
	[tilespmem:s18+$0x1FBD0] =	vst v2  }
0x312: {  	s6 =	sadd.s32 s3, s6;
	[tilespmem:s18+$0x1FBE0] =	vst v0  }
0x313: {  	[hbm4b:s6+s5] =	stream.linear.scatter [tilespmem:s24], [sflag:$0xC], $0x800, $0x38;
	[tilespmem:$0x1FF70] =	vst v63  }
0x314: {  	s6 =	sadd.s32 $0xF, s17  }
0x315: {  	s14 =	smulhi.u32 $0x51EB851F, s6;
	_ =	sdelay $0x1  }
0x316: {  	s14 =	sshrl.u32 s14, $0x3  }
0x317: {  	s26 =	smul.u32 $0x7FE7, s14;
	_ =	sdelay $0x1  }
0x318: {  	s14 =	sshll.u32 s14, $0xB;
	s6 =	sadd.s32 s6, s26  }
.Ltmp9:
0x319: {  	s14 =	sadd.s32 s15, s14;
	s6 =	sshll.u32 s6, $0x11;
	(pc) =	sbr.rel .LBB2_2-.Ltmp9, $4  }
0x31a: {  	s6 =	sadd.s32 s6, s14  }
0x31b: {  	s6 =	sshrl.u32 s6, $0x3  }
0x31c: {  	s29 =	simm.s32 $0x1D770;
	s16 =	sadd.s32 $0x1, s16;
	s6 =	sadd.s32 s0, s6  }
0x31d: {  	[tilespmem:s29], [sflag:$0x8] =	stream.linear.gather [hbm4b:s6+s5], $0x800, $0x38;
	[tilespmem:$0x1FF70] =	vst v63  }
.LBB2_20:
0x31e: {  	_ =	swait.ge [sflag:s30], $0x800  }
0x31f: {  	[sflag:s30] =	ssyncset.done $0x0  }
0x320: {  	[sflag:s30] =	ssyncadd.s32 $0xFFFFF800  }
0x321: {  	_ =	swait.ge [sflag:s4], $0x800  }
0x322: {  	[sflag:s4] =	ssyncset.done $0x0  }
0x323: {  	s6 =	simm.s32 $0x0;
	[sflag:s4] =	ssyncadd.s32 $0xFFFFF800  }
0x324: {  	v16 =	vld [tilespmem:s6+$0x19F70]  }
0x325: {  	v17 =	vld [tilespmem:s6+$0x19F80]  }
0x326: {  	v18 =	vld [tilespmem:s6+$0x19F90]  }
0x327: {  	v20 =	vld [tilespmem:s6+$0x19FA0]  }
0x328: {  	v22 =	vld [tilespmem:s6+$0x19FB0]  }
0x329: {  	v29 =	vld [tilespmem:s6+$0x19FC0]  }
0x32a: {  	v30 =	vld [tilespmem:s6+$0x19FD0]  }
0x32b: {  	v23 =	vld [tilespmem:s6+$0x19FE0]  }
0x32c: {  	v24 =	vld [tilespmem:s6+$0x1A370]  }
0x32d: {  	v25 =	vld [tilespmem:s6+$0x1A380]  }
0x32e: {  	v26 =	vld [tilespmem:s6+$0x1A390]  }
0x32f: {  	v27 =	vld [tilespmem:s6+$0x1A3A0]  }
0x330: {  	v28 =	vld [tilespmem:s6+$0x1A3B0]  }
0x331: {  	v21 =	vld [tilespmem:s6+$0x1A3C0]  }
0x332: {  	s14 =	simm.s32 $0x200;
	v19 =	vld [tilespmem:s6+$0x1A3D0]  }
.LBB2_21:
0x333: {  	p1 =	sne.s32 s14, $0xE00;
	v31 =	vld [tilespmem:s6+$0x1A3E0]  }
0x334: {  	v16 =	vld.idx.msk [tilespmem:v16+s28+$0x0], $0xffff  }
0x335: {  	v17 =	vld.idx.msk [tilespmem:v17+s28+$0x0], $0xffff  }
0x336: {  	v18 =	vld.idx.msk [tilespmem:v18+s28+$0x0], $0xffff  }
0x337: {  	v20 =	vld.idx.msk [tilespmem:v20+s28+$0x0], $0xffff  }
0x338: {  	v22 =	vld.idx.msk [tilespmem:v22+s28+$0x0], $0xffff  }
0x339: {  	v29 =	vld.idx.msk [tilespmem:v29+s28+$0x0], $0xffff  }
0x33a: {  	v15 =	vadd.f32 v16, v15;
	v30 =	vld.idx.msk [tilespmem:v30+s28+$0x0], $0xffff  }
0x33b: {  	v14 =	vadd.f32 v17, v14;
	v16 =	vld.idx.msk [tilespmem:v31+s28+$0x0], $0xffff  }
0x33c: {  	v13 =	vadd.f32 v18, v13;
	v17 =	vld.idx.msk [tilespmem:v23+s28+$0x0], $0xffff  }
0x33d: {  	v12 =	vadd.f32 v20, v12;
	v18 =	vld.idx.msk [tilespmem:v24+s28+$0x0], $0xffff  }
0x33e: {  	v11 =	vadd.f32 v22, v11;
	v20 =	vld.idx.msk [tilespmem:v25+s28+$0x0], $0xffff  }
0x33f: {  	v10 =	vadd.f32 v29, v10;
	v22 =	vld.idx.msk [tilespmem:v26+s28+$0x0], $0xffff  }
0x340: {  	v9 =	vadd.f32 v30, v9;
	v23 =	vld.idx.msk [tilespmem:v27+s28+$0x0], $0xffff  }
0x341: {  	v0 =	vadd.f32 v16, v0;
	v24 =	vld.idx.msk [tilespmem:v28+s28+$0x0], $0xffff  }
0x342: {  	v8 =	vadd.f32 v17, v8;
	v21 =	vld.idx.msk [tilespmem:v21+s28+$0x0], $0xffff  }
0x343: {  	s16 =	sshra.s32 s14, $0x2;
	v7 =	vadd.f32 v18, v7;
	v19 =	vld.idx.msk [tilespmem:v19+s28+$0x0], $0xffff;
	[tilespmem:s6+$0x1E3E0] =	vst v0  }
0x344: {  	v6 =	vadd.f32 v20, v6;
	v16 =	vld [tilespmem:s16+$0x19F70];
	[tilespmem:s6+$0x1DF70] =	vst v15  }
0x345: {  	v5 =	vadd.f32 v22, v5;
	v17 =	vld [tilespmem:s16+$0x19F80];
	[tilespmem:s6+$0x1DF80] =	vst v14  }
0x346: {  	v4 =	vadd.f32 v23, v4;
	v18 =	vld [tilespmem:s16+$0x19F90];
	[tilespmem:s6+$0x1DF90] =	vst v13  }
0x347: {  	v3 =	vadd.f32 v24, v3;
	v20 =	vld [tilespmem:s16+$0x19FA0];
	[tilespmem:s6+$0x1DFA0] =	vst v12  }
0x348: {  	v1 =	vadd.f32 v21, v1;
	v22 =	vld [tilespmem:s16+$0x19FB0];
	[tilespmem:s6+$0x1DFB0] =	vst v11  }
0x349: {  	v2 =	vadd.f32 v19, v2;
	v29 =	vld [tilespmem:s16+$0x19FC0];
	[tilespmem:s6+$0x1DFC0] =	vst v10  }
0x34a: {  	v30 =	vld [tilespmem:s16+$0x19FD0];
	[tilespmem:s6+$0x1DFD0] =	vst v9  }
0x34b: {  	v23 =	vld [tilespmem:s16+$0x19FE0];
	[tilespmem:s6+$0x1DFE0] =	vst v8  }
0x34c: {  	v24 =	vld [tilespmem:s16+$0x1A370];
	[tilespmem:s6+$0x1E370] =	vst v7  }
0x34d: {  	v25 =	vld [tilespmem:s16+$0x1A380];
	[tilespmem:s6+$0x1E380] =	vst v6  }
.Ltmp10:
0x34e: {  	v26 =	vld [tilespmem:s16+$0x1A390];
	[tilespmem:s6+$0x1E390] =	vst v5;
	(pc) =	sbr.rel @p1 .LBB2_21-.Ltmp10, $4  }
0x34f: {  	v27 =	vld [tilespmem:s16+$0x1A3A0];
	[tilespmem:s6+$0x1E3A0] =	vst v4  }
0x350: {  	v28 =	vld [tilespmem:s16+$0x1A3B0];
	[tilespmem:s6+$0x1E3B0] =	vst v3  }
0x351: {  	v21 =	vld [tilespmem:s16+$0x1A3C0];
	[tilespmem:s6+$0x1E3C0] =	vst v1  }
0x352: {  	s14 =	sadd.s32 $0x200, s14;
	v19 =	vld [tilespmem:s16+$0x1A3D0];
	[tilespmem:s6+$0x1E3D0] =	vst v2;
	s6 =	smov.u32 s16  }
0x353: {  	_ =	sdelay $0x2  }
0x354: {  	v31 =	vld [tilespmem:s6+$0x1A3E0]  }
0x355: {  	v32 =	vld.idx.msk [tilespmem:v16+s28+$0x0], $0xffff  }
0x356: {  	v17 =	vld.idx.msk [tilespmem:v17+s28+$0x0], $0xffff  }
0x357: {  	v18 =	vld.idx.msk [tilespmem:v18+s28+$0x0], $0xffff  }
0x358: {  	v20 =	vld.idx.msk [tilespmem:v20+s28+$0x0], $0xffff  }
0x359: {  	v22 =	vld.idx.msk [tilespmem:v22+s28+$0x0], $0xffff  }
0x35a: {  	v29 =	vld.idx.msk [tilespmem:v29+s28+$0x0], $0xffff  }
0x35b: {  	v30 =	vld.idx.msk [tilespmem:v30+s28+$0x0], $0xffff  }
0x35c: {  	v23 =	vld.idx.msk [tilespmem:v23+s28+$0x0], $0xffff  }
0x35d: {  	v24 =	vld.idx.msk [tilespmem:v24+s28+$0x0], $0xffff  }
0x35e: {  	v25 =	vld.idx.msk [tilespmem:v25+s28+$0x0], $0xffff  }
0x35f: {  	v16 =	vld.idx.msk [tilespmem:v31+s28+$0x0], $0xffff  }
0x360: {  	v26 =	vld.idx.msk [tilespmem:v26+s28+$0x0], $0xffff  }
0x361: {  	v27 =	vld.idx.msk [tilespmem:v27+s28+$0x0], $0xffff  }
0x362: {  	v28 =	vld.idx.msk [tilespmem:v28+s28+$0x0], $0xffff;
	v14 =	vadd.f32 v17, v14  }
0x363: {  	v21 =	vld.idx.msk [tilespmem:v21+s28+$0x0], $0xffff;
	v13 =	vadd.f32 v18, v13;
	v12 =	vadd.f32 v20, v12  }
0x364: {  	v16 =	vadd.f32 v16, v0;
	v0 =	vadd.f32 v32, v15;
	v15 =	vld.idx.msk [tilespmem:v19+s28+$0x0], $0xffff;
	[tilespmem:s6+$0x1DF80] =	vst v14  }
0x365: {  	v11 =	vadd.f32 v22, v11;
	[tilespmem:s6+$0x1DF90] =	vst v13  }
0x366: {  	v10 =	vadd.f32 v29, v10;
	[tilespmem:s6+$0x1DFA0] =	vst v12  }
0x367: {  	v9 =	vadd.f32 v30, v9;
	[tilespmem:s6+$0x1DFB0] =	vst v11  }
0x368: {  	v8 =	vadd.f32 v23, v8;
	[tilespmem:s6+$0x1DFC0] =	vst v10  }
0x369: {  	v7 =	vadd.f32 v24, v7;
	[tilespmem:s6+$0x1DFD0] =	vst v9  }
0x36a: {  	v6 =	vadd.f32 v25, v6;
	[tilespmem:s6+$0x1DFE0] =	vst v8  }
0x36b: {  	v5 =	vadd.f32 v26, v5;
	[tilespmem:s6+$0x1E370] =	vst v7  }
0x36c: {  	v4 =	vadd.f32 v27, v4;
	[tilespmem:s6+$0x1E380] =	vst v6  }
0x36d: {  	v3 =	vadd.f32 v28, v3;
	[tilespmem:s6+$0x1E390] =	vst v5  }
0x36e: {  	v1 =	vadd.f32 v21, v1;
	[tilespmem:s6+$0x1E3A0] =	vst v4  }
0x36f: {  	[tilespmem:s6+$0x1E3B0] =	vst v3  }
0x370: {  	[tilespmem:s6+$0x1E3C0] =	vst v1  }
0x371: {  	[tilespmem:s6+$0x1E3E0] =	vst v16;
	v2 =	vadd.f32 v15, v2  }
0x372: {  	[tilespmem:s6+$0x1DF70] =	vst v0  }
0x373: {  	s29 =	simm.s32 $0x0;
	s14 =	rddreg [dreg:$0xd];
	[tilespmem:s6+$0x1E3D0] =	vst v2  }
0x374: {  	[hbm4b:s14+s29] =	stream.linear.scatter [tilespmem:s31], [sflag:$0x9], $0x800, $0x38;
	[tilespmem:$0x1FF70] =	vst v63  }
0x375: {  	_ =	swait.ge [sflag:s2], $0x800  }
0x376: {  	[sflag:s2] =	ssyncset.done $0x0  }
0x377: {  	[sflag:s2] =	ssyncadd.s32 $0xFFFFF800  }
0x378: {  	_ =	swait.ge [sflag:s8], $0x800  }
0x379: {  	[sflag:s8] =	ssyncset.done $0x0  }
0x37a: {  	s6 =	simm.s32 $0x0;
	[sflag:s8] =	ssyncadd.s32 $0xFFFFF800  }
0x37b: {  	v15 =	vld [tilespmem:s6+$0x1A770]  }
0x37c: {  	v17 =	vld [tilespmem:s6+$0x1A780]  }
0x37d: {  	v18 =	vld [tilespmem:s6+$0x1A790]  }
0x37e: {  	v20 =	vld [tilespmem:s6+$0x1A7A0]  }
0x37f: {  	v22 =	vld [tilespmem:s6+$0x1A7B0]  }
0x380: {  	v29 =	vld [tilespmem:s6+$0x1A7C0]  }
0x381: {  	v30 =	vld [tilespmem:s6+$0x1A7D0]  }
0x382: {  	v23 =	vld [tilespmem:s6+$0x1A7E0]  }
0x383: {  	v24 =	vld [tilespmem:s6+$0x1AB70]  }
0x384: {  	v25 =	vld [tilespmem:s6+$0x1AB80]  }
0x385: {  	v26 =	vld [tilespmem:s6+$0x1AB90]  }
0x386: {  	v27 =	vld [tilespmem:s6+$0x1ABA0]  }
0x387: {  	v28 =	vld [tilespmem:s6+$0x1ABB0]  }
0x388: {  	v21 =	vld [tilespmem:s6+$0x1ABC0]  }
0x389: {  	s14 =	simm.s32 $0x200;
	v19 =	vld [tilespmem:s6+$0x1ABD0]  }
.LBB2_23:
0x38a: {  	p1 =	sne.s32 s14, $0xE00;
	v31 =	vld [tilespmem:s6+$0x1ABE0]  }
0x38b: {  	v15 =	vld.idx.msk [tilespmem:v15+s28+$0x0], $0xffff  }
0x38c: {  	v17 =	vld.idx.msk [tilespmem:v17+s28+$0x0], $0xffff  }
0x38d: {  	v18 =	vld.idx.msk [tilespmem:v18+s28+$0x0], $0xffff  }
0x38e: {  	v20 =	vld.idx.msk [tilespmem:v20+s28+$0x0], $0xffff  }
0x38f: {  	v22 =	vld.idx.msk [tilespmem:v22+s28+$0x0], $0xffff  }
0x390: {  	v29 =	vld.idx.msk [tilespmem:v29+s28+$0x0], $0xffff  }
0x391: {  	v0 =	vadd.f32 v15, v0;
	v30 =	vld.idx.msk [tilespmem:v30+s28+$0x0], $0xffff  }
0x392: {  	v14 =	vadd.f32 v17, v14;
	v15 =	vld.idx.msk [tilespmem:v31+s28+$0x0], $0xffff  }
0x393: {  	v13 =	vadd.f32 v18, v13;
	v17 =	vld.idx.msk [tilespmem:v23+s28+$0x0], $0xffff  }
0x394: {  	v12 =	vadd.f32 v20, v12;
	v18 =	vld.idx.msk [tilespmem:v24+s28+$0x0], $0xffff  }
0x395: {  	v11 =	vadd.f32 v22, v11;
	v20 =	vld.idx.msk [tilespmem:v25+s28+$0x0], $0xffff  }
0x396: {  	v10 =	vadd.f32 v29, v10;
	v22 =	vld.idx.msk [tilespmem:v26+s28+$0x0], $0xffff  }
0x397: {  	v9 =	vadd.f32 v30, v9;
	v23 =	vld.idx.msk [tilespmem:v27+s28+$0x0], $0xffff  }
0x398: {  	v16 =	vadd.f32 v15, v16;
	v24 =	vld.idx.msk [tilespmem:v28+s28+$0x0], $0xffff  }
0x399: {  	v8 =	vadd.f32 v17, v8;
	v21 =	vld.idx.msk [tilespmem:v21+s28+$0x0], $0xffff  }
0x39a: {  	s16 =	sshra.s32 s14, $0x2;
	v7 =	vadd.f32 v18, v7;
	v19 =	vld.idx.msk [tilespmem:v19+s28+$0x0], $0xffff;
	[tilespmem:s6+$0x1EBE0] =	vst v16  }
0x39b: {  	v6 =	vadd.f32 v20, v6;
	v15 =	vld [tilespmem:s16+$0x1A770];
	[tilespmem:s6+$0x1E770] =	vst v0  }
0x39c: {  	v5 =	vadd.f32 v22, v5;
	v17 =	vld [tilespmem:s16+$0x1A780];
	[tilespmem:s6+$0x1E780] =	vst v14  }
0x39d: {  	v4 =	vadd.f32 v23, v4;
	v18 =	vld [tilespmem:s16+$0x1A790];
	[tilespmem:s6+$0x1E790] =	vst v13  }
0x39e: {  	v3 =	vadd.f32 v24, v3;
	v20 =	vld [tilespmem:s16+$0x1A7A0];
	[tilespmem:s6+$0x1E7A0] =	vst v12  }
0x39f: {  	v1 =	vadd.f32 v21, v1;
	v22 =	vld [tilespmem:s16+$0x1A7B0];
	[tilespmem:s6+$0x1E7B0] =	vst v11  }
0x3a0: {  	v2 =	vadd.f32 v19, v2;
	v29 =	vld [tilespmem:s16+$0x1A7C0];
	[tilespmem:s6+$0x1E7C0] =	vst v10  }
0x3a1: {  	v30 =	vld [tilespmem:s16+$0x1A7D0];
	[tilespmem:s6+$0x1E7D0] =	vst v9  }
0x3a2: {  	v23 =	vld [tilespmem:s16+$0x1A7E0];
	[tilespmem:s6+$0x1E7E0] =	vst v8  }
0x3a3: {  	v24 =	vld [tilespmem:s16+$0x1AB70];
	[tilespmem:s6+$0x1EB70] =	vst v7  }
0x3a4: {  	v25 =	vld [tilespmem:s16+$0x1AB80];
	[tilespmem:s6+$0x1EB80] =	vst v6  }
.Ltmp11:
0x3a5: {  	v26 =	vld [tilespmem:s16+$0x1AB90];
	[tilespmem:s6+$0x1EB90] =	vst v5;
	(pc) =	sbr.rel @p1 .LBB2_23-.Ltmp11, $4  }
0x3a6: {  	v27 =	vld [tilespmem:s16+$0x1ABA0];
	[tilespmem:s6+$0x1EBA0] =	vst v4  }
0x3a7: {  	v28 =	vld [tilespmem:s16+$0x1ABB0];
	[tilespmem:s6+$0x1EBB0] =	vst v3  }
0x3a8: {  	v21 =	vld [tilespmem:s16+$0x1ABC0];
	[tilespmem:s6+$0x1EBC0] =	vst v1  }
0x3a9: {  	s14 =	sadd.s32 $0x200, s14;
	v19 =	vld [tilespmem:s16+$0x1ABD0];
	[tilespmem:s6+$0x1EBD0] =	vst v2;
	s6 =	smov.u32 s16  }
0x3aa: {  	_ =	sdelay $0x2  }
0x3ab: {  	v31 =	vld [tilespmem:s6+$0x1ABE0]  }
0x3ac: {  	v15 =	vld.idx.msk [tilespmem:v15+s28+$0x0], $0xffff  }
0x3ad: {  	v17 =	vld.idx.msk [tilespmem:v17+s28+$0x0], $0xffff  }
0x3ae: {  	v18 =	vld.idx.msk [tilespmem:v18+s28+$0x0], $0xffff  }
0x3af: {  	v20 =	vld.idx.msk [tilespmem:v20+s28+$0x0], $0xffff  }
0x3b0: {  	v22 =	vld.idx.msk [tilespmem:v22+s28+$0x0], $0xffff  }
0x3b1: {  	v29 =	vld.idx.msk [tilespmem:v29+s28+$0x0], $0xffff  }
0x3b2: {  	v30 =	vld.idx.msk [tilespmem:v30+s28+$0x0], $0xffff  }
0x3b3: {  	v23 =	vld.idx.msk [tilespmem:v23+s28+$0x0], $0xffff  }
0x3b4: {  	v24 =	vld.idx.msk [tilespmem:v24+s28+$0x0], $0xffff  }
0x3b5: {  	v25 =	vld.idx.msk [tilespmem:v25+s28+$0x0], $0xffff  }
0x3b6: {  	v26 =	vld.idx.msk [tilespmem:v26+s28+$0x0], $0xffff  }
0x3b7: {  	v27 =	vld.idx.msk [tilespmem:v27+s28+$0x0], $0xffff  }
0x3b8: {  	v28 =	vld.idx.msk [tilespmem:v28+s28+$0x0], $0xffff  }
0x3b9: {  	v21 =	vld.idx.msk [tilespmem:v21+s28+$0x0], $0xffff;
	v0 =	vadd.f32 v15, v0  }
0x3ba: {  	v59 =	vld.idx.msk [tilespmem:v19+s28+$0x0], $0xffff;
	v14 =	vadd.f32 v17, v14  }
0x3bb: {  	v13 =	vadd.f32 v18, v13;
	v31 =	vld.idx.msk [tilespmem:v31+s28+$0x0], $0xffff;
	[tilespmem:s6+$0x1E770] =	vst v0  }
0x3bc: {  	v60 =	vadd.f32 v20, v12;
	[tilespmem:s6+$0x1E780] =	vst v14  }
0x3bd: {  	v11 =	vadd.f32 v22, v11;
	[tilespmem:s6+$0x1E790] =	vst v13  }
0x3be: {  	v10 =	vadd.f32 v29, v10;
	[tilespmem:s6+$0x1E7A0] =	vst v60  }
0x3bf: {  	v61 =	vadd.f32 v30, v9;
	[tilespmem:s6+$0x1E7B0] =	vst v11  }
0x3c0: {  	v8 =	vadd.f32 v23, v8;
	[tilespmem:s6+$0x1E7C0] =	vst v10  }
0x3c1: {  	v7 =	vadd.f32 v24, v7;
	[tilespmem:s6+$0x1E7D0] =	vst v61  }
0x3c2: {  	v62 =	vadd.f32 v25, v6;
	[tilespmem:s6+$0x1E7E0] =	vst v8  }
0x3c3: {  	v5 =	vadd.f32 v26, v5;
	[tilespmem:s6+$0x1EB70] =	vst v7  }
0x3c4: {  	v4 =	vadd.f32 v27, v4;
	[tilespmem:s6+$0x1EB80] =	vst v62  }
0x3c5: {  	v63 =	vadd.f32 v28, v3;
	[tilespmem:s6+$0x1EB90] =	vst v5  }
0x3c6: {  	v1 =	vadd.f32 v21, v1;
	[tilespmem:s6+$0x1EBA0] =	vst v4  }
0x3c7: {  	v2 =	vadd.f32 v59, v2;
	[tilespmem:s6+$0x1EBB0] =	vst v63  }
0x3c8: {  	[tilespmem:s6+$0x1EBC0] =	vst v1;
	v16 =	vadd.f32 v31, v16  }
0x3c9: {  	[tilespmem:s6+$0x1EBD0] =	vst v2  }
0x3ca: {  	s26 =	rddreg [dreg:$0xe];
	[tilespmem:s6+$0x1EBE0] =	vst v16  }
0x3cb: {  	[hbm4b:s26+s5] =	stream.linear.scatter [tilespmem:s1], [sflag:$0xA], $0x800, $0x38;
	[tilespmem:$0x1FF70] =	vst v63  }
0x3cc: {  	_ =	swait.ge [sflag:s10], $0x800  }
0x3cd: {  	[sflag:s10] =	ssyncset.done $0x0  }
0x3ce: {  	[sflag:s10] =	ssyncadd.s32 $0xFFFFF800  }
0x3cf: {  	_ =	swait.ge [sflag:s12], $0x800  }
0x3d0: {  	[sflag:s12] =	ssyncset.done $0x0  }
0x3d1: {  	[sflag:s12] =	ssyncadd.s32 $0xFFFFF800  }
0x3d2: {  	_ =	swait.ge [sflag:s4], $0x800  }
0x3d3: {  	[sflag:s4] =	ssyncset.done $0x0  }
0x3d4: {  	[sflag:s4] =	ssyncadd.s32 $0xFFFFF800  }
0x3d5: {  	_ =	swait.ge [sflag:s8], $0x800  }
0x3d6: {  	s14 =	rddreg [dreg:$0x10]  }
0x3d7: {  	s29 =	rddreg [dreg:$0xf];
	s14 =	sadd.s32 $0x1, s14  }
0x3d8: {  	p1 =	sne.s32 s14, s29  }
.Ltmp12:
0x3d9: {  	_ = 	snop;
	(pc) =	sbr.rel @p1 .LBB2_1-.Ltmp12, $3  }
0x3da: {  	_ =	sdelay $0x1  }
0x3db: {  	[sflag:s8] =	ssyncset.done $0x0  }
0x3dc: {  	[sflag:s8] =	ssyncadd.s32 $0xFFFFF800  }
0x3dd: {  	_ =	sfence.sel $0x180000  }
0x3de: {  	[bflag:$0x0] =	sbarrier.arrive $0xFFFF  }
0x3df: {  	_ =	strace $0x90000047  }
0x3e0: {  	[bflag:$0x2] =	sbarrier.arrive $0xFFFF  }
0x3e1: {  	s0 =	rddreg [dreg:$0x4]  }
0x3e2: {  	s0 =	sadd.s32 @!p0 $0x100000, s0  }
0x3e3: {  	[sflag:s0] =	ssyncadd.tile.s32 @!p0 $0x1;
	_ =	shalt  }
.Lfunc_end2:
_tile_overlayer_lowered:
.L_overlay_start_2:
0x3e4: {  	(tag) =	ssettag $0x2  }
0x3e5: {  	s0 =	rddreg [dreg:$0x0];
	s2 =	stileid.u32  }
0x3e6: {  	s1 =	rddreg [dreg:$0x1];
	p0 =	sne.s32 s2, $0x0  }
0x3e7: {  	s3 =	rddreg [dreg:$0x2];
	[bflag:$0x3] =	sbarrier.arrive $0xFFFF;
	s2 =	simm.s32 @!p0 $0x1C0D  }
0x3e8: {  	[timem:s3], [sflag:s2] =	dma.local @!p0 [hbm:s0], s1  }
0x3e9: {  	s0 =	simm.s32 @!p0 $0xD  }
0x3ea: {  	_ =	swait.ge @!p0 [sflag:s0], s1  }
0x3eb: {  	s1 =	ssub.s32 @!p0 $0x0, s1;
	[sflag:s0] =	ssyncset.done @!p0 $0x0  }
0x3ec: {  	[sflag:s0] =	ssyncadd.s32 @!p0 s1  }
0x3ed: {  	[bflag:$0x3] =	sbarrier.arrive $0xFFFF  }
0x3ee: {  	_ =	shalt  }

</sc_bundles>
